<compile_context>
chip_gen: v7x
topology: tpu7x:2x2x1
jax: 0.10.2.dev20260603
libtpu: 0.0.44.dev20260713+nightly
codegen_flags: <defaults>
</compile_context>

<pallas_src>
import functools

import jax
import jax.numpy as jnp
import numpy as np
from jax import lax
from jax.experimental import pallas as pl
from jax.experimental.pallas import tpu as pltpu
from jax.experimental.pallas import tpu_sc as plsc

SPATIAL = np.array([[128, 128], [64, 64], [32, 32], [16, 16]], dtype=np.int64)

NC, NS = 2, 16
NW = NC * NS
AUXW = 128


def _static_xy():
    xs, ys = [], []
    for lvl in range(SPATIAL.shape[0]):
        h, w = int(SPATIAL[lvl, 0]), int(SPATIAL[lvl, 1])
        ry, rx = np.meshgrid(
            np.linspace(0.5, h - 0.5, h, dtype=np.float32),
            np.linspace(0.5, w - 0.5, w, dtype=np.float32),
            indexing='ij')
        xs.append((rx / w).reshape(-1))
        ys.append((ry / h).reshape(-1))
    return np.stack([np.concatenate(xs), np.concatenate(ys)], axis=1)


def _sc_mesh():
    return plsc.VectorSubcoreMesh(core_axis_name="c", subcore_axis_name="s")


def _worker_id():
    return lax.axis_index("s") * NC + lax.axis_index("c")



def _sc_gather_qp(qpos_tbl, gall):
    m, d = gall.shape[0], qpos_tbl.shape[1]
    per_w = m // NW
    ch = 128
    n_chunks = per_w // ch

    def body(qpos_ref, gidx_ref, qp_out,
             idx0, rows0, idx1, rows1, sem0, sem1):
        base0 = _worker_id() * per_w
        idxs, rows, sems = (idx0, idx1), (rows0, rows1), (sem0, sem1)
        pltpu.sync_copy(gidx_ref.at[pl.ds(base0, ch)], idx0)
        handles = [pltpu.async_copy(qpos_ref.at[idx0], rows0, sem0), None]
        for t in range(n_chunks):
            cur = t & 1
            if t + 1 < n_chunks:
                nxt = (t + 1) & 1
                pltpu.sync_copy(
                    gidx_ref.at[pl.ds(base0 + (t + 1) * ch, ch)], idxs[nxt])
                handles[nxt] = pltpu.async_copy(
                    qpos_ref.at[idxs[nxt]], rows[nxt], sems[nxt])
            handles[cur].wait()
            pltpu.sync_copy(rows[cur], qp_out.at[pl.ds(base0 + t * ch, ch)])

    return pl.kernel(
        body,
        out_type=jax.ShapeDtypeStruct((m, d), jnp.float32),
        mesh=_sc_mesh(),
        scratch_types=[
            pltpu.VMEM((ch,), jnp.int32),
            pltpu.VMEM((ch, d), jnp.float32),
            pltpu.VMEM((ch,), jnp.int32),
            pltpu.VMEM((ch, d), jnp.float32),
            pltpu.SemaphoreType.DMA,
            pltpu.SemaphoreType.DMA,
        ],
    )(qpos_tbl, gall)


def _sc_gather_aux(aux_tbl, gall):
    m = gall.shape[0]
    per_w = m // NW
    ch = 256

    def body(aux_ref, gidx_ref, aux_out, idxa, rowsa, sem_a):
        base0 = _worker_id() * per_w
        for t in range(per_w // ch):
            base = base0 + t * ch
            pltpu.sync_copy(gidx_ref.at[pl.ds(base, ch)], idxa)
            pltpu.async_copy(aux_ref.at[idxa], rowsa, sem_a).wait()
            pltpu.sync_copy(rowsa, aux_out.at[pl.ds(base, ch)])

    return pl.kernel(
        body,
        out_type=jax.ShapeDtypeStruct((m, AUXW), jnp.float32),
        mesh=_sc_mesh(),
        scratch_types=[
            pltpu.VMEM((ch,), jnp.int32),
            pltpu.VMEM((ch, AUXW), jnp.float32),
            pltpu.SemaphoreType.DMA,
        ],
    )(aux_tbl, gall)


def _sc_gather_layer(gidx, buf, d):
    m = gidx.shape[0]
    per_w = m // NW

    def body(gidx_ref, buf_ref, q_out, idx_v, rows_v, sem):
        base = _worker_id() * per_w
        pltpu.sync_copy(gidx_ref.at[pl.ds(base, per_w)], idx_v)
        pltpu.async_copy(buf_ref.at[idx_v], rows_v, sem).wait()
        pltpu.sync_copy(rows_v, q_out.at[pl.ds(base, per_w)])

    return pl.kernel(
        body,
        out_type=jax.ShapeDtypeStruct((m, d), jnp.float32),
        mesh=_sc_mesh(),
        scratch_types=[
            pltpu.VMEM((per_w,), jnp.int32),
            pltpu.VMEM((per_w, d), jnp.float32),
            pltpu.SemaphoreType.DMA,
        ],
    )(gidx, buf)


def _sc_scatter_layer(vals, sidx, buf):
    m, d = vals.shape
    per_w = m // NW

    def body(vals_ref, sidx_ref, buf_ref, idx_v, rows_v, sem):
        base = _worker_id() * per_w
        pltpu.sync_copy(sidx_ref.at[pl.ds(base, per_w)], idx_v)
        pltpu.sync_copy(vals_ref.at[pl.ds(base, per_w)], rows_v)
        pltpu.async_copy(rows_v, buf_ref.at[idx_v], sem).wait()

    pl.kernel(
        body,
        out_type=(),
        mesh=_sc_mesh(),
        scratch_types=[
            pltpu.VMEM((per_w,), jnp.int32),
            pltpu.VMEM((per_w, d), jnp.float32),
            pltpu.SemaphoreType.DMA,
        ],
    )(vals, sidx, buf)



def _init_body(q_ref, hm_ref, fg_ref, xy_ref, buf_ref, aux_ref):
    buf_ref[...] = q_ref[...]
    gate = jax.nn.sigmoid(jnp.max(hm_ref[...], axis=-1, keepdims=True))
    gg = gate * fg_ref[...]
    aux_ref[:, 0:4] = jnp.concatenate([xy_ref[...], gg, gg], axis=-1)


def _init_build(qf, hm, fg, xyc, pad_rows):
    bn, d = qf.shape
    blk = 2720
    assert bn % blk == 0
    return pl.pallas_call(
        _init_body,
        grid=(bn // blk,),
        in_specs=[
            pl.BlockSpec((blk, d), lambda i: (i, 0)),
            pl.BlockSpec((blk, hm.shape[1]), lambda i: (i, 0)),
            pl.BlockSpec((blk, 1), lambda i: (i, 0)),
            pl.BlockSpec((blk, 2), lambda i: (i, 0)),
        ],
        out_specs=(pl.BlockSpec((blk, d), lambda i: (i, 0)),
                   pl.BlockSpec((blk, AUXW), lambda i: (i, 0))),
        out_shape=(jax.ShapeDtypeStruct((bn + pad_rows, d), jnp.float32),
                   jax.ShapeDtypeStruct((bn, AUXW), jnp.float32)),
    )(qf, hm, fg, xyc)


def _winner_body(n_tok, dump_base, f, ind_ref, fnum_ref, sidx_ref):
    bi = pl.program_id(1)
    arr = ind_ref[0, 0, 0, :]
    col = arr.reshape(f, 1)
    iot = lax.broadcasted_iota(jnp.int32, (f, 128), 1)
    acc = jnp.full((f, 128), -1, jnp.int32)
    for c in range(f // 128):
        seg = lax.slice(arr, (c * 128,), ((c + 1) * 128,)).reshape(1, 128)
        acc = jnp.maximum(acc, jnp.where(col == seg, iot + c * 128, -1))
    last = jnp.max(acc, axis=1, keepdims=True)
    pcol = lax.broadcasted_iota(jnp.int32, (f, 1), 0)
    winner = (last == pcol) & (pcol < fnum_ref[bi])
    res = jnp.where(winner, col + bi * n_tok, dump_base + bi * f + pcol)
    sidx_ref[0, 0, 0, :] = res[:, 0]


def _winner_call(ind4, fnum, n_tok, dump_base):
    ll, b, _, f = ind4.shape
    return pl.pallas_call(
        functools.partial(_winner_body, n_tok, dump_base, f),
        grid=(ll, b),
        in_specs=[
            pl.BlockSpec((1, 1, 1, f), lambda l, bi: (l, bi, 0, 0)),
            pl.BlockSpec(memory_space=pltpu.SMEM),
        ],
        out_specs=pl.BlockSpec((1, 1, 1, f), lambda l, bi: (l, bi, 0, 0)),
        out_shape=jax.ShapeDtypeStruct((ll, b, 1, f), jnp.int32),
    )(ind4, fnum)


def _phase_b_body(qp_ref, aux_ref, w_ref, b_ref, wr2_ref, c_ref):
    qp = qp_ref[0]
    xy = aux_ref[0][:, 0:2]
    c = jnp.dot(qp, w_ref[0], preferred_element_type=jnp.float32)
    c = c + jnp.dot(xy, wr2_ref[0], preferred_element_type=jnp.float32)
    c_ref[0] = c + b_ref[0]


def _phase_b(qp3, aux3, w, b3, wr2):
    ll, bf, d = qp3.shape
    return pl.pallas_call(
        _phase_b_body,
        grid=(ll,),
        in_specs=[
            pl.BlockSpec((1, bf, d), lambda l: (l, 0, 0)),
            pl.BlockSpec((1, bf, 4), lambda l: (l, 0, 0)),
            pl.BlockSpec((1, d, d), lambda l: (l, 0, 0)),
            pl.BlockSpec((1, 1, d), lambda l: (l, 0, 0)),
            pl.BlockSpec((1, 2, d), lambda l: (l, 0, 0)),
        ],
        out_specs=pl.BlockSpec((1, bf, d), lambda l: (l, 0, 0)),
        out_shape=jax.ShapeDtypeStruct((ll, bf, d), jnp.float32),
    )(qp3, aux3, w, b3, wr2)


def _layer_tc_body(q_ref, c_ref, aux_ref, w_ref, out_ref):
    q = q_ref[...]
    g = aux_ref[0][:, 2:3]
    h = jnp.dot(q, w_ref[0], preferred_element_type=jnp.float32) + c_ref[0]
    out_ref[...] = q + h * g


def _tc_layer(q, c3, aux3, w, lid):
    bf, d = q.shape
    return pl.pallas_call(
        _layer_tc_body,
        grid=(1,),
        in_specs=[
            pl.BlockSpec((bf, d), lambda i: (0, 0)),
            pl.BlockSpec((1, bf, d), lambda i, lid=lid: (lid, 0, 0)),
            pl.BlockSpec((1, bf, 4), lambda i, lid=lid: (lid, 0, 0)),
            pl.BlockSpec((1, d, d), lambda i, lid=lid: (lid, 0, 0)),
        ],
        out_specs=pl.BlockSpec((bf, d), lambda i: (0, 0)),
        out_shape=jax.ShapeDtypeStruct((bf, d), jnp.float32),
    )(q, c3, aux3, w)



def kernel(query, spatial_shapes, level_start_index, valid_ratios, query_pos,
           query_key_padding_mask, foreground_score, focus_token_nums,
           foreground_inds, heat_maps, W, b_lin, Wr):
    b, n, d = query.shape
    ll, _, f = foreground_inds.shape
    bf = b * f
    bn = b * n

    xyc = jnp.tile(jnp.asarray(_static_xy()), (b, 1))
    qpos_tbl = query_pos.reshape(bn, d)

    inds = foreground_inds.astype(jnp.int32)
    boff = (jnp.arange(b, dtype=jnp.int32) * n)[None, :, None]
    gall = (inds + boff).reshape(ll * bf)

    qp_g = _sc_gather_qp(qpos_tbl, gall)
    buf0, aux_tbl = _init_build(query.reshape(bn, d),
                                heat_maps.reshape(bn, 8),
                                foreground_score.reshape(bn, 1), xyc, bf)
    buf = jax.new_ref(buf0)
    aux_g = _sc_gather_aux(aux_tbl, gall)
    sidx = _winner_call(inds.reshape(ll, b, 1, f),
                        focus_token_nums.astype(jnp.int32), n, bn)

    auxs = aux_g.reshape(ll, bf, AUXW)[:, :, 0:4]
    wr2 = Wr[:, 0::2, :].sum(axis=1, keepdims=True)
    wr2 = jnp.concatenate([wr2, Wr[:, 1::2, :].sum(axis=1, keepdims=True)], 1)
    c3 = _phase_b(qp_g.reshape(ll, bf, d), auxs, W,
                  b_lin.reshape(ll, 1, d), wr2)

    gl = gall.reshape(ll, bf)
    sl = sidx.reshape(ll, bf)
    for lid in range(ll):
        q = _sc_gather_layer(gl[lid], buf, d)
        qn = _tc_layer(q, c3, auxs, W, lid)
        _sc_scatter_layer(qn, sl[lid], buf)

    return buf[...][:bn].reshape(b, n, d)

# --- scband reference (transcript-rebuilt; emitter-appended) ---
"""Pipeline reference for scband-hough-transformer-encoder-9320079032803 (READ-ONLY COPY).

The authoritative reference and input builder live on the scoring server;
editing this copy changes nothing except your own understanding.
"""

import jax, jax.numpy as jnp
import numpy as np

SPATIAL = np.array([[128, 128], [64, 64], [32, 32], [16, 16]], dtype=np.int64)


def setup_inputs(seed: int = 0) -> dict:
    key = jax.random.key(seed)
    ks = [jax.random.fold_in(key, i) for i in range(10)]
    b, D, L, nfg = 2, 256, 6, 2048
    lvl_sizes = SPATIAL[:, 0] * SPATIAL[:, 1]
    n = int(lvl_sizes.sum())  # 21760
    query = jax.random.normal(ks[0], (b, n, D), dtype=jnp.float32)
    query_pos = jax.random.normal(ks[1], (b, n, D), dtype=jnp.float32)
    valid_ratios = jnp.ones((b, SPATIAL.shape[0], 2), dtype=jnp.float32)
    level_start_index = jnp.asarray(np.concatenate([[0], np.cumsum(lvl_sizes)[:-1]]).astype(np.int32))
    query_key_padding_mask = jnp.zeros((b, n), dtype=bool)
    foreground_score = jax.random.uniform(ks[2], (b, n), dtype=jnp.float32)
    focus_token_nums = jax.random.randint(ks[3], (b,), 1, nfg + 1)
    foreground_inds = jax.random.randint(ks[4], (L, b, nfg), 0, n)
    heat_maps = jax.random.uniform(ks[5], (b, n, 8), dtype=jnp.float32)
    W = jax.random.normal(ks[6], (L, D, D), dtype=jnp.float32) * 0.02
    b_lin = jnp.zeros((L, D), dtype=jnp.float32)
    Wr = jax.random.normal(ks[7], (L, 8, D), dtype=jnp.float32) * 0.02
    return {
        'query': query,
        'spatial_shapes': jnp.asarray(SPATIAL.astype(np.int32)),
        'level_start_index': level_start_index,
        'valid_ratios': valid_ratios,
        'query_pos': query_pos,
        'query_key_padding_mask': query_key_padding_mask,
        'foreground_score': foreground_score,
        'focus_token_nums': focus_token_nums,
        'foreground_inds': foreground_inds,
        'heat_maps': heat_maps,
        'W': W,
        'b_lin': b_lin,
        'Wr': Wr,
    }


def get_reference_points(spatial_shapes, valid_ratios):
    refs = []
    for lvl in range(SPATIAL.shape[0]):
        h, w = int(SPATIAL[lvl, 0]), int(SPATIAL[lvl, 1])
        ry, rx = jnp.meshgrid(
            jnp.linspace(0.5, h - 0.5, h, dtype=jnp.float32),
            jnp.linspace(0.5, w - 0.5, w, dtype=jnp.float32),
            indexing='ij')
        hh = spatial_shapes[lvl, 0].astype(jnp.float32)
        ww = spatial_shapes[lvl, 1].astype(jnp.float32)
        ry = ry.reshape(-1)[None] / (valid_ratios[:, None, lvl, 1] * hh)
        rx = rx.reshape(-1)[None] / (valid_ratios[:, None, lvl, 0] * ww)
        refs.append(jnp.stack((rx, ry), -1))
    rp = jnp.concatenate(refs, 1)
    return rp[:, :, None] * valid_ratios[:, None]


def reference(query, spatial_shapes, level_start_index, valid_ratios, query_pos,
              query_key_padding_mask, foreground_score, focus_token_nums,
              foreground_inds, heat_maps, W, b_lin, Wr):
    rp = get_reference_points(spatial_shapes, valid_ratios)
    b, n, s, p = rp.shape
    nfg = foreground_inds.shape[-1]
    pos = jnp.arange(nfg)[None, :]
    ori_pos = query_pos
    output = query
    rp_flat = rp.reshape(b, n, s * p)
    for lid in range(foreground_inds.shape[0]):
        inds = foreground_inds[lid]
        idx3 = inds[:, :, None]
        # gather focus tokens (scatter_memory hot path)
        q = jnp.take_along_axis(output, idx3, axis=1)
        qp = jnp.take_along_axis(ori_pos, idx3, axis=1)
        fg_pre = jnp.take_along_axis(foreground_score, inds, axis=1)
        ref_g = jnp.take_along_axis(rp_flat, idx3, axis=1)
        score_tgt = jnp.take_along_axis(heat_maps, idx3, axis=1)
        # encoder layer (linear + score/foreground gating) on focus tokens
        h = (q + qp) @ W[lid] + b_lin[lid] + ref_g @ Wr[lid]
        gate = jax.nn.sigmoid(jnp.max(score_tgt, axis=-1, keepdims=True))
        qn = q + h * gate * fg_pre[..., None]
        # scatter updated focus tokens back, masked by focus_token_nums
        mask = (pos < focus_token_nums[:, None])[..., None]
        old = jnp.take_along_axis(output, idx3, axis=1)
        upd = jnp.where(mask, qn, old)
        output = jax.vmap(lambda o, i, u: o.at[i].set(u))(output, inds, upd)
    return output

if __name__ == "__main__":
    import jax
    _d = setup_inputs()
    print(jax.jit(kernel)(*tuple(_d.values())))

</pallas_src>

<mosaic_0001>
#map = affine_map<(d0, d1) -> (0, 0)>
#map1 = affine_map<(d0, d1) -> (0)>
module attributes {stable_mosaic.version = 14 : i64} {
  func.func @body(%arg0: i32, %arg1: i32, %arg2: memref<43520x128xf32, #tpu.memory_space<hbm>>, %arg3: memref<24576xi32, #tpu.memory_space<hbm>>, %arg4: memref<24576x128xf32, #tpu.memory_space<hbm>>, %arg5: memref<256xi32, #tpu.memory_space<vmem>>, %arg6: memref<256x128xf32, #tpu.memory_space<vmem>>, %arg7: memref<!tpu.dma_semaphore, #tpu.memory_space<semaphore_mem>>) attributes {dimension_semantics = [#tpu.dimension_semantics<core_parallel>, #tpu.dimension_semantics<subcore_parallel>], iteration_bounds = array<i64: 2, 16>, scalar_prefetch = 0 : i64, scratch_operands = 3 : i64, tpu.core_type = #tpu.core_type<sc_vector_subcore>, window_params = [{transform_indices = #map}, {transform_indices = #map1}, {transform_indices = #map}]} {
    %mul3A = arith.constant 2 : i32
    %mul3A_0 = arith.muli %arg1, %mul3A : i32
    %add3A = arith.addi %mul3A_0, %arg0 : i32
    %mul3A_1 = arith.constant 768 : i32
    %mul3A_2 = arith.muli %add3A, %mul3A_1 : i32
    %add3A_3 = arith.constant 0 : i32
    %add3A_4 = arith.addi %mul3A_2, %add3A_3 : i32
    "tpu.region"() ({
      %run_scoped3A = tpu.sem_alloc : memref<!tpu.dma_semaphore, #tpu.memory_space<semaphore_mem>>
      %dma_start3A_25 = tpu.memref_slice %arg3[%add3A_4] : memref<24576xi32, #tpu.memory_space<hbm>> -> memref<256xi32, #tpu.memory_space<hbm>>
      %dma_start3A_26 = tpu.memref_slice %arg3[%add3A_4] : memref<24576xi32, #tpu.memory_space<hbm>> -> memref<256xi32, #tpu.memory_space<hbm>>
      tpu.enqueue_dma source(%dma_start3A_26 : memref<256xi32, #tpu.memory_space<hbm>>) target(%arg5 : memref<256xi32, #tpu.memory_space<vmem>>) target_semaphore(%run_scoped3A : memref<!tpu.dma_semaphore, #tpu.memory_space<semaphore_mem>>)
      %dma_wait3A_27 = tpu.memref_slice %arg3[%add3A_4] : memref<24576xi32, #tpu.memory_space<hbm>> -> memref<256xi32, #tpu.memory_space<hbm>>
      %dma_wait3A_28 = tpu.memref_slice %arg3[%add3A_4] : memref<24576xi32, #tpu.memory_space<hbm>> -> memref<256xi32, #tpu.memory_space<hbm>>
      tpu.wait_dma2 semaphore(%run_scoped3A : memref<!tpu.dma_semaphore, #tpu.memory_space<semaphore_mem>>) src(%dma_wait3A_28 : memref<256xi32, #tpu.memory_space<hbm>>) dst(%arg5 : memref<256xi32, #tpu.memory_space<vmem>>)
      tpu.yield
    }) : () -> ()
    %dma_start3A = arith.constant 0 : i32
    %dma_start3A_5 = arith.constant 0 : i32
    %dma_start3A_6 = tpu.memref_slice %arg2[%dma_start3A, %dma_start3A_5] : memref<43520x128xf32, #tpu.memory_space<hbm>> -> memref<43520x128xf32, #tpu.memory_space<hbm>>
    tpu.enqueue_indirect_dma source(%dma_start3A_6 : memref<43520x128xf32, #tpu.memory_space<hbm>>) target(%arg6 : memref<256x128xf32, #tpu.memory_space<vmem>>) offsets(%arg5 : memref<256xi32, #tpu.memory_space<vmem>>) semaphore(%arg7 : memref<!tpu.dma_semaphore, #tpu.memory_space<semaphore_mem>>)
    %dma_wait3A = arith.constant 0 : i32
    %dma_wait3A_7 = arith.constant 0 : i32
    %dma_wait3A_8 = tpu.memref_slice %arg2[%dma_wait3A, %dma_wait3A_7] : memref<43520x128xf32, #tpu.memory_space<hbm>> -> memref<43520x128xf32, #tpu.memory_space<hbm>>
    tpu.wait_indirect_dma semaphore(%arg7 : memref<!tpu.dma_semaphore, #tpu.memory_space<semaphore_mem>>) src(%dma_wait3A_8 : memref<43520x128xf32, #tpu.memory_space<hbm>>) dst(%arg6 : memref<256x128xf32, #tpu.memory_space<vmem>>)
    "tpu.region"() ({
      %run_scoped3A = tpu.sem_alloc : memref<!tpu.dma_semaphore, #tpu.memory_space<semaphore_mem>>
      %dma_start3A_25 = arith.constant 0 : i32
      %dma_start3A_26 = tpu.memref_slice %arg4[%add3A_4, %dma_start3A_25] : memref<24576x128xf32, #tpu.memory_space<hbm>> -> memref<256x128xf32, #tpu.memory_space<hbm>>
      %dma_start3A_27 = arith.constant 0 : i32
      %dma_start3A_28 = tpu.memref_slice %arg4[%add3A_4, %dma_start3A_27] : memref<24576x128xf32, #tpu.memory_space<hbm>> -> memref<256x128xf32, #tpu.memory_space<hbm>>
      tpu.enqueue_dma source(%arg6 : memref<256x128xf32, #tpu.memory_space<vmem>>) target(%dma_start3A_28 : memref<256x128xf32, #tpu.memory_space<hbm>>) target_semaphore(%run_scoped3A : memref<!tpu.dma_semaphore, #tpu.memory_space<semaphore_mem>>)
      %dma_wait3A_29 = arith.constant 0 : i32
      %dma_wait3A_30 = tpu.memref_slice %arg4[%add3A_4, %dma_wait3A_29] : memref<24576x128xf32, #tpu.memory_space<hbm>> -> memref<256x128xf32, #tpu.memory_space<hbm>>
      %dma_wait3A_31 = arith.constant 0 : i32
      %dma_wait3A_32 = tpu.memref_slice %arg4[%add3A_4, %dma_wait3A_31] : memref<24576x128xf32, #tpu.memory_space<hbm>> -> memref<256x128xf32, #tpu.memory_space<hbm>>
      tpu.wait_dma2 semaphore(%run_scoped3A : memref<!tpu.dma_semaphore, #tpu.memory_space<semaphore_mem>>) src(%arg6 : memref<256x128xf32, #tpu.memory_space<vmem>>) dst(%dma_wait3A_32 : memref<256x128xf32, #tpu.memory_space<hbm>>)
      tpu.yield
    }) : () -> ()
    %add3A_9 = arith.constant 256 : i32
    %add3A_10 = arith.addi %mul3A_2, %add3A_9 : i32
    "tpu.region"() ({
      %run_scoped3A = tpu.sem_alloc : memref<!tpu.dma_semaphore, #tpu.memory_space<semaphore_mem>>
      %dma_start3A_25 = tpu.memref_slice %arg3[%add3A_10] : memref<24576xi32, #tpu.memory_space<hbm>> -> memref<256xi32, #tpu.memory_space<hbm>>
      %dma_start3A_26 = tpu.memref_slice %arg3[%add3A_10] : memref<24576xi32, #tpu.memory_space<hbm>> -> memref<256xi32, #tpu.memory_space<hbm>>
      tpu.enqueue_dma source(%dma_start3A_26 : memref<256xi32, #tpu.memory_space<hbm>>) target(%arg5 : memref<256xi32, #tpu.memory_space<vmem>>) target_semaphore(%run_scoped3A : memref<!tpu.dma_semaphore, #tpu.memory_space<semaphore_mem>>)
      %dma_wait3A_27 = tpu.memref_slice %arg3[%add3A_10] : memref<24576xi32, #tpu.memory_space<hbm>> -> memref<256xi32, #tpu.memory_space<hbm>>
      %dma_wait3A_28 = tpu.memref_slice %arg3[%add3A_10] : memref<24576xi32, #tpu.memory_space<hbm>> -> memref<256xi32, #tpu.memory_space<hbm>>
      tpu.wait_dma2 semaphore(%run_scoped3A : memref<!tpu.dma_semaphore, #tpu.memory_space<semaphore_mem>>) src(%dma_wait3A_28 : memref<256xi32, #tpu.memory_space<hbm>>) dst(%arg5 : memref<256xi32, #tpu.memory_space<vmem>>)
      tpu.yield
    }) : () -> ()
    %dma_start3A_11 = arith.constant 0 : i32
    %dma_start3A_12 = arith.constant 0 : i32
    %dma_start3A_13 = tpu.memref_slice %arg2[%dma_start3A_11, %dma_start3A_12] : memref<43520x128xf32, #tpu.memory_space<hbm>> -> memref<43520x128xf32, #tpu.memory_space<hbm>>
    tpu.enqueue_indirect_dma source(%dma_start3A_13 : memref<43520x128xf32, #tpu.memory_space<hbm>>) target(%arg6 : memref<256x128xf32, #tpu.memory_space<vmem>>) offsets(%arg5 : memref<256xi32, #tpu.memory_space<vmem>>) semaphore(%arg7 : memref<!tpu.dma_semaphore, #tpu.memory_space<semaphore_mem>>)
    %dma_wait3A_14 = arith.constant 0 : i32
    %dma_wait3A_15 = arith.constant 0 : i32
    %dma_wait3A_16 = tpu.memref_slice %arg2[%dma_wait3A_14, %dma_wait3A_15] : memref<43520x128xf32, #tpu.memory_space<hbm>> -> memref<43520x128xf32, #tpu.memory_space<hbm>>
    tpu.wait_indirect_dma semaphore(%arg7 : memref<!tpu.dma_semaphore, #tpu.memory_space<semaphore_mem>>) src(%dma_wait3A_16 : memref<43520x128xf32, #tpu.memory_space<hbm>>) dst(%arg6 : memref<256x128xf32, #tpu.memory_space<vmem>>)
    "tpu.region"() ({
      %run_scoped3A = tpu.sem_alloc : memref<!tpu.dma_semaphore, #tpu.memory_space<semaphore_mem>>
      %dma_start3A_25 = arith.constant 0 : i32
      %dma_start3A_26 = tpu.memref_slice %arg4[%add3A_10, %dma_start3A_25] : memref<24576x128xf32, #tpu.memory_space<hbm>> -> memref<256x128xf32, #tpu.memory_space<hbm>>
      %dma_start3A_27 = arith.constant 0 : i32
      %dma_start3A_28 = tpu.memref_slice %arg4[%add3A_10, %dma_start3A_27] : memref<24576x128xf32, #tpu.memory_space<hbm>> -> memref<256x128xf32, #tpu.memory_space<hbm>>
      tpu.enqueue_dma source(%arg6 : memref<256x128xf32, #tpu.memory_space<vmem>>) target(%dma_start3A_28 : memref<256x128xf32, #tpu.memory_space<hbm>>) target_semaphore(%run_scoped3A : memref<!tpu.dma_semaphore, #tpu.memory_space<semaphore_mem>>)
      %dma_wait3A_29 = arith.constant 0 : i32
      %dma_wait3A_30 = tpu.memref_slice %arg4[%add3A_10, %dma_wait3A_29] : memref<24576x128xf32, #tpu.memory_space<hbm>> -> memref<256x128xf32, #tpu.memory_space<hbm>>
      %dma_wait3A_31 = arith.constant 0 : i32
      %dma_wait3A_32 = tpu.memref_slice %arg4[%add3A_10, %dma_wait3A_31] : memref<24576x128xf32, #tpu.memory_space<hbm>> -> memref<256x128xf32, #tpu.memory_space<hbm>>
      tpu.wait_dma2 semaphore(%run_scoped3A : memref<!tpu.dma_semaphore, #tpu.memory_space<semaphore_mem>>) src(%arg6 : memref<256x128xf32, #tpu.memory_space<vmem>>) dst(%dma_wait3A_32 : memref<256x128xf32, #tpu.memory_space<hbm>>)
      tpu.yield
    }) : () -> ()
    %add3A_17 = arith.constant 512 : i32
    %add3A_18 = arith.addi %mul3A_2, %add3A_17 : i32
    "tpu.region"() ({
      %run_scoped3A = tpu.sem_alloc : memref<!tpu.dma_semaphore, #tpu.memory_space<semaphore_mem>>
      %dma_start3A_25 = tpu.memref_slice %arg3[%add3A_18] : memref<24576xi32, #tpu.memory_space<hbm>> -> memref<256xi32, #tpu.memory_space<hbm>>
      %dma_start3A_26 = tpu.memref_slice %arg3[%add3A_18] : memref<24576xi32, #tpu.memory_space<hbm>> -> memref<256xi32, #tpu.memory_space<hbm>>
      tpu.enqueue_dma source(%dma_start3A_26 : memref<256xi32, #tpu.memory_space<hbm>>) target(%arg5 : memref<256xi32, #tpu.memory_space<vmem>>) target_semaphore(%run_scoped3A : memref<!tpu.dma_semaphore, #tpu.memory_space<semaphore_mem>>)
      %dma_wait3A_27 = tpu.memref_slice %arg3[%add3A_18] : memref<24576xi32, #tpu.memory_space<hbm>> -> memref<256xi32, #tpu.memory_space<hbm>>
      %dma_wait3A_28 = tpu.memref_slice %arg3[%add3A_18] : memref<24576xi32, #tpu.memory_space<hbm>> -> memref<256xi32, #tpu.memory_space<hbm>>
      tpu.wait_dma2 semaphore(%run_scoped3A : memref<!tpu.dma_semaphore, #tpu.memory_space<semaphore_mem>>) src(%dma_wait3A_28 : memref<256xi32, #tpu.memory_space<hbm>>) dst(%arg5 : memref<256xi32, #tpu.memory_space<vmem>>)
      tpu.yield
    }) : () -> ()
    %dma_start3A_19 = arith.constant 0 : i32
    %dma_start3A_20 = arith.constant 0 : i32
    %dma_start3A_21 = tpu.memref_slice %arg2[%dma_start3A_19, %dma_start3A_20] : memref<43520x128xf32, #tpu.memory_space<hbm>> -> memref<43520x128xf32, #tpu.memory_space<hbm>>
    tpu.enqueue_indirect_dma source(%dma_start3A_21 : memref<43520x128xf32, #tpu.memory_space<hbm>>) target(%arg6 : memref<256x128xf32, #tpu.memory_space<vmem>>) offsets(%arg5 : memref<256xi32, #tpu.memory_space<vmem>>) semaphore(%arg7 : memref<!tpu.dma_semaphore, #tpu.memory_space<semaphore_mem>>)
    %dma_wait3A_22 = arith.constant 0 : i32
    %dma_wait3A_23 = arith.constant 0 : i32
    %dma_wait3A_24 = tpu.memref_slice %arg2[%dma_wait3A_22, %dma_wait3A_23] : memref<43520x128xf32, #tpu.memory_space<hbm>> -> memref<43520x128xf32, #tpu.memory_space<hbm>>
    tpu.wait_indirect_dma semaphore(%arg7 : memref<!tpu.dma_semaphore, #tpu.memory_space<semaphore_mem>>) src(%dma_wait3A_24 : memref<43520x128xf32, #tpu.memory_space<hbm>>) dst(%arg6 : memref<256x128xf32, #tpu.memory_space<vmem>>)
    "tpu.region"() ({
      %run_scoped3A = tpu.sem_alloc : memref<!tpu.dma_semaphore, #tpu.memory_space<semaphore_mem>>
      %dma_start3A_25 = arith.constant 0 : i32
      %dma_start3A_26 = tpu.memref_slice %arg4[%add3A_18, %dma_start3A_25] : memref<24576x128xf32, #tpu.memory_space<hbm>> -> memref<256x128xf32, #tpu.memory_space<hbm>>
      %dma_start3A_27 = arith.constant 0 : i32
      %dma_start3A_28 = tpu.memref_slice %arg4[%add3A_18, %dma_start3A_27] : memref<24576x128xf32, #tpu.memory_space<hbm>> -> memref<256x128xf32, #tpu.memory_space<hbm>>
      tpu.enqueue_dma source(%arg6 : memref<256x128xf32, #tpu.memory_space<vmem>>) target(%dma_start3A_28 : memref<256x128xf32, #tpu.memory_space<hbm>>) target_semaphore(%run_scoped3A : memref<!tpu.dma_semaphore, #tpu.memory_space<semaphore_mem>>)
      %dma_wait3A_29 = arith.constant 0 : i32
      %dma_wait3A_30 = tpu.memref_slice %arg4[%add3A_18, %dma_wait3A_29] : memref<24576x128xf32, #tpu.memory_space<hbm>> -> memref<256x128xf32, #tpu.memory_space<hbm>>
      %dma_wait3A_31 = arith.constant 0 : i32
      %dma_wait3A_32 = tpu.memref_slice %arg4[%add3A_18, %dma_wait3A_31] : memref<24576x128xf32, #tpu.memory_space<hbm>> -> memref<256x128xf32, #tpu.memory_space<hbm>>
      tpu.wait_dma2 semaphore(%run_scoped3A : memref<!tpu.dma_semaphore, #tpu.memory_space<semaphore_mem>>) src(%arg6 : memref<256x128xf32, #tpu.memory_space<vmem>>) dst(%dma_wait3A_32 : memref<256x128xf32, #tpu.memory_space<hbm>>)
      tpu.yield
    }) : () -> ()
    return
  }
}

#map = affine_map<(d0, d1) -> (0, 0)>
#map1 = affine_map<(d0, d1) -> (0)>
module attributes {stable_mosaic.version = 14 : i64} {
  func.func @new_body(%arg0: i32, %arg1: i32, %arg2: memref<4096x256xf32, #tpu.memory_space<hbm>>, %arg3: memref<4096xi32, #tpu.memory_space<hbm>>, %arg4: memref<47616x256xf32, #tpu.memory_space<hbm>>, %arg5: memref<47616x256xf32, #tpu.memory_space<hbm>>, %arg6: memref<128xi32, #tpu.memory_space<vmem>>, %arg7: memref<128x256xf32, #tpu.memory_space<vmem>>, %arg8: memref<!tpu.dma_semaphore, #tpu.memory_space<semaphore_mem>>) attributes {dimension_semantics = [#tpu.dimension_semantics<core_parallel>, #tpu.dimension_semantics<subcore_parallel>], iteration_bounds = array<i64: 2, 16>, scalar_prefetch = 0 : i64, scratch_operands = 3 : i64, tpu.core_type = #tpu.core_type<sc_vector_subcore>, window_params = [{transform_indices = #map}, {transform_indices = #map1}, {transform_indices = #map}, {transform_indices = #map}]} {
    %mul3A = arith.constant 2 : i32
    %mul3A_0 = arith.muli %arg1, %mul3A : i32
    %add3A = arith.addi %mul3A_0, %arg0 : i32
    %mul3A_1 = arith.constant 128 : i32
    %mul3A_2 = arith.muli %add3A, %mul3A_1 : i32
    "tpu.region"() ({
      %run_scoped3A = tpu.sem_alloc : memref<!tpu.dma_semaphore, #tpu.memory_space<semaphore_mem>>
      %dma_start3A_7 = tpu.memref_slice %arg3[%mul3A_2] : memref<4096xi32, #tpu.memory_space<hbm>> -> memref<128xi32, #tpu.memory_space<hbm>>
      %dma_start3A_8 = tpu.memref_slice %arg3[%mul3A_2] : memref<4096xi32, #tpu.memory_space<hbm>> -> memref<128xi32, #tpu.memory_space<hbm>>
      tpu.enqueue_dma source(%dma_start3A_8 : memref<128xi32, #tpu.memory_space<hbm>>) target(%arg6 : memref<128xi32, #tpu.memory_space<vmem>>) target_semaphore(%run_scoped3A : memref<!tpu.dma_semaphore, #tpu.memory_space<semaphore_mem>>)
      %dma_wait3A_9 = tpu.memref_slice %arg3[%mul3A_2] : memref<4096xi32, #tpu.memory_space<hbm>> -> memref<128xi32, #tpu.memory_space<hbm>>
      %dma_wait3A_10 = tpu.memref_slice %arg3[%mul3A_2] : memref<4096xi32, #tpu.memory_space<hbm>> -> memref<128xi32, #tpu.memory_space<hbm>>
      tpu.wait_dma2 semaphore(%run_scoped3A : memref<!tpu.dma_semaphore, #tpu.memory_space<semaphore_mem>>) src(%dma_wait3A_10 : memref<128xi32, #tpu.memory_space<hbm>>) dst(%arg6 : memref<128xi32, #tpu.memory_space<vmem>>)
      tpu.yield
    }) : () -> ()
    "tpu.region"() ({
      %run_scoped3A = tpu.sem_alloc : memref<!tpu.dma_semaphore, #tpu.memory_space<semaphore_mem>>
      %dma_start3A_7 = arith.constant 0 : i32
      %dma_start3A_8 = tpu.memref_slice %arg2[%mul3A_2, %dma_start3A_7] : memref<4096x256xf32, #tpu.memory_space<hbm>> -> memref<128x256xf32, #tpu.memory_space<hbm>>
      %dma_start3A_9 = arith.constant 0 : i32
      %dma_start3A_10 = tpu.memref_slice %arg2[%mul3A_2, %dma_start3A_9] : memref<4096x256xf32, #tpu.memory_space<hbm>> -> memref<128x256xf32, #tpu.memory_space<hbm>>
      tpu.enqueue_dma source(%dma_start3A_10 : memref<128x256xf32, #tpu.memory_space<hbm>>) target(%arg7 : memref<128x256xf32, #tpu.memory_space<vmem>>) target_semaphore(%run_scoped3A : memref<!tpu.dma_semaphore, #tpu.memory_space<semaphore_mem>>)
      %dma_wait3A_11 = arith.constant 0 : i32
      %dma_wait3A_12 = tpu.memref_slice %arg2[%mul3A_2, %dma_wait3A_11] : memref<4096x256xf32, #tpu.memory_space<hbm>> -> memref<128x256xf32, #tpu.memory_space<hbm>>
      %dma_wait3A_13 = arith.constant 0 : i32
      %dma_wait3A_14 = tpu.memref_slice %arg2[%mul3A_2, %dma_wait3A_13] : memref<4096x256xf32, #tpu.memory_space<hbm>> -> memref<128x256xf32, #tpu.memory_space<hbm>>
      tpu.wait_dma2 semaphore(%run_scoped3A : memref<!tpu.dma_semaphore, #tpu.memory_space<semaphore_mem>>) src(%dma_wait3A_14 : memref<128x256xf32, #tpu.memory_space<hbm>>) dst(%arg7 : memref<128x256xf32, #tpu.memory_space<vmem>>)
      tpu.yield
    }) : () -> ()
    %dma_start3A = arith.constant 0 : i32
    %dma_start3A_3 = arith.constant 0 : i32
    %dma_start3A_4 = tpu.memref_slice %arg4[%dma_start3A, %dma_start3A_3] : memref<47616x256xf32, #tpu.memory_space<hbm>> -> memref<47616x256xf32, #tpu.memory_space<hbm>>
    tpu.enqueue_indirect_dma source(%arg7 : memref<128x256xf32, #tpu.memory_space<vmem>>) target(%dma_start3A_4 : memref<47616x256xf32, #tpu.memory_space<hbm>>) offsets(%arg6 : memref<128xi32, #tpu.memory_space<vmem>>) semaphore(%arg8 : memref<!tpu.dma_semaphore, #tpu.memory_space<semaphore_mem>>)
    %dma_wait3A = arith.constant 0 : i32
    %dma_wait3A_5 = arith.constant 0 : i32
    %dma_wait3A_6 = tpu.memref_slice %arg4[%dma_wait3A, %dma_wait3A_5] : memref<47616x256xf32, #tpu.memory_space<hbm>> -> memref<47616x256xf32, #tpu.memory_space<hbm>>
    tpu.wait_indirect_dma semaphore(%arg8 : memref<!tpu.dma_semaphore, #tpu.memory_space<semaphore_mem>>) src(%arg7 : memref<128x256xf32, #tpu.memory_space<vmem>>) dst(%dma_wait3A_6 : memref<47616x256xf32, #tpu.memory_space<hbm>>)
    return
  }
}

#map = affine_map<(d0, d1) -> (0, 0)>
#map1 = affine_map<(d0, d1) -> (0)>
module attributes {stable_mosaic.version = 14 : i64} {
  func.func @body(%arg0: i32, %arg1: i32, %arg2: memref<43520x256xf32, #tpu.memory_space<hbm>>, %arg3: memref<24576xi32, #tpu.memory_space<hbm>>, %arg4: memref<24576x256xf32, #tpu.memory_space<hbm>>, %arg5: memref<128xi32, #tpu.memory_space<vmem>>, %arg6: memref<128x256xf32, #tpu.memory_space<vmem>>, %arg7: memref<128xi32, #tpu.memory_space<vmem>>, %arg8: memref<128x256xf32, #tpu.memory_space<vmem>>, %arg9: memref<!tpu.dma_semaphore, #tpu.memory_space<semaphore_mem>>, %arg10: memref<!tpu.dma_semaphore, #tpu.memory_space<semaphore_mem>>) attributes {dimension_semantics = [#tpu.dimension_semantics<core_parallel>, #tpu.dimension_semantics<subcore_parallel>], iteration_bounds = array<i64: 2, 16>, scalar_prefetch = 0 : i64, scratch_operands = 6 : i64, tpu.core_type = #tpu.core_type<sc_vector_subcore>, window_params = [{transform_indices = #map}, {transform_indices = #map1}, {transform_indices = #map}]} {
    %mul3A = arith.constant 2 : i32
    %mul3A_0 = arith.muli %arg1, %mul3A : i32
    %add3A = arith.addi %mul3A_0, %arg0 : i32
    %mul3A_1 = arith.constant 768 : i32
    %mul3A_2 = arith.muli %add3A, %mul3A_1 : i32
    "tpu.region"() ({
      %run_scoped3A = tpu.sem_alloc : memref<!tpu.dma_semaphore, #tpu.memory_space<semaphore_mem>>
      %dma_start3A_59 = tpu.memref_slice %arg3[%mul3A_2] : memref<24576xi32, #tpu.memory_space<hbm>> -> memref<128xi32, #tpu.memory_space<hbm>>
      %dma_start3A_60 = tpu.memref_slice %arg3[%mul3A_2] : memref<24576xi32, #tpu.memory_space<hbm>> -> memref<128xi32, #tpu.memory_space<hbm>>
      tpu.enqueue_dma source(%dma_start3A_60 : memref<128xi32, #tpu.memory_space<hbm>>) target(%arg5 : memref<128xi32, #tpu.memory_space<vmem>>) target_semaphore(%run_scoped3A : memref<!tpu.dma_semaphore, #tpu.memory_space<semaphore_mem>>)
      %dma_wait3A_61 = tpu.memref_slice %arg3[%mul3A_2] : memref<24576xi32, #tpu.memory_space<hbm>> -> memref<128xi32, #tpu.memory_space<hbm>>
      %dma_wait3A_62 = tpu.memref_slice %arg3[%mul3A_2] : memref<24576xi32, #tpu.memory_space<hbm>> -> memref<128xi32, #tpu.memory_space<hbm>>
      tpu.wait_dma2 semaphore(%run_scoped3A : memref<!tpu.dma_semaphore, #tpu.memory_space<semaphore_mem>>) src(%dma_wait3A_62 : memref<128xi32, #tpu.memory_space<hbm>>) dst(%arg5 : memref<128xi32, #tpu.memory_space<vmem>>)
      tpu.yield
    }) : () -> ()
    %dma_start3A = arith.constant 0 : i32
    %dma_start3A_3 = arith.constant 0 : i32
    %dma_start3A_4 = tpu.memref_slice %arg2[%dma_start3A, %dma_start3A_3] : memref<43520x256xf32, #tpu.memory_space<hbm>> -> memref<43520x256xf32, #tpu.memory_space<hbm>>
    tpu.enqueue_indirect_dma source(%dma_start3A_4 : memref<43520x256xf32, #tpu.memory_space<hbm>>) target(%arg6 : memref<128x256xf32, #tpu.memory_space<vmem>>) offsets(%arg5 : memref<128xi32, #tpu.memory_space<vmem>>) semaphore(%arg9 : memref<!tpu.dma_semaphore, #tpu.memory_space<semaphore_mem>>)
    %add3A_5 = arith.constant 128 : i32
    %add3A_6 = arith.addi %mul3A_2, %add3A_5 : i32
    "tpu.region"() ({
      %run_scoped3A = tpu.sem_alloc : memref<!tpu.dma_semaphore, #tpu.memory_space<semaphore_mem>>
      %dma_start3A_59 = tpu.memref_slice %arg3[%add3A_6] : memref<24576xi32, #tpu.memory_space<hbm>> -> memref<128xi32, #tpu.memory_space<hbm>>
      %dma_start3A_60 = tpu.memref_slice %arg3[%add3A_6] : memref<24576xi32, #tpu.memory_space<hbm>> -> memref<128xi32, #tpu.memory_space<hbm>>
      tpu.enqueue_dma source(%dma_start3A_60 : memref<128xi32, #tpu.memory_space<hbm>>) target(%arg7 : memref<128xi32, #tpu.memory_space<vmem>>) target_semaphore(%run_scoped3A : memref<!tpu.dma_semaphore, #tpu.memory_space<semaphore_mem>>)
      %dma_wait3A_61 = tpu.memref_slice %arg3[%add3A_6] : memref<24576xi32, #tpu.memory_space<hbm>> -> memref<128xi32, #tpu.memory_space<hbm>>
      %dma_wait3A_62 = tpu.memref_slice %arg3[%add3A_6] : memref<24576xi32, #tpu.memory_space<hbm>> -> memref<128xi32, #tpu.memory_space<hbm>>
      tpu.wait_dma2 semaphore(%run_scoped3A : memref<!tpu.dma_semaphore, #tpu.memory_space<semaphore_mem>>) src(%dma_wait3A_62 : memref<128xi32, #tpu.memory_space<hbm>>) dst(%arg7 : memref<128xi32, #tpu.memory_space<vmem>>)
      tpu.yield
    }) : () -> ()
    %dma_start3A_7 = arith.constant 0 : i32
    %dma_start3A_8 = arith.constant 0 : i32
    %dma_start3A_9 = tpu.memref_slice %arg2[%dma_start3A_7, %dma_start3A_8] : memref<43520x256xf32, #tpu.memory_space<hbm>> -> memref<43520x256xf32, #tpu.memory_space<hbm>>
    tpu.enqueue_indirect_dma source(%dma_start3A_9 : memref<43520x256xf32, #tpu.memory_space<hbm>>) target(%arg8 : memref<128x256xf32, #tpu.memory_space<vmem>>) offsets(%arg7 : memref<128xi32, #tpu.memory_space<vmem>>) semaphore(%arg10 : memref<!tpu.dma_semaphore, #tpu.memory_space<semaphore_mem>>)
    %dma_wait3A = arith.constant 0 : i32
    %dma_wait3A_10 = arith.constant 0 : i32
    %dma_wait3A_11 = tpu.memref_slice %arg2[%dma_wait3A, %dma_wait3A_10] : memref<43520x256xf32, #tpu.memory_space<hbm>> -> memref<43520x256xf32, #tpu.memory_space<hbm>>
    tpu.wait_indirect_dma semaphore(%arg9 : memref<!tpu.dma_semaphore, #tpu.memory_space<semaphore_mem>>) src(%dma_wait3A_11 : memref<43520x256xf32, #tpu.memory_space<hbm>>) dst(%arg6 : memref<128x256xf32, #tpu.memory_space<vmem>>)
    %add3A_12 = arith.constant 0 : i32
    %add3A_13 = arith.addi %mul3A_2, %add3A_12 : i32
    "tpu.region"() ({
      %run_scoped3A = tpu.sem_alloc : memref<!tpu.dma_semaphore, #tpu.memory_space<semaphore_mem>>
      %dma_start3A_59 = arith.constant 0 : i32
      %dma_start3A_60 = tpu.memref_slice %arg4[%add3A_13, %dma_start3A_59] : memref<24576x256xf32, #tpu.memory_space<hbm>> -> memref<128x256xf32, #tpu.memory_space<hbm>>
      %dma_start3A_61 = arith.constant 0 : i32
      %dma_start3A_62 = tpu.memref_slice %arg4[%add3A_13, %dma_start3A_61] : memref<24576x256xf32, #tpu.memory_space<hbm>> -> memref<128x256xf32, #tpu.memory_space<hbm>>
      tpu.enqueue_dma source(%arg6 : memref<128x256xf32, #tpu.memory_space<vmem>>) target(%dma_start3A_62 : memref<128x256xf32, #tpu.memory_space<hbm>>) target_semaphore(%run_scoped3A : memref<!tpu.dma_semaphore, #tpu.memory_space<semaphore_mem>>)
      %dma_wait3A_63 = arith.constant 0 : i32
      %dma_wait3A_64 = tpu.memref_slice %arg4[%add3A_13, %dma_wait3A_63] : memref<24576x256xf32, #tpu.memory_space<hbm>> -> memref<128x256xf32, #tpu.memory_space<hbm>>
      %dma_wait3A_65 = arith.constant 0 : i32
      %dma_wait3A_66 = tpu.memref_slice %arg4[%add3A_13, %dma_wait3A_65] : memref<24576x256xf32, #tpu.memory_space<hbm>> -> memref<128x256xf32, #tpu.memory_space<hbm>>
      tpu.wait_dma2 semaphore(%run_scoped3A : memref<!tpu.dma_semaphore, #tpu.memory_space<semaphore_mem>>) src(%arg6 : memref<128x256xf32, #tpu.memory_space<vmem>>) dst(%dma_wait3A_66 : memref<128x256xf32, #tpu.memory_space<hbm>>)
      tpu.yield
    }) : () -> ()
    %add3A_14 = arith.constant 256 : i32
    %add3A_15 = arith.addi %mul3A_2, %add3A_14 : i32
    "tpu.region"() ({
      %run_scoped3A = tpu.sem_alloc : memref<!tpu.dma_semaphore, #tpu.memory_space<semaphore_mem>>
      %dma_start3A_59 = tpu.memref_slice %arg3[%add3A_15] : memref<24576xi32, #tpu.memory_space<hbm>> -> memref<128xi32, #tpu.memory_space<hbm>>
      %dma_start3A_60 = tpu.memref_slice %arg3[%add3A_15] : memref<24576xi32, #tpu.memory_space<hbm>> -> memref<128xi32, #tpu.memory_space<hbm>>
      tpu.enqueue_dma source(%dma_start3A_60 : memref<128xi32, #tpu.memory_space<hbm>>) target(%arg5 : memref<128xi32, #tpu.memory_space<vmem>>) target_semaphore(%run_scoped3A : memref<!tpu.dma_semaphore, #tpu.memory_space<semaphore_mem>>)
      %dma_wait3A_61 = tpu.memref_slice %arg3[%add3A_15] : memref<24576xi32, #tpu.memory_space<hbm>> -> memref<128xi32, #tpu.memory_space<hbm>>
      %dma_wait3A_62 = tpu.memref_slice %arg3[%add3A_15] : memref<24576xi32, #tpu.memory_space<hbm>> -> memref<128xi32, #tpu.memory_space<hbm>>
      tpu.wait_dma2 semaphore(%run_scoped3A : memref<!tpu.dma_semaphore, #tpu.memory_space<semaphore_mem>>) src(%dma_wait3A_62 : memref<128xi32, #tpu.memory_space<hbm>>) dst(%arg5 : memref<128xi32, #tpu.memory_space<vmem>>)
      tpu.yield
    }) : () -> ()
    %dma_start3A_16 = arith.constant 0 : i32
    %dma_start3A_17 = arith.constant 0 : i32
    %dma_start3A_18 = tpu.memref_slice %arg2[%dma_start3A_16, %dma_start3A_17] : memref<43520x256xf32, #tpu.memory_space<hbm>> -> memref<43520x256xf32, #tpu.memory_space<hbm>>
    tpu.enqueue_indirect_dma source(%dma_start3A_18 : memref<43520x256xf32, #tpu.memory_space<hbm>>) target(%arg6 : memref<128x256xf32, #tpu.memory_space<vmem>>) offsets(%arg5 : memref<128xi32, #tpu.memory_space<vmem>>) semaphore(%arg9 : memref<!tpu.dma_semaphore, #tpu.memory_space<semaphore_mem>>)
    %dma_wait3A_19 = arith.constant 0 : i32
    %dma_wait3A_20 = arith.constant 0 : i32
    %dma_wait3A_21 = tpu.memref_slice %arg2[%dma_wait3A_19, %dma_wait3A_20] : memref<43520x256xf32, #tpu.memory_space<hbm>> -> memref<43520x256xf32, #tpu.memory_space<hbm>>
    tpu.wait_indirect_dma semaphore(%arg10 : memref<!tpu.dma_semaphore, #tpu.memory_space<semaphore_mem>>) src(%dma_wait3A_21 : memref<43520x256xf32, #tpu.memory_space<hbm>>) dst(%arg8 : memref<128x256xf32, #tpu.memory_space<vmem>>)
    %add3A_22 = arith.constant 128 : i32
    %add3A_23 = arith.addi %mul3A_2, %add3A_22 : i32
    "tpu.region"() ({
      %run_scoped3A = tpu.sem_alloc : memref<!tpu.dma_semaphore, #tpu.memory_space<semaphore_mem>>
      %dma_start3A_59 = arith.constant 0 : i32
      %dma_start3A_60 = tpu.memref_slice %arg4[%add3A_23, %dma_start3A_59] : memref<24576x256xf32, #tpu.memory_space<hbm>> -> memref<128x256xf32, #tpu.memory_space<hbm>>
      %dma_start3A_61 = arith.constant 0 : i32
      %dma_start3A_62 = tpu.memref_slice %arg4[%add3A_23, %dma_start3A_61] : memref<24576x256xf32, #tpu.memory_space<hbm>> -> memref<128x256xf32, #tpu.memory_space<hbm>>
      tpu.enqueue_dma source(%arg8 : memref<128x256xf32, #tpu.memory_space<vmem>>) target(%dma_start3A_62 : memref<128x256xf32, #tpu.memory_space<hbm>>) target_semaphore(%run_scoped3A : memref<!tpu.dma_semaphore, #tpu.memory_space<semaphore_mem>>)
      %dma_wait3A_63 = arith.constant 0 : i32
      %dma_wait3A_64 = tpu.memref_slice %arg4[%add3A_23, %dma_wait3A_63] : memref<24576x256xf32, #tpu.memory_space<hbm>> -> memref<128x256xf32, #tpu.memory_space<hbm>>
      %dma_wait3A_65 = arith.constant 0 : i32
      %dma_wait3A_66 = tpu.memref_slice %arg4[%add3A_23, %dma_wait3A_65] : memref<24576x256xf32, #tpu.memory_space<hbm>> -> memref<128x256xf32, #tpu.memory_space<hbm>>
      tpu.wait_dma2 semaphore(%run_scoped3A : memref<!tpu.dma_semaphore, #tpu.memory_space<semaphore_mem>>) src(%arg8 : memref<128x256xf32, #tpu.memory_space<vmem>>) dst(%dma_wait3A_66 : memref<128x256xf32, #tpu.memory_space<hbm>>)
      tpu.yield
    }) : () -> ()
    %add3A_24 = arith.constant 384 : i32
    %add3A_25 = arith.addi %mul3A_2, %add3A_24 : i32
    "tpu.region"() ({
      %run_scoped3A = tpu.sem_alloc : memref<!tpu.dma_semaphore, #tpu.memory_space<semaphore_mem>>
      %dma_start3A_59 = tpu.memref_slice %arg3[%add3A_25] : memref<24576xi32, #tpu.memory_space<hbm>> -> memref<128xi32, #tpu.memory_space<hbm>>
      %dma_start3A_60 = tpu.memref_slice %arg3[%add3A_25] : memref<24576xi32, #tpu.memory_space<hbm>> -> memref<128xi32, #tpu.memory_space<hbm>>
      tpu.enqueue_dma source(%dma_start3A_60 : memref<128xi32, #tpu.memory_space<hbm>>) target(%arg7 : memref<128xi32, #tpu.memory_space<vmem>>) target_semaphore(%run_scoped3A : memref<!tpu.dma_semaphore, #tpu.memory_space<semaphore_mem>>)
      %dma_wait3A_61 = tpu.memref_slice %arg3[%add3A_25] : memref<24576xi32, #tpu.memory_space<hbm>> -> memref<128xi32, #tpu.memory_space<hbm>>
      %dma_wait3A_62 = tpu.memref_slice %arg3[%add3A_25] : memref<24576xi32, #tpu.memory_space<hbm>> -> memref<128xi32, #tpu.memory_space<hbm>>
      tpu.wait_dma2 semaphore(%run_scoped3A : memref<!tpu.dma_semaphore, #tpu.memory_space<semaphore_mem>>) src(%dma_wait3A_62 : memref<128xi32, #tpu.memory_space<hbm>>) dst(%arg7 : memref<128xi32, #tpu.memory_space<vmem>>)
      tpu.yield
    }) : () -> ()
    %dma_start3A_26 = arith.constant 0 : i32
    %dma_start3A_27 = arith.constant 0 : i32
    %dma_start3A_28 = tpu.memref_slice %arg2[%dma_start3A_26, %dma_start3A_27] : memref<43520x256xf32, #tpu.memory_space<hbm>> -> memref<43520x256xf32, #tpu.memory_space<hbm>>
    tpu.enqueue_indirect_dma source(%dma_start3A_28 : memref<43520x256xf32, #tpu.memory_space<hbm>>) target(%arg8 : memref<128x256xf32, #tpu.memory_space<vmem>>) offsets(%arg7 : memref<128xi32, #tpu.memory_space<vmem>>) semaphore(%arg10 : memref<!tpu.dma_semaphore, #tpu.memory_space<semaphore_mem>>)
    %dma_wait3A_29 = arith.constant 0 : i32
    %dma_wait3A_30 = arith.constant 0 : i32
    %dma_wait3A_31 = tpu.memref_slice %arg2[%dma_wait3A_29, %dma_wait3A_30] : memref<43520x256xf32, #tpu.memory_space<hbm>> -> memref<43520x256xf32, #tpu.memory_space<hbm>>
    tpu.wait_indirect_dma semaphore(%arg9 : memref<!tpu.dma_semaphore, #tpu.memory_space<semaphore_mem>>) src(%dma_wait3A_31 : memref<43520x256xf32, #tpu.memory_space<hbm>>) dst(%arg6 : memref<128x256xf32, #tpu.memory_space<vmem>>)
    %add3A_32 = arith.constant 256 : i32
    %add3A_33 = arith.addi %mul3A_2, %add3A_32 : i32
    "tpu.region"() ({
      %run_scoped3A = tpu.sem_alloc : memref<!tpu.dma_semaphore, #tpu.memory_space<semaphore_mem>>
      %dma_start3A_59 = arith.constant 0 : i32
      %dma_start3A_60 = tpu.memref_slice %arg4[%add3A_33, %dma_start3A_59] : memref<24576x256xf32, #tpu.memory_space<hbm>> -> memref<128x256xf32, #tpu.memory_space<hbm>>
      %dma_start3A_61 = arith.constant 0 : i32
      %dma_start3A_62 = tpu.memref_slice %arg4[%add3A_33, %dma_start3A_61] : memref<24576x256xf32, #tpu.memory_space<hbm>> -> memref<128x256xf32, #tpu.memory_space<hbm>>
      tpu.enqueue_dma source(%arg6 : memref<128x256xf32, #tpu.memory_space<vmem>>) target(%dma_start3A_62 : memref<128x256xf32, #tpu.memory_space<hbm>>) target_semaphore(%run_scoped3A : memref<!tpu.dma_semaphore, #tpu.memory_space<semaphore_mem>>)
      %dma_wait3A_63 = arith.constant 0 : i32
      %dma_wait3A_64 = tpu.memref_slice %arg4[%add3A_33, %dma_wait3A_63] : memref<24576x256xf32, #tpu.memory_space<hbm>> -> memref<128x256xf32, #tpu.memory_space<hbm>>
      %dma_wait3A_65 = arith.constant 0 : i32
      %dma_wait3A_66 = tpu.memref_slice %arg4[%add3A_33, %dma_wait3A_65] : memref<24576x256xf32, #tpu.memory_space<hbm>> -> memref<128x256xf32, #tpu.memory_space<hbm>>
      tpu.wait_dma2 semaphore(%run_scoped3A : memref<!tpu.dma_semaphore, #tpu.memory_space<semaphore_mem>>) src(%arg6 : memref<128x256xf32, #tpu.memory_space<vmem>>) dst(%dma_wait3A_66 : memref<128x256xf32, #tpu.memory_space<hbm>>)
      tpu.yield
    }) : () -> ()
    %add3A_34 = arith.constant 512 : i32
    %add3A_35 = arith.addi %mul3A_2, %add3A_34 : i32
    "tpu.region"() ({
      %run_scoped3A = tpu.sem_alloc : memref<!tpu.dma_semaphore, #tpu.memory_space<semaphore_mem>>
      %dma_start3A_59 = tpu.memref_slice %arg3[%add3A_35] : memref<24576xi32, #tpu.memory_space<hbm>> -> memref<128xi32, #tpu.memory_space<hbm>>
      %dma_start3A_60 = tpu.memref_slice %arg3[%add3A_35] : memref<24576xi32, #tpu.memory_space<hbm>> -> memref<128xi32, #tpu.memory_space<hbm>>
      tpu.enqueue_dma source(%dma_start3A_60 : memref<128xi32, #tpu.memory_space<hbm>>) target(%arg5 : memref<128xi32, #tpu.memory_space<vmem>>) target_semaphore(%run_scoped3A : memref<!tpu.dma_semaphore, #tpu.memory_space<semaphore_mem>>)
      %dma_wait3A_61 = tpu.memref_slice %arg3[%add3A_35] : memref<24576xi32, #tpu.memory_space<hbm>> -> memref<128xi32, #tpu.memory_space<hbm>>
      %dma_wait3A_62 = tpu.memref_slice %arg3[%add3A_35] : memref<24576xi32, #tpu.memory_space<hbm>> -> memref<128xi32, #tpu.memory_space<hbm>>
      tpu.wait_dma2 semaphore(%run_scoped3A : memref<!tpu.dma_semaphore, #tpu.memory_space<semaphore_mem>>) src(%dma_wait3A_62 : memref<128xi32, #tpu.memory_space<hbm>>) dst(%arg5 : memref<128xi32, #tpu.memory_space<vmem>>)
      tpu.yield
    }) : () -> ()
    %dma_start3A_36 = arith.constant 0 : i32
    %dma_start3A_37 = arith.constant 0 : i32
    %dma_start3A_38 = tpu.memref_slice %arg2[%dma_start3A_36, %dma_start3A_37] : memref<43520x256xf32, #tpu.memory_space<hbm>> -> memref<43520x256xf32, #tpu.memory_space<hbm>>
    tpu.enqueue_indirect_dma source(%dma_start3A_38 : memref<43520x256xf32, #tpu.memory_space<hbm>>) target(%arg6 : memref<128x256xf32, #tpu.memory_space<vmem>>) offsets(%arg5 : memref<128xi32, #tpu.memory_space<vmem>>) semaphore(%arg9 : memref<!tpu.dma_semaphore, #tpu.memory_space<semaphore_mem>>)
    %dma_wait3A_39 = arith.constant 0 : i32
    %dma_wait3A_40 = arith.constant 0 : i32
    %dma_wait3A_41 = tpu.memref_slice %arg2[%dma_wait3A_39, %dma_wait3A_40] : memref<43520x256xf32, #tpu.memory_space<hbm>> -> memref<43520x256xf32, #tpu.memory_space<hbm>>
    tpu.wait_indirect_dma semaphore(%arg10 : memref<!tpu.dma_semaphore, #tpu.memory_space<semaphore_mem>>) src(%dma_wait3A_41 : memref<43520x256xf32, #tpu.memory_space<hbm>>) dst(%arg8 : memref<128x256xf32, #tpu.memory_space<vmem>>)
    %add3A_42 = arith.constant 384 : i32
    %add3A_43 = arith.addi %mul3A_2, %add3A_42 : i32
    "tpu.region"() ({
      %run_scoped3A = tpu.sem_alloc : memref<!tpu.dma_semaphore, #tpu.memory_space<semaphore_mem>>
      %dma_start3A_59 = arith.constant 0 : i32
      %dma_start3A_60 = tpu.memref_slice %arg4[%add3A_43, %dma_start3A_59] : memref<24576x256xf32, #tpu.memory_space<hbm>> -> memref<128x256xf32, #tpu.memory_space<hbm>>
      %dma_start3A_61 = arith.constant 0 : i32
      %dma_start3A_62 = tpu.memref_slice %arg4[%add3A_43, %dma_start3A_61] : memref<24576x256xf32, #tpu.memory_space<hbm>> -> memref<128x256xf32, #tpu.memory_space<hbm>>
      tpu.enqueue_dma source(%arg8 : memref<128x256xf32, #tpu.memory_space<vmem>>) target(%dma_start3A_62 : memref<128x256xf32, #tpu.memory_space<hbm>>) target_semaphore(%run_scoped3A : memref<!tpu.dma_semaphore, #tpu.memory_space<semaphore_mem>>)
      %dma_wait3A_63 = arith.constant 0 : i32
      %dma_wait3A_64 = tpu.memref_slice %arg4[%add3A_43, %dma_wait3A_63] : memref<24576x256xf32, #tpu.memory_space<hbm>> -> memref<128x256xf32, #tpu.memory_space<hbm>>
      %dma_wait3A_65 = arith.constant 0 : i32
      %dma_wait3A_66 = tpu.memref_slice %arg4[%add3A_43, %dma_wait3A_65] : memref<24576x256xf32, #tpu.memory_space<hbm>> -> memref<128x256xf32, #tpu.memory_space<hbm>>
      tpu.wait_dma2 semaphore(%run_scoped3A : memref<!tpu.dma_semaphore, #tpu.memory_space<semaphore_mem>>) src(%arg8 : memref<128x256xf32, #tpu.memory_space<vmem>>) dst(%dma_wait3A_66 : memref<128x256xf32, #tpu.memory_space<hbm>>)
      tpu.yield
    }) : () -> ()
    %add3A_44 = arith.constant 640 : i32
    %add3A_45 = arith.addi %mul3A_2, %add3A_44 : i32
    "tpu.region"() ({
      %run_scoped3A = tpu.sem_alloc : memref<!tpu.dma_semaphore, #tpu.memory_space<semaphore_mem>>
      %dma_start3A_59 = tpu.memref_slice %arg3[%add3A_45] : memref<24576xi32, #tpu.memory_space<hbm>> -> memref<128xi32, #tpu.memory_space<hbm>>
      %dma_start3A_60 = tpu.memref_slice %arg3[%add3A_45] : memref<24576xi32, #tpu.memory_space<hbm>> -> memref<128xi32, #tpu.memory_space<hbm>>
      tpu.enqueue_dma source(%dma_start3A_60 : memref<128xi32, #tpu.memory_space<hbm>>) target(%arg7 : memref<128xi32, #tpu.memory_space<vmem>>) target_semaphore(%run_scoped3A : memref<!tpu.dma_semaphore, #tpu.memory_space<semaphore_mem>>)
      %dma_wait3A_61 = tpu.memref_slice %arg3[%add3A_45] : memref<24576xi32, #tpu.memory_space<hbm>> -> memref<128xi32, #tpu.memory_space<hbm>>
      %dma_wait3A_62 = tpu.memref_slice %arg3[%add3A_45] : memref<24576xi32, #tpu.memory_space<hbm>> -> memref<128xi32, #tpu.memory_space<hbm>>
      tpu.wait_dma2 semaphore(%run_scoped3A : memref<!tpu.dma_semaphore, #tpu.memory_space<semaphore_mem>>) src(%dma_wait3A_62 : memref<128xi32, #tpu.memory_space<hbm>>) dst(%arg7 : memref<128xi32, #tpu.memory_space<vmem>>)
      tpu.yield
    }) : () -> ()
    %dma_start3A_46 = arith.constant 0 : i32
    %dma_start3A_47 = arith.constant 0 : i32
    %dma_start3A_48 = tpu.memref_slice %arg2[%dma_start3A_46, %dma_start3A_47] : memref<43520x256xf32, #tpu.memory_space<hbm>> -> memref<43520x256xf32, #tpu.memory_space<hbm>>
    tpu.enqueue_indirect_dma source(%dma_start3A_48 : memref<43520x256xf32, #tpu.memory_space<hbm>>) target(%arg8 : memref<128x256xf32, #tpu.memory_space<vmem>>) offsets(%arg7 : memref<128xi32, #tpu.memory_space<vmem>>) semaphore(%arg10 : memref<!tpu.dma_semaphore, #tpu.memory_space<semaphore_mem>>)
    %dma_wait3A_49 = arith.constant 0 : i32
    %dma_wait3A_50 = arith.constant 0 : i32
    %dma_wait3A_51 = tpu.memref_slice %arg2[%dma_wait3A_49, %dma_wait3A_50] : memref<43520x256xf32, #tpu.memory_space<hbm>> -> memref<43520x256xf32, #tpu.memory_space<hbm>>
    tpu.wait_indirect_dma semaphore(%arg9 : memref<!tpu.dma_semaphore, #tpu.memory_space<semaphore_mem>>) src(%dma_wait3A_51 : memref<43520x256xf32, #tpu.memory_space<hbm>>) dst(%arg6 : memref<128x256xf32, #tpu.memory_space<vmem>>)
    %add3A_52 = arith.constant 512 : i32
    %add3A_53 = arith.addi %mul3A_2, %add3A_52 : i32
    "tpu.region"() ({
      %run_scoped3A = tpu.sem_alloc : memref<!tpu.dma_semaphore, #tpu.memory_space<semaphore_mem>>
      %dma_start3A_59 = arith.constant 0 : i32
      %dma_start3A_60 = tpu.memref_slice %arg4[%add3A_53, %dma_start3A_59] : memref<24576x256xf32, #tpu.memory_space<hbm>> -> memref<128x256xf32, #tpu.memory_space<hbm>>
      %dma_start3A_61 = arith.constant 0 : i32
      %dma_start3A_62 = tpu.memref_slice %arg4[%add3A_53, %dma_start3A_61] : memref<24576x256xf32, #tpu.memory_space<hbm>> -> memref<128x256xf32, #tpu.memory_space<hbm>>
      tpu.enqueue_dma source(%arg6 : memref<128x256xf32, #tpu.memory_space<vmem>>) target(%dma_start3A_62 : memref<128x256xf32, #tpu.memory_space<hbm>>) target_semaphore(%run_scoped3A : memref<!tpu.dma_semaphore, #tpu.memory_space<semaphore_mem>>)
      %dma_wait3A_63 = arith.constant 0 : i32
      %dma_wait3A_64 = tpu.memref_slice %arg4[%add3A_53, %dma_wait3A_63] : memref<24576x256xf32, #tpu.memory_space<hbm>> -> memref<128x256xf32, #tpu.memory_space<hbm>>
      %dma_wait3A_65 = arith.constant 0 : i32
      %dma_wait3A_66 = tpu.memref_slice %arg4[%add3A_53, %dma_wait3A_65] : memref<24576x256xf32, #tpu.memory_space<hbm>> -> memref<128x256xf32, #tpu.memory_space<hbm>>
      tpu.wait_dma2 semaphore(%run_scoped3A : memref<!tpu.dma_semaphore, #tpu.memory_space<semaphore_mem>>) src(%arg6 : memref<128x256xf32, #tpu.memory_space<vmem>>) dst(%dma_wait3A_66 : memref<128x256xf32, #tpu.memory_space<hbm>>)
      tpu.yield
    }) : () -> ()
    %dma_wait3A_54 = arith.constant 0 : i32
    %dma_wait3A_55 = arith.constant 0 : i32
    %dma_wait3A_56 = tpu.memref_slice %arg2[%dma_wait3A_54, %dma_wait3A_55] : memref<43520x256xf32, #tpu.memory_space<hbm>> -> memref<43520x256xf32, #tpu.memory_space<hbm>>
    tpu.wait_indirect_dma semaphore(%arg10 : memref<!tpu.dma_semaphore, #tpu.memory_space<semaphore_mem>>) src(%dma_wait3A_56 : memref<43520x256xf32, #tpu.memory_space<hbm>>) dst(%arg8 : memref<128x256xf32, #tpu.memory_space<vmem>>)
    %add3A_57 = arith.constant 640 : i32
    %add3A_58 = arith.addi %mul3A_2, %add3A_57 : i32
    "tpu.region"() ({
      %run_scoped3A = tpu.sem_alloc : memref<!tpu.dma_semaphore, #tpu.memory_space<semaphore_mem>>
      %dma_start3A_59 = arith.constant 0 : i32
      %dma_start3A_60 = tpu.memref_slice %arg4[%add3A_58, %dma_start3A_59] : memref<24576x256xf32, #tpu.memory_space<hbm>> -> memref<128x256xf32, #tpu.memory_space<hbm>>
      %dma_start3A_61 = arith.constant 0 : i32
      %dma_start3A_62 = tpu.memref_slice %arg4[%add3A_58, %dma_start3A_61] : memref<24576x256xf32, #tpu.memory_space<hbm>> -> memref<128x256xf32, #tpu.memory_space<hbm>>
      tpu.enqueue_dma source(%arg8 : memref<128x256xf32, #tpu.memory_space<vmem>>) target(%dma_start3A_62 : memref<128x256xf32, #tpu.memory_space<hbm>>) target_semaphore(%run_scoped3A : memref<!tpu.dma_semaphore, #tpu.memory_space<semaphore_mem>>)
      %dma_wait3A_63 = arith.constant 0 : i32
      %dma_wait3A_64 = tpu.memref_slice %arg4[%add3A_58, %dma_wait3A_63] : memref<24576x256xf32, #tpu.memory_space<hbm>> -> memref<128x256xf32, #tpu.memory_space<hbm>>
      %dma_wait3A_65 = arith.constant 0 : i32
      %dma_wait3A_66 = tpu.memref_slice %arg4[%add3A_58, %dma_wait3A_65] : memref<24576x256xf32, #tpu.memory_space<hbm>> -> memref<128x256xf32, #tpu.memory_space<hbm>>
      tpu.wait_dma2 semaphore(%run_scoped3A : memref<!tpu.dma_semaphore, #tpu.memory_space<semaphore_mem>>) src(%arg8 : memref<128x256xf32, #tpu.memory_space<vmem>>) dst(%dma_wait3A_66 : memref<128x256xf32, #tpu.memory_space<hbm>>)
      tpu.yield
    }) : () -> ()
    return
  }
}

#map = affine_map<(d0, d1) -> (0)>
#map1 = affine_map<(d0, d1) -> (0, 0)>
module attributes {stable_mosaic.version = 14 : i64} {
  func.func @new_body(%arg0: i32, %arg1: i32, %arg2: memref<4096xi32, #tpu.memory_space<hbm>>, %arg3: memref<47616x256xf32, #tpu.memory_space<hbm>>, %arg4: memref<4096x256xf32, #tpu.memory_space<hbm>>, %arg5: memref<47616x256xf32, #tpu.memory_space<hbm>>, %arg6: memref<128xi32, #tpu.memory_space<vmem>>, %arg7: memref<128x256xf32, #tpu.memory_space<vmem>>, %arg8: memref<!tpu.dma_semaphore, #tpu.memory_space<semaphore_mem>>) attributes {dimension_semantics = [#tpu.dimension_semantics<core_parallel>, #tpu.dimension_semantics<subcore_parallel>], iteration_bounds = array<i64: 2, 16>, scalar_prefetch = 0 : i64, scratch_operands = 3 : i64, tpu.core_type = #tpu.core_type<sc_vector_subcore>, window_params = [{transform_indices = #map}, {transform_indices = #map1}, {transform_indices = #map1}, {transform_indices = #map1}]} {
    %mul3A = arith.constant 2 : i32
    %mul3A_0 = arith.muli %arg1, %mul3A : i32
    %add3A = arith.addi %mul3A_0, %arg0 : i32
    %mul3A_1 = arith.constant 128 : i32
    %mul3A_2 = arith.muli %add3A, %mul3A_1 : i32
    "tpu.region"() ({
      %run_scoped3A = tpu.sem_alloc : memref<!tpu.dma_semaphore, #tpu.memory_space<semaphore_mem>>
      %dma_start3A_7 = tpu.memref_slice %arg2[%mul3A_2] : memref<4096xi32, #tpu.memory_space<hbm>> -> memref<128xi32, #tpu.memory_space<hbm>>
      %dma_start3A_8 = tpu.memref_slice %arg2[%mul3A_2] : memref<4096xi32, #tpu.memory_space<hbm>> -> memref<128xi32, #tpu.memory_space<hbm>>
      tpu.enqueue_dma source(%dma_start3A_8 : memref<128xi32, #tpu.memory_space<hbm>>) target(%arg6 : memref<128xi32, #tpu.memory_space<vmem>>) target_semaphore(%run_scoped3A : memref<!tpu.dma_semaphore, #tpu.memory_space<semaphore_mem>>)
      %dma_wait3A_9 = tpu.memref_slice %arg2[%mul3A_2] : memref<4096xi32, #tpu.memory_space<hbm>> -> memref<128xi32, #tpu.memory_space<hbm>>
      %dma_wait3A_10 = tpu.memref_slice %arg2[%mul3A_2] : memref<4096xi32, #tpu.memory_space<hbm>> -> memref<128xi32, #tpu.memory_space<hbm>>
      tpu.wait_dma2 semaphore(%run_scoped3A : memref<!tpu.dma_semaphore, #tpu.memory_space<semaphore_mem>>) src(%dma_wait3A_10 : memref<128xi32, #tpu.memory_space<hbm>>) dst(%arg6 : memref<128xi32, #tpu.memory_space<vmem>>)
      tpu.yield
    }) : () -> ()
    %dma_start3A = arith.constant 0 : i32
    %dma_start3A_3 = arith.constant 0 : i32
    %dma_start3A_4 = tpu.memref_slice %arg3[%dma_start3A, %dma_start3A_3] : memref<47616x256xf32, #tpu.memory_space<hbm>> -> memref<47616x256xf32, #tpu.memory_space<hbm>>
    tpu.enqueue_indirect_dma source(%dma_start3A_4 : memref<47616x256xf32, #tpu.memory_space<hbm>>) target(%arg7 : memref<128x256xf32, #tpu.memory_space<vmem>>) offsets(%arg6 : memref<128xi32, #tpu.memory_space<vmem>>) semaphore(%arg8 : memref<!tpu.dma_semaphore, #tpu.memory_space<semaphore_mem>>)
    %dma_wait3A = arith.constant 0 : i32
    %dma_wait3A_5 = arith.constant 0 : i32
    %dma_wait3A_6 = tpu.memref_slice %arg3[%dma_wait3A, %dma_wait3A_5] : memref<47616x256xf32, #tpu.memory_space<hbm>> -> memref<47616x256xf32, #tpu.memory_space<hbm>>
    tpu.wait_indirect_dma semaphore(%arg8 : memref<!tpu.dma_semaphore, #tpu.memory_space<semaphore_mem>>) src(%dma_wait3A_6 : memref<47616x256xf32, #tpu.memory_space<hbm>>) dst(%arg7 : memref<128x256xf32, #tpu.memory_space<vmem>>)
    "tpu.region"() ({
      %run_scoped3A = tpu.sem_alloc : memref<!tpu.dma_semaphore, #tpu.memory_space<semaphore_mem>>
      %dma_start3A_7 = arith.constant 0 : i32
      %dma_start3A_8 = tpu.memref_slice %arg4[%mul3A_2, %dma_start3A_7] : memref<4096x256xf32, #tpu.memory_space<hbm>> -> memref<128x256xf32, #tpu.memory_space<hbm>>
      %dma_start3A_9 = arith.constant 0 : i32
      %dma_start3A_10 = tpu.memref_slice %arg4[%mul3A_2, %dma_start3A_9] : memref<4096x256xf32, #tpu.memory_space<hbm>> -> memref<128x256xf32, #tpu.memory_space<hbm>>
      tpu.enqueue_dma source(%arg7 : memref<128x256xf32, #tpu.memory_space<vmem>>) target(%dma_start3A_10 : memref<128x256xf32, #tpu.memory_space<hbm>>) target_semaphore(%run_scoped3A : memref<!tpu.dma_semaphore, #tpu.memory_space<semaphore_mem>>)
      %dma_wait3A_11 = arith.constant 0 : i32
      %dma_wait3A_12 = tpu.memref_slice %arg4[%mul3A_2, %dma_wait3A_11] : memref<4096x256xf32, #tpu.memory_space<hbm>> -> memref<128x256xf32, #tpu.memory_space<hbm>>
      %dma_wait3A_13 = arith.constant 0 : i32
      %dma_wait3A_14 = tpu.memref_slice %arg4[%mul3A_2, %dma_wait3A_13] : memref<4096x256xf32, #tpu.memory_space<hbm>> -> memref<128x256xf32, #tpu.memory_space<hbm>>
      tpu.wait_dma2 semaphore(%run_scoped3A : memref<!tpu.dma_semaphore, #tpu.memory_space<semaphore_mem>>) src(%arg7 : memref<128x256xf32, #tpu.memory_space<vmem>>) dst(%dma_wait3A_14 : memref<128x256xf32, #tpu.memory_space<hbm>>)
      tpu.yield
    }) : () -> ()
    return
  }
}

#map = affine_map<(d0, d1) -> (0)>
#map1 = affine_map<(d0, d1) -> (0, 0)>
module attributes {stable_mosaic.version = 14 : i64} {
  func.func @new_body(%arg0: i32, %arg1: i32, %arg2: memref<4096xi32, #tpu.memory_space<hbm>>, %arg3: memref<47616x256xf32, #tpu.memory_space<hbm>>, %arg4: memref<4096x256xf32, #tpu.memory_space<hbm>>, %arg5: memref<47616x256xf32, #tpu.memory_space<hbm>>, %arg6: memref<128xi32, #tpu.memory_space<vmem>>, %arg7: memref<128x256xf32, #tpu.memory_space<vmem>>, %arg8: memref<!tpu.dma_semaphore, #tpu.memory_space<semaphore_mem>>) attributes {dimension_semantics = [#tpu.dimension_semantics<core_parallel>, #tpu.dimension_semantics<subcore_parallel>], iteration_bounds = array<i64: 2, 16>, scalar_prefetch = 0 : i64, scratch_operands = 3 : i64, tpu.core_type = #tpu.core_type<sc_vector_subcore>, window_params = [{transform_indices = #map}, {transform_indices = #map1}, {transform_indices = #map1}, {transform_indices = #map1}]} {
    %mul3A = arith.constant 2 : i32
    %mul3A_0 = arith.muli %arg1, %mul3A : i32
    %add3A = arith.addi %mul3A_0, %arg0 : i32
    %mul3A_1 = arith.constant 128 : i32
    %mul3A_2 = arith.muli %add3A, %mul3A_1 : i32
    "tpu.region"() ({
      %run_scoped3A = tpu.sem_alloc : memref<!tpu.dma_semaphore, #tpu.memory_space<semaphore_mem>>
      %dma_start3A_7 = tpu.memref_slice %arg2[%mul3A_2] : memref<4096xi32, #tpu.memory_space<hbm>> -> memref<128xi32, #tpu.memory_space<hbm>>
      %dma_start3A_8 = tpu.memref_slice %arg2[%mul3A_2] : memref<4096xi32, #tpu.memory_space<hbm>> -> memref<128xi32, #tpu.memory_space<hbm>>
      tpu.enqueue_dma source(%dma_start3A_8 : memref<128xi32, #tpu.memory_space<hbm>>) target(%arg6 : memref<128xi32, #tpu.memory_space<vmem>>) target_semaphore(%run_scoped3A : memref<!tpu.dma_semaphore, #tpu.memory_space<semaphore_mem>>)
      %dma_wait3A_9 = tpu.memref_slice %arg2[%mul3A_2] : memref<4096xi32, #tpu.memory_space<hbm>> -> memref<128xi32, #tpu.memory_space<hbm>>
      %dma_wait3A_10 = tpu.memref_slice %arg2[%mul3A_2] : memref<4096xi32, #tpu.memory_space<hbm>> -> memref<128xi32, #tpu.memory_space<hbm>>
      tpu.wait_dma2 semaphore(%run_scoped3A : memref<!tpu.dma_semaphore, #tpu.memory_space<semaphore_mem>>) src(%dma_wait3A_10 : memref<128xi32, #tpu.memory_space<hbm>>) dst(%arg6 : memref<128xi32, #tpu.memory_space<vmem>>)
      tpu.yield
    }) : () -> ()
    %dma_start3A = arith.constant 0 : i32
    %dma_start3A_3 = arith.constant 0 : i32
    %dma_start3A_4 = tpu.memref_slice %arg3[%dma_start3A, %dma_start3A_3] : memref<47616x256xf32, #tpu.memory_space<hbm>> -> memref<47616x256xf32, #tpu.memory_space<hbm>>
    tpu.enqueue_indirect_dma source(%dma_start3A_4 : memref<47616x256xf32, #tpu.memory_space<hbm>>) target(%arg7 : memref<128x256xf32, #tpu.memory_space<vmem>>) offsets(%arg6 : memref<128xi32, #tpu.memory_space<vmem>>) semaphore(%arg8 : memref<!tpu.dma_semaphore, #tpu.memory_space<semaphore_mem>>)
    %dma_wait3A = arith.constant 0 : i32
    %dma_wait3A_5 = arith.constant 0 : i32
    %dma_wait3A_6 = tpu.memref_slice %arg3[%dma_wait3A, %dma_wait3A_5] : memref<47616x256xf32, #tpu.memory_space<hbm>> -> memref<47616x256xf32, #tpu.memory_space<hbm>>
    tpu.wait_indirect_dma semaphore(%arg8 : memref<!tpu.dma_semaphore, #tpu.memory_space<semaphore_mem>>) src(%dma_wait3A_6 : memref<47616x256xf32, #tpu.memory_space<hbm>>) dst(%arg7 : memref<128x256xf32, #tpu.memory_space<vmem>>)
    "tpu.region"() ({
      %run_scoped3A = tpu.sem_alloc : memref<!tpu.dma_semaphore, #tpu.memory_space<semaphore_mem>>
      %dma_start3A_7 = arith.constant 0 : i32
      %dma_start3A_8 = tpu.memref_slice %arg4[%mul3A_2, %dma_start3A_7] : memref<4096x256xf32, #tpu.memory_space<hbm>> -> memref<128x256xf32, #tpu.memory_space<hbm>>
      %dma_start3A_9 = arith.constant 0 : i32
      %dma_start3A_10 = tpu.memref_slice %arg4[%mul3A_2, %dma_start3A_9] : memref<4096x256xf32, #tpu.memory_space<hbm>> -> memref<128x256xf32, #tpu.memory_space<hbm>>
      tpu.enqueue_dma source(%arg7 : memref<128x256xf32, #tpu.memory_space<vmem>>) target(%dma_start3A_10 : memref<128x256xf32, #tpu.memory_space<hbm>>) target_semaphore(%run_scoped3A : memref<!tpu.dma_semaphore, #tpu.memory_space<semaphore_mem>>)
      %dma_wait3A_11 = arith.constant 0 : i32
      %dma_wait3A_12 = tpu.memref_slice %arg4[%mul3A_2, %dma_wait3A_11] : memref<4096x256xf32, #tpu.memory_space<hbm>> -> memref<128x256xf32, #tpu.memory_space<hbm>>
      %dma_wait3A_13 = arith.constant 0 : i32
      %dma_wait3A_14 = tpu.memref_slice %arg4[%mul3A_2, %dma_wait3A_13] : memref<4096x256xf32, #tpu.memory_space<hbm>> -> memref<128x256xf32, #tpu.memory_space<hbm>>
      tpu.wait_dma2 semaphore(%run_scoped3A : memref<!tpu.dma_semaphore, #tpu.memory_space<semaphore_mem>>) src(%arg7 : memref<128x256xf32, #tpu.memory_space<vmem>>) dst(%dma_wait3A_14 : memref<128x256xf32, #tpu.memory_space<hbm>>)
      tpu.yield
    }) : () -> ()
    return
  }
}

#map = affine_map<(d0, d1) -> (0, 0)>
#map1 = affine_map<(d0, d1) -> (0)>
module attributes {stable_mosaic.version = 14 : i64} {
  func.func @new_body(%arg0: i32, %arg1: i32, %arg2: memref<4096x256xf32, #tpu.memory_space<hbm>>, %arg3: memref<4096xi32, #tpu.memory_space<hbm>>, %arg4: memref<47616x256xf32, #tpu.memory_space<hbm>>, %arg5: memref<47616x256xf32, #tpu.memory_space<hbm>>, %arg6: memref<128xi32, #tpu.memory_space<vmem>>, %arg7: memref<128x256xf32, #tpu.memory_space<vmem>>, %arg8: memref<!tpu.dma_semaphore, #tpu.memory_space<semaphore_mem>>) attributes {dimension_semantics = [#tpu.dimension_semantics<core_parallel>, #tpu.dimension_semantics<subcore_parallel>], iteration_bounds = array<i64: 2, 16>, scalar_prefetch = 0 : i64, scratch_operands = 3 : i64, tpu.core_type = #tpu.core_type<sc_vector_subcore>, window_params = [{transform_indices = #map}, {transform_indices = #map1}, {transform_indices = #map}, {transform_indices = #map}]} {
    %mul3A = arith.constant 2 : i32
    %mul3A_0 = arith.muli %arg1, %mul3A : i32
    %add3A = arith.addi %mul3A_0, %arg0 : i32
    %mul3A_1 = arith.constant 128 : i32
    %mul3A_2 = arith.muli %add3A, %mul3A_1 : i32
    "tpu.region"() ({
      %run_scoped3A = tpu.sem_alloc : memref<!tpu.dma_semaphore, #tpu.memory_space<semaphore_mem>>
      %dma_start3A_7 = tpu.memref_slice %arg3[%mul3A_2] : memref<4096xi32, #tpu.memory_space<hbm>> -> memref<128xi32, #tpu.memory_space<hbm>>
      %dma_start3A_8 = tpu.memref_slice %arg3[%mul3A_2] : memref<4096xi32, #tpu.memory_space<hbm>> -> memref<128xi32, #tpu.memory_space<hbm>>
      tpu.enqueue_dma source(%dma_start3A_8 : memref<128xi32, #tpu.memory_space<hbm>>) target(%arg6 : memref<128xi32, #tpu.memory_space<vmem>>) target_semaphore(%run_scoped3A : memref<!tpu.dma_semaphore, #tpu.memory_space<semaphore_mem>>)
      %dma_wait3A_9 = tpu.memref_slice %arg3[%mul3A_2] : memref<4096xi32, #tpu.memory_space<hbm>> -> memref<128xi32, #tpu.memory_space<hbm>>
      %dma_wait3A_10 = tpu.memref_slice %arg3[%mul3A_2] : memref<4096xi32, #tpu.memory_space<hbm>> -> memref<128xi32, #tpu.memory_space<hbm>>
      tpu.wait_dma2 semaphore(%run_scoped3A : memref<!tpu.dma_semaphore, #tpu.memory_space<semaphore_mem>>) src(%dma_wait3A_10 : memref<128xi32, #tpu.memory_space<hbm>>) dst(%arg6 : memref<128xi32, #tpu.memory_space<vmem>>)
      tpu.yield
    }) : () -> ()
    "tpu.region"() ({
      %run_scoped3A = tpu.sem_alloc : memref<!tpu.dma_semaphore, #tpu.memory_space<semaphore_mem>>
      %dma_start3A_7 = arith.constant 0 : i32
      %dma_start3A_8 = tpu.memref_slice %arg2[%mul3A_2, %dma_start3A_7] : memref<4096x256xf32, #tpu.memory_space<hbm>> -> memref<128x256xf32, #tpu.memory_space<hbm>>
      %dma_start3A_9 = arith.constant 0 : i32
      %dma_start3A_10 = tpu.memref_slice %arg2[%mul3A_2, %dma_start3A_9] : memref<4096x256xf32, #tpu.memory_space<hbm>> -> memref<128x256xf32, #tpu.memory_space<hbm>>
      tpu.enqueue_dma source(%dma_start3A_10 : memref<128x256xf32, #tpu.memory_space<hbm>>) target(%arg7 : memref<128x256xf32, #tpu.memory_space<vmem>>) target_semaphore(%run_scoped3A : memref<!tpu.dma_semaphore, #tpu.memory_space<semaphore_mem>>)
      %dma_wait3A_11 = arith.constant 0 : i32
      %dma_wait3A_12 = tpu.memref_slice %arg2[%mul3A_2, %dma_wait3A_11] : memref<4096x256xf32, #tpu.memory_space<hbm>> -> memref<128x256xf32, #tpu.memory_space<hbm>>
      %dma_wait3A_13 = arith.constant 0 : i32
      %dma_wait3A_14 = tpu.memref_slice %arg2[%mul3A_2, %dma_wait3A_13] : memref<4096x256xf32, #tpu.memory_space<hbm>> -> memref<128x256xf32, #tpu.memory_space<hbm>>
      tpu.wait_dma2 semaphore(%run_scoped3A : memref<!tpu.dma_semaphore, #tpu.memory_space<semaphore_mem>>) src(%dma_wait3A_14 : memref<128x256xf32, #tpu.memory_space<hbm>>) dst(%arg7 : memref<128x256xf32, #tpu.memory_space<vmem>>)
      tpu.yield
    }) : () -> ()
    %dma_start3A = arith.constant 0 : i32
    %dma_start3A_3 = arith.constant 0 : i32
    %dma_start3A_4 = tpu.memref_slice %arg4[%dma_start3A, %dma_start3A_3] : memref<47616x256xf32, #tpu.memory_space<hbm>> -> memref<47616x256xf32, #tpu.memory_space<hbm>>
    tpu.enqueue_indirect_dma source(%arg7 : memref<128x256xf32, #tpu.memory_space<vmem>>) target(%dma_start3A_4 : memref<47616x256xf32, #tpu.memory_space<hbm>>) offsets(%arg6 : memref<128xi32, #tpu.memory_space<vmem>>) semaphore(%arg8 : memref<!tpu.dma_semaphore, #tpu.memory_space<semaphore_mem>>)
    %dma_wait3A = arith.constant 0 : i32
    %dma_wait3A_5 = arith.constant 0 : i32
    %dma_wait3A_6 = tpu.memref_slice %arg4[%dma_wait3A, %dma_wait3A_5] : memref<47616x256xf32, #tpu.memory_space<hbm>> -> memref<47616x256xf32, #tpu.memory_space<hbm>>
    tpu.wait_indirect_dma semaphore(%arg8 : memref<!tpu.dma_semaphore, #tpu.memory_space<semaphore_mem>>) src(%arg7 : memref<128x256xf32, #tpu.memory_space<vmem>>) dst(%dma_wait3A_6 : memref<47616x256xf32, #tpu.memory_space<hbm>>)
    return
  }
}

#map = affine_map<(d0, d1) -> (0)>
#map1 = affine_map<(d0, d1) -> (0, 0)>
module attributes {stable_mosaic.version = 14 : i64} {
  func.func @new_body(%arg0: i32, %arg1: i32, %arg2: memref<4096xi32, #tpu.memory_space<hbm>>, %arg3: memref<47616x256xf32, #tpu.memory_space<hbm>>, %arg4: memref<4096x256xf32, #tpu.memory_space<hbm>>, %arg5: memref<47616x256xf32, #tpu.memory_space<hbm>>, %arg6: memref<128xi32, #tpu.memory_space<vmem>>, %arg7: memref<128x256xf32, #tpu.memory_space<vmem>>, %arg8: memref<!tpu.dma_semaphore, #tpu.memory_space<semaphore_mem>>) attributes {dimension_semantics = [#tpu.dimension_semantics<core_parallel>, #tpu.dimension_semantics<subcore_parallel>], iteration_bounds = array<i64: 2, 16>, scalar_prefetch = 0 : i64, scratch_operands = 3 : i64, tpu.core_type = #tpu.core_type<sc_vector_subcore>, window_params = [{transform_indices = #map}, {transform_indices = #map1}, {transform_indices = #map1}, {transform_indices = #map1}]} {
    %mul3A = arith.constant 2 : i32
    %mul3A_0 = arith.muli %arg1, %mul3A : i32
    %add3A = arith.addi %mul3A_0, %arg0 : i32
    %mul3A_1 = arith.constant 128 : i32
    %mul3A_2 = arith.muli %add3A, %mul3A_1 : i32
    "tpu.region"() ({
      %run_scoped3A = tpu.sem_alloc : memref<!tpu.dma_semaphore, #tpu.memory_space<semaphore_mem>>
      %dma_start3A_7 = tpu.memref_slice %arg2[%mul3A_2] : memref<4096xi32, #tpu.memory_space<hbm>> -> memref<128xi32, #tpu.memory_space<hbm>>
      %dma_start3A_8 = tpu.memref_slice %arg2[%mul3A_2] : memref<4096xi32, #tpu.memory_space<hbm>> -> memref<128xi32, #tpu.memory_space<hbm>>
      tpu.enqueue_dma source(%dma_start3A_8 : memref<128xi32, #tpu.memory_space<hbm>>) target(%arg6 : memref<128xi32, #tpu.memory_space<vmem>>) target_semaphore(%run_scoped3A : memref<!tpu.dma_semaphore, #tpu.memory_space<semaphore_mem>>)
      %dma_wait3A_9 = tpu.memref_slice %arg2[%mul3A_2] : memref<4096xi32, #tpu.memory_space<hbm>> -> memref<128xi32, #tpu.memory_space<hbm>>
      %dma_wait3A_10 = tpu.memref_slice %arg2[%mul3A_2] : memref<4096xi32, #tpu.memory_space<hbm>> -> memref<128xi32, #tpu.memory_space<hbm>>
      tpu.wait_dma2 semaphore(%run_scoped3A : memref<!tpu.dma_semaphore, #tpu.memory_space<semaphore_mem>>) src(%dma_wait3A_10 : memref<128xi32, #tpu.memory_space<hbm>>) dst(%arg6 : memref<128xi32, #tpu.memory_space<vmem>>)
      tpu.yield
    }) : () -> ()
    %dma_start3A = arith.constant 0 : i32
    %dma_start3A_3 = arith.constant 0 : i32
    %dma_start3A_4 = tpu.memref_slice %arg3[%dma_start3A, %dma_start3A_3] : memref<47616x256xf32, #tpu.memory_space<hbm>> -> memref<47616x256xf32, #tpu.memory_space<hbm>>
    tpu.enqueue_indirect_dma source(%dma_start3A_4 : memref<47616x256xf32, #tpu.memory_space<hbm>>) target(%arg7 : memref<128x256xf32, #tpu.memory_space<vmem>>) offsets(%arg6 : memref<128xi32, #tpu.memory_space<vmem>>) semaphore(%arg8 : memref<!tpu.dma_semaphore, #tpu.memory_space<semaphore_mem>>)
    %dma_wait3A = arith.constant 0 : i32
    %dma_wait3A_5 = arith.constant 0 : i32
    %dma_wait3A_6 = tpu.memref_slice %arg3[%dma_wait3A, %dma_wait3A_5] : memref<47616x256xf32, #tpu.memory_space<hbm>> -> memref<47616x256xf32, #tpu.memory_space<hbm>>
    tpu.wait_indirect_dma semaphore(%arg8 : memref<!tpu.dma_semaphore, #tpu.memory_space<semaphore_mem>>) src(%dma_wait3A_6 : memref<47616x256xf32, #tpu.memory_space<hbm>>) dst(%arg7 : memref<128x256xf32, #tpu.memory_space<vmem>>)
    "tpu.region"() ({
      %run_scoped3A = tpu.sem_alloc : memref<!tpu.dma_semaphore, #tpu.memory_space<semaphore_mem>>
      %dma_start3A_7 = arith.constant 0 : i32
      %dma_start3A_8 = tpu.memref_slice %arg4[%mul3A_2, %dma_start3A_7] : memref<4096x256xf32, #tpu.memory_space<hbm>> -> memref<128x256xf32, #tpu.memory_space<hbm>>
      %dma_start3A_9 = arith.constant 0 : i32
      %dma_start3A_10 = tpu.memref_slice %arg4[%mul3A_2, %dma_start3A_9] : memref<4096x256xf32, #tpu.memory_space<hbm>> -> memref<128x256xf32, #tpu.memory_space<hbm>>
      tpu.enqueue_dma source(%arg7 : memref<128x256xf32, #tpu.memory_space<vmem>>) target(%dma_start3A_10 : memref<128x256xf32, #tpu.memory_space<hbm>>) target_semaphore(%run_scoped3A : memref<!tpu.dma_semaphore, #tpu.memory_space<semaphore_mem>>)
      %dma_wait3A_11 = arith.constant 0 : i32
      %dma_wait3A_12 = tpu.memref_slice %arg4[%mul3A_2, %dma_wait3A_11] : memref<4096x256xf32, #tpu.memory_space<hbm>> -> memref<128x256xf32, #tpu.memory_space<hbm>>
      %dma_wait3A_13 = arith.constant 0 : i32
      %dma_wait3A_14 = tpu.memref_slice %arg4[%mul3A_2, %dma_wait3A_13] : memref<4096x256xf32, #tpu.memory_space<hbm>> -> memref<128x256xf32, #tpu.memory_space<hbm>>
      tpu.wait_dma2 semaphore(%run_scoped3A : memref<!tpu.dma_semaphore, #tpu.memory_space<semaphore_mem>>) src(%arg7 : memref<128x256xf32, #tpu.memory_space<vmem>>) dst(%dma_wait3A_14 : memref<128x256xf32, #tpu.memory_space<hbm>>)
      tpu.yield
    }) : () -> ()
    return
  }
}

#map = affine_map<(d0, d1) -> (0, 0)>
#map1 = affine_map<(d0, d1) -> (0)>
module attributes {stable_mosaic.version = 14 : i64} {
  func.func @new_body(%arg0: i32, %arg1: i32, %arg2: memref<4096x256xf32, #tpu.memory_space<hbm>>, %arg3: memref<4096xi32, #tpu.memory_space<hbm>>, %arg4: memref<47616x256xf32, #tpu.memory_space<hbm>>, %arg5: memref<47616x256xf32, #tpu.memory_space<hbm>>, %arg6: memref<128xi32, #tpu.memory_space<vmem>>, %arg7: memref<128x256xf32, #tpu.memory_space<vmem>>, %arg8: memref<!tpu.dma_semaphore, #tpu.memory_space<semaphore_mem>>) attributes {dimension_semantics = [#tpu.dimension_semantics<core_parallel>, #tpu.dimension_semantics<subcore_parallel>], iteration_bounds = array<i64: 2, 16>, scalar_prefetch = 0 : i64, scratch_operands = 3 : i64, tpu.core_type = #tpu.core_type<sc_vector_subcore>, window_params = [{transform_indices = #map}, {transform_indices = #map1}, {transform_indices = #map}, {transform_indices = #map}]} {
    %mul3A = arith.constant 2 : i32
    %mul3A_0 = arith.muli %arg1, %mul3A : i32
    %add3A = arith.addi %mul3A_0, %arg0 : i32
    %mul3A_1 = arith.constant 128 : i32
    %mul3A_2 = arith.muli %add3A, %mul3A_1 : i32
    "tpu.region"() ({
      %run_scoped3A = tpu.sem_alloc : memref<!tpu.dma_semaphore, #tpu.memory_space<semaphore_mem>>
      %dma_start3A_7 = tpu.memref_slice %arg3[%mul3A_2] : memref<4096xi32, #tpu.memory_space<hbm>> -> memref<128xi32, #tpu.memory_space<hbm>>
      %dma_start3A_8 = tpu.memref_slice %arg3[%mul3A_2] : memref<4096xi32, #tpu.memory_space<hbm>> -> memref<128xi32, #tpu.memory_space<hbm>>
      tpu.enqueue_dma source(%dma_start3A_8 : memref<128xi32, #tpu.memory_space<hbm>>) target(%arg6 : memref<128xi32, #tpu.memory_space<vmem>>) target_semaphore(%run_scoped3A : memref<!tpu.dma_semaphore, #tpu.memory_space<semaphore_mem>>)
      %dma_wait3A_9 = tpu.memref_slice %arg3[%mul3A_2] : memref<4096xi32, #tpu.memory_space<hbm>> -> memref<128xi32, #tpu.memory_space<hbm>>
      %dma_wait3A_10 = tpu.memref_slice %arg3[%mul3A_2] : memref<4096xi32, #tpu.memory_space<hbm>> -> memref<128xi32, #tpu.memory_space<hbm>>
      tpu.wait_dma2 semaphore(%run_scoped3A : memref<!tpu.dma_semaphore, #tpu.memory_space<semaphore_mem>>) src(%dma_wait3A_10 : memref<128xi32, #tpu.memory_space<hbm>>) dst(%arg6 : memref<128xi32, #tpu.memory_space<vmem>>)
      tpu.yield
    }) : () -> ()
    "tpu.region"() ({
      %run_scoped3A = tpu.sem_alloc : memref<!tpu.dma_semaphore, #tpu.memory_space<semaphore_mem>>
      %dma_start3A_7 = arith.constant 0 : i32
      %dma_start3A_8 = tpu.memref_slice %arg2[%mul3A_2, %dma_start3A_7] : memref<4096x256xf32, #tpu.memory_space<hbm>> -> memref<128x256xf32, #tpu.memory_space<hbm>>
      %dma_start3A_9 = arith.constant 0 : i32
      %dma_start3A_10 = tpu.memref_slice %arg2[%mul3A_2, %dma_start3A_9] : memref<4096x256xf32, #tpu.memory_space<hbm>> -> memref<128x256xf32, #tpu.memory_space<hbm>>
      tpu.enqueue_dma source(%dma_start3A_10 : memref<128x256xf32, #tpu.memory_space<hbm>>) target(%arg7 : memref<128x256xf32, #tpu.memory_space<vmem>>) target_semaphore(%run_scoped3A : memref<!tpu.dma_semaphore, #tpu.memory_space<semaphore_mem>>)
      %dma_wait3A_11 = arith.constant 0 : i32
      %dma_wait3A_12 = tpu.memref_slice %arg2[%mul3A_2, %dma_wait3A_11] : memref<4096x256xf32, #tpu.memory_space<hbm>> -> memref<128x256xf32, #tpu.memory_space<hbm>>
      %dma_wait3A_13 = arith.constant 0 : i32
      %dma_wait3A_14 = tpu.memref_slice %arg2[%mul3A_2, %dma_wait3A_13] : memref<4096x256xf32, #tpu.memory_space<hbm>> -> memref<128x256xf32, #tpu.memory_space<hbm>>
      tpu.wait_dma2 semaphore(%run_scoped3A : memref<!tpu.dma_semaphore, #tpu.memory_space<semaphore_mem>>) src(%dma_wait3A_14 : memref<128x256xf32, #tpu.memory_space<hbm>>) dst(%arg7 : memref<128x256xf32, #tpu.memory_space<vmem>>)
      tpu.yield
    }) : () -> ()
    %dma_start3A = arith.constant 0 : i32
    %dma_start3A_3 = arith.constant 0 : i32
    %dma_start3A_4 = tpu.memref_slice %arg4[%dma_start3A, %dma_start3A_3] : memref<47616x256xf32, #tpu.memory_space<hbm>> -> memref<47616x256xf32, #tpu.memory_space<hbm>>
    tpu.enqueue_indirect_dma source(%arg7 : memref<128x256xf32, #tpu.memory_space<vmem>>) target(%dma_start3A_4 : memref<47616x256xf32, #tpu.memory_space<hbm>>) offsets(%arg6 : memref<128xi32, #tpu.memory_space<vmem>>) semaphore(%arg8 : memref<!tpu.dma_semaphore, #tpu.memory_space<semaphore_mem>>)
    %dma_wait3A = arith.constant 0 : i32
    %dma_wait3A_5 = arith.constant 0 : i32
    %dma_wait3A_6 = tpu.memref_slice %arg4[%dma_wait3A, %dma_wait3A_5] : memref<47616x256xf32, #tpu.memory_space<hbm>> -> memref<47616x256xf32, #tpu.memory_space<hbm>>
    tpu.wait_indirect_dma semaphore(%arg8 : memref<!tpu.dma_semaphore, #tpu.memory_space<semaphore_mem>>) src(%arg7 : memref<128x256xf32, #tpu.memory_space<vmem>>) dst(%dma_wait3A_6 : memref<47616x256xf32, #tpu.memory_space<hbm>>)
    return
  }
}

#map = affine_map<(d0, d1) -> (0)>
#map1 = affine_map<(d0, d1) -> (0, 0)>
module attributes {stable_mosaic.version = 14 : i64} {
  func.func @new_body(%arg0: i32, %arg1: i32, %arg2: memref<4096xi32, #tpu.memory_space<hbm>>, %arg3: memref<47616x256xf32, #tpu.memory_space<hbm>>, %arg4: memref<4096x256xf32, #tpu.memory_space<hbm>>, %arg5: memref<47616x256xf32, #tpu.memory_space<hbm>>, %arg6: memref<128xi32, #tpu.memory_space<vmem>>, %arg7: memref<128x256xf32, #tpu.memory_space<vmem>>, %arg8: memref<!tpu.dma_semaphore, #tpu.memory_space<semaphore_mem>>) attributes {dimension_semantics = [#tpu.dimension_semantics<core_parallel>, #tpu.dimension_semantics<subcore_parallel>], iteration_bounds = array<i64: 2, 16>, scalar_prefetch = 0 : i64, scratch_operands = 3 : i64, tpu.core_type = #tpu.core_type<sc_vector_subcore>, window_params = [{transform_indices = #map}, {transform_indices = #map1}, {transform_indices = #map1}, {transform_indices = #map1}]} {
    %mul3A = arith.constant 2 : i32
    %mul3A_0 = arith.muli %arg1, %mul3A : i32
    %add3A = arith.addi %mul3A_0, %arg0 : i32
    %mul3A_1 = arith.constant 128 : i32
    %mul3A_2 = arith.muli %add3A, %mul3A_1 : i32
    "tpu.region"() ({
      %run_scoped3A = tpu.sem_alloc : memref<!tpu.dma_semaphore, #tpu.memory_space<semaphore_mem>>
      %dma_start3A_7 = tpu.memref_slice %arg2[%mul3A_2] : memref<4096xi32, #tpu.memory_space<hbm>> -> memref<128xi32, #tpu.memory_space<hbm>>
      %dma_start3A_8 = tpu.memref_slice %arg2[%mul3A_2] : memref<4096xi32, #tpu.memory_space<hbm>> -> memref<128xi32, #tpu.memory_space<hbm>>
      tpu.enqueue_dma source(%dma_start3A_8 : memref<128xi32, #tpu.memory_space<hbm>>) target(%arg6 : memref<128xi32, #tpu.memory_space<vmem>>) target_semaphore(%run_scoped3A : memref<!tpu.dma_semaphore, #tpu.memory_space<semaphore_mem>>)
      %dma_wait3A_9 = tpu.memref_slice %arg2[%mul3A_2] : memref<4096xi32, #tpu.memory_space<hbm>> -> memref<128xi32, #tpu.memory_space<hbm>>
      %dma_wait3A_10 = tpu.memref_slice %arg2[%mul3A_2] : memref<4096xi32, #tpu.memory_space<hbm>> -> memref<128xi32, #tpu.memory_space<hbm>>
      tpu.wait_dma2 semaphore(%run_scoped3A : memref<!tpu.dma_semaphore, #tpu.memory_space<semaphore_mem>>) src(%dma_wait3A_10 : memref<128xi32, #tpu.memory_space<hbm>>) dst(%arg6 : memref<128xi32, #tpu.memory_space<vmem>>)
      tpu.yield
    }) : () -> ()
    %dma_start3A = arith.constant 0 : i32
    %dma_start3A_3 = arith.constant 0 : i32
    %dma_start3A_4 = tpu.memref_slice %arg3[%dma_start3A, %dma_start3A_3] : memref<47616x256xf32, #tpu.memory_space<hbm>> -> memref<47616x256xf32, #tpu.memory_space<hbm>>
    tpu.enqueue_indirect_dma source(%dma_start3A_4 : memref<47616x256xf32, #tpu.memory_space<hbm>>) target(%arg7 : memref<128x256xf32, #tpu.memory_space<vmem>>) offsets(%arg6 : memref<128xi32, #tpu.memory_space<vmem>>) semaphore(%arg8 : memref<!tpu.dma_semaphore, #tpu.memory_space<semaphore_mem>>)
    %dma_wait3A = arith.constant 0 : i32
    %dma_wait3A_5 = arith.constant 0 : i32
    %dma_wait3A_6 = tpu.memref_slice %arg3[%dma_wait3A, %dma_wait3A_5] : memref<47616x256xf32, #tpu.memory_space<hbm>> -> memref<47616x256xf32, #tpu.memory_space<hbm>>
    tpu.wait_indirect_dma semaphore(%arg8 : memref<!tpu.dma_semaphore, #tpu.memory_space<semaphore_mem>>) src(%dma_wait3A_6 : memref<47616x256xf32, #tpu.memory_space<hbm>>) dst(%arg7 : memref<128x256xf32, #tpu.memory_space<vmem>>)
    "tpu.region"() ({
      %run_scoped3A = tpu.sem_alloc : memref<!tpu.dma_semaphore, #tpu.memory_space<semaphore_mem>>
      %dma_start3A_7 = arith.constant 0 : i32
      %dma_start3A_8 = tpu.memref_slice %arg4[%mul3A_2, %dma_start3A_7] : memref<4096x256xf32, #tpu.memory_space<hbm>> -> memref<128x256xf32, #tpu.memory_space<hbm>>
      %dma_start3A_9 = arith.constant 0 : i32
      %dma_start3A_10 = tpu.memref_slice %arg4[%mul3A_2, %dma_start3A_9] : memref<4096x256xf32, #tpu.memory_space<hbm>> -> memref<128x256xf32, #tpu.memory_space<hbm>>
      tpu.enqueue_dma source(%arg7 : memref<128x256xf32, #tpu.memory_space<vmem>>) target(%dma_start3A_10 : memref<128x256xf32, #tpu.memory_space<hbm>>) target_semaphore(%run_scoped3A : memref<!tpu.dma_semaphore, #tpu.memory_space<semaphore_mem>>)
      %dma_wait3A_11 = arith.constant 0 : i32
      %dma_wait3A_12 = tpu.memref_slice %arg4[%mul3A_2, %dma_wait3A_11] : memref<4096x256xf32, #tpu.memory_space<hbm>> -> memref<128x256xf32, #tpu.memory_space<hbm>>
      %dma_wait3A_13 = arith.constant 0 : i32
      %dma_wait3A_14 = tpu.memref_slice %arg4[%mul3A_2, %dma_wait3A_13] : memref<4096x256xf32, #tpu.memory_space<hbm>> -> memref<128x256xf32, #tpu.memory_space<hbm>>
      tpu.wait_dma2 semaphore(%run_scoped3A : memref<!tpu.dma_semaphore, #tpu.memory_space<semaphore_mem>>) src(%arg7 : memref<128x256xf32, #tpu.memory_space<vmem>>) dst(%dma_wait3A_14 : memref<128x256xf32, #tpu.memory_space<hbm>>)
      tpu.yield
    }) : () -> ()
    return
  }
}

#map = affine_map<(d0, d1) -> (0, 0)>
#map1 = affine_map<(d0, d1) -> (0)>
module attributes {stable_mosaic.version = 14 : i64} {
  func.func @new_body(%arg0: i32, %arg1: i32, %arg2: memref<4096x256xf32, #tpu.memory_space<hbm>>, %arg3: memref<4096xi32, #tpu.memory_space<hbm>>, %arg4: memref<47616x256xf32, #tpu.memory_space<hbm>>, %arg5: memref<47616x256xf32, #tpu.memory_space<hbm>>, %arg6: memref<128xi32, #tpu.memory_space<vmem>>, %arg7: memref<128x256xf32, #tpu.memory_space<vmem>>, %arg8: memref<!tpu.dma_semaphore, #tpu.memory_space<semaphore_mem>>) attributes {dimension_semantics = [#tpu.dimension_semantics<core_parallel>, #tpu.dimension_semantics<subcore_parallel>], iteration_bounds = array<i64: 2, 16>, scalar_prefetch = 0 : i64, scratch_operands = 3 : i64, tpu.core_type = #tpu.core_type<sc_vector_subcore>, window_params = [{transform_indices = #map}, {transform_indices = #map1}, {transform_indices = #map}, {transform_indices = #map}]} {
    %mul3A = arith.constant 2 : i32
    %mul3A_0 = arith.muli %arg1, %mul3A : i32
    %add3A = arith.addi %mul3A_0, %arg0 : i32
    %mul3A_1 = arith.constant 128 : i32
    %mul3A_2 = arith.muli %add3A, %mul3A_1 : i32
    "tpu.region"() ({
      %run_scoped3A = tpu.sem_alloc : memref<!tpu.dma_semaphore, #tpu.memory_space<semaphore_mem>>
      %dma_start3A_7 = tpu.memref_slice %arg3[%mul3A_2] : memref<4096xi32, #tpu.memory_space<hbm>> -> memref<128xi32, #tpu.memory_space<hbm>>
      %dma_start3A_8 = tpu.memref_slice %arg3[%mul3A_2] : memref<4096xi32, #tpu.memory_space<hbm>> -> memref<128xi32, #tpu.memory_space<hbm>>
      tpu.enqueue_dma source(%dma_start3A_8 : memref<128xi32, #tpu.memory_space<hbm>>) target(%arg6 : memref<128xi32, #tpu.memory_space<vmem>>) target_semaphore(%run_scoped3A : memref<!tpu.dma_semaphore, #tpu.memory_space<semaphore_mem>>)
      %dma_wait3A_9 = tpu.memref_slice %arg3[%mul3A_2] : memref<4096xi32, #tpu.memory_space<hbm>> -> memref<128xi32, #tpu.memory_space<hbm>>
      %dma_wait3A_10 = tpu.memref_slice %arg3[%mul3A_2] : memref<4096xi32, #tpu.memory_space<hbm>> -> memref<128xi32, #tpu.memory_space<hbm>>
      tpu.wait_dma2 semaphore(%run_scoped3A : memref<!tpu.dma_semaphore, #tpu.memory_space<semaphore_mem>>) src(%dma_wait3A_10 : memref<128xi32, #tpu.memory_space<hbm>>) dst(%arg6 : memref<128xi32, #tpu.memory_space<vmem>>)
      tpu.yield
    }) : () -> ()
    "tpu.region"() ({
      %run_scoped3A = tpu.sem_alloc : memref<!tpu.dma_semaphore, #tpu.memory_space<semaphore_mem>>
      %dma_start3A_7 = arith.constant 0 : i32
      %dma_start3A_8 = tpu.memref_slice %arg2[%mul3A_2, %dma_start3A_7] : memref<4096x256xf32, #tpu.memory_space<hbm>> -> memref<128x256xf32, #tpu.memory_space<hbm>>
      %dma_start3A_9 = arith.constant 0 : i32
      %dma_start3A_10 = tpu.memref_slice %arg2[%mul3A_2, %dma_start3A_9] : memref<4096x256xf32, #tpu.memory_space<hbm>> -> memref<128x256xf32, #tpu.memory_space<hbm>>
      tpu.enqueue_dma source(%dma_start3A_10 : memref<128x256xf32, #tpu.memory_space<hbm>>) target(%arg7 : memref<128x256xf32, #tpu.memory_space<vmem>>) target_semaphore(%run_scoped3A : memref<!tpu.dma_semaphore, #tpu.memory_space<semaphore_mem>>)
      %dma_wait3A_11 = arith.constant 0 : i32
      %dma_wait3A_12 = tpu.memref_slice %arg2[%mul3A_2, %dma_wait3A_11] : memref<4096x256xf32, #tpu.memory_space<hbm>> -> memref<128x256xf32, #tpu.memory_space<hbm>>
      %dma_wait3A_13 = arith.constant 0 : i32
      %dma_wait3A_14 = tpu.memref_slice %arg2[%mul3A_2, %dma_wait3A_13] : memref<4096x256xf32, #tpu.memory_space<hbm>> -> memref<128x256xf32, #tpu.memory_space<hbm>>
      tpu.wait_dma2 semaphore(%run_scoped3A : memref<!tpu.dma_semaphore, #tpu.memory_space<semaphore_mem>>) src(%dma_wait3A_14 : memref<128x256xf32, #tpu.memory_space<hbm>>) dst(%arg7 : memref<128x256xf32, #tpu.memory_space<vmem>>)
      tpu.yield
    }) : () -> ()
    %dma_start3A = arith.constant 0 : i32
    %dma_start3A_3 = arith.constant 0 : i32
    %dma_start3A_4 = tpu.memref_slice %arg4[%dma_start3A, %dma_start3A_3] : memref<47616x256xf32, #tpu.memory_space<hbm>> -> memref<47616x256xf32, #tpu.memory_space<hbm>>
    tpu.enqueue_indirect_dma source(%arg7 : memref<128x256xf32, #tpu.memory_space<vmem>>) target(%dma_start3A_4 : memref<47616x256xf32, #tpu.memory_space<hbm>>) offsets(%arg6 : memref<128xi32, #tpu.memory_space<vmem>>) semaphore(%arg8 : memref<!tpu.dma_semaphore, #tpu.memory_space<semaphore_mem>>)
    %dma_wait3A = arith.constant 0 : i32
    %dma_wait3A_5 = arith.constant 0 : i32
    %dma_wait3A_6 = tpu.memref_slice %arg4[%dma_wait3A, %dma_wait3A_5] : memref<47616x256xf32, #tpu.memory_space<hbm>> -> memref<47616x256xf32, #tpu.memory_space<hbm>>
    tpu.wait_indirect_dma semaphore(%arg8 : memref<!tpu.dma_semaphore, #tpu.memory_space<semaphore_mem>>) src(%arg7 : memref<128x256xf32, #tpu.memory_space<vmem>>) dst(%dma_wait3A_6 : memref<47616x256xf32, #tpu.memory_space<hbm>>)
    return
  }
}

#map = affine_map<(d0, d1) -> (0)>
#map1 = affine_map<(d0, d1) -> (0, 0)>
module attributes {stable_mosaic.version = 14 : i64} {
  func.func @new_body(%arg0: i32, %arg1: i32, %arg2: memref<4096xi32, #tpu.memory_space<hbm>>, %arg3: memref<47616x256xf32, #tpu.memory_space<hbm>>, %arg4: memref<4096x256xf32, #tpu.memory_space<hbm>>, %arg5: memref<47616x256xf32, #tpu.memory_space<hbm>>, %arg6: memref<128xi32, #tpu.memory_space<vmem>>, %arg7: memref<128x256xf32, #tpu.memory_space<vmem>>, %arg8: memref<!tpu.dma_semaphore, #tpu.memory_space<semaphore_mem>>) attributes {dimension_semantics = [#tpu.dimension_semantics<core_parallel>, #tpu.dimension_semantics<subcore_parallel>], iteration_bounds = array<i64: 2, 16>, scalar_prefetch = 0 : i64, scratch_operands = 3 : i64, tpu.core_type = #tpu.core_type<sc_vector_subcore>, window_params = [{transform_indices = #map}, {transform_indices = #map1}, {transform_indices = #map1}, {transform_indices = #map1}]} {
    %mul3A = arith.constant 2 : i32
    %mul3A_0 = arith.muli %arg1, %mul3A : i32
    %add3A = arith.addi %mul3A_0, %arg0 : i32
    %mul3A_1 = arith.constant 128 : i32
    %mul3A_2 = arith.muli %add3A, %mul3A_1 : i32
    "tpu.region"() ({
      %run_scoped3A = tpu.sem_alloc : memref<!tpu.dma_semaphore, #tpu.memory_space<semaphore_mem>>
      %dma_start3A_7 = tpu.memref_slice %arg2[%mul3A_2] : memref<4096xi32, #tpu.memory_space<hbm>> -> memref<128xi32, #tpu.memory_space<hbm>>
      %dma_start3A_8 = tpu.memref_slice %arg2[%mul3A_2] : memref<4096xi32, #tpu.memory_space<hbm>> -> memref<128xi32, #tpu.memory_space<hbm>>
      tpu.enqueue_dma source(%dma_start3A_8 : memref<128xi32, #tpu.memory_space<hbm>>) target(%arg6 : memref<128xi32, #tpu.memory_space<vmem>>) target_semaphore(%run_scoped3A : memref<!tpu.dma_semaphore, #tpu.memory_space<semaphore_mem>>)
      %dma_wait3A_9 = tpu.memref_slice %arg2[%mul3A_2] : memref<4096xi32, #tpu.memory_space<hbm>> -> memref<128xi32, #tpu.memory_space<hbm>>
      %dma_wait3A_10 = tpu.memref_slice %arg2[%mul3A_2] : memref<4096xi32, #tpu.memory_space<hbm>> -> memref<128xi32, #tpu.memory_space<hbm>>
      tpu.wait_dma2 semaphore(%run_scoped3A : memref<!tpu.dma_semaphore, #tpu.memory_space<semaphore_mem>>) src(%dma_wait3A_10 : memref<128xi32, #tpu.memory_space<hbm>>) dst(%arg6 : memref<128xi32, #tpu.memory_space<vmem>>)
      tpu.yield
    }) : () -> ()
    %dma_start3A = arith.constant 0 : i32
    %dma_start3A_3 = arith.constant 0 : i32
    %dma_start3A_4 = tpu.memref_slice %arg3[%dma_start3A, %dma_start3A_3] : memref<47616x256xf32, #tpu.memory_space<hbm>> -> memref<47616x256xf32, #tpu.memory_space<hbm>>
    tpu.enqueue_indirect_dma source(%dma_start3A_4 : memref<47616x256xf32, #tpu.memory_space<hbm>>) target(%arg7 : memref<128x256xf32, #tpu.memory_space<vmem>>) offsets(%arg6 : memref<128xi32, #tpu.memory_space<vmem>>) semaphore(%arg8 : memref<!tpu.dma_semaphore, #tpu.memory_space<semaphore_mem>>)
    %dma_wait3A = arith.constant 0 : i32
    %dma_wait3A_5 = arith.constant 0 : i32
    %dma_wait3A_6 = tpu.memref_slice %arg3[%dma_wait3A, %dma_wait3A_5] : memref<47616x256xf32, #tpu.memory_space<hbm>> -> memref<47616x256xf32, #tpu.memory_space<hbm>>
    tpu.wait_indirect_dma semaphore(%arg8 : memref<!tpu.dma_semaphore, #tpu.memory_space<semaphore_mem>>) src(%dma_wait3A_6 : memref<47616x256xf32, #tpu.memory_space<hbm>>) dst(%arg7 : memref<128x256xf32, #tpu.memory_space<vmem>>)
    "tpu.region"() ({
      %run_scoped3A = tpu.sem_alloc : memref<!tpu.dma_semaphore, #tpu.memory_space<semaphore_mem>>
      %dma_start3A_7 = arith.constant 0 : i32
      %dma_start3A_8 = tpu.memref_slice %arg4[%mul3A_2, %dma_start3A_7] : memref<4096x256xf32, #tpu.memory_space<hbm>> -> memref<128x256xf32, #tpu.memory_space<hbm>>
      %dma_start3A_9 = arith.constant 0 : i32
      %dma_start3A_10 = tpu.memref_slice %arg4[%mul3A_2, %dma_start3A_9] : memref<4096x256xf32, #tpu.memory_space<hbm>> -> memref<128x256xf32, #tpu.memory_space<hbm>>
      tpu.enqueue_dma source(%arg7 : memref<128x256xf32, #tpu.memory_space<vmem>>) target(%dma_start3A_10 : memref<128x256xf32, #tpu.memory_space<hbm>>) target_semaphore(%run_scoped3A : memref<!tpu.dma_semaphore, #tpu.memory_space<semaphore_mem>>)
      %dma_wait3A_11 = arith.constant 0 : i32
      %dma_wait3A_12 = tpu.memref_slice %arg4[%mul3A_2, %dma_wait3A_11] : memref<4096x256xf32, #tpu.memory_space<hbm>> -> memref<128x256xf32, #tpu.memory_space<hbm>>
      %dma_wait3A_13 = arith.constant 0 : i32
      %dma_wait3A_14 = tpu.memref_slice %arg4[%mul3A_2, %dma_wait3A_13] : memref<4096x256xf32, #tpu.memory_space<hbm>> -> memref<128x256xf32, #tpu.memory_space<hbm>>
      tpu.wait_dma2 semaphore(%run_scoped3A : memref<!tpu.dma_semaphore, #tpu.memory_space<semaphore_mem>>) src(%arg7 : memref<128x256xf32, #tpu.memory_space<vmem>>) dst(%dma_wait3A_14 : memref<128x256xf32, #tpu.memory_space<hbm>>)
      tpu.yield
    }) : () -> ()
    return
  }
}

#map = affine_map<(d0, d1) -> (0)>
#map1 = affine_map<(d0, d1) -> (0, 0)>
module attributes {stable_mosaic.version = 14 : i64} {
  func.func @new_body(%arg0: i32, %arg1: i32, %arg2: memref<4096xi32, #tpu.memory_space<hbm>>, %arg3: memref<47616x256xf32, #tpu.memory_space<hbm>>, %arg4: memref<4096x256xf32, #tpu.memory_space<hbm>>, %arg5: memref<47616x256xf32, #tpu.memory_space<hbm>>, %arg6: memref<128xi32, #tpu.memory_space<vmem>>, %arg7: memref<128x256xf32, #tpu.memory_space<vmem>>, %arg8: memref<!tpu.dma_semaphore, #tpu.memory_space<semaphore_mem>>) attributes {dimension_semantics = [#tpu.dimension_semantics<core_parallel>, #tpu.dimension_semantics<subcore_parallel>], iteration_bounds = array<i64: 2, 16>, scalar_prefetch = 0 : i64, scratch_operands = 3 : i64, tpu.core_type = #tpu.core_type<sc_vector_subcore>, window_params = [{transform_indices = #map}, {transform_indices = #map1}, {transform_indices = #map1}, {transform_indices = #map1}]} {
    %mul3A = arith.constant 2 : i32
    %mul3A_0 = arith.muli %arg1, %mul3A : i32
    %add3A = arith.addi %mul3A_0, %arg0 : i32
    %mul3A_1 = arith.constant 128 : i32
    %mul3A_2 = arith.muli %add3A, %mul3A_1 : i32
    "tpu.region"() ({
      %run_scoped3A = tpu.sem_alloc : memref<!tpu.dma_semaphore, #tpu.memory_space<semaphore_mem>>
      %dma_start3A_7 = tpu.memref_slice %arg2[%mul3A_2] : memref<4096xi32, #tpu.memory_space<hbm>> -> memref<128xi32, #tpu.memory_space<hbm>>
      %dma_start3A_8 = tpu.memref_slice %arg2[%mul3A_2] : memref<4096xi32, #tpu.memory_space<hbm>> -> memref<128xi32, #tpu.memory_space<hbm>>
      tpu.enqueue_dma source(%dma_start3A_8 : memref<128xi32, #tpu.memory_space<hbm>>) target(%arg6 : memref<128xi32, #tpu.memory_space<vmem>>) target_semaphore(%run_scoped3A : memref<!tpu.dma_semaphore, #tpu.memory_space<semaphore_mem>>)
      %dma_wait3A_9 = tpu.memref_slice %arg2[%mul3A_2] : memref<4096xi32, #tpu.memory_space<hbm>> -> memref<128xi32, #tpu.memory_space<hbm>>
      %dma_wait3A_10 = tpu.memref_slice %arg2[%mul3A_2] : memref<4096xi32, #tpu.memory_space<hbm>> -> memref<128xi32, #tpu.memory_space<hbm>>
      tpu.wait_dma2 semaphore(%run_scoped3A : memref<!tpu.dma_semaphore, #tpu.memory_space<semaphore_mem>>) src(%dma_wait3A_10 : memref<128xi32, #tpu.memory_space<hbm>>) dst(%arg6 : memref<128xi32, #tpu.memory_space<vmem>>)
      tpu.yield
    }) : () -> ()
    %dma_start3A = arith.constant 0 : i32
    %dma_start3A_3 = arith.constant 0 : i32
    %dma_start3A_4 = tpu.memref_slice %arg3[%dma_start3A, %dma_start3A_3] : memref<47616x256xf32, #tpu.memory_space<hbm>> -> memref<47616x256xf32, #tpu.memory_space<hbm>>
    tpu.enqueue_indirect_dma source(%dma_start3A_4 : memref<47616x256xf32, #tpu.memory_space<hbm>>) target(%arg7 : memref<128x256xf32, #tpu.memory_space<vmem>>) offsets(%arg6 : memref<128xi32, #tpu.memory_space<vmem>>) semaphore(%arg8 : memref<!tpu.dma_semaphore, #tpu.memory_space<semaphore_mem>>)
    %dma_wait3A = arith.constant 0 : i32
    %dma_wait3A_5 = arith.constant 0 : i32
    %dma_wait3A_6 = tpu.memref_slice %arg3[%dma_wait3A, %dma_wait3A_5] : memref<47616x256xf32, #tpu.memory_space<hbm>> -> memref<47616x256xf32, #tpu.memory_space<hbm>>
    tpu.wait_indirect_dma semaphore(%arg8 : memref<!tpu.dma_semaphore, #tpu.memory_space<semaphore_mem>>) src(%dma_wait3A_6 : memref<47616x256xf32, #tpu.memory_space<hbm>>) dst(%arg7 : memref<128x256xf32, #tpu.memory_space<vmem>>)
    "tpu.region"() ({
      %run_scoped3A = tpu.sem_alloc : memref<!tpu.dma_semaphore, #tpu.memory_space<semaphore_mem>>
      %dma_start3A_7 = arith.constant 0 : i32
      %dma_start3A_8 = tpu.memref_slice %arg4[%mul3A_2, %dma_start3A_7] : memref<4096x256xf32, #tpu.memory_space<hbm>> -> memref<128x256xf32, #tpu.memory_space<hbm>>
      %dma_start3A_9 = arith.constant 0 : i32
      %dma_start3A_10 = tpu.memref_slice %arg4[%mul3A_2, %dma_start3A_9] : memref<4096x256xf32, #tpu.memory_space<hbm>> -> memref<128x256xf32, #tpu.memory_space<hbm>>
      tpu.enqueue_dma source(%arg7 : memref<128x256xf32, #tpu.memory_space<vmem>>) target(%dma_start3A_10 : memref<128x256xf32, #tpu.memory_space<hbm>>) target_semaphore(%run_scoped3A : memref<!tpu.dma_semaphore, #tpu.memory_space<semaphore_mem>>)
      %dma_wait3A_11 = arith.constant 0 : i32
      %dma_wait3A_12 = tpu.memref_slice %arg4[%mul3A_2, %dma_wait3A_11] : memref<4096x256xf32, #tpu.memory_space<hbm>> -> memref<128x256xf32, #tpu.memory_space<hbm>>
      %dma_wait3A_13 = arith.constant 0 : i32
      %dma_wait3A_14 = tpu.memref_slice %arg4[%mul3A_2, %dma_wait3A_13] : memref<4096x256xf32, #tpu.memory_space<hbm>> -> memref<128x256xf32, #tpu.memory_space<hbm>>
      tpu.wait_dma2 semaphore(%run_scoped3A : memref<!tpu.dma_semaphore, #tpu.memory_space<semaphore_mem>>) src(%arg7 : memref<128x256xf32, #tpu.memory_space<vmem>>) dst(%dma_wait3A_14 : memref<128x256xf32, #tpu.memory_space<hbm>>)
      tpu.yield
    }) : () -> ()
    return
  }
}

#map = affine_map<(d0, d1) -> (0, 0)>
#map1 = affine_map<(d0, d1) -> (0)>
module attributes {stable_mosaic.version = 14 : i64} {
  func.func @new_body(%arg0: i32, %arg1: i32, %arg2: memref<4096x256xf32, #tpu.memory_space<hbm>>, %arg3: memref<4096xi32, #tpu.memory_space<hbm>>, %arg4: memref<47616x256xf32, #tpu.memory_space<hbm>>, %arg5: memref<47616x256xf32, #tpu.memory_space<hbm>>, %arg6: memref<128xi32, #tpu.memory_space<vmem>>, %arg7: memref<128x256xf32, #tpu.memory_space<vmem>>, %arg8: memref<!tpu.dma_semaphore, #tpu.memory_space<semaphore_mem>>) attributes {dimension_semantics = [#tpu.dimension_semantics<core_parallel>, #tpu.dimension_semantics<subcore_parallel>], iteration_bounds = array<i64: 2, 16>, scalar_prefetch = 0 : i64, scratch_operands = 3 : i64, tpu.core_type = #tpu.core_type<sc_vector_subcore>, window_params = [{transform_indices = #map}, {transform_indices = #map1}, {transform_indices = #map}, {transform_indices = #map}]} {
    %mul3A = arith.constant 2 : i32
    %mul3A_0 = arith.muli %arg1, %mul3A : i32
    %add3A = arith.addi %mul3A_0, %arg0 : i32
    %mul3A_1 = arith.constant 128 : i32
    %mul3A_2 = arith.muli %add3A, %mul3A_1 : i32
    "tpu.region"() ({
      %run_scoped3A = tpu.sem_alloc : memref<!tpu.dma_semaphore, #tpu.memory_space<semaphore_mem>>
      %dma_start3A_7 = tpu.memref_slice %arg3[%mul3A_2] : memref<4096xi32, #tpu.memory_space<hbm>> -> memref<128xi32, #tpu.memory_space<hbm>>
      %dma_start3A_8 = tpu.memref_slice %arg3[%mul3A_2] : memref<4096xi32, #tpu.memory_space<hbm>> -> memref<128xi32, #tpu.memory_space<hbm>>
      tpu.enqueue_dma source(%dma_start3A_8 : memref<128xi32, #tpu.memory_space<hbm>>) target(%arg6 : memref<128xi32, #tpu.memory_space<vmem>>) target_semaphore(%run_scoped3A : memref<!tpu.dma_semaphore, #tpu.memory_space<semaphore_mem>>)
      %dma_wait3A_9 = tpu.memref_slice %arg3[%mul3A_2] : memref<4096xi32, #tpu.memory_space<hbm>> -> memref<128xi32, #tpu.memory_space<hbm>>
      %dma_wait3A_10 = tpu.memref_slice %arg3[%mul3A_2] : memref<4096xi32, #tpu.memory_space<hbm>> -> memref<128xi32, #tpu.memory_space<hbm>>
      tpu.wait_dma2 semaphore(%run_scoped3A : memref<!tpu.dma_semaphore, #tpu.memory_space<semaphore_mem>>) src(%dma_wait3A_10 : memref<128xi32, #tpu.memory_space<hbm>>) dst(%arg6 : memref<128xi32, #tpu.memory_space<vmem>>)
      tpu.yield
    }) : () -> ()
    "tpu.region"() ({
      %run_scoped3A = tpu.sem_alloc : memref<!tpu.dma_semaphore, #tpu.memory_space<semaphore_mem>>
      %dma_start3A_7 = arith.constant 0 : i32
      %dma_start3A_8 = tpu.memref_slice %arg2[%mul3A_2, %dma_start3A_7] : memref<4096x256xf32, #tpu.memory_space<hbm>> -> memref<128x256xf32, #tpu.memory_space<hbm>>
      %dma_start3A_9 = arith.constant 0 : i32
      %dma_start3A_10 = tpu.memref_slice %arg2[%mul3A_2, %dma_start3A_9] : memref<4096x256xf32, #tpu.memory_space<hbm>> -> memref<128x256xf32, #tpu.memory_space<hbm>>
      tpu.enqueue_dma source(%dma_start3A_10 : memref<128x256xf32, #tpu.memory_space<hbm>>) target(%arg7 : memref<128x256xf32, #tpu.memory_space<vmem>>) target_semaphore(%run_scoped3A : memref<!tpu.dma_semaphore, #tpu.memory_space<semaphore_mem>>)
      %dma_wait3A_11 = arith.constant 0 : i32
      %dma_wait3A_12 = tpu.memref_slice %arg2[%mul3A_2, %dma_wait3A_11] : memref<4096x256xf32, #tpu.memory_space<hbm>> -> memref<128x256xf32, #tpu.memory_space<hbm>>
      %dma_wait3A_13 = arith.constant 0 : i32
      %dma_wait3A_14 = tpu.memref_slice %arg2[%mul3A_2, %dma_wait3A_13] : memref<4096x256xf32, #tpu.memory_space<hbm>> -> memref<128x256xf32, #tpu.memory_space<hbm>>
      tpu.wait_dma2 semaphore(%run_scoped3A : memref<!tpu.dma_semaphore, #tpu.memory_space<semaphore_mem>>) src(%dma_wait3A_14 : memref<128x256xf32, #tpu.memory_space<hbm>>) dst(%arg7 : memref<128x256xf32, #tpu.memory_space<vmem>>)
      tpu.yield
    }) : () -> ()
    %dma_start3A = arith.constant 0 : i32
    %dma_start3A_3 = arith.constant 0 : i32
    %dma_start3A_4 = tpu.memref_slice %arg4[%dma_start3A, %dma_start3A_3] : memref<47616x256xf32, #tpu.memory_space<hbm>> -> memref<47616x256xf32, #tpu.memory_space<hbm>>
    tpu.enqueue_indirect_dma source(%arg7 : memref<128x256xf32, #tpu.memory_space<vmem>>) target(%dma_start3A_4 : memref<47616x256xf32, #tpu.memory_space<hbm>>) offsets(%arg6 : memref<128xi32, #tpu.memory_space<vmem>>) semaphore(%arg8 : memref<!tpu.dma_semaphore, #tpu.memory_space<semaphore_mem>>)
    %dma_wait3A = arith.constant 0 : i32
    %dma_wait3A_5 = arith.constant 0 : i32
    %dma_wait3A_6 = tpu.memref_slice %arg4[%dma_wait3A, %dma_wait3A_5] : memref<47616x256xf32, #tpu.memory_space<hbm>> -> memref<47616x256xf32, #tpu.memory_space<hbm>>
    tpu.wait_indirect_dma semaphore(%arg8 : memref<!tpu.dma_semaphore, #tpu.memory_space<semaphore_mem>>) src(%arg7 : memref<128x256xf32, #tpu.memory_space<vmem>>) dst(%dma_wait3A_6 : memref<47616x256xf32, #tpu.memory_space<hbm>>)
    return
  }
}

#map = affine_map<(d0, d1) -> (0, 0)>
#map1 = affine_map<(d0, d1) -> (0)>
module attributes {stable_mosaic.version = 14 : i64} {
  func.func @new_body(%arg0: i32, %arg1: i32, %arg2: memref<4096x256xf32, #tpu.memory_space<hbm>>, %arg3: memref<4096xi32, #tpu.memory_space<hbm>>, %arg4: memref<47616x256xf32, #tpu.memory_space<hbm>>, %arg5: memref<47616x256xf32, #tpu.memory_space<hbm>>, %arg6: memref<128xi32, #tpu.memory_space<vmem>>, %arg7: memref<128x256xf32, #tpu.memory_space<vmem>>, %arg8: memref<!tpu.dma_semaphore, #tpu.memory_space<semaphore_mem>>) attributes {dimension_semantics = [#tpu.dimension_semantics<core_parallel>, #tpu.dimension_semantics<subcore_parallel>], iteration_bounds = array<i64: 2, 16>, scalar_prefetch = 0 : i64, scratch_operands = 3 : i64, tpu.core_type = #tpu.core_type<sc_vector_subcore>, window_params = [{transform_indices = #map}, {transform_indices = #map1}, {transform_indices = #map}, {transform_indices = #map}]} {
    %mul3A = arith.constant 2 : i32
    %mul3A_0 = arith.muli %arg1, %mul3A : i32
    %add3A = arith.addi %mul3A_0, %arg0 : i32
    %mul3A_1 = arith.constant 128 : i32
    %mul3A_2 = arith.muli %add3A, %mul3A_1 : i32
    "tpu.region"() ({
      %run_scoped3A = tpu.sem_alloc : memref<!tpu.dma_semaphore, #tpu.memory_space<semaphore_mem>>
      %dma_start3A_7 = tpu.memref_slice %arg3[%mul3A_2] : memref<4096xi32, #tpu.memory_space<hbm>> -> memref<128xi32, #tpu.memory_space<hbm>>
      %dma_start3A_8 = tpu.memref_slice %arg3[%mul3A_2] : memref<4096xi32, #tpu.memory_space<hbm>> -> memref<128xi32, #tpu.memory_space<hbm>>
      tpu.enqueue_dma source(%dma_start3A_8 : memref<128xi32, #tpu.memory_space<hbm>>) target(%arg6 : memref<128xi32, #tpu.memory_space<vmem>>) target_semaphore(%run_scoped3A : memref<!tpu.dma_semaphore, #tpu.memory_space<semaphore_mem>>)
      %dma_wait3A_9 = tpu.memref_slice %arg3[%mul3A_2] : memref<4096xi32, #tpu.memory_space<hbm>> -> memref<128xi32, #tpu.memory_space<hbm>>
      %dma_wait3A_10 = tpu.memref_slice %arg3[%mul3A_2] : memref<4096xi32, #tpu.memory_space<hbm>> -> memref<128xi32, #tpu.memory_space<hbm>>
      tpu.wait_dma2 semaphore(%run_scoped3A : memref<!tpu.dma_semaphore, #tpu.memory_space<semaphore_mem>>) src(%dma_wait3A_10 : memref<128xi32, #tpu.memory_space<hbm>>) dst(%arg6 : memref<128xi32, #tpu.memory_space<vmem>>)
      tpu.yield
    }) : () -> ()
    "tpu.region"() ({
      %run_scoped3A = tpu.sem_alloc : memref<!tpu.dma_semaphore, #tpu.memory_space<semaphore_mem>>
      %dma_start3A_7 = arith.constant 0 : i32
      %dma_start3A_8 = tpu.memref_slice %arg2[%mul3A_2, %dma_start3A_7] : memref<4096x256xf32, #tpu.memory_space<hbm>> -> memref<128x256xf32, #tpu.memory_space<hbm>>
      %dma_start3A_9 = arith.constant 0 : i32
      %dma_start3A_10 = tpu.memref_slice %arg2[%mul3A_2, %dma_start3A_9] : memref<4096x256xf32, #tpu.memory_space<hbm>> -> memref<128x256xf32, #tpu.memory_space<hbm>>
      tpu.enqueue_dma source(%dma_start3A_10 : memref<128x256xf32, #tpu.memory_space<hbm>>) target(%arg7 : memref<128x256xf32, #tpu.memory_space<vmem>>) target_semaphore(%run_scoped3A : memref<!tpu.dma_semaphore, #tpu.memory_space<semaphore_mem>>)
      %dma_wait3A_11 = arith.constant 0 : i32
      %dma_wait3A_12 = tpu.memref_slice %arg2[%mul3A_2, %dma_wait3A_11] : memref<4096x256xf32, #tpu.memory_space<hbm>> -> memref<128x256xf32, #tpu.memory_space<hbm>>
      %dma_wait3A_13 = arith.constant 0 : i32
      %dma_wait3A_14 = tpu.memref_slice %arg2[%mul3A_2, %dma_wait3A_13] : memref<4096x256xf32, #tpu.memory_space<hbm>> -> memref<128x256xf32, #tpu.memory_space<hbm>>
      tpu.wait_dma2 semaphore(%run_scoped3A : memref<!tpu.dma_semaphore, #tpu.memory_space<semaphore_mem>>) src(%dma_wait3A_14 : memref<128x256xf32, #tpu.memory_space<hbm>>) dst(%arg7 : memref<128x256xf32, #tpu.memory_space<vmem>>)
      tpu.yield
    }) : () -> ()
    %dma_start3A = arith.constant 0 : i32
    %dma_start3A_3 = arith.constant 0 : i32
    %dma_start3A_4 = tpu.memref_slice %arg4[%dma_start3A, %dma_start3A_3] : memref<47616x256xf32, #tpu.memory_space<hbm>> -> memref<47616x256xf32, #tpu.memory_space<hbm>>
    tpu.enqueue_indirect_dma source(%arg7 : memref<128x256xf32, #tpu.memory_space<vmem>>) target(%dma_start3A_4 : memref<47616x256xf32, #tpu.memory_space<hbm>>) offsets(%arg6 : memref<128xi32, #tpu.memory_space<vmem>>) semaphore(%arg8 : memref<!tpu.dma_semaphore, #tpu.memory_space<semaphore_mem>>)
    %dma_wait3A = arith.constant 0 : i32
    %dma_wait3A_5 = arith.constant 0 : i32
    %dma_wait3A_6 = tpu.memref_slice %arg4[%dma_wait3A, %dma_wait3A_5] : memref<47616x256xf32, #tpu.memory_space<hbm>> -> memref<47616x256xf32, #tpu.memory_space<hbm>>
    tpu.wait_indirect_dma semaphore(%arg8 : memref<!tpu.dma_semaphore, #tpu.memory_space<semaphore_mem>>) src(%arg7 : memref<128x256xf32, #tpu.memory_space<vmem>>) dst(%dma_wait3A_6 : memref<47616x256xf32, #tpu.memory_space<hbm>>)
    return
  }
}

module attributes {stable_mosaic.version = 14 : i64} {
  func.func @_init_body(%arg0: i32, %arg1: memref<2720x256xf32, #tpu.memory_space<vmem>>, %arg2: memref<2720x8xf32, #tpu.memory_space<vmem>>, %arg3: memref<2720x1xf32, #tpu.memory_space<vmem>>, %arg4: memref<2720x2xf32, #tpu.memory_space<vmem>>, %arg5: memref<2720x256xf32, #tpu.memory_space<vmem>>, %arg6: memref<2720x128xf32, #tpu.memory_space<vmem>>) attributes {dimension_semantics = [#tpu.dimension_semantics<arbitrary>], iteration_bounds = array<i64: 16>, scalar_prefetch = 0 : i64, scratch_operands = 0 : i64, tpu.core_type = #tpu.core_type<tc>, window_params = [{transform_indices = @transform_0, window_bounds = array<i64: 2720, 256>}, {transform_indices = @transform_1, window_bounds = array<i64: 2720, 8>}, {transform_indices = @transform_2, window_bounds = array<i64: 2720, 1>}, {transform_indices = @transform_3, window_bounds = array<i64: 2720, 2>}, {transform_indices = @transform_4, window_bounds = array<i64: 2720, 256>}, {transform_indices = @transform_5, window_bounds = array<i64: 2720, 128>}]} {
    %get3A = arith.constant 0 : index
    %get3A_0 = arith.constant 0 : index
    %get3A_1 = vector.load %arg1[%get3A, %get3A_0] : memref<2720x256xf32, #tpu.memory_space<vmem>>, vector<2720x256xf32>
    %swap3A = arith.constant 0 : index
    %swap3A_2 = arith.constant 0 : index
    %swap3A_3 = vector.load %arg5[%swap3A, %swap3A_2] : memref<2720x256xf32, #tpu.memory_space<vmem>>, vector<2720x256xf32>
    tpu.vector_store %arg5[%swap3A, %swap3A_2], %get3A_1 {strides = array<i32>} : memref<2720x256xf32, #tpu.memory_space<vmem>>, vector<2720x256xf32>,
    %get3A_4 = arith.constant 0 : index
    %get3A_5 = arith.constant 0 : index
    %get3A_6 = vector.load %arg2[%get3A_4, %get3A_5] : memref<2720x8xf32, #tpu.memory_space<vmem>>, vector<2720x8xf32>
    %reduce_max3A = arith.constant dense<0xFF800000> : vector<2720xf32>
    %reduce_max3A_7 = vector.multi_reduction <maximumf>, %get3A_6, %reduce_max3A [1] : vector<2720x8xf32> to vector<2720xf32>
    %broadcast_in_dim3A = vector.shape_cast %reduce_max3A_7 : vector<2720xf32> to vector<2720x1xf32>
    %logistic3A = arith.negf %broadcast_in_dim3A : vector<2720x1xf32>
    %logistic3A_8 = math.exp %logistic3A : vector<2720x1xf32>
    %logistic3A_9 = arith.constant 1.000000e+00 : f32
    %logistic3A_10 = vector.broadcast %logistic3A_9 : f32 to vector<2720x1xf32>
    %logistic3A_11 = arith.addf %logistic3A_10, %logistic3A_8 : vector<2720x1xf32>
    %logistic3A_12 = arith.divf %logistic3A_10, %logistic3A_11 : vector<2720x1xf32>
    %get3A_13 = arith.constant 0 : index
    %get3A_14 = arith.constant 0 : index
    %get3A_15 = vector.load %arg3[%get3A_13, %get3A_14] : memref<2720x1xf32, #tpu.memory_space<vmem>>, vector<2720x1xf32>
    %mul3A = arith.mulf %logistic3A_12, %get3A_15 : vector<2720x1xf32>
    %get3A_16 = arith.constant 0 : index
    %get3A_17 = arith.constant 0 : index
    %get3A_18 = vector.load %arg4[%get3A_16, %get3A_17] : memref<2720x2xf32, #tpu.memory_space<vmem>>, vector<2720x2xf32>
    %concatenate3A = tpu.concatenate %get3A_18, %mul3A, %mul3A in 1 : vector<2720x2xf32>, vector<2720x1xf32>, vector<2720x1xf32> -> vector<2720x4xf32>
    %swap3A_19 = arith.constant 0 : index
    %swap3A_20 = arith.constant 0 : index
    %swap3A_21 = vector.load %arg6[%swap3A_19, %swap3A_20] : memref<2720x128xf32, #tpu.memory_space<vmem>>, vector<2720x4xf32>
    tpu.vector_store %arg6[%swap3A_19, %swap3A_20], %concatenate3A {strides = array<i32>} : memref<2720x128xf32, #tpu.memory_space<vmem>>, vector<2720x4xf32>,
    return
  }
  func.func @transform_0(%arg0: i32) -> (i32, i32) {
    %c0_i32 = arith.constant 0 : i32
    %c0_i32_0 = arith.constant 0 : i32
    return %arg0, %c0_i32 : i32, i32
  }
  func.func @transform_1(%arg0: i32) -> (i32, i32) {
    %c0_i32 = arith.constant 0 : i32
    %c0_i32_0 = arith.constant 0 : i32
    return %arg0, %c0_i32 : i32, i32
  }
  func.func @transform_2(%arg0: i32) -> (i32, i32) {
    %c0_i32 = arith.constant 0 : i32
    %c0_i32_0 = arith.constant 0 : i32
    return %arg0, %c0_i32 : i32, i32
  }
  func.func @transform_3(%arg0: i32) -> (i32, i32) {
    %c0_i32 = arith.constant 0 : i32
    %c0_i32_0 = arith.constant 0 : i32
    return %arg0, %c0_i32 : i32, i32
  }
  func.func @transform_4(%arg0: i32) -> (i32, i32) {
    %c0_i32 = arith.constant 0 : i32
    %c0_i32_0 = arith.constant 0 : i32
    return %arg0, %c0_i32 : i32, i32
  }
  func.func @transform_5(%arg0: i32) -> (i32, i32) {
    %c0_i32 = arith.constant 0 : i32
    %c0_i32_0 = arith.constant 0 : i32
    return %arg0, %c0_i32 : i32, i32
  }
}

module attributes {stable_mosaic.version = 14 : i64} {
  func.func @_winner_body(%arg0: i32, %arg1: i32, %arg2: memref<1x1x1x2048xi32, #tpu.memory_space<vmem>>, %arg3: memref<2xi32, #tpu.memory_space<smem>>, %arg4: memref<1x1x1x2048xi32, #tpu.memory_space<vmem>>) attributes {dimension_semantics = [#tpu.dimension_semantics<arbitrary>, #tpu.dimension_semantics<arbitrary>], iteration_bounds = array<i64: 6, 2>, scalar_prefetch = 0 : i64, scratch_operands = 0 : i64, tpu.core_type = #tpu.core_type<tc>, window_params = [{transform_indices = @transform_0, window_bounds = array<i64: 1, 1, 1, 2048>}, {transform_indices = @transform_1, window_bounds = array<i64: 2>}, {transform_indices = @transform_2, window_bounds = array<i64: 1, 1, 1, 2048>}]} {
    %get3A = arith.constant 0 : index
    %get3A_0 = arith.constant 0 : index
    %get3A_1 = arith.constant 0 : index
    %get3A_2 = arith.constant 0 : index
    %get3A_3 = vector.load %arg2[%get3A, %get3A_0, %get3A_1, %get3A_2] : memref<1x1x1x2048xi32, #tpu.memory_space<vmem>>, vector<1x1x1x2048xi32>
    %get3A_4 = vector.shape_cast %get3A_3 : vector<1x1x1x2048xi32> to vector<2048xi32>
    %reshape3A = vector.shape_cast %get3A_4 : vector<2048xi32> to vector<2048x1xi32>
    %iota3A = tpu.iota {dimensions = array<i32: 1>} : vector<2048x128xi32>
    %broadcast_in_dim3A = arith.constant -1 : i32
    %broadcast_in_dim3A_5 = vector.broadcast %broadcast_in_dim3A : i32 to vector<2048x128xi32>
    %slice3A = vector.extract_strided_slice %get3A_4 {offsets = [0], sizes = [128], strides = [1]} : vector<2048xi32> to vector<128xi32>
    %reshape3A_6 = vector.shape_cast %slice3A : vector<128xi32> to vector<1x128xi32>
    %eq3A = vector.broadcast %reshape3A : vector<2048x1xi32> to vector<2048x128xi32>
    %eq3A_7 = vector.broadcast %reshape3A_6 : vector<1x128xi32> to vector<2048x128xi32>
    %eq3A_8 = arith.cmpi eq, %eq3A, %eq3A_7 : vector<2048x128xi32>
    %add3A = arith.constant 0 : i32
    %add3A_9 = vector.broadcast %add3A : i32 to vector<2048x128xi32>
    %add3A_10 = arith.addi %iota3A, %add3A_9 : vector<2048x128xi32>
    %jit3A = arith.constant -1 : i32
    %broadcast_in_dim3A_11 = vector.broadcast %jit3A : i32 to vector<2048x128xi32>
    %select_n3A = arith.select %eq3A_8, %add3A_10, %broadcast_in_dim3A_11 : vector<2048x128xi1>, vector<2048x128xi32>
    %max3A = arith.maxsi %broadcast_in_dim3A_5, %select_n3A : vector<2048x128xi32>
    %slice3A_12 = vector.extract_strided_slice %get3A_4 {offsets = [128], sizes = [128], strides = [1]} : vector<2048xi32> to vector<128xi32>
    %reshape3A_13 = vector.shape_cast %slice3A_12 : vector<128xi32> to vector<1x128xi32>
    %eq3A_14 = vector.broadcast %reshape3A : vector<2048x1xi32> to vector<2048x128xi32>
    %eq3A_15 = vector.broadcast %reshape3A_13 : vector<1x128xi32> to vector<2048x128xi32>
    %eq3A_16 = arith.cmpi eq, %eq3A_14, %eq3A_15 : vector<2048x128xi32>
    %add3A_17 = arith.constant 128 : i32
    %add3A_18 = vector.broadcast %add3A_17 : i32 to vector<2048x128xi32>
    %add3A_19 = arith.addi %iota3A, %add3A_18 : vector<2048x128xi32>
    %jit3A_20 = arith.constant -1 : i32
    %broadcast_in_dim3A_21 = vector.broadcast %jit3A_20 : i32 to vector<2048x128xi32>
    %select_n3A_22 = arith.select %eq3A_16, %add3A_19, %broadcast_in_dim3A_21 : vector<2048x128xi1>, vector<2048x128xi32>
    %max3A_23 = arith.maxsi %max3A, %select_n3A_22 : vector<2048x128xi32>
    %slice3A_24 = vector.extract_strided_slice %get3A_4 {offsets = [256], sizes = [128], strides = [1]} : vector<2048xi32> to vector<128xi32>
    %reshape3A_25 = vector.shape_cast %slice3A_24 : vector<128xi32> to vector<1x128xi32>
    %eq3A_26 = vector.broadcast %reshape3A : vector<2048x1xi32> to vector<2048x128xi32>
    %eq3A_27 = vector.broadcast %reshape3A_25 : vector<1x128xi32> to vector<2048x128xi32>
    %eq3A_28 = arith.cmpi eq, %eq3A_26, %eq3A_27 : vector<2048x128xi32>
    %add3A_29 = arith.constant 256 : i32
    %add3A_30 = vector.broadcast %add3A_29 : i32 to vector<2048x128xi32>
    %add3A_31 = arith.addi %iota3A, %add3A_30 : vector<2048x128xi32>
    %jit3A_32 = arith.constant -1 : i32
    %broadcast_in_dim3A_33 = vector.broadcast %jit3A_32 : i32 to vector<2048x128xi32>
    %select_n3A_34 = arith.select %eq3A_28, %add3A_31, %broadcast_in_dim3A_33 : vector<2048x128xi1>, vector<2048x128xi32>
    %max3A_35 = arith.maxsi %max3A_23, %select_n3A_34 : vector<2048x128xi32>
    %slice3A_36 = vector.extract_strided_slice %get3A_4 {offsets = [384], sizes = [128], strides = [1]} : vector<2048xi32> to vector<128xi32>
    %reshape3A_37 = vector.shape_cast %slice3A_36 : vector<128xi32> to vector<1x128xi32>
    %eq3A_38 = vector.broadcast %reshape3A : vector<2048x1xi32> to vector<2048x128xi32>
    %eq3A_39 = vector.broadcast %reshape3A_37 : vector<1x128xi32> to vector<2048x128xi32>
    %eq3A_40 = arith.cmpi eq, %eq3A_38, %eq3A_39 : vector<2048x128xi32>
    %add3A_41 = arith.constant 384 : i32
    %add3A_42 = vector.broadcast %add3A_41 : i32 to vector<2048x128xi32>
    %add3A_43 = arith.addi %iota3A, %add3A_42 : vector<2048x128xi32>
    %jit3A_44 = arith.constant -1 : i32
    %broadcast_in_dim3A_45 = vector.broadcast %jit3A_44 : i32 to vector<2048x128xi32>
    %select_n3A_46 = arith.select %eq3A_40, %add3A_43, %broadcast_in_dim3A_45 : vector<2048x128xi1>, vector<2048x128xi32>
    %max3A_47 = arith.maxsi %max3A_35, %select_n3A_46 : vector<2048x128xi32>
    %slice3A_48 = vector.extract_strided_slice %get3A_4 {offsets = [512], sizes = [128], strides = [1]} : vector<2048xi32> to vector<128xi32>
    %reshape3A_49 = vector.shape_cast %slice3A_48 : vector<128xi32> to vector<1x128xi32>
    %eq3A_50 = vector.broadcast %reshape3A : vector<2048x1xi32> to vector<2048x128xi32>
    %eq3A_51 = vector.broadcast %reshape3A_49 : vector<1x128xi32> to vector<2048x128xi32>
    %eq3A_52 = arith.cmpi eq, %eq3A_50, %eq3A_51 : vector<2048x128xi32>
    %add3A_53 = arith.constant 512 : i32
    %add3A_54 = vector.broadcast %add3A_53 : i32 to vector<2048x128xi32>
    %add3A_55 = arith.addi %iota3A, %add3A_54 : vector<2048x128xi32>
    %jit3A_56 = arith.constant -1 : i32
    %broadcast_in_dim3A_57 = vector.broadcast %jit3A_56 : i32 to vector<2048x128xi32>
    %select_n3A_58 = arith.select %eq3A_52, %add3A_55, %broadcast_in_dim3A_57 : vector<2048x128xi1>, vector<2048x128xi32>
    %max3A_59 = arith.maxsi %max3A_47, %select_n3A_58 : vector<2048x128xi32>
    %slice3A_60 = vector.extract_strided_slice %get3A_4 {offsets = [640], sizes = [128], strides = [1]} : vector<2048xi32> to vector<128xi32>
    %reshape3A_61 = vector.shape_cast %slice3A_60 : vector<128xi32> to vector<1x128xi32>
    %eq3A_62 = vector.broadcast %reshape3A : vector<2048x1xi32> to vector<2048x128xi32>
    %eq3A_63 = vector.broadcast %reshape3A_61 : vector<1x128xi32> to vector<2048x128xi32>
    %eq3A_64 = arith.cmpi eq, %eq3A_62, %eq3A_63 : vector<2048x128xi32>
    %add3A_65 = arith.constant 640 : i32
    %add3A_66 = vector.broadcast %add3A_65 : i32 to vector<2048x128xi32>
    %add3A_67 = arith.addi %iota3A, %add3A_66 : vector<2048x128xi32>
    %jit3A_68 = arith.constant -1 : i32
    %broadcast_in_dim3A_69 = vector.broadcast %jit3A_68 : i32 to vector<2048x128xi32>
    %select_n3A_70 = arith.select %eq3A_64, %add3A_67, %broadcast_in_dim3A_69 : vector<2048x128xi1>, vector<2048x128xi32>
    %max3A_71 = arith.maxsi %max3A_59, %select_n3A_70 : vector<2048x128xi32>
    %slice3A_72 = vector.extract_strided_slice %get3A_4 {offsets = [768], sizes = [128], strides = [1]} : vector<2048xi32> to vector<128xi32>
    %reshape3A_73 = vector.shape_cast %slice3A_72 : vector<128xi32> to vector<1x128xi32>
    %eq3A_74 = vector.broadcast %reshape3A : vector<2048x1xi32> to vector<2048x128xi32>
    %eq3A_75 = vector.broadcast %reshape3A_73 : vector<1x128xi32> to vector<2048x128xi32>
    %eq3A_76 = arith.cmpi eq, %eq3A_74, %eq3A_75 : vector<2048x128xi32>
    %add3A_77 = arith.constant 768 : i32
    %add3A_78 = vector.broadcast %add3A_77 : i32 to vector<2048x128xi32>
    %add3A_79 = arith.addi %iota3A, %add3A_78 : vector<2048x128xi32>
    %jit3A_80 = arith.constant -1 : i32
    %broadcast_in_dim3A_81 = vector.broadcast %jit3A_80 : i32 to vector<2048x128xi32>
    %select_n3A_82 = arith.select %eq3A_76, %add3A_79, %broadcast_in_dim3A_81 : vector<2048x128xi1>, vector<2048x128xi32>
    %max3A_83 = arith.maxsi %max3A_71, %select_n3A_82 : vector<2048x128xi32>
    %slice3A_84 = vector.extract_strided_slice %get3A_4 {offsets = [896], sizes = [128], strides = [1]} : vector<2048xi32> to vector<128xi32>
    %reshape3A_85 = vector.shape_cast %slice3A_84 : vector<128xi32> to vector<1x128xi32>
    %eq3A_86 = vector.broadcast %reshape3A : vector<2048x1xi32> to vector<2048x128xi32>
    %eq3A_87 = vector.broadcast %reshape3A_85 : vector<1x128xi32> to vector<2048x128xi32>
    %eq3A_88 = arith.cmpi eq, %eq3A_86, %eq3A_87 : vector<2048x128xi32>
    %add3A_89 = arith.constant 896 : i32
    %add3A_90 = vector.broadcast %add3A_89 : i32 to vector<2048x128xi32>
    %add3A_91 = arith.addi %iota3A, %add3A_90 : vector<2048x128xi32>
    %jit3A_92 = arith.constant -1 : i32
    %broadcast_in_dim3A_93 = vector.broadcast %jit3A_92 : i32 to vector<2048x128xi32>
    %select_n3A_94 = arith.select %eq3A_88, %add3A_91, %broadcast_in_dim3A_93 : vector<2048x128xi1>, vector<2048x128xi32>
    %max3A_95 = arith.maxsi %max3A_83, %select_n3A_94 : vector<2048x128xi32>
    %slice3A_96 = vector.extract_strided_slice %get3A_4 {offsets = [1024], sizes = [128], strides = [1]} : vector<2048xi32> to vector<128xi32>
    %reshape3A_97 = vector.shape_cast %slice3A_96 : vector<128xi32> to vector<1x128xi32>
    %eq3A_98 = vector.broadcast %reshape3A : vector<2048x1xi32> to vector<2048x128xi32>
    %eq3A_99 = vector.broadcast %reshape3A_97 : vector<1x128xi32> to vector<2048x128xi32>
    %eq3A_100 = arith.cmpi eq, %eq3A_98, %eq3A_99 : vector<2048x128xi32>
    %add3A_101 = arith.constant 1024 : i32
    %add3A_102 = vector.broadcast %add3A_101 : i32 to vector<2048x128xi32>
    %add3A_103 = arith.addi %iota3A, %add3A_102 : vector<2048x128xi32>
    %jit3A_104 = arith.constant -1 : i32
    %broadcast_in_dim3A_105 = vector.broadcast %jit3A_104 : i32 to vector<2048x128xi32>
    %select_n3A_106 = arith.select %eq3A_100, %add3A_103, %broadcast_in_dim3A_105 : vector<2048x128xi1>, vector<2048x128xi32>
    %max3A_107 = arith.maxsi %max3A_95, %select_n3A_106 : vector<2048x128xi32>
    %slice3A_108 = vector.extract_strided_slice %get3A_4 {offsets = [1152], sizes = [128], strides = [1]} : vector<2048xi32> to vector<128xi32>
    %reshape3A_109 = vector.shape_cast %slice3A_108 : vector<128xi32> to vector<1x128xi32>
    %eq3A_110 = vector.broadcast %reshape3A : vector<2048x1xi32> to vector<2048x128xi32>
    %eq3A_111 = vector.broadcast %reshape3A_109 : vector<1x128xi32> to vector<2048x128xi32>
    %eq3A_112 = arith.cmpi eq, %eq3A_110, %eq3A_111 : vector<2048x128xi32>
    %add3A_113 = arith.constant 1152 : i32
    %add3A_114 = vector.broadcast %add3A_113 : i32 to vector<2048x128xi32>
    %add3A_115 = arith.addi %iota3A, %add3A_114 : vector<2048x128xi32>
    %jit3A_116 = arith.constant -1 : i32
    %broadcast_in_dim3A_117 = vector.broadcast %jit3A_116 : i32 to vector<2048x128xi32>
    %select_n3A_118 = arith.select %eq3A_112, %add3A_115, %broadcast_in_dim3A_117 : vector<2048x128xi1>, vector<2048x128xi32>
    %max3A_119 = arith.maxsi %max3A_107, %select_n3A_118 : vector<2048x128xi32>
    %slice3A_120 = vector.extract_strided_slice %get3A_4 {offsets = [1280], sizes = [128], strides = [1]} : vector<2048xi32> to vector<128xi32>
    %reshape3A_121 = vector.shape_cast %slice3A_120 : vector<128xi32> to vector<1x128xi32>
    %eq3A_122 = vector.broadcast %reshape3A : vector<2048x1xi32> to vector<2048x128xi32>
    %eq3A_123 = vector.broadcast %reshape3A_121 : vector<1x128xi32> to vector<2048x128xi32>
    %eq3A_124 = arith.cmpi eq, %eq3A_122, %eq3A_123 : vector<2048x128xi32>
    %add3A_125 = arith.constant 1280 : i32
    %add3A_126 = vector.broadcast %add3A_125 : i32 to vector<2048x128xi32>
    %add3A_127 = arith.addi %iota3A, %add3A_126 : vector<2048x128xi32>
    %jit3A_128 = arith.constant -1 : i32
    %broadcast_in_dim3A_129 = vector.broadcast %jit3A_128 : i32 to vector<2048x128xi32>
    %select_n3A_130 = arith.select %eq3A_124, %add3A_127, %broadcast_in_dim3A_129 : vector<2048x128xi1>, vector<2048x128xi32>
    %max3A_131 = arith.maxsi %max3A_119, %select_n3A_130 : vector<2048x128xi32>
    %slice3A_132 = vector.extract_strided_slice %get3A_4 {offsets = [1408], sizes = [128], strides = [1]} : vector<2048xi32> to vector<128xi32>
    %reshape3A_133 = vector.shape_cast %slice3A_132 : vector<128xi32> to vector<1x128xi32>
    %eq3A_134 = vector.broadcast %reshape3A : vector<2048x1xi32> to vector<2048x128xi32>
    %eq3A_135 = vector.broadcast %reshape3A_133 : vector<1x128xi32> to vector<2048x128xi32>
    %eq3A_136 = arith.cmpi eq, %eq3A_134, %eq3A_135 : vector<2048x128xi32>
    %add3A_137 = arith.constant 1408 : i32
    %add3A_138 = vector.broadcast %add3A_137 : i32 to vector<2048x128xi32>
    %add3A_139 = arith.addi %iota3A, %add3A_138 : vector<2048x128xi32>
    %jit3A_140 = arith.constant -1 : i32
    %broadcast_in_dim3A_141 = vector.broadcast %jit3A_140 : i32 to vector<2048x128xi32>
    %select_n3A_142 = arith.select %eq3A_136, %add3A_139, %broadcast_in_dim3A_141 : vector<2048x128xi1>, vector<2048x128xi32>
    %max3A_143 = arith.maxsi %max3A_131, %select_n3A_142 : vector<2048x128xi32>
    %slice3A_144 = vector.extract_strided_slice %get3A_4 {offsets = [1536], sizes = [128], strides = [1]} : vector<2048xi32> to vector<128xi32>
    %reshape3A_145 = vector.shape_cast %slice3A_144 : vector<128xi32> to vector<1x128xi32>
    %eq3A_146 = vector.broadcast %reshape3A : vector<2048x1xi32> to vector<2048x128xi32>
    %eq3A_147 = vector.broadcast %reshape3A_145 : vector<1x128xi32> to vector<2048x128xi32>
    %eq3A_148 = arith.cmpi eq, %eq3A_146, %eq3A_147 : vector<2048x128xi32>
    %add3A_149 = arith.constant 1536 : i32
    %add3A_150 = vector.broadcast %add3A_149 : i32 to vector<2048x128xi32>
    %add3A_151 = arith.addi %iota3A, %add3A_150 : vector<2048x128xi32>
    %jit3A_152 = arith.constant -1 : i32
    %broadcast_in_dim3A_153 = vector.broadcast %jit3A_152 : i32 to vector<2048x128xi32>
    %select_n3A_154 = arith.select %eq3A_148, %add3A_151, %broadcast_in_dim3A_153 : vector<2048x128xi1>, vector<2048x128xi32>
    %max3A_155 = arith.maxsi %max3A_143, %select_n3A_154 : vector<2048x128xi32>
    %slice3A_156 = vector.extract_strided_slice %get3A_4 {offsets = [1664], sizes = [128], strides = [1]} : vector<2048xi32> to vector<128xi32>
    %reshape3A_157 = vector.shape_cast %slice3A_156 : vector<128xi32> to vector<1x128xi32>
    %eq3A_158 = vector.broadcast %reshape3A : vector<2048x1xi32> to vector<2048x128xi32>
    %eq3A_159 = vector.broadcast %reshape3A_157 : vector<1x128xi32> to vector<2048x128xi32>
    %eq3A_160 = arith.cmpi eq, %eq3A_158, %eq3A_159 : vector<2048x128xi32>
    %add3A_161 = arith.constant 1664 : i32
    %add3A_162 = vector.broadcast %add3A_161 : i32 to vector<2048x128xi32>
    %add3A_163 = arith.addi %iota3A, %add3A_162 : vector<2048x128xi32>
    %jit3A_164 = arith.constant -1 : i32
    %broadcast_in_dim3A_165 = vector.broadcast %jit3A_164 : i32 to vector<2048x128xi32>
    %select_n3A_166 = arith.select %eq3A_160, %add3A_163, %broadcast_in_dim3A_165 : vector<2048x128xi1>, vector<2048x128xi32>
    %max3A_167 = arith.maxsi %max3A_155, %select_n3A_166 : vector<2048x128xi32>
    %slice3A_168 = vector.extract_strided_slice %get3A_4 {offsets = [1792], sizes = [128], strides = [1]} : vector<2048xi32> to vector<128xi32>
    %reshape3A_169 = vector.shape_cast %slice3A_168 : vector<128xi32> to vector<1x128xi32>
    %eq3A_170 = vector.broadcast %reshape3A : vector<2048x1xi32> to vector<2048x128xi32>
    %eq3A_171 = vector.broadcast %reshape3A_169 : vector<1x128xi32> to vector<2048x128xi32>
    %eq3A_172 = arith.cmpi eq, %eq3A_170, %eq3A_171 : vector<2048x128xi32>
    %add3A_173 = arith.constant 1792 : i32
    %add3A_174 = vector.broadcast %add3A_173 : i32 to vector<2048x128xi32>
    %add3A_175 = arith.addi %iota3A, %add3A_174 : vector<2048x128xi32>
    %jit3A_176 = arith.constant -1 : i32
    %broadcast_in_dim3A_177 = vector.broadcast %jit3A_176 : i32 to vector<2048x128xi32>
    %select_n3A_178 = arith.select %eq3A_172, %add3A_175, %broadcast_in_dim3A_177 : vector<2048x128xi1>, vector<2048x128xi32>
    %max3A_179 = arith.maxsi %max3A_167, %select_n3A_178 : vector<2048x128xi32>
    %slice3A_180 = vector.extract_strided_slice %get3A_4 {offsets = [1920], sizes = [128], strides = [1]} : vector<2048xi32> to vector<128xi32>
    %reshape3A_181 = vector.shape_cast %slice3A_180 : vector<128xi32> to vector<1x128xi32>
    %eq3A_182 = vector.broadcast %reshape3A : vector<2048x1xi32> to vector<2048x128xi32>
    %eq3A_183 = vector.broadcast %reshape3A_181 : vector<1x128xi32> to vector<2048x128xi32>
    %eq3A_184 = arith.cmpi eq, %eq3A_182, %eq3A_183 : vector<2048x128xi32>
    %add3A_185 = arith.constant 1920 : i32
    %add3A_186 = vector.broadcast %add3A_185 : i32 to vector<2048x128xi32>
    %add3A_187 = arith.addi %iota3A, %add3A_186 : vector<2048x128xi32>
    %jit3A_188 = arith.constant -1 : i32
    %broadcast_in_dim3A_189 = vector.broadcast %jit3A_188 : i32 to vector<2048x128xi32>
    %select_n3A_190 = arith.select %eq3A_184, %add3A_187, %broadcast_in_dim3A_189 : vector<2048x128xi1>, vector<2048x128xi32>
    %max3A_191 = arith.maxsi %max3A_179, %select_n3A_190 : vector<2048x128xi32>
    %reduce_max3A = arith.constant dense<-2147483648> : vector<2048xi32>
    %reduce_max3A_192 = vector.multi_reduction <maxsi>, %max3A_191, %reduce_max3A [1] : vector<2048x128xi32> to vector<2048xi32>
    %broadcast_in_dim3A_193 = vector.shape_cast %reduce_max3A_192 : vector<2048xi32> to vector<2048x1xi32>
    %iota3A_194 = tpu.iota {dimensions = array<i32: 0>} : vector<2048x1xi32>
    %eq3A_195 = arith.cmpi eq, %broadcast_in_dim3A_193, %iota3A_194 : vector<2048x1xi32>
    %get3A_196 = arith.index_cast %arg1 : i32 to index
    %get3A_197 = memref.load %arg3[%get3A_196] : memref<2xi32, #tpu.memory_space<smem>>
    %lt3A = vector.broadcast %get3A_197 : i32 to vector<2048x1xi32>
    %lt3A_198 = arith.cmpi slt, %iota3A_194, %lt3A : vector<2048x1xi32>
    %and3A = arith.andi %eq3A_195, %lt3A_198 : vector<2048x1xi1>
    %mul3A = arith.constant 21760 : i32
    %mul3A_199 = arith.muli %arg1, %mul3A : i32
    %add3A_200 = vector.broadcast %mul3A_199 : i32 to vector<2048x1xi32>
    %add3A_201 = arith.addi %reshape3A, %add3A_200 : vector<2048x1xi32>
    %mul3A_202 = arith.constant 2048 : i32
    %mul3A_203 = arith.muli %arg1, %mul3A_202 : i32
    %add3A_204 = arith.constant 43520 : i32
    %add3A_205 = arith.addi %add3A_204, %mul3A_203 : i32
    %add3A_206 = vector.broadcast %add3A_205 : i32 to vector<2048x1xi32>
    %add3A_207 = arith.addi %add3A_206, %iota3A_194 : vector<2048x1xi32>
    %select_n3A_208 = arith.select %and3A, %add3A_201, %add3A_207 : vector<2048x1xi1>, vector<2048x1xi32>
    %squeeze3A = vector.shape_cast %select_n3A_208 : vector<2048x1xi32> to vector<2048xi32>
    %swap3A = arith.constant 0 : index
    %swap3A_209 = arith.constant 0 : index
    %swap3A_210 = arith.constant 0 : index
    %swap3A_211 = arith.constant 0 : index
    %swap3A_212 = vector.load %arg4[%swap3A, %swap3A_209, %swap3A_210, %swap3A_211] : memref<1x1x1x2048xi32, #tpu.memory_space<vmem>>, vector<1x1x1x2048xi32>
    %swap3A_213 = vector.shape_cast %swap3A_212 : vector<1x1x1x2048xi32> to vector<2048xi32>
    %swap3A_214 = vector.shape_cast %squeeze3A : vector<2048xi32> to vector<1x1x1x2048xi32>
    tpu.vector_store %arg4[%swap3A, %swap3A_209, %swap3A_210, %swap3A_211], %swap3A_214 {strides = array<i32>} : memref<1x1x1x2048xi32, #tpu.memory_space<vmem>>, vector<1x1x1x2048xi32>,
    return
  }
  func.func @transform_0(%arg0: i32, %arg1: i32) -> (i32, i32, i32, i32) {
    %c0_i32 = arith.constant 0 : i32
    %c0_i32_0 = arith.constant 0 : i32
    %c0_i32_1 = arith.constant 0 : i32
    return %arg0, %arg1, %c0_i32, %c0_i32_0 : i32, i32, i32, i32
  }
  func.func @transform_1(%arg0: i32, %arg1: i32) -> i32 {
    %c0_i32 = arith.constant 0 : i32
    %c0_i32_0 = arith.constant 0 : i32
    return %c0_i32 : i32
  }
  func.func @transform_2(%arg0: i32, %arg1: i32) -> (i32, i32, i32, i32) {
    %c0_i32 = arith.constant 0 : i32
    %c0_i32_0 = arith.constant 0 : i32
    %c0_i32_1 = arith.constant 0 : i32
    return %arg0, %arg1, %c0_i32, %c0_i32_0 : i32, i32, i32, i32
  }
}

module attributes {stable_mosaic.version = 14 : i64} {
  func.func @_phase_b_body(%arg0: i32, %arg1: memref<1x4096x256xf32, #tpu.memory_space<vmem>>, %arg2: memref<1x4096x4xf32, #tpu.memory_space<vmem>>, %arg3: memref<1x256x256xf32, #tpu.memory_space<vmem>>, %arg4: memref<1x1x256xf32, #tpu.memory_space<vmem>>, %arg5: memref<1x2x256xf32, #tpu.memory_space<vmem>>, %arg6: memref<1x4096x256xf32, #tpu.memory_space<vmem>>) attributes {dimension_semantics = [#tpu.dimension_semantics<arbitrary>], iteration_bounds = array<i64: 6>, scalar_prefetch = 0 : i64, scratch_operands = 0 : i64, tpu.core_type = #tpu.core_type<tc>, window_params = [{transform_indices = @transform_0, window_bounds = array<i64: 1, 4096, 256>}, {transform_indices = @transform_1, window_bounds = array<i64: 1, 4096, 4>}, {transform_indices = @transform_2, window_bounds = array<i64: 1, 256, 256>}, {transform_indices = @transform_3, window_bounds = array<i64: 1, 1, 256>}, {transform_indices = @transform_4, window_bounds = array<i64: 1, 2, 256>}, {transform_indices = @transform_5, window_bounds = array<i64: 1, 4096, 256>}]} {
    %get3A = arith.constant 0 : index
    %get3A_0 = arith.constant 0 : index
    %get3A_1 = arith.constant 0 : index
    %get3A_2 = vector.load %arg1[%get3A, %get3A_0, %get3A_1] : memref<1x4096x256xf32, #tpu.memory_space<vmem>>, vector<1x4096x256xf32>
    %get3A_3 = vector.shape_cast %get3A_2 : vector<1x4096x256xf32> to vector<4096x256xf32>
    %get3A_4 = arith.constant 0 : index
    %get3A_5 = arith.constant 0 : index
    %get3A_6 = arith.constant 0 : index
    %get3A_7 = vector.load %arg2[%get3A_4, %get3A_5, %get3A_6] : memref<1x4096x4xf32, #tpu.memory_space<vmem>>, vector<1x4096x4xf32>
    %get3A_8 = vector.shape_cast %get3A_7 : vector<1x4096x4xf32> to vector<4096x4xf32>
    %slice3A = vector.extract_strided_slice %get3A_8 {offsets = [0, 0], sizes = [4096, 2], strides = [1, 1]} : vector<4096x4xf32> to vector<4096x2xf32>
    %get3A_9 = arith.constant 0 : index
    %get3A_10 = arith.constant 0 : index
    %get3A_11 = arith.constant 0 : index
    %get3A_12 = vector.load %arg3[%get3A_9, %get3A_10, %get3A_11] : memref<1x256x256xf32, #tpu.memory_space<vmem>>, vector<1x256x256xf32>
    %get3A_13 = vector.shape_cast %get3A_12 : vector<1x256x256xf32> to vector<256x256xf32>
    %dot_general3A = arith.constant dense<0.000000e+00> : vector<4096x256xf32>
    %dot_general3A_14 = tpu.matmul %get3A_3, %get3A_13, %dot_general3A {dimension_numbers = #tpu.dot_dimension_numbers<[1], [0], [0], [1], [0, 0, 1, 1], [], []>, transpose_lhs_hint = false} : vector<4096x256xf32>, vector<256x256xf32>, vector<4096x256xf32> -> vector<4096x256xf32>
    %get3A_15 = arith.constant 0 : index
    %get3A_16 = arith.constant 0 : index
    %get3A_17 = arith.constant 0 : index
    %get3A_18 = vector.load %arg5[%get3A_15, %get3A_16, %get3A_17] : memref<1x2x256xf32, #tpu.memory_space<vmem>>, vector<1x2x256xf32>
    %get3A_19 = vector.shape_cast %get3A_18 : vector<1x2x256xf32> to vector<2x256xf32>
    %dot_general3A_20 = arith.constant dense<0.000000e+00> : vector<4096x256xf32>
    %dot_general3A_21 = tpu.matmul %slice3A, %get3A_19, %dot_general3A_20 {dimension_numbers = #tpu.dot_dimension_numbers<[1], [0], [0], [1], [0, 0, 1, 1], [], []>, transpose_lhs_hint = false} : vector<4096x2xf32>, vector<2x256xf32>, vector<4096x256xf32> -> vector<4096x256xf32>
    %add3A = arith.addf %dot_general3A_14, %dot_general3A_21 : vector<4096x256xf32>
    %get3A_22 = arith.constant 0 : index
    %get3A_23 = arith.constant 0 : index
    %get3A_24 = arith.constant 0 : index
    %get3A_25 = vector.load %arg4[%get3A_22, %get3A_23, %get3A_24] : memref<1x1x256xf32, #tpu.memory_space<vmem>>, vector<1x1x256xf32>
    %get3A_26 = vector.shape_cast %get3A_25 : vector<1x1x256xf32> to vector<1x256xf32>
    %add3A_27 = vector.broadcast %get3A_26 : vector<1x256xf32> to vector<4096x256xf32>
    %add3A_28 = arith.addf %add3A, %add3A_27 : vector<4096x256xf32>
    %swap3A = arith.constant 0 : index
    %swap3A_29 = arith.constant 0 : index
    %swap3A_30 = arith.constant 0 : index
    %swap3A_31 = vector.load %arg6[%swap3A, %swap3A_29, %swap3A_30] : memref<1x4096x256xf32, #tpu.memory_space<vmem>>, vector<1x4096x256xf32>
    %swap3A_32 = vector.shape_cast %swap3A_31 : vector<1x4096x256xf32> to vector<4096x256xf32>
    %swap3A_33 = vector.shape_cast %add3A_28 : vector<4096x256xf32> to vector<1x4096x256xf32>
    tpu.vector_store %arg6[%swap3A, %swap3A_29, %swap3A_30], %swap3A_33 {strides = array<i32>} : memref<1x4096x256xf32, #tpu.memory_space<vmem>>, vector<1x4096x256xf32>,
    return
  }
  func.func @transform_0(%arg0: i32) -> (i32, i32, i32) {
    %c0_i32 = arith.constant 0 : i32
    %c0_i32_0 = arith.constant 0 : i32
    %c0_i32_1 = arith.constant 0 : i32
    return %arg0, %c0_i32, %c0_i32_0 : i32, i32, i32
  }
  func.func @transform_1(%arg0: i32) -> (i32, i32, i32) {
    %c0_i32 = arith.constant 0 : i32
    %c0_i32_0 = arith.constant 0 : i32
    %c0_i32_1 = arith.constant 0 : i32
    return %arg0, %c0_i32, %c0_i32_0 : i32, i32, i32
  }
  func.func @transform_2(%arg0: i32) -> (i32, i32, i32) {
    %c0_i32 = arith.constant 0 : i32
    %c0_i32_0 = arith.constant 0 : i32
    %c0_i32_1 = arith.constant 0 : i32
    return %arg0, %c0_i32, %c0_i32_0 : i32, i32, i32
  }
  func.func @transform_3(%arg0: i32) -> (i32, i32, i32) {
    %c0_i32 = arith.constant 0 : i32
    %c0_i32_0 = arith.constant 0 : i32
    %c0_i32_1 = arith.constant 0 : i32
    return %arg0, %c0_i32, %c0_i32_0 : i32, i32, i32
  }
  func.func @transform_4(%arg0: i32) -> (i32, i32, i32) {
    %c0_i32 = arith.constant 0 : i32
    %c0_i32_0 = arith.constant 0 : i32
    %c0_i32_1 = arith.constant 0 : i32
    return %arg0, %c0_i32, %c0_i32_0 : i32, i32, i32
  }
  func.func @transform_5(%arg0: i32) -> (i32, i32, i32) {
    %c0_i32 = arith.constant 0 : i32
    %c0_i32_0 = arith.constant 0 : i32
    %c0_i32_1 = arith.constant 0 : i32
    return %arg0, %c0_i32, %c0_i32_0 : i32, i32, i32
  }
}

module attributes {stable_mosaic.version = 14 : i64} {
  func.func @_layer_tc_body(%arg0: i32, %arg1: memref<4096x256xf32, #tpu.memory_space<vmem>>, %arg2: memref<1x4096x256xf32, #tpu.memory_space<vmem>>, %arg3: memref<1x4096x4xf32, #tpu.memory_space<vmem>>, %arg4: memref<1x256x256xf32, #tpu.memory_space<vmem>>, %arg5: memref<4096x256xf32, #tpu.memory_space<vmem>>) attributes {dimension_semantics = [#tpu.dimension_semantics<arbitrary>], iteration_bounds = array<i64: 1>, scalar_prefetch = 0 : i64, scratch_operands = 0 : i64, tpu.core_type = #tpu.core_type<tc>, window_params = [{pipeline_mode = #tpu.pipeline_mode<synchronous>, transform_indices = @transform_0, window_bounds = array<i64: 4096, 256>}, {transform_indices = @transform_1, window_bounds = array<i64: 1, 4096, 256>}, {transform_indices = @transform_2, window_bounds = array<i64: 1, 4096, 4>}, {transform_indices = @transform_3, window_bounds = array<i64: 1, 256, 256>}, {pipeline_mode = #tpu.pipeline_mode<synchronous>, transform_indices = @transform_4, window_bounds = array<i64: 4096, 256>}]} {
    %get3A = arith.constant 0 : index
    %get3A_0 = arith.constant 0 : index
    %get3A_1 = vector.load %arg1[%get3A, %get3A_0] : memref<4096x256xf32, #tpu.memory_space<vmem>>, vector<4096x256xf32>
    %get3A_2 = arith.constant 0 : index
    %get3A_3 = arith.constant 0 : index
    %get3A_4 = arith.constant 0 : index
    %get3A_5 = vector.load %arg3[%get3A_2, %get3A_3, %get3A_4] : memref<1x4096x4xf32, #tpu.memory_space<vmem>>, vector<1x4096x4xf32>
    %get3A_6 = vector.shape_cast %get3A_5 : vector<1x4096x4xf32> to vector<4096x4xf32>
    %slice3A = vector.extract_strided_slice %get3A_6 {offsets = [0, 2], sizes = [4096, 1], strides = [1, 1]} : vector<4096x4xf32> to vector<4096x1xf32>
    %get3A_7 = arith.constant 0 : index
    %get3A_8 = arith.constant 0 : index
    %get3A_9 = arith.constant 0 : index
    %get3A_10 = vector.load %arg4[%get3A_7, %get3A_8, %get3A_9] : memref<1x256x256xf32, #tpu.memory_space<vmem>>, vector<1x256x256xf32>
    %get3A_11 = vector.shape_cast %get3A_10 : vector<1x256x256xf32> to vector<256x256xf32>
    %dot_general3A = arith.constant dense<0.000000e+00> : vector<4096x256xf32>
    %dot_general3A_12 = tpu.matmul %get3A_1, %get3A_11, %dot_general3A {dimension_numbers = #tpu.dot_dimension_numbers<[1], [0], [0], [1], [0, 0, 1, 1], [], []>, transpose_lhs_hint = false} : vector<4096x256xf32>, vector<256x256xf32>, vector<4096x256xf32> -> vector<4096x256xf32>
    %get3A_13 = arith.constant 0 : index
    %get3A_14 = arith.constant 0 : index
    %get3A_15 = arith.constant 0 : index
    %get3A_16 = vector.load %arg2[%get3A_13, %get3A_14, %get3A_15] : memref<1x4096x256xf32, #tpu.memory_space<vmem>>, vector<1x4096x256xf32>
    %get3A_17 = vector.shape_cast %get3A_16 : vector<1x4096x256xf32> to vector<4096x256xf32>
    %add3A = arith.addf %dot_general3A_12, %get3A_17 : vector<4096x256xf32>
    %mul3A = vector.broadcast %slice3A : vector<4096x1xf32> to vector<4096x256xf32>
    %mul3A_18 = arith.mulf %add3A, %mul3A : vector<4096x256xf32>
    %add3A_19 = arith.addf %get3A_1, %mul3A_18 : vector<4096x256xf32>
    %swap3A = arith.constant 0 : index
    %swap3A_20 = arith.constant 0 : index
    %swap3A_21 = vector.load %arg5[%swap3A, %swap3A_20] : memref<4096x256xf32, #tpu.memory_space<vmem>>, vector<4096x256xf32>
    tpu.vector_store %arg5[%swap3A, %swap3A_20], %add3A_19 {strides = array<i32>} : memref<4096x256xf32, #tpu.memory_space<vmem>>, vector<4096x256xf32>,
    return
  }
  func.func @transform_0(%arg0: i32) -> (i32, i32) {
    %c0_i32 = arith.constant 0 : i32
    %c0_i32_0 = arith.constant 0 : i32
    %c0_i32_1 = arith.constant 0 : i32
    return %c0_i32, %c0_i32_0 : i32, i32
  }
  func.func @transform_1(%arg0: i32) -> (i32, i32, i32) {
    %c0_i32 = arith.constant 0 : i32
    %c0_i32_0 = arith.constant 0 : i32
    %c0_i32_1 = arith.constant 0 : i32
    %c0_i32_2 = arith.constant 0 : i32
    return %c0_i32, %c0_i32_0, %c0_i32_1 : i32, i32, i32
  }
  func.func @transform_2(%arg0: i32) -> (i32, i32, i32) {
    %c0_i32 = arith.constant 0 : i32
    %c0_i32_0 = arith.constant 0 : i32
    %c0_i32_1 = arith.constant 0 : i32
    %c0_i32_2 = arith.constant 0 : i32
    return %c0_i32, %c0_i32_0, %c0_i32_1 : i32, i32, i32
  }
  func.func @transform_3(%arg0: i32) -> (i32, i32, i32) {
    %c0_i32 = arith.constant 0 : i32
    %c0_i32_0 = arith.constant 0 : i32
    %c0_i32_1 = arith.constant 0 : i32
    %c0_i32_2 = arith.constant 0 : i32
    return %c0_i32, %c0_i32_0, %c0_i32_1 : i32, i32, i32
  }
  func.func @transform_4(%arg0: i32) -> (i32, i32) {
    %c0_i32 = arith.constant 0 : i32
    %c0_i32_0 = arith.constant 0 : i32
    %c0_i32_1 = arith.constant 0 : i32
    return %c0_i32, %c0_i32_0 : i32, i32
  }
}

module attributes {stable_mosaic.version = 14 : i64} {
  func.func @_layer_tc_body(%arg0: i32, %arg1: memref<4096x256xf32, #tpu.memory_space<vmem>>, %arg2: memref<1x4096x256xf32, #tpu.memory_space<vmem>>, %arg3: memref<1x4096x4xf32, #tpu.memory_space<vmem>>, %arg4: memref<1x256x256xf32, #tpu.memory_space<vmem>>, %arg5: memref<4096x256xf32, #tpu.memory_space<vmem>>) attributes {dimension_semantics = [#tpu.dimension_semantics<arbitrary>], iteration_bounds = array<i64: 1>, scalar_prefetch = 0 : i64, scratch_operands = 0 : i64, tpu.core_type = #tpu.core_type<tc>, window_params = [{pipeline_mode = #tpu.pipeline_mode<synchronous>, transform_indices = @transform_0, window_bounds = array<i64: 4096, 256>}, {transform_indices = @transform_1, window_bounds = array<i64: 1, 4096, 256>}, {transform_indices = @transform_2, window_bounds = array<i64: 1, 4096, 4>}, {transform_indices = @transform_3, window_bounds = array<i64: 1, 256, 256>}, {pipeline_mode = #tpu.pipeline_mode<synchronous>, transform_indices = @transform_4, window_bounds = array<i64: 4096, 256>}]} {
    %get3A = arith.constant 0 : index
    %get3A_0 = arith.constant 0 : index
    %get3A_1 = vector.load %arg1[%get3A, %get3A_0] : memref<4096x256xf32, #tpu.memory_space<vmem>>, vector<4096x256xf32>
    %get3A_2 = arith.constant 0 : index
    %get3A_3 = arith.constant 0 : index
    %get3A_4 = arith.constant 0 : index
    %get3A_5 = vector.load %arg3[%get3A_2, %get3A_3, %get3A_4] : memref<1x4096x4xf32, #tpu.memory_space<vmem>>, vector<1x4096x4xf32>
    %get3A_6 = vector.shape_cast %get3A_5 : vector<1x4096x4xf32> to vector<4096x4xf32>
    %slice3A = vector.extract_strided_slice %get3A_6 {offsets = [0, 2], sizes = [4096, 1], strides = [1, 1]} : vector<4096x4xf32> to vector<4096x1xf32>
    %get3A_7 = arith.constant 0 : index
    %get3A_8 = arith.constant 0 : index
    %get3A_9 = arith.constant 0 : index
    %get3A_10 = vector.load %arg4[%get3A_7, %get3A_8, %get3A_9] : memref<1x256x256xf32, #tpu.memory_space<vmem>>, vector<1x256x256xf32>
    %get3A_11 = vector.shape_cast %get3A_10 : vector<1x256x256xf32> to vector<256x256xf32>
    %dot_general3A = arith.constant dense<0.000000e+00> : vector<4096x256xf32>
    %dot_general3A_12 = tpu.matmul %get3A_1, %get3A_11, %dot_general3A {dimension_numbers = #tpu.dot_dimension_numbers<[1], [0], [0], [1], [0, 0, 1, 1], [], []>, transpose_lhs_hint = false} : vector<4096x256xf32>, vector<256x256xf32>, vector<4096x256xf32> -> vector<4096x256xf32>
    %get3A_13 = arith.constant 0 : index
    %get3A_14 = arith.constant 0 : index
    %get3A_15 = arith.constant 0 : index
    %get3A_16 = vector.load %arg2[%get3A_13, %get3A_14, %get3A_15] : memref<1x4096x256xf32, #tpu.memory_space<vmem>>, vector<1x4096x256xf32>
    %get3A_17 = vector.shape_cast %get3A_16 : vector<1x4096x256xf32> to vector<4096x256xf32>
    %add3A = arith.addf %dot_general3A_12, %get3A_17 : vector<4096x256xf32>
    %mul3A = vector.broadcast %slice3A : vector<4096x1xf32> to vector<4096x256xf32>
    %mul3A_18 = arith.mulf %add3A, %mul3A : vector<4096x256xf32>
    %add3A_19 = arith.addf %get3A_1, %mul3A_18 : vector<4096x256xf32>
    %swap3A = arith.constant 0 : index
    %swap3A_20 = arith.constant 0 : index
    %swap3A_21 = vector.load %arg5[%swap3A, %swap3A_20] : memref<4096x256xf32, #tpu.memory_space<vmem>>, vector<4096x256xf32>
    tpu.vector_store %arg5[%swap3A, %swap3A_20], %add3A_19 {strides = array<i32>} : memref<4096x256xf32, #tpu.memory_space<vmem>>, vector<4096x256xf32>,
    return
  }
  func.func @transform_0(%arg0: i32) -> (i32, i32) {
    %c0_i32 = arith.constant 0 : i32
    %c0_i32_0 = arith.constant 0 : i32
    %c0_i32_1 = arith.constant 0 : i32
    return %c0_i32, %c0_i32_0 : i32, i32
  }
  func.func @transform_1(%arg0: i32) -> (i32, i32, i32) {
    %c1_i32 = arith.constant 1 : i32
    %c0_i32 = arith.constant 0 : i32
    %c0_i32_0 = arith.constant 0 : i32
    %c0_i32_1 = arith.constant 0 : i32
    return %c1_i32, %c0_i32, %c0_i32_0 : i32, i32, i32
  }
  func.func @transform_2(%arg0: i32) -> (i32, i32, i32) {
    %c1_i32 = arith.constant 1 : i32
    %c0_i32 = arith.constant 0 : i32
    %c0_i32_0 = arith.constant 0 : i32
    %c0_i32_1 = arith.constant 0 : i32
    return %c1_i32, %c0_i32, %c0_i32_0 : i32, i32, i32
  }
  func.func @transform_3(%arg0: i32) -> (i32, i32, i32) {
    %c1_i32 = arith.constant 1 : i32
    %c0_i32 = arith.constant 0 : i32
    %c0_i32_0 = arith.constant 0 : i32
    %c0_i32_1 = arith.constant 0 : i32
    return %c1_i32, %c0_i32, %c0_i32_0 : i32, i32, i32
  }
  func.func @transform_4(%arg0: i32) -> (i32, i32) {
    %c0_i32 = arith.constant 0 : i32
    %c0_i32_0 = arith.constant 0 : i32
    %c0_i32_1 = arith.constant 0 : i32
    return %c0_i32, %c0_i32_0 : i32, i32
  }
}

module attributes {stable_mosaic.version = 14 : i64} {
  func.func @_layer_tc_body(%arg0: i32, %arg1: memref<4096x256xf32, #tpu.memory_space<vmem>>, %arg2: memref<1x4096x256xf32, #tpu.memory_space<vmem>>, %arg3: memref<1x4096x4xf32, #tpu.memory_space<vmem>>, %arg4: memref<1x256x256xf32, #tpu.memory_space<vmem>>, %arg5: memref<4096x256xf32, #tpu.memory_space<vmem>>) attributes {dimension_semantics = [#tpu.dimension_semantics<arbitrary>], iteration_bounds = array<i64: 1>, scalar_prefetch = 0 : i64, scratch_operands = 0 : i64, tpu.core_type = #tpu.core_type<tc>, window_params = [{pipeline_mode = #tpu.pipeline_mode<synchronous>, transform_indices = @transform_0, window_bounds = array<i64: 4096, 256>}, {transform_indices = @transform_1, window_bounds = array<i64: 1, 4096, 256>}, {transform_indices = @transform_2, window_bounds = array<i64: 1, 4096, 4>}, {transform_indices = @transform_3, window_bounds = array<i64: 1, 256, 256>}, {pipeline_mode = #tpu.pipeline_mode<synchronous>, transform_indices = @transform_4, window_bounds = array<i64: 4096, 256>}]} {
    %get3A = arith.constant 0 : index
    %get3A_0 = arith.constant 0 : index
    %get3A_1 = vector.load %arg1[%get3A, %get3A_0] : memref<4096x256xf32, #tpu.memory_space<vmem>>, vector<4096x256xf32>
    %get3A_2 = arith.constant 0 : index
    %get3A_3 = arith.constant 0 : index
    %get3A_4 = arith.constant 0 : index
    %get3A_5 = vector.load %arg3[%get3A_2, %get3A_3, %get3A_4] : memref<1x4096x4xf32, #tpu.memory_space<vmem>>, vector<1x4096x4xf32>
    %get3A_6 = vector.shape_cast %get3A_5 : vector<1x4096x4xf32> to vector<4096x4xf32>
    %slice3A = vector.extract_strided_slice %get3A_6 {offsets = [0, 2], sizes = [4096, 1], strides = [1, 1]} : vector<4096x4xf32> to vector<4096x1xf32>
    %get3A_7 = arith.constant 0 : index
    %get3A_8 = arith.constant 0 : index
    %get3A_9 = arith.constant 0 : index
    %get3A_10 = vector.load %arg4[%get3A_7, %get3A_8, %get3A_9] : memref<1x256x256xf32, #tpu.memory_space<vmem>>, vector<1x256x256xf32>
    %get3A_11 = vector.shape_cast %get3A_10 : vector<1x256x256xf32> to vector<256x256xf32>
    %dot_general3A = arith.constant dense<0.000000e+00> : vector<4096x256xf32>
    %dot_general3A_12 = tpu.matmul %get3A_1, %get3A_11, %dot_general3A {dimension_numbers = #tpu.dot_dimension_numbers<[1], [0], [0], [1], [0, 0, 1, 1], [], []>, transpose_lhs_hint = false} : vector<4096x256xf32>, vector<256x256xf32>, vector<4096x256xf32> -> vector<4096x256xf32>
    %get3A_13 = arith.constant 0 : index
    %get3A_14 = arith.constant 0 : index
    %get3A_15 = arith.constant 0 : index
    %get3A_16 = vector.load %arg2[%get3A_13, %get3A_14, %get3A_15] : memref<1x4096x256xf32, #tpu.memory_space<vmem>>, vector<1x4096x256xf32>
    %get3A_17 = vector.shape_cast %get3A_16 : vector<1x4096x256xf32> to vector<4096x256xf32>
    %add3A = arith.addf %dot_general3A_12, %get3A_17 : vector<4096x256xf32>
    %mul3A = vector.broadcast %slice3A : vector<4096x1xf32> to vector<4096x256xf32>
    %mul3A_18 = arith.mulf %add3A, %mul3A : vector<4096x256xf32>
    %add3A_19 = arith.addf %get3A_1, %mul3A_18 : vector<4096x256xf32>
    %swap3A = arith.constant 0 : index
    %swap3A_20 = arith.constant 0 : index
    %swap3A_21 = vector.load %arg5[%swap3A, %swap3A_20] : memref<4096x256xf32, #tpu.memory_space<vmem>>, vector<4096x256xf32>
    tpu.vector_store %arg5[%swap3A, %swap3A_20], %add3A_19 {strides = array<i32>} : memref<4096x256xf32, #tpu.memory_space<vmem>>, vector<4096x256xf32>,
    return
  }
  func.func @transform_0(%arg0: i32) -> (i32, i32) {
    %c0_i32 = arith.constant 0 : i32
    %c0_i32_0 = arith.constant 0 : i32
    %c0_i32_1 = arith.constant 0 : i32
    return %c0_i32, %c0_i32_0 : i32, i32
  }
  func.func @transform_1(%arg0: i32) -> (i32, i32, i32) {
    %c2_i32 = arith.constant 2 : i32
    %c0_i32 = arith.constant 0 : i32
    %c0_i32_0 = arith.constant 0 : i32
    %c0_i32_1 = arith.constant 0 : i32
    return %c2_i32, %c0_i32, %c0_i32_0 : i32, i32, i32
  }
  func.func @transform_2(%arg0: i32) -> (i32, i32, i32) {
    %c2_i32 = arith.constant 2 : i32
    %c0_i32 = arith.constant 0 : i32
    %c0_i32_0 = arith.constant 0 : i32
    %c0_i32_1 = arith.constant 0 : i32
    return %c2_i32, %c0_i32, %c0_i32_0 : i32, i32, i32
  }
  func.func @transform_3(%arg0: i32) -> (i32, i32, i32) {
    %c2_i32 = arith.constant 2 : i32
    %c0_i32 = arith.constant 0 : i32
    %c0_i32_0 = arith.constant 0 : i32
    %c0_i32_1 = arith.constant 0 : i32
    return %c2_i32, %c0_i32, %c0_i32_0 : i32, i32, i32
  }
  func.func @transform_4(%arg0: i32) -> (i32, i32) {
    %c0_i32 = arith.constant 0 : i32
    %c0_i32_0 = arith.constant 0 : i32
    %c0_i32_1 = arith.constant 0 : i32
    return %c0_i32, %c0_i32_0 : i32, i32
  }
}

module attributes {stable_mosaic.version = 14 : i64} {
  func.func @_layer_tc_body(%arg0: i32, %arg1: memref<4096x256xf32, #tpu.memory_space<vmem>>, %arg2: memref<1x4096x256xf32, #tpu.memory_space<vmem>>, %arg3: memref<1x4096x4xf32, #tpu.memory_space<vmem>>, %arg4: memref<1x256x256xf32, #tpu.memory_space<vmem>>, %arg5: memref<4096x256xf32, #tpu.memory_space<vmem>>) attributes {dimension_semantics = [#tpu.dimension_semantics<arbitrary>], iteration_bounds = array<i64: 1>, scalar_prefetch = 0 : i64, scratch_operands = 0 : i64, tpu.core_type = #tpu.core_type<tc>, window_params = [{pipeline_mode = #tpu.pipeline_mode<synchronous>, transform_indices = @transform_0, window_bounds = array<i64: 4096, 256>}, {transform_indices = @transform_1, window_bounds = array<i64: 1, 4096, 256>}, {transform_indices = @transform_2, window_bounds = array<i64: 1, 4096, 4>}, {transform_indices = @transform_3, window_bounds = array<i64: 1, 256, 256>}, {pipeline_mode = #tpu.pipeline_mode<synchronous>, transform_indices = @transform_4, window_bounds = array<i64: 4096, 256>}]} {
    %get3A = arith.constant 0 : index
    %get3A_0 = arith.constant 0 : index
    %get3A_1 = vector.load %arg1[%get3A, %get3A_0] : memref<4096x256xf32, #tpu.memory_space<vmem>>, vector<4096x256xf32>
    %get3A_2 = arith.constant 0 : index
    %get3A_3 = arith.constant 0 : index
    %get3A_4 = arith.constant 0 : index
    %get3A_5 = vector.load %arg3[%get3A_2, %get3A_3, %get3A_4] : memref<1x4096x4xf32, #tpu.memory_space<vmem>>, vector<1x4096x4xf32>
    %get3A_6 = vector.shape_cast %get3A_5 : vector<1x4096x4xf32> to vector<4096x4xf32>
    %slice3A = vector.extract_strided_slice %get3A_6 {offsets = [0, 2], sizes = [4096, 1], strides = [1, 1]} : vector<4096x4xf32> to vector<4096x1xf32>
    %get3A_7 = arith.constant 0 : index
    %get3A_8 = arith.constant 0 : index
    %get3A_9 = arith.constant 0 : index
    %get3A_10 = vector.load %arg4[%get3A_7, %get3A_8, %get3A_9] : memref<1x256x256xf32, #tpu.memory_space<vmem>>, vector<1x256x256xf32>
    %get3A_11 = vector.shape_cast %get3A_10 : vector<1x256x256xf32> to vector<256x256xf32>
    %dot_general3A = arith.constant dense<0.000000e+00> : vector<4096x256xf32>
    %dot_general3A_12 = tpu.matmul %get3A_1, %get3A_11, %dot_general3A {dimension_numbers = #tpu.dot_dimension_numbers<[1], [0], [0], [1], [0, 0, 1, 1], [], []>, transpose_lhs_hint = false} : vector<4096x256xf32>, vector<256x256xf32>, vector<4096x256xf32> -> vector<4096x256xf32>
    %get3A_13 = arith.constant 0 : index
    %get3A_14 = arith.constant 0 : index
    %get3A_15 = arith.constant 0 : index
    %get3A_16 = vector.load %arg2[%get3A_13, %get3A_14, %get3A_15] : memref<1x4096x256xf32, #tpu.memory_space<vmem>>, vector<1x4096x256xf32>
    %get3A_17 = vector.shape_cast %get3A_16 : vector<1x4096x256xf32> to vector<4096x256xf32>
    %add3A = arith.addf %dot_general3A_12, %get3A_17 : vector<4096x256xf32>
    %mul3A = vector.broadcast %slice3A : vector<4096x1xf32> to vector<4096x256xf32>
    %mul3A_18 = arith.mulf %add3A, %mul3A : vector<4096x256xf32>
    %add3A_19 = arith.addf %get3A_1, %mul3A_18 : vector<4096x256xf32>
    %swap3A = arith.constant 0 : index
    %swap3A_20 = arith.constant 0 : index
    %swap3A_21 = vector.load %arg5[%swap3A, %swap3A_20] : memref<4096x256xf32, #tpu.memory_space<vmem>>, vector<4096x256xf32>
    tpu.vector_store %arg5[%swap3A, %swap3A_20], %add3A_19 {strides = array<i32>} : memref<4096x256xf32, #tpu.memory_space<vmem>>, vector<4096x256xf32>,
    return
  }
  func.func @transform_0(%arg0: i32) -> (i32, i32) {
    %c0_i32 = arith.constant 0 : i32
    %c0_i32_0 = arith.constant 0 : i32
    %c0_i32_1 = arith.constant 0 : i32
    return %c0_i32, %c0_i32_0 : i32, i32
  }
  func.func @transform_1(%arg0: i32) -> (i32, i32, i32) {
    %c3_i32 = arith.constant 3 : i32
    %c0_i32 = arith.constant 0 : i32
    %c0_i32_0 = arith.constant 0 : i32
    %c0_i32_1 = arith.constant 0 : i32
    return %c3_i32, %c0_i32, %c0_i32_0 : i32, i32, i32
  }
  func.func @transform_2(%arg0: i32) -> (i32, i32, i32) {
    %c3_i32 = arith.constant 3 : i32
    %c0_i32 = arith.constant 0 : i32
    %c0_i32_0 = arith.constant 0 : i32
    %c0_i32_1 = arith.constant 0 : i32
    return %c3_i32, %c0_i32, %c0_i32_0 : i32, i32, i32
  }
  func.func @transform_3(%arg0: i32) -> (i32, i32, i32) {
    %c3_i32 = arith.constant 3 : i32
    %c0_i32 = arith.constant 0 : i32
    %c0_i32_0 = arith.constant 0 : i32
    %c0_i32_1 = arith.constant 0 : i32
    return %c3_i32, %c0_i32, %c0_i32_0 : i32, i32, i32
  }
  func.func @transform_4(%arg0: i32) -> (i32, i32) {
    %c0_i32 = arith.constant 0 : i32
    %c0_i32_0 = arith.constant 0 : i32
    %c0_i32_1 = arith.constant 0 : i32
    return %c0_i32, %c0_i32_0 : i32, i32
  }
}

module attributes {stable_mosaic.version = 14 : i64} {
  func.func @_layer_tc_body(%arg0: i32, %arg1: memref<4096x256xf32, #tpu.memory_space<vmem>>, %arg2: memref<1x4096x256xf32, #tpu.memory_space<vmem>>, %arg3: memref<1x4096x4xf32, #tpu.memory_space<vmem>>, %arg4: memref<1x256x256xf32, #tpu.memory_space<vmem>>, %arg5: memref<4096x256xf32, #tpu.memory_space<vmem>>) attributes {dimension_semantics = [#tpu.dimension_semantics<arbitrary>], iteration_bounds = array<i64: 1>, scalar_prefetch = 0 : i64, scratch_operands = 0 : i64, tpu.core_type = #tpu.core_type<tc>, window_params = [{pipeline_mode = #tpu.pipeline_mode<synchronous>, transform_indices = @transform_0, window_bounds = array<i64: 4096, 256>}, {transform_indices = @transform_1, window_bounds = array<i64: 1, 4096, 256>}, {transform_indices = @transform_2, window_bounds = array<i64: 1, 4096, 4>}, {transform_indices = @transform_3, window_bounds = array<i64: 1, 256, 256>}, {pipeline_mode = #tpu.pipeline_mode<synchronous>, transform_indices = @transform_4, window_bounds = array<i64: 4096, 256>}]} {
    %get3A = arith.constant 0 : index
    %get3A_0 = arith.constant 0 : index
    %get3A_1 = vector.load %arg1[%get3A, %get3A_0] : memref<4096x256xf32, #tpu.memory_space<vmem>>, vector<4096x256xf32>
    %get3A_2 = arith.constant 0 : index
    %get3A_3 = arith.constant 0 : index
    %get3A_4 = arith.constant 0 : index
    %get3A_5 = vector.load %arg3[%get3A_2, %get3A_3, %get3A_4] : memref<1x4096x4xf32, #tpu.memory_space<vmem>>, vector<1x4096x4xf32>
    %get3A_6 = vector.shape_cast %get3A_5 : vector<1x4096x4xf32> to vector<4096x4xf32>
    %slice3A = vector.extract_strided_slice %get3A_6 {offsets = [0, 2], sizes = [4096, 1], strides = [1, 1]} : vector<4096x4xf32> to vector<4096x1xf32>
    %get3A_7 = arith.constant 0 : index
    %get3A_8 = arith.constant 0 : index
    %get3A_9 = arith.constant 0 : index
    %get3A_10 = vector.load %arg4[%get3A_7, %get3A_8, %get3A_9] : memref<1x256x256xf32, #tpu.memory_space<vmem>>, vector<1x256x256xf32>
    %get3A_11 = vector.shape_cast %get3A_10 : vector<1x256x256xf32> to vector<256x256xf32>
    %dot_general3A = arith.constant dense<0.000000e+00> : vector<4096x256xf32>
    %dot_general3A_12 = tpu.matmul %get3A_1, %get3A_11, %dot_general3A {dimension_numbers = #tpu.dot_dimension_numbers<[1], [0], [0], [1], [0, 0, 1, 1], [], []>, transpose_lhs_hint = false} : vector<4096x256xf32>, vector<256x256xf32>, vector<4096x256xf32> -> vector<4096x256xf32>
    %get3A_13 = arith.constant 0 : index
    %get3A_14 = arith.constant 0 : index
    %get3A_15 = arith.constant 0 : index
    %get3A_16 = vector.load %arg2[%get3A_13, %get3A_14, %get3A_15] : memref<1x4096x256xf32, #tpu.memory_space<vmem>>, vector<1x4096x256xf32>
    %get3A_17 = vector.shape_cast %get3A_16 : vector<1x4096x256xf32> to vector<4096x256xf32>
    %add3A = arith.addf %dot_general3A_12, %get3A_17 : vector<4096x256xf32>
    %mul3A = vector.broadcast %slice3A : vector<4096x1xf32> to vector<4096x256xf32>
    %mul3A_18 = arith.mulf %add3A, %mul3A : vector<4096x256xf32>
    %add3A_19 = arith.addf %get3A_1, %mul3A_18 : vector<4096x256xf32>
    %swap3A = arith.constant 0 : index
    %swap3A_20 = arith.constant 0 : index
    %swap3A_21 = vector.load %arg5[%swap3A, %swap3A_20] : memref<4096x256xf32, #tpu.memory_space<vmem>>, vector<4096x256xf32>
    tpu.vector_store %arg5[%swap3A, %swap3A_20], %add3A_19 {strides = array<i32>} : memref<4096x256xf32, #tpu.memory_space<vmem>>, vector<4096x256xf32>,
    return
  }
  func.func @transform_0(%arg0: i32) -> (i32, i32) {
    %c0_i32 = arith.constant 0 : i32
    %c0_i32_0 = arith.constant 0 : i32
    %c0_i32_1 = arith.constant 0 : i32
    return %c0_i32, %c0_i32_0 : i32, i32
  }
  func.func @transform_1(%arg0: i32) -> (i32, i32, i32) {
    %c4_i32 = arith.constant 4 : i32
    %c0_i32 = arith.constant 0 : i32
    %c0_i32_0 = arith.constant 0 : i32
    %c0_i32_1 = arith.constant 0 : i32
    return %c4_i32, %c0_i32, %c0_i32_0 : i32, i32, i32
  }
  func.func @transform_2(%arg0: i32) -> (i32, i32, i32) {
    %c4_i32 = arith.constant 4 : i32
    %c0_i32 = arith.constant 0 : i32
    %c0_i32_0 = arith.constant 0 : i32
    %c0_i32_1 = arith.constant 0 : i32
    return %c4_i32, %c0_i32, %c0_i32_0 : i32, i32, i32
  }
  func.func @transform_3(%arg0: i32) -> (i32, i32, i32) {
    %c4_i32 = arith.constant 4 : i32
    %c0_i32 = arith.constant 0 : i32
    %c0_i32_0 = arith.constant 0 : i32
    %c0_i32_1 = arith.constant 0 : i32
    return %c4_i32, %c0_i32, %c0_i32_0 : i32, i32, i32
  }
  func.func @transform_4(%arg0: i32) -> (i32, i32) {
    %c0_i32 = arith.constant 0 : i32
    %c0_i32_0 = arith.constant 0 : i32
    %c0_i32_1 = arith.constant 0 : i32
    return %c0_i32, %c0_i32_0 : i32, i32
  }
}

module attributes {stable_mosaic.version = 14 : i64} {
  func.func @_layer_tc_body(%arg0: i32, %arg1: memref<4096x256xf32, #tpu.memory_space<vmem>>, %arg2: memref<1x4096x256xf32, #tpu.memory_space<vmem>>, %arg3: memref<1x4096x4xf32, #tpu.memory_space<vmem>>, %arg4: memref<1x256x256xf32, #tpu.memory_space<vmem>>, %arg5: memref<4096x256xf32, #tpu.memory_space<vmem>>) attributes {dimension_semantics = [#tpu.dimension_semantics<arbitrary>], iteration_bounds = array<i64: 1>, scalar_prefetch = 0 : i64, scratch_operands = 0 : i64, tpu.core_type = #tpu.core_type<tc>, window_params = [{pipeline_mode = #tpu.pipeline_mode<synchronous>, transform_indices = @transform_0, window_bounds = array<i64: 4096, 256>}, {transform_indices = @transform_1, window_bounds = array<i64: 1, 4096, 256>}, {transform_indices = @transform_2, window_bounds = array<i64: 1, 4096, 4>}, {transform_indices = @transform_3, window_bounds = array<i64: 1, 256, 256>}, {pipeline_mode = #tpu.pipeline_mode<synchronous>, transform_indices = @transform_4, window_bounds = array<i64: 4096, 256>}]} {
    %get3A = arith.constant 0 : index
    %get3A_0 = arith.constant 0 : index
    %get3A_1 = vector.load %arg1[%get3A, %get3A_0] : memref<4096x256xf32, #tpu.memory_space<vmem>>, vector<4096x256xf32>
    %get3A_2 = arith.constant 0 : index
    %get3A_3 = arith.constant 0 : index
    %get3A_4 = arith.constant 0 : index
    %get3A_5 = vector.load %arg3[%get3A_2, %get3A_3, %get3A_4] : memref<1x4096x4xf32, #tpu.memory_space<vmem>>, vector<1x4096x4xf32>
    %get3A_6 = vector.shape_cast %get3A_5 : vector<1x4096x4xf32> to vector<4096x4xf32>
    %slice3A = vector.extract_strided_slice %get3A_6 {offsets = [0, 2], sizes = [4096, 1], strides = [1, 1]} : vector<4096x4xf32> to vector<4096x1xf32>
    %get3A_7 = arith.constant 0 : index
    %get3A_8 = arith.constant 0 : index
    %get3A_9 = arith.constant 0 : index
    %get3A_10 = vector.load %arg4[%get3A_7, %get3A_8, %get3A_9] : memref<1x256x256xf32, #tpu.memory_space<vmem>>, vector<1x256x256xf32>
    %get3A_11 = vector.shape_cast %get3A_10 : vector<1x256x256xf32> to vector<256x256xf32>
    %dot_general3A = arith.constant dense<0.000000e+00> : vector<4096x256xf32>
    %dot_general3A_12 = tpu.matmul %get3A_1, %get3A_11, %dot_general3A {dimension_numbers = #tpu.dot_dimension_numbers<[1], [0], [0], [1], [0, 0, 1, 1], [], []>, transpose_lhs_hint = false} : vector<4096x256xf32>, vector<256x256xf32>, vector<4096x256xf32> -> vector<4096x256xf32>
    %get3A_13 = arith.constant 0 : index
    %get3A_14 = arith.constant 0 : index
    %get3A_15 = arith.constant 0 : index
    %get3A_16 = vector.load %arg2[%get3A_13, %get3A_14, %get3A_15] : memref<1x4096x256xf32, #tpu.memory_space<vmem>>, vector<1x4096x256xf32>
    %get3A_17 = vector.shape_cast %get3A_16 : vector<1x4096x256xf32> to vector<4096x256xf32>
    %add3A = arith.addf %dot_general3A_12, %get3A_17 : vector<4096x256xf32>
    %mul3A = vector.broadcast %slice3A : vector<4096x1xf32> to vector<4096x256xf32>
    %mul3A_18 = arith.mulf %add3A, %mul3A : vector<4096x256xf32>
    %add3A_19 = arith.addf %get3A_1, %mul3A_18 : vector<4096x256xf32>
    %swap3A = arith.constant 0 : index
    %swap3A_20 = arith.constant 0 : index
    %swap3A_21 = vector.load %arg5[%swap3A, %swap3A_20] : memref<4096x256xf32, #tpu.memory_space<vmem>>, vector<4096x256xf32>
    tpu.vector_store %arg5[%swap3A, %swap3A_20], %add3A_19 {strides = array<i32>} : memref<4096x256xf32, #tpu.memory_space<vmem>>, vector<4096x256xf32>,
    return
  }
  func.func @transform_0(%arg0: i32) -> (i32, i32) {
    %c0_i32 = arith.constant 0 : i32
    %c0_i32_0 = arith.constant 0 : i32
    %c0_i32_1 = arith.constant 0 : i32
    return %c0_i32, %c0_i32_0 : i32, i32
  }
  func.func @transform_1(%arg0: i32) -> (i32, i32, i32) {
    %c5_i32 = arith.constant 5 : i32
    %c0_i32 = arith.constant 0 : i32
    %c0_i32_0 = arith.constant 0 : i32
    %c0_i32_1 = arith.constant 0 : i32
    return %c5_i32, %c0_i32, %c0_i32_0 : i32, i32, i32
  }
  func.func @transform_2(%arg0: i32) -> (i32, i32, i32) {
    %c5_i32 = arith.constant 5 : i32
    %c0_i32 = arith.constant 0 : i32
    %c0_i32_0 = arith.constant 0 : i32
    %c0_i32_1 = arith.constant 0 : i32
    return %c5_i32, %c0_i32, %c0_i32_0 : i32, i32, i32
  }
  func.func @transform_3(%arg0: i32) -> (i32, i32, i32) {
    %c5_i32 = arith.constant 5 : i32
    %c0_i32 = arith.constant 0 : i32
    %c0_i32_0 = arith.constant 0 : i32
    %c0_i32_1 = arith.constant 0 : i32
    return %c5_i32, %c0_i32, %c0_i32_0 : i32, i32, i32
  }
  func.func @transform_4(%arg0: i32) -> (i32, i32) {
    %c0_i32 = arith.constant 0 : i32
    %c0_i32_0 = arith.constant 0 : i32
    %c0_i32_1 = arith.constant 0 : i32
    return %c0_i32, %c0_i32_0 : i32, i32
  }
}

</mosaic_0001>

<sc_bundles>
// kernel: kernel.25.cloned.1.call-start
scs
__scs_entry_jumppad:
0x0: {  	(pc) =	sbr.rel $0x88, $3  }
0x1: {  	(tag) =	ssettag $0x0;
	lr =	simm.s32 $0x1  }
0x2: {  	[smem:$0x3F98] =	sst lr;
	_ =	strace $0xD0000000  }
0x3: {  	_ = 	snop  }
0x4: {  	_ = 	snop  }
0x5: {  	_ = 	snop  }
0x6: {  	_ = 	snop  }
0x7: {  	_ = 	snop  }
__scs_overlays_trampoline_lowered:
0x8: {  	[smem:$0x3FA7] =	sst s0  }
0x9: {  	[smem:$0x3FA8] =	sst s1  }
0xa: {  	[smem:$0x3FA9] =	sst s2  }
0xb: {  	[smem:$0x3FAA] =	sst s3  }
0xc: {  	[smem:$0x3FAB] =	sst s4  }
0xd: {  	[smem:$0x3FAC] =	sst s5  }
0xe: {  	[smem:$0x3FAD] =	sst s6  }
0xf: {  	[smem:$0x3FAE] =	sst s7  }
0x10: {  	[smem:$0x3FAF] =	sst s8  }
0x11: {  	[smem:$0x3FB0] =	sst s9;
	s0 =	simm.s32 @!p0 $0x0  }
0x12: {  	s1 =	sld [smem:$0x3F96];
	s0 =	simm.s32 @p0 $0x1  }
0x13: {  	[smem:$0x3FB1] =	sst s0;
	s0 =	simm.s32 @!p1 $0x0  }
0x14: {  	s2 =	sld [smem:$0x3F95];
	s0 =	simm.s32 @p1 $0x1  }
0x15: {  	[smem:$0x3FB2] =	sst s0;
	s0 =	simm.s32 @!p2 $0x0  }
0x16: {  	s3 =	sld [smem:$0x3FDB];
	s0 =	simm.s32 @p2 $0x1  }
0x17: {  	s4 =	simm.s32 $0x1BF5;
	[smem:$0x3FB4] =	sst s0  }
0x18: {  	s0 =	sld [smem:$0x3F97];
	_ =	swait.ge [sflag:s4], $0x0  }
0x19: {  	s7 =	sld [smem:$0x3F98]  }
0x1a: {  	s8 =	sadd.s32 $0xFFFFE003, lr  }
0x1b: {  	s9 =	sadd.s32 $0xFFFFFEF7, lr;
	s5 =	simm.s32 $0xFFFFFFFF;
	p2 =	slt.u32 s8, $0xFFFFF086  }
0x1c: {  	p1 =	slt.u32 s9, $0xF7A;
	s5 =	simm.s32 @!p2 $0x0  }
0x1d: {  	s5 =	simm.s32 @p1 $0x1;
	p0 =	seq.s32 s7, s2  }
0x1e: {  	s7 =	smul.u32 @!p0 $0xF7A, s2;
	p2 =	seq.s32 @!p0 s5, $0x0  }
0x1f: {  	s9 =	smul.u32 $0xF7A, s1;
	s8 =	simm.s32 @!p0 $0x1BF5;
	p2 =	por !p2, p0  }
0x20: {  	[sflag:s8] =	ssyncset.s32 @!p0 $0xFFFFF086;
	s6 =	sadd.s32 @!p0 s3, s7;
	s7 =	simm.s32 @!p0 $0x108  }
0x21: {  	s3 =	sadd.s32 s3, s9;
	s6 =	sadd.s32 @!p0 $0x88, s6;
	s7 =	simm.s32 @p2 $0x1082  }
0x22: {  	[simem:s7], [sflag:s8] =	dma.local @!p0 [hbm:s6], $0xF7A  }
0x23: {  	s9 =	sor.u32 $0xD0000000, s2;
	s6 =	simm.s32 $0x108;
	_ =	swait.ge @!p0 [sflag:s8], $0x0  }
0x24: {  	s3 =	sadd.s32 $0x88, s3;
	s6 =	simm.s32 @!p1 $0x1082;
	[sflag:s4] =	ssyncset.s32 $0xFFFFF086  }
0x25: {  	[simem:s6], [sflag:s4] =	dma.local [hbm:s3], $0xF7A  }
0x26: {  	[smem:$0x3F98] =	sst s1;
	(tag) =	ssettag s2;
	_ =	strace s9  }
0x27: {  	s1 =	sld [smem:$0x3FA8]  }
0x28: {  	s2 =	sld [smem:$0x3FA9]  }
0x29: {  	s4 =	sld [smem:$0x3FAB]  }
0x2a: {  	p0 =	seq.s32 s5, $0x0;
	s5 =	sld [smem:$0x3FAC]  }
0x2b: {  	s6 =	sld [smem:$0x3FAD]  }
0x2c: {  	s7 =	sld [smem:$0x3FAE]  }
0x2d: {  	s3 =	simm.s32 $0x108;
	s8 =	sld [smem:$0x3FAF]  }
0x2e: {  	s3 =	simm.s32 @!p0 $0x1082;
	s9 =	sld [smem:$0x3FB0]  }
0x2f: {  	lr =	sadd.s32 s0, s3;
	s0 =	sld [smem:$0x3FA7]  }
0x30: {  	s3 =	sld [smem:$0x3FAA]  }
0x31: {  	[smem:$0x3FB3] =	sst s10  }
0x32: {  	s10 =	sld [smem:$0x3FB1];
	_ =	sdelay $0x3  }
0x33: {  	p0 =	seq.s32 s10, $0x1;
	s10 =	sld [smem:$0x3FB3];
	_ =	sdelay $0x3  }
0x34: {  	[smem:$0x3FB3] =	sst s10  }
0x35: {  	s10 =	sld [smem:$0x3FB2];
	_ =	sdelay $0x3  }
0x36: {  	p1 =	seq.s32 s10, $0x1;
	s10 =	sld [smem:$0x3FB3];
	_ =	sdelay $0x3  }
0x37: {  	[smem:$0x3FB3] =	sst s10  }
0x38: {  	s10 =	sld [smem:$0x3FB4]  }
0x39: {  	_ = 	snop;
	(pc) =	sbr.ind lr, $3  }
0x3a: {  	_ = 	snop  }
0x3b: {  	_ = 	snop  }
0x3c: {  	p2 =	seq.s32 s10, $0x1;
	s10 =	sld [smem:$0x3FB3]  }
0x3d: {  	_ =	shalt  }
0x3e: {  	_ =	shalt  }
0x3f: {  	_ =	shalt  }
0x40: {  	_ =	shalt  }
0x41: {  	_ =	shalt  }
0x42: {  	_ =	shalt  }
0x43: {  	_ =	shalt  }
0x44: {  	_ =	shalt  }
0x45: {  	_ =	shalt  }
0x46: {  	_ =	shalt  }
0x47: {  	_ =	shalt  }
0x48: {  	_ =	shalt  }
0x49: {  	_ =	shalt  }
0x4a: {  	_ =	shalt  }
0x4b: {  	_ =	shalt  }
0x4c: {  	_ =	shalt  }
0x4d: {  	_ =	shalt  }
0x4e: {  	_ =	shalt  }
0x4f: {  	_ =	shalt  }
0x50: {  	_ =	shalt  }
0x51: {  	_ =	shalt  }
0x52: {  	_ =	shalt  }
0x53: {  	_ =	shalt  }
0x54: {  	_ =	shalt  }
0x55: {  	_ =	shalt  }
0x56: {  	_ =	shalt  }
0x57: {  	_ =	shalt  }
0x58: {  	_ =	shalt  }
0x59: {  	_ =	shalt  }
0x5a: {  	_ =	shalt  }
0x5b: {  	_ =	shalt  }
0x5c: {  	_ =	shalt  }
0x5d: {  	_ =	shalt  }
0x5e: {  	_ =	shalt  }
0x5f: {  	_ =	shalt  }
0x60: {  	_ =	shalt  }
0x61: {  	_ =	shalt  }
0x62: {  	_ =	shalt  }
0x63: {  	_ =	shalt  }
0x64: {  	_ =	shalt  }
0x65: {  	_ =	shalt  }
0x66: {  	_ =	shalt  }
0x67: {  	_ =	shalt  }
0x68: {  	_ =	shalt  }
0x69: {  	_ =	shalt  }
0x6a: {  	_ =	shalt  }
0x6b: {  	_ =	shalt  }
0x6c: {  	_ =	shalt  }
0x6d: {  	_ =	shalt  }
0x6e: {  	_ =	shalt  }
0x6f: {  	_ =	shalt  }
0x70: {  	_ =	shalt  }
0x71: {  	_ =	shalt  }
0x72: {  	_ =	shalt  }
0x73: {  	_ =	shalt  }
0x74: {  	_ =	shalt  }
0x75: {  	_ =	shalt  }
0x76: {  	_ =	shalt  }
0x77: {  	_ =	shalt  }
0x78: {  	_ =	shalt  }
0x79: {  	_ =	shalt  }
0x7a: {  	_ =	shalt  }
0x7b: {  	_ =	shalt  }
0x7c: {  	_ =	shalt  }
0x7d: {  	_ =	shalt  }
0x7e: {  	_ =	shalt  }
0x7f: {  	_ =	shalt  }
0x80: {  	_ =	shalt  }
0x81: {  	_ =	shalt  }
0x82: {  	_ =	shalt  }
0x83: {  	_ =	shalt  }
0x84: {  	_ =	shalt  }
0x85: {  	_ =	shalt  }
0x86: {  	_ =	shalt  }
0x87: {  	_ =	shalt  }
.Lfunc_end0:
.L_simem_size_0:
called_computation_lowered:
.L_overlay_start_0:
0x88: {  	s2 =	sld [smem:$0x3FD9]  }
0x89: {  	s3 =	sld [smem:$0x3FFE];
	_ =	sdelay $0x1  }
0x8a: {  	s1 =	srdreg.scid  }
0x8b: {  	s0 =	sand.u32 $0x1, s1  }
0x8c: {  	s17 =	sshll.u32 s0, $0xA;
	s2 =	sadd.s32 s3, s2  }
0x8d: {  	s2 =	sadd.s32 s2, s17  }
0x8e: {  	[smem:$0x3FBF] =	sst s2  }
0x8f: {  	_ = 	snop  }
0x90: {  	s18 =	sld [smem:$0x3FC8];
	(tm) =	ssettm $0x1  }
0x91: {  	s19 =	sld [smem:$0x3FFB];
	_ =	sdelay $0x3  }
0x92: {  	_ =	strace s19  }
0x93: {  	s2 =	sld [smem:$0x3FFC];
	_ =	sdelay $0x3  }
0x94: {  	_ =	strace s2  }
0x95: {  	s2 =	sld [smem:$0x3FFD];
	_ =	sdelay $0x3  }
0x96: {  	_ =	strace s2  }
0x97: {  	_ =	strace $0x8FFFFFFF  }
0x98: {  	s20 =	sld [smem:$0x3FDB];
	_ =	sdelay $0x1  }
0x99: {  	s4 =	simm.s32 $_scs_section_size  }
0x9a: {  	s5 =	simm.s32 $_size__tile_overlayer_lowered;
	s6 =	simm.s32 $_tile_overlayer_lowered  }
0x9b: {  	s7 =	simm.s32 $0x1BFF;
	s21 =	sshll.u32 s6, $0x1;
	s4 =	sadd.s32 s4, s20  }
0x9c: {  	s22 =	simm.s32 $0x0;
	s5 =	sshll.u32 s5, $0x1;
	s6 =	sadd.s32 s21, s4  }
0x9d: {  	[timem:s22], [sflag:s7] =	dma.local [hbm:s6], s5  }
0x9e: {  	_ =	swait.ge [sflag:s7], s5  }
0x9f: {  	s5 =	ssub.s32 $0x0, s5;
	[sflag:s7] =	ssyncset.done $0x0  }
0xa0: {  	[sflag:s7] =	ssyncadd.s32 s5;
	_ =	sdelay $0x1  }
0xa1: {  	s23 =	simm.s32 $0x1B8B  }
0xa2: {  	_ =	swait.ge [sflag:s23], $0x1  }
0xa3: {  	[sflag:s23] =	ssyncset.done $0x0  }
0xa4: {  	[sflag:s23] =	ssyncadd.s32 $0xFFFFFFFF  }
0xa5: {  	s5 =	sld [smem:$0x0]  }
0xa6: {  	s6 =	sand.u32 $0xFFFFFFFE, s1  }
0xa7: {  	p0 =	sne.s32 s1, s6  }
0xa8: {  	s6 =	sshll.u32 @p0 s6, $0xE  }
0xa9: {  	s6 =	sadd.s32 @p0 $0x11B8D, s6;
	s7 =	sshll.u32 @p0 s5, $0x11  }
0xaa: {  	s6 =	sor.u32 @p0 s7, s6  }
0xab: {  	[sflag:s6] =	ssyncadd.remote.s32 @p0 $0x1;
	_ =	sdelay $0x1  }
0xac: {  	s6 =	simm.s32 @p0 $0x1B8D  }
0xad: {  	_ =	swait.eq @p0 [sflag:s6], $0x1  }
0xae: {  	[sflag:s6] =	ssyncadd.s32 @p0 $0xFFFFFFFF  }
0xaf: {  	s7 =	sshll.u32 @!p0 s1, $0xE  }
0xb0: {  	s7 =	sor.u32 @!p0 $0x4000, s7;
	s6 =	simm.s32 @!p0 $0x1B8D  }
0xb1: {  	s5 =	sshll.u32 @!p0 s5, $0x11;
	s7 =	sadd.s32 @!p0 $0x11B8D, s7;
	_ =	swait.eq @!p0 [sflag:s6], $0x1  }
0xb2: {  	s5 =	sor.u32 @!p0 s5, s7;
	[sflag:s6] =	ssyncadd.s32 @!p0 $0xFFFFFFFF  }
0xb3: {  	s25 =	simm.s32 $0x1B8E;
	s24 =	sld [smem:$0x3FFE];
	[sflag:s5] =	ssyncadd.remote.s32 @!p0 $0x1  }
0xb4: {  	s26 =	simm.s32 $execute0_lowered;
	[smem:$0x3FD2] =	sst s25  }
0xb5: {  	s6 =	sshll.u32 s26, $0x1;
	_ =	strace $0x80000049;
	[dreg:$0x1] =	wrdreg $0xFFFFFFFF  }
0xb6: {  	s28 =	simm.s32 $_size_execute0_lowered;
	s4 =	sadd.s32 s4, s6;
	[dreg:$0x0] =	wrdreg $0x0  }
0xb7: {  	s6 =	sshll.u32 s28, $0x1;
	[dreg:$0x2] =	wrdreg s4  }
0xb8: {  	[dreg:$0x3] =	wrdreg s6  }
0xb9: {  	[dreg:$0x4] =	wrdreg $0xC0  }
0xba: {  	_ =	task [dreg:s22], $0x5FFFF  }
0xbb: {  	[dreg:$0x1] =	wrdreg $0xFFFFFFFF  }
0xbc: {  	[dreg:$0x0] =	wrdreg $0x60  }
0xbd: {  	[dreg:$0x2] =	wrdreg s18  }
0xbe: {  	[dreg:$0x3] =	wrdreg s24  }
0xbf: {  	[dreg:$0x4] =	wrdreg $0x9  }
0xc0: {  	_ =	task.clear_ibuf [dreg:s22], $0x5FFFF;
	_ =	strace $0x90000049  }
0xc1: {  	s29 =	simm.s32 $0x9;
	_ =	strace $0x8000004B  }
0xc2: {  	_ =	swait.ge [sflag:s29], $0x1  }
0xc3: {  	[sflag:s29] =	ssyncadd.s32 $0xFFFFFFFF  }
0xc4: {  	_ =	strace $0x9000004B  }
0xc5: {  	_ =	sfence  }
0xc6: {  	s30 =	sld [smem:$0x0];
	_ =	sdelay $0x2  }
0xc7: {  	s31 =	sshll.u32 s1, $0xD;
	s1 =	sshrl.u32 s1, $0x2  }
0xc8: {  	s4 =	sand.u32 $0x4000, s31;
	s1 =	sadd.s32 s1, s30  }
0xc9: {  	s0 =	sor.u32 s4, s0;
	s1 =	sshll.u32 s1, $0x11  }
0xca: {  	s0 =	sor.u32 s1, s0  }
0xcb: {  	s0 =	sadd.s32 $0x8F2B, s0  }
0xcc: {  	[sflag:s0] =	ssyncadd.remote.s32 $0x1  }
0xcd: {  	_ =	sfence.sel $0xFFFF  }
0xce: {  	[dreg:$0x0] =	wrdreg $0xFFFFFFFF;
	(pc) =	sbr.abs _section_cstart, $3  }
0xcf: {  	[dreg:$0x1] =	wrdreg $0xFFFFFFFF  }
0xd0: {  	_ =	task.clear_ibuf [dreg:s22], $0x2FFFF;
	_ =	strace $0x9FFFFFFF  }
0xd1: {  	(tm) =	ssettm $0x7FFFFFFF  }
tec
execute0_lowered:
.L_overlay_start_1:
0x0: {  	(tag) =	ssettag $0x1  }
0x1: {  	s2 =	rddreg [dreg:$0x0];
	s0 =	srdreg.scid  }
0x2: {  	s3 =	stileid.u32;
	s1 =	rddreg [dreg:$0x1]  }
0x3: {  	s28 =	simm.s32 $0x5880;
	s29 =	simm.s32 $0x6080;
	s30 =	simm.s32 $0x6880  }
0x4: {  	s31 =	simm.s32 $0x7080;
	s10 =	simm.s32 $0xA100;
	s0 =	sand.u32 $0x1, s0  }
0x5: {  	s4 =	sshll.u32 s3, $0x1;
	s3 =	simm.s32 $0x0;
	s6 =	sadd.s32 $0x8600, s1  }
0x6: {  	s1 =	sadd.s32 $0x69200, s1;
	s4 =	sor.u32 s0, s4;
	s0 =	ssub.s32 $0x2, s0  }
0x7: {  	[smem:$0x7FF] =	sst s3;
	s5 =	smul.u32 $0x300, s4;
	s20 =	sshrl.u32 s0, $0x1  }
0x8: {  	_ =	strace $0x8000004A;
	s4 =	smul.u32 $0x6000, s4;
	s0 =	ssub.s32 s0, s20  }
0x9: {  	s20 =	simm.s32 $0x2880;
	s7 =	sshrl.u32 s5, $0x3;
	s8 =	sor.u32 $0x80, s5  }
0xa: {  	s4 =	sadd.s32 s1, s4;
	s12 =	sadd.s32 $0x100, s5;
	s14 =	sadd.s32 $0x180, s5  }
0xb: {  	s19 =	sadd.s32 $0x200, s5;
	s5 =	sadd.s32 $0x280, s5;
	s7 =	sadd.s32 s6, s7  }
0xc: {  	s9 =	sshrl.u32 s8, $0x3;
	[dreg:$0x5] =	wrdreg s4;
	s13 =	sshrl.u32 s12, $0x3  }
0xd: {  	s8 =	sshll.u32 s8, $0x5;
	s16 =	sshrl.u32 s14, $0x3;
	s21 =	sshrl.u32 s19, $0x3  }
0xe: {  	s23 =	sshrl.u32 s5, $0x3;
	s25 =	sshll.u32 s19, $0x5;
	s5 =	sshll.u32 s5, $0x5  }
0xf: {  	s19 =	simm.s32 $0x2080;
	[dreg:$0x3] =	wrdreg s7;
	s11 =	sadd.s32 s6, s9  }
0x10: {  	s4 =	sadd.s32 s6, s13;
	s15 =	sadd.s32 s1, s8;
	s17 =	sadd.s32 s6, s16  }
0x11: {  	s7 =	sshll.u32 s12, $0x5;
	s9 =	sshll.u32 s14, $0x5;
	s24 =	sadd.s32 s6, s23  }
0x12: {  	s26 =	sadd.s32 s1, s25;
	s13 =	simm.s32 $0x1;
	[dreg:$0x4] =	wrdreg s11  }
0x13: {  	s14 =	simm.s32 $0x2;
	s23 =	simm.s32 $0x80;
	[dreg:$0x6] =	wrdreg s4  }
0x14: {  	s16 =	simm.s32 $0x880;
	s25 =	simm.s32 $0x4880;
	[dreg:$0x7] =	wrdreg s15  }
0x15: {  	s8 =	simm.s32 $0x9100;
	s12 =	simm.s32 $0xB100;
	[dreg:$0x8] =	wrdreg s17  }
0x16: {  	s18 =	sadd.s32 s1, s7;
	s4 =	sadd.s32 s6, s21;
	[dreg:$0xc] =	wrdreg s24  }
0x17: {  	s22 =	sadd.s32 s1, s9;
	[dreg:$0xd] =	wrdreg s26;
	s1 =	sadd.s32 s1, s5  }
0x18: {  	s5 =	simm.s32 $0x3;
	s17 =	simm.s32 $0x1080;
	[dreg:$0x9] =	wrdreg s18  }
0x19: {  	s21 =	simm.s32 $0x3080;
	s24 =	simm.s32 $0x4080;
	[dreg:$0xa] =	wrdreg s4  }
0x1a: {  	v2 =	vlaneseq.u32;
	s26 =	simm.s32 $0x5080;
	s7 =	simm.s32 $0x8900;
	[dreg:$0xb] =	wrdreg s22  }
0x1b: {  	vm0 =	vmmov $0xffff;
	v1 =	vshrl.u32 v2, $0x3;
	s9 =	simm.s32 $0x9900;
	s11 =	simm.s32 $0xA900;
	[dreg:$0xe] =	wrdreg s1  }
0x1c: {  	v0 =	vand.u32 $0x7, v2;
	v2 =	vor.u32 $0x8, v2;
	v1 =	vmul.u32 $0x8, v1;
	s4 =	smax.u32 s0, $0x1;
	s18 =	simm.s32 $0x1880;
	s22 =	simm.s32 $0x3880  }
.LBB2_1:
0x1d: {  	s15 =	rddreg [dreg:$0x3]  }
0x1e: {  	[tilespmem:s3], [sflag:$0x3] =	stream.linear.gather [hbm4b:s15+s3], $0x80, $0x38;
	[tilespmem:$0x10100] =	vst v63  }
0x1f: {  	_ =	swait.ge [sflag:s5], $0x80  }
0x20: {  	[sflag:s5] =	ssyncset.done $0x0  }
0x21: {  	[sflag:s5] =	ssyncadd.s32 $0xFFFFFF80  }
0x22: {  	v3 =	vld [tilespmem:$0x0];
	_ =	sdelay $0x4  }
0x23: {  	v4 =	vshll.u32 v3, $0x1  }
0x24: {  	v3 =	vand.u32 $0x7, v3;
	v4 =	vand.u32 $0xFFFFFFF0, v4  }
0x25: {  	v3 =	vor.u32 v3, v4  }
0x26: {  	v4 =	vperm.xlane v3, v0;
	_ =	sdelay $0x1  }
0x27: {  	v3 =	vperm.xlane v3, v2;
	v4 =	vadd.s32 v1, v4;
	_ =	sdelay $0x1  }
0x28: {  	v3 =	vadd.s32 v1, v3;
	_ =	sdelay $0x2  }
0x29: {  	[tilespmem:s23], [sflag:$0x1] =	stream.indirect_vreg.gather [hbm4b:s2+s3], $0x80, v4, vm0, $0xb8;
	[tilespmem:$0x10100] =	vst v63  }
0x2a: {  	_ = 	snop  }
0x2b: {  	[tilespmem:s16], [sflag:$0x1] =	stream.indirect_vreg.gather [hbm4b:s2+s3], $0x80, v3, vm0, $0xb8;
	[tilespmem:$0x10100] =	vst v63  }
0x2c: {  	v3 =	vld [tilespmem:$0x10];
	_ =	sdelay $0x4  }
0x2d: {  	v17 =	vshll.u32 v3, $0x1  }
0x2e: {  	v3 =	vand.u32 $0x7, v3;
	v4 =	vand.u32 $0xFFFFFFF0, v17  }
0x2f: {  	v3 =	vor.u32 v3, v4  }
0x30: {  	v4 =	vperm.xlane v3, v0;
	_ =	sdelay $0x1  }
0x31: {  	v3 =	vperm.xlane v3, v2;
	v4 =	vadd.s32 v1, v4;
	_ =	sdelay $0x1  }
0x32: {  	v3 =	vadd.s32 v1, v3;
	_ =	sdelay $0x2  }
0x33: {  	[tilespmem:s17], [sflag:$0x1] =	stream.indirect_vreg.gather [hbm4b:s2+s3], $0x80, v4, vm0, $0xb8;
	[tilespmem:$0x10100] =	vst v63  }
0x34: {  	_ = 	snop  }
0x35: {  	[tilespmem:s18], [sflag:$0x1] =	stream.indirect_vreg.gather [hbm4b:s2+s3], $0x80, v3, vm0, $0xb8;
	[tilespmem:$0x10100] =	vst v63  }
0x36: {  	v3 =	vld [tilespmem:$0x20];
	_ =	sdelay $0x4  }
0x37: {  	v18 =	vshll.u32 v3, $0x1  }
0x38: {  	v3 =	vand.u32 $0x7, v3;
	v4 =	vand.u32 $0xFFFFFFF0, v18  }
0x39: {  	v3 =	vor.u32 v3, v4  }
0x3a: {  	v4 =	vperm.xlane v3, v0;
	_ =	sdelay $0x1  }
0x3b: {  	v3 =	vperm.xlane v3, v2;
	v4 =	vadd.s32 v1, v4;
	_ =	sdelay $0x1  }
0x3c: {  	v3 =	vadd.s32 v1, v3;
	_ =	sdelay $0x2  }
0x3d: {  	[tilespmem:s19], [sflag:$0x1] =	stream.indirect_vreg.gather [hbm4b:s2+s3], $0x80, v4, vm0, $0xb8;
	[tilespmem:$0x10100] =	vst v63  }
0x3e: {  	_ = 	snop  }
0x3f: {  	[tilespmem:s20], [sflag:$0x1] =	stream.indirect_vreg.gather [hbm4b:s2+s3], $0x80, v3, vm0, $0xb8;
	[tilespmem:$0x10100] =	vst v63  }
0x40: {  	v3 =	vld [tilespmem:$0x30];
	_ =	sdelay $0x4  }
0x41: {  	v19 =	vshll.u32 v3, $0x1  }
0x42: {  	v3 =	vand.u32 $0x7, v3;
	v4 =	vand.u32 $0xFFFFFFF0, v19  }
0x43: {  	v3 =	vor.u32 v3, v4  }
0x44: {  	v4 =	vperm.xlane v3, v0;
	_ =	sdelay $0x1  }
0x45: {  	v3 =	vperm.xlane v3, v2;
	v4 =	vadd.s32 v1, v4;
	_ =	sdelay $0x1  }
0x46: {  	v3 =	vadd.s32 v1, v3;
	_ =	sdelay $0x2  }
0x47: {  	[tilespmem:s21], [sflag:$0x1] =	stream.indirect_vreg.gather [hbm4b:s2+s3], $0x80, v4, vm0, $0xb8;
	[tilespmem:$0x10100] =	vst v63  }
0x48: {  	_ = 	snop  }
0x49: {  	[tilespmem:s22], [sflag:$0x1] =	stream.indirect_vreg.gather [hbm4b:s2+s3], $0x80, v3, vm0, $0xb8;
	[tilespmem:$0x10100] =	vst v63  }
0x4a: {  	v3 =	vld [tilespmem:$0x40];
	_ =	sdelay $0x4  }
0x4b: {  	v20 =	vshll.u32 v3, $0x1  }
0x4c: {  	v3 =	vand.u32 $0x7, v3;
	v4 =	vand.u32 $0xFFFFFFF0, v20  }
0x4d: {  	v3 =	vor.u32 v3, v4  }
0x4e: {  	v4 =	vperm.xlane v3, v0;
	_ =	sdelay $0x1  }
0x4f: {  	v3 =	vperm.xlane v3, v2;
	v4 =	vadd.s32 v1, v4;
	_ =	sdelay $0x1  }
0x50: {  	v3 =	vadd.s32 v1, v3;
	_ =	sdelay $0x2  }
0x51: {  	[tilespmem:s24], [sflag:$0x1] =	stream.indirect_vreg.gather [hbm4b:s2+s3], $0x80, v4, vm0, $0xb8;
	[tilespmem:$0x10100] =	vst v63  }
0x52: {  	_ = 	snop  }
0x53: {  	[tilespmem:s25], [sflag:$0x1] =	stream.indirect_vreg.gather [hbm4b:s2+s3], $0x80, v3, vm0, $0xb8;
	[tilespmem:$0x10100] =	vst v63  }
0x54: {  	v3 =	vld [tilespmem:$0x50];
	_ =	sdelay $0x4  }
0x55: {  	v21 =	vshll.u32 v3, $0x1  }
0x56: {  	v3 =	vand.u32 $0x7, v3;
	v4 =	vand.u32 $0xFFFFFFF0, v21  }
0x57: {  	v3 =	vor.u32 v3, v4  }
0x58: {  	v4 =	vperm.xlane v3, v0;
	_ =	sdelay $0x1  }
0x59: {  	v3 =	vperm.xlane v3, v2;
	v4 =	vadd.s32 v1, v4;
	_ =	sdelay $0x1  }
0x5a: {  	v3 =	vadd.s32 v1, v3;
	_ =	sdelay $0x2  }
0x5b: {  	[tilespmem:s26], [sflag:$0x1] =	stream.indirect_vreg.gather [hbm4b:s2+s3], $0x80, v4, vm0, $0xb8;
	[tilespmem:$0x10100] =	vst v63  }
0x5c: {  	_ = 	snop  }
0x5d: {  	[tilespmem:s28], [sflag:$0x1] =	stream.indirect_vreg.gather [hbm4b:s2+s3], $0x80, v3, vm0, $0xb8;
	[tilespmem:$0x10100] =	vst v63  }
0x5e: {  	v3 =	vld [tilespmem:$0x60];
	_ =	sdelay $0x4  }
0x5f: {  	v22 =	vshll.u32 v3, $0x1  }
0x60: {  	v3 =	vand.u32 $0x7, v3;
	v4 =	vand.u32 $0xFFFFFFF0, v22  }
0x61: {  	v3 =	vor.u32 v3, v4  }
0x62: {  	v4 =	vperm.xlane v3, v0;
	_ =	sdelay $0x1  }
0x63: {  	v3 =	vperm.xlane v3, v2;
	v4 =	vadd.s32 v1, v4;
	_ =	sdelay $0x1  }
0x64: {  	v3 =	vadd.s32 v1, v3;
	_ =	sdelay $0x2  }
0x65: {  	[tilespmem:s29], [sflag:$0x1] =	stream.indirect_vreg.gather [hbm4b:s2+s3], $0x80, v4, vm0, $0xb8;
	[tilespmem:$0x10100] =	vst v63  }
0x66: {  	_ = 	snop  }
0x67: {  	[tilespmem:s30], [sflag:$0x1] =	stream.indirect_vreg.gather [hbm4b:s2+s3], $0x80, v3, vm0, $0xb8;
	[tilespmem:$0x10100] =	vst v63  }
0x68: {  	v3 =	vld [tilespmem:$0x70];
	_ =	sdelay $0x4  }
0x69: {  	v23 =	vshll.u32 v3, $0x1  }
0x6a: {  	v3 =	vand.u32 $0x7, v3;
	v4 =	vand.u32 $0xFFFFFFF0, v23  }
0x6b: {  	v3 =	vor.u32 v3, v4  }
0x6c: {  	v4 =	vperm.xlane v3, v0;
	_ =	sdelay $0x1  }
0x6d: {  	v3 =	vperm.xlane v3, v2;
	v4 =	vadd.s32 v1, v4;
	_ =	sdelay $0x1  }
0x6e: {  	v3 =	vadd.s32 v1, v3;
	_ =	sdelay $0x2  }
0x6f: {  	[tilespmem:s31], [sflag:$0x1] =	stream.indirect_vreg.gather [hbm4b:s2+s3], $0x80, v4, vm0, $0xb8;
	[tilespmem:$0x10100] =	vst v63  }
0x70: {  	s1 =	simm.s32 $0x7880  }
0x71: {  	[tilespmem:s1], [sflag:$0x1] =	stream.indirect_vreg.gather [hbm4b:s2+s3], $0x80, v3, vm0, $0xb8;
	[tilespmem:$0x10100] =	vst v63  }
0x72: {  	s0 =	simm.s32 $0x8080;
	s6 =	rddreg [dreg:$0x4]  }
0x73: {  	[tilespmem:s0], [sflag:$0x3] =	stream.linear.gather [hbm4b:s6+s3], $0x80, $0x38;
	[tilespmem:$0x10100] =	vst v63  }
0x74: {  	_ =	swait.ge [sflag:s5], $0x80  }
0x75: {  	[sflag:s5] =	ssyncset.done $0x0  }
0x76: {  	[sflag:s5] =	ssyncadd.s32 $0xFFFFFF80  }
0x77: {  	v3 =	vld [tilespmem:$0x8080];
	_ =	sdelay $0x4  }
0x78: {  	v24 =	vshll.u32 v3, $0x1  }
0x79: {  	v3 =	vand.u32 $0x7, v3;
	v4 =	vand.u32 $0xFFFFFFF0, v24  }
0x7a: {  	v3 =	vor.u32 v3, v4  }
0x7b: {  	v4 =	vperm.xlane v3, v0;
	_ =	sdelay $0x1  }
0x7c: {  	v3 =	vperm.xlane v3, v2;
	v4 =	vadd.s32 v1, v4;
	_ =	sdelay $0x1  }
0x7d: {  	v3 =	vadd.s32 v1, v3;
	_ =	sdelay $0x1  }
0x7e: {  	s0 =	simm.s32 $0x8100  }
0x7f: {  	[tilespmem:s0], [sflag:$0x2] =	stream.indirect_vreg.gather [hbm4b:s2+s3], $0x80, v4, vm0, $0xb8;
	[tilespmem:$0x10100] =	vst v63  }
0x80: {  	_ = 	snop  }
0x81: {  	[tilespmem:s7], [sflag:$0x2] =	stream.indirect_vreg.gather [hbm4b:s2+s3], $0x80, v3, vm0, $0xb8;
	[tilespmem:$0x10100] =	vst v63  }
0x82: {  	v3 =	vld [tilespmem:$0x8090];
	_ =	sdelay $0x4  }
0x83: {  	v25 =	vshll.u32 v3, $0x1  }
0x84: {  	v3 =	vand.u32 $0x7, v3;
	v4 =	vand.u32 $0xFFFFFFF0, v25  }
0x85: {  	v3 =	vor.u32 v3, v4  }
0x86: {  	v4 =	vperm.xlane v3, v0;
	_ =	sdelay $0x1  }
0x87: {  	v3 =	vperm.xlane v3, v2;
	v4 =	vadd.s32 v1, v4;
	_ =	sdelay $0x1  }
0x88: {  	v3 =	vadd.s32 v1, v3;
	_ =	sdelay $0x2  }
0x89: {  	[tilespmem:s8], [sflag:$0x2] =	stream.indirect_vreg.gather [hbm4b:s2+s3], $0x80, v4, vm0, $0xb8;
	[tilespmem:$0x10100] =	vst v63  }
0x8a: {  	_ = 	snop  }
0x8b: {  	[tilespmem:s9], [sflag:$0x2] =	stream.indirect_vreg.gather [hbm4b:s2+s3], $0x80, v3, vm0, $0xb8;
	[tilespmem:$0x10100] =	vst v63  }
0x8c: {  	v3 =	vld [tilespmem:$0x80A0];
	_ =	sdelay $0x4  }
0x8d: {  	v26 =	vshll.u32 v3, $0x1  }
0x8e: {  	v3 =	vand.u32 $0x7, v3;
	v4 =	vand.u32 $0xFFFFFFF0, v26  }
0x8f: {  	v3 =	vor.u32 v3, v4  }
0x90: {  	v4 =	vperm.xlane v3, v0;
	_ =	sdelay $0x1  }
0x91: {  	v3 =	vperm.xlane v3, v2;
	v4 =	vadd.s32 v1, v4;
	_ =	sdelay $0x1  }
0x92: {  	v3 =	vadd.s32 v1, v3;
	_ =	sdelay $0x2  }
0x93: {  	[tilespmem:s10], [sflag:$0x2] =	stream.indirect_vreg.gather [hbm4b:s2+s3], $0x80, v4, vm0, $0xb8;
	[tilespmem:$0x10100] =	vst v63  }
0x94: {  	_ = 	snop  }
0x95: {  	[tilespmem:s11], [sflag:$0x2] =	stream.indirect_vreg.gather [hbm4b:s2+s3], $0x80, v3, vm0, $0xb8;
	[tilespmem:$0x10100] =	vst v63  }
0x96: {  	v3 =	vld [tilespmem:$0x80B0];
	_ =	sdelay $0x4  }
0x97: {  	v27 =	vshll.u32 v3, $0x1  }
0x98: {  	v3 =	vand.u32 $0x7, v3;
	v4 =	vand.u32 $0xFFFFFFF0, v27  }
0x99: {  	v3 =	vor.u32 v3, v4  }
0x9a: {  	v4 =	vperm.xlane v3, v0;
	_ =	sdelay $0x1  }
0x9b: {  	v3 =	vperm.xlane v3, v2;
	v4 =	vadd.s32 v1, v4;
	_ =	sdelay $0x1  }
0x9c: {  	v3 =	vadd.s32 v1, v3;
	_ =	sdelay $0x2  }
0x9d: {  	[tilespmem:s12], [sflag:$0x2] =	stream.indirect_vreg.gather [hbm4b:s2+s3], $0x80, v4, vm0, $0xb8;
	[tilespmem:$0x10100] =	vst v63  }
0x9e: {  	s6 =	simm.s32 $0xB900  }
0x9f: {  	[tilespmem:s6], [sflag:$0x2] =	stream.indirect_vreg.gather [hbm4b:s2+s3], $0x80, v3, vm0, $0xb8;
	[tilespmem:$0x10100] =	vst v63  }
0xa0: {  	v3 =	vld [tilespmem:$0x80C0];
	_ =	sdelay $0x4  }
0xa1: {  	v28 =	vshll.u32 v3, $0x1  }
0xa2: {  	v3 =	vand.u32 $0x7, v3;
	v4 =	vand.u32 $0xFFFFFFF0, v28  }
0xa3: {  	v3 =	vor.u32 v3, v4  }
0xa4: {  	v4 =	vperm.xlane v3, v0;
	_ =	sdelay $0x1  }
0xa5: {  	v3 =	vperm.xlane v3, v2;
	v4 =	vadd.s32 v1, v4;
	_ =	sdelay $0x1  }
0xa6: {  	v3 =	vadd.s32 v1, v3;
	_ =	sdelay $0x1  }
0xa7: {  	s6 =	simm.s32 $0xC100  }
0xa8: {  	[tilespmem:s6], [sflag:$0x2] =	stream.indirect_vreg.gather [hbm4b:s2+s3], $0x80, v4, vm0, $0xb8;
	[tilespmem:$0x10100] =	vst v63  }
0xa9: {  	s6 =	simm.s32 $0xC900  }
0xaa: {  	[tilespmem:s6], [sflag:$0x2] =	stream.indirect_vreg.gather [hbm4b:s2+s3], $0x80, v3, vm0, $0xb8;
	[tilespmem:$0x10100] =	vst v63  }
0xab: {  	v3 =	vld [tilespmem:$0x80D0];
	_ =	sdelay $0x4  }
0xac: {  	v29 =	vshll.u32 v3, $0x1  }
0xad: {  	v3 =	vand.u32 $0x7, v3;
	v4 =	vand.u32 $0xFFFFFFF0, v29  }
0xae: {  	v3 =	vor.u32 v3, v4  }
0xaf: {  	v4 =	vperm.xlane v3, v0;
	_ =	sdelay $0x1  }
0xb0: {  	v3 =	vperm.xlane v3, v2;
	v4 =	vadd.s32 v1, v4;
	_ =	sdelay $0x1  }
0xb1: {  	v3 =	vadd.s32 v1, v3;
	_ =	sdelay $0x1  }
0xb2: {  	s6 =	simm.s32 $0xD100  }
0xb3: {  	[tilespmem:s6], [sflag:$0x2] =	stream.indirect_vreg.gather [hbm4b:s2+s3], $0x80, v4, vm0, $0xb8;
	[tilespmem:$0x10100] =	vst v63  }
0xb4: {  	s6 =	simm.s32 $0xD900  }
0xb5: {  	[tilespmem:s6], [sflag:$0x2] =	stream.indirect_vreg.gather [hbm4b:s2+s3], $0x80, v3, vm0, $0xb8;
	[tilespmem:$0x10100] =	vst v63  }
0xb6: {  	v3 =	vld [tilespmem:$0x80E0];
	_ =	sdelay $0x4  }
0xb7: {  	v30 =	vshll.u32 v3, $0x1  }
0xb8: {  	v3 =	vand.u32 $0x7, v3;
	v4 =	vand.u32 $0xFFFFFFF0, v30  }
0xb9: {  	v3 =	vor.u32 v3, v4  }
0xba: {  	v4 =	vperm.xlane v3, v0;
	_ =	sdelay $0x1  }
0xbb: {  	v3 =	vperm.xlane v3, v2;
	v4 =	vadd.s32 v1, v4;
	_ =	sdelay $0x1  }
0xbc: {  	v3 =	vadd.s32 v1, v3;
	_ =	sdelay $0x1  }
0xbd: {  	s6 =	simm.s32 $0xE100  }
0xbe: {  	[tilespmem:s6], [sflag:$0x2] =	stream.indirect_vreg.gather [hbm4b:s2+s3], $0x80, v4, vm0, $0xb8;
	[tilespmem:$0x10100] =	vst v63  }
0xbf: {  	s6 =	simm.s32 $0xE900  }
0xc0: {  	[tilespmem:s6], [sflag:$0x2] =	stream.indirect_vreg.gather [hbm4b:s2+s3], $0x80, v3, vm0, $0xb8;
	[tilespmem:$0x10100] =	vst v63  }
0xc1: {  	v3 =	vld [tilespmem:$0x80F0];
	_ =	sdelay $0x4  }
0xc2: {  	v31 =	vshll.u32 v3, $0x1  }
0xc3: {  	v3 =	vand.u32 $0x7, v3;
	v4 =	vand.u32 $0xFFFFFFF0, v31  }
0xc4: {  	v3 =	vor.u32 v3, v4  }
0xc5: {  	v4 =	vperm.xlane v3, v0;
	_ =	sdelay $0x1  }
0xc6: {  	v3 =	vperm.xlane v3, v2;
	v4 =	vadd.s32 v1, v4;
	_ =	sdelay $0x1  }
0xc7: {  	v3 =	vadd.s32 v1, v3;
	_ =	sdelay $0x1  }
0xc8: {  	s6 =	simm.s32 $0xF100  }
0xc9: {  	[tilespmem:s6], [sflag:$0x2] =	stream.indirect_vreg.gather [hbm4b:s2+s3], $0x80, v4, vm0, $0xb8;
	[tilespmem:$0x10100] =	vst v63  }
0xca: {  	s6 =	simm.s32 $0xF900  }
0xcb: {  	[tilespmem:s6], [sflag:$0x2] =	stream.indirect_vreg.gather [hbm4b:s2+s3], $0x80, v3, vm0, $0xb8;
	[tilespmem:$0x10100] =	vst v63  }
0xcc: {  	_ =	swait.ge [sflag:s13], $0x8000  }
0xcd: {  	[sflag:s13] =	ssyncset.done $0x0  }
0xce: {  	s6 =	rddreg [dreg:$0x5];
	[sflag:s13] =	ssyncadd.s32 $0xFFFF8000  }
0xcf: {  	[hbm4b:s6+s3] =	stream.linear.scatter [tilespmem:s23], [sflag:$0x3], $0x8000, $0x38;
	[tilespmem:$0x10100] =	vst v63  }
0xd0: {  	_ =	swait.ge [sflag:s5], $0x8000  }
0xd1: {  	[sflag:s5] =	ssyncset.done $0x0  }
0xd2: {  	s6 =	rddreg [dreg:$0x6];
	[sflag:s5] =	ssyncadd.s32 $0xFFFF8000  }
0xd3: {  	[tilespmem:s3], [sflag:$0x3] =	stream.linear.gather [hbm4b:s6+s3], $0x80, $0x38;
	[tilespmem:$0x10100] =	vst v63  }
0xd4: {  	_ =	swait.ge [sflag:s5], $0x80  }
0xd5: {  	[sflag:s5] =	ssyncset.done $0x0  }
0xd6: {  	[sflag:s5] =	ssyncadd.s32 $0xFFFFFF80  }
0xd7: {  	v3 =	vld [tilespmem:$0x0];
	_ =	sdelay $0x4  }
0xd8: {  	v32 =	vshll.u32 v3, $0x1  }
0xd9: {  	v3 =	vand.u32 $0x7, v3;
	v4 =	vand.u32 $0xFFFFFFF0, v32  }
0xda: {  	v3 =	vor.u32 v3, v4  }
0xdb: {  	v4 =	vperm.xlane v3, v0;
	_ =	sdelay $0x1  }
0xdc: {  	v3 =	vperm.xlane v3, v2;
	v4 =	vadd.s32 v1, v4;
	_ =	sdelay $0x1  }
0xdd: {  	v3 =	vadd.s32 v1, v3;
	_ =	sdelay $0x2  }
0xde: {  	[tilespmem:s23], [sflag:$0x1] =	stream.indirect_vreg.gather [hbm4b:s2+s3], $0x80, v4, vm0, $0xb8;
	[tilespmem:$0x10100] =	vst v63  }
0xdf: {  	_ = 	snop  }
0xe0: {  	[tilespmem:s16], [sflag:$0x1] =	stream.indirect_vreg.gather [hbm4b:s2+s3], $0x80, v3, vm0, $0xb8;
	[tilespmem:$0x10100] =	vst v63  }
0xe1: {  	v3 =	vld [tilespmem:$0x10];
	_ =	sdelay $0x4  }
0xe2: {  	v33 =	vshll.u32 v3, $0x1  }
0xe3: {  	v3 =	vand.u32 $0x7, v3;
	v4 =	vand.u32 $0xFFFFFFF0, v33  }
0xe4: {  	v3 =	vor.u32 v3, v4  }
0xe5: {  	v4 =	vperm.xlane v3, v0;
	_ =	sdelay $0x1  }
0xe6: {  	v3 =	vperm.xlane v3, v2;
	v4 =	vadd.s32 v1, v4;
	_ =	sdelay $0x1  }
0xe7: {  	v3 =	vadd.s32 v1, v3;
	_ =	sdelay $0x2  }
0xe8: {  	[tilespmem:s17], [sflag:$0x1] =	stream.indirect_vreg.gather [hbm4b:s2+s3], $0x80, v4, vm0, $0xb8;
	[tilespmem:$0x10100] =	vst v63  }
0xe9: {  	_ = 	snop  }
0xea: {  	[tilespmem:s18], [sflag:$0x1] =	stream.indirect_vreg.gather [hbm4b:s2+s3], $0x80, v3, vm0, $0xb8;
	[tilespmem:$0x10100] =	vst v63  }
0xeb: {  	v3 =	vld [tilespmem:$0x20];
	_ =	sdelay $0x4  }
0xec: {  	v34 =	vshll.u32 v3, $0x1  }
0xed: {  	v3 =	vand.u32 $0x7, v3;
	v4 =	vand.u32 $0xFFFFFFF0, v34  }
0xee: {  	v3 =	vor.u32 v3, v4  }
0xef: {  	v4 =	vperm.xlane v3, v0;
	_ =	sdelay $0x1  }
0xf0: {  	v3 =	vperm.xlane v3, v2;
	v4 =	vadd.s32 v1, v4;
	_ =	sdelay $0x1  }
0xf1: {  	v3 =	vadd.s32 v1, v3;
	_ =	sdelay $0x2  }
0xf2: {  	[tilespmem:s19], [sflag:$0x1] =	stream.indirect_vreg.gather [hbm4b:s2+s3], $0x80, v4, vm0, $0xb8;
	[tilespmem:$0x10100] =	vst v63  }
0xf3: {  	_ = 	snop  }
0xf4: {  	[tilespmem:s20], [sflag:$0x1] =	stream.indirect_vreg.gather [hbm4b:s2+s3], $0x80, v3, vm0, $0xb8;
	[tilespmem:$0x10100] =	vst v63  }
0xf5: {  	v3 =	vld [tilespmem:$0x30];
	_ =	sdelay $0x4  }
0xf6: {  	v35 =	vshll.u32 v3, $0x1  }
0xf7: {  	v3 =	vand.u32 $0x7, v3;
	v4 =	vand.u32 $0xFFFFFFF0, v35  }
0xf8: {  	v3 =	vor.u32 v3, v4  }
0xf9: {  	v4 =	vperm.xlane v3, v0;
	_ =	sdelay $0x1  }
0xfa: {  	v3 =	vperm.xlane v3, v2;
	v4 =	vadd.s32 v1, v4;
	_ =	sdelay $0x1  }
0xfb: {  	v3 =	vadd.s32 v1, v3;
	_ =	sdelay $0x2  }
0xfc: {  	[tilespmem:s21], [sflag:$0x1] =	stream.indirect_vreg.gather [hbm4b:s2+s3], $0x80, v4, vm0, $0xb8;
	[tilespmem:$0x10100] =	vst v63  }
0xfd: {  	_ = 	snop  }
0xfe: {  	[tilespmem:s22], [sflag:$0x1] =	stream.indirect_vreg.gather [hbm4b:s2+s3], $0x80, v3, vm0, $0xb8;
	[tilespmem:$0x10100] =	vst v63  }
0xff: {  	v3 =	vld [tilespmem:$0x40];
	_ =	sdelay $0x4  }
0x100: {  	v36 =	vshll.u32 v3, $0x1  }
0x101: {  	v3 =	vand.u32 $0x7, v3;
	v4 =	vand.u32 $0xFFFFFFF0, v36  }
0x102: {  	v3 =	vor.u32 v3, v4  }
0x103: {  	v4 =	vperm.xlane v3, v0;
	_ =	sdelay $0x1  }
0x104: {  	v3 =	vperm.xlane v3, v2;
	v4 =	vadd.s32 v1, v4;
	_ =	sdelay $0x1  }
0x105: {  	v3 =	vadd.s32 v1, v3;
	_ =	sdelay $0x2  }
0x106: {  	[tilespmem:s24], [sflag:$0x1] =	stream.indirect_vreg.gather [hbm4b:s2+s3], $0x80, v4, vm0, $0xb8;
	[tilespmem:$0x10100] =	vst v63  }
0x107: {  	_ = 	snop  }
0x108: {  	[tilespmem:s25], [sflag:$0x1] =	stream.indirect_vreg.gather [hbm4b:s2+s3], $0x80, v3, vm0, $0xb8;
	[tilespmem:$0x10100] =	vst v63  }
0x109: {  	v3 =	vld [tilespmem:$0x50];
	_ =	sdelay $0x4  }
0x10a: {  	v37 =	vshll.u32 v3, $0x1  }
0x10b: {  	v3 =	vand.u32 $0x7, v3;
	v4 =	vand.u32 $0xFFFFFFF0, v37  }
0x10c: {  	v3 =	vor.u32 v3, v4  }
0x10d: {  	v4 =	vperm.xlane v3, v0;
	_ =	sdelay $0x1  }
0x10e: {  	v3 =	vperm.xlane v3, v2;
	v4 =	vadd.s32 v1, v4;
	_ =	sdelay $0x1  }
0x10f: {  	v3 =	vadd.s32 v1, v3;
	_ =	sdelay $0x2  }
0x110: {  	[tilespmem:s26], [sflag:$0x1] =	stream.indirect_vreg.gather [hbm4b:s2+s3], $0x80, v4, vm0, $0xb8;
	[tilespmem:$0x10100] =	vst v63  }
0x111: {  	_ = 	snop  }
0x112: {  	[tilespmem:s28], [sflag:$0x1] =	stream.indirect_vreg.gather [hbm4b:s2+s3], $0x80, v3, vm0, $0xb8;
	[tilespmem:$0x10100] =	vst v63  }
0x113: {  	v3 =	vld [tilespmem:$0x60];
	_ =	sdelay $0x4  }
0x114: {  	v38 =	vshll.u32 v3, $0x1  }
0x115: {  	v3 =	vand.u32 $0x7, v3;
	v4 =	vand.u32 $0xFFFFFFF0, v38  }
0x116: {  	v3 =	vor.u32 v3, v4  }
0x117: {  	v4 =	vperm.xlane v3, v0;
	_ =	sdelay $0x1  }
0x118: {  	v3 =	vperm.xlane v3, v2;
	v4 =	vadd.s32 v1, v4;
	_ =	sdelay $0x1  }
0x119: {  	v3 =	vadd.s32 v1, v3;
	_ =	sdelay $0x2  }
0x11a: {  	[tilespmem:s29], [sflag:$0x1] =	stream.indirect_vreg.gather [hbm4b:s2+s3], $0x80, v4, vm0, $0xb8;
	[tilespmem:$0x10100] =	vst v63  }
0x11b: {  	_ = 	snop  }
0x11c: {  	[tilespmem:s30], [sflag:$0x1] =	stream.indirect_vreg.gather [hbm4b:s2+s3], $0x80, v3, vm0, $0xb8;
	[tilespmem:$0x10100] =	vst v63  }
0x11d: {  	v3 =	vld [tilespmem:$0x70];
	_ =	sdelay $0x4  }
0x11e: {  	v39 =	vshll.u32 v3, $0x1  }
0x11f: {  	v3 =	vand.u32 $0x7, v3;
	v4 =	vand.u32 $0xFFFFFFF0, v39  }
0x120: {  	v3 =	vor.u32 v3, v4  }
0x121: {  	v4 =	vperm.xlane v3, v0;
	_ =	sdelay $0x1  }
0x122: {  	v3 =	vperm.xlane v3, v2;
	v4 =	vadd.s32 v1, v4;
	_ =	sdelay $0x1  }
0x123: {  	v3 =	vadd.s32 v1, v3;
	_ =	sdelay $0x2  }
0x124: {  	[tilespmem:s31], [sflag:$0x1] =	stream.indirect_vreg.gather [hbm4b:s2+s3], $0x80, v4, vm0, $0xb8;
	[tilespmem:$0x10100] =	vst v63  }
0x125: {  	_ = 	snop  }
0x126: {  	[tilespmem:s1], [sflag:$0x1] =	stream.indirect_vreg.gather [hbm4b:s2+s3], $0x80, v3, vm0, $0xb8;
	[tilespmem:$0x10100] =	vst v63  }
0x127: {  	_ =	swait.ge [sflag:s14], $0x8000  }
0x128: {  	[sflag:s14] =	ssyncset.done $0x0  }
0x129: {  	s6 =	rddreg [dreg:$0x7];
	[sflag:s14] =	ssyncadd.s32 $0xFFFF8000  }
0x12a: {  	[hbm4b:s6+s3] =	stream.linear.scatter [tilespmem:s0], [sflag:$0x3], $0x8000, $0x38;
	[tilespmem:$0x10100] =	vst v63  }
0x12b: {  	_ =	swait.ge [sflag:s5], $0x8000  }
0x12c: {  	[sflag:s5] =	ssyncset.done $0x0  }
0x12d: {  	s6 =	simm.s32 $0x8080;
	s15 =	rddreg [dreg:$0x8];
	[sflag:s5] =	ssyncadd.s32 $0xFFFF8000  }
0x12e: {  	[tilespmem:s6], [sflag:$0x3] =	stream.linear.gather [hbm4b:s15+s3], $0x80, $0x38;
	[tilespmem:$0x10100] =	vst v63  }
0x12f: {  	_ =	swait.ge [sflag:s5], $0x80  }
0x130: {  	[sflag:s5] =	ssyncset.done $0x0  }
0x131: {  	[sflag:s5] =	ssyncadd.s32 $0xFFFFFF80  }
0x132: {  	v3 =	vld [tilespmem:$0x8080];
	_ =	sdelay $0x4  }
0x133: {  	v40 =	vshll.u32 v3, $0x1  }
0x134: {  	v3 =	vand.u32 $0x7, v3;
	v4 =	vand.u32 $0xFFFFFFF0, v40  }
0x135: {  	v3 =	vor.u32 v3, v4  }
0x136: {  	v4 =	vperm.xlane v3, v0;
	_ =	sdelay $0x1  }
0x137: {  	v3 =	vperm.xlane v3, v2;
	v4 =	vadd.s32 v1, v4;
	_ =	sdelay $0x1  }
0x138: {  	v3 =	vadd.s32 v1, v3;
	_ =	sdelay $0x2  }
0x139: {  	[tilespmem:s0], [sflag:$0x2] =	stream.indirect_vreg.gather [hbm4b:s2+s3], $0x80, v4, vm0, $0xb8;
	[tilespmem:$0x10100] =	vst v63  }
0x13a: {  	_ = 	snop  }
0x13b: {  	[tilespmem:s7], [sflag:$0x2] =	stream.indirect_vreg.gather [hbm4b:s2+s3], $0x80, v3, vm0, $0xb8;
	[tilespmem:$0x10100] =	vst v63  }
0x13c: {  	v3 =	vld [tilespmem:$0x8090];
	_ =	sdelay $0x4  }
0x13d: {  	v41 =	vshll.u32 v3, $0x1  }
0x13e: {  	v3 =	vand.u32 $0x7, v3;
	v4 =	vand.u32 $0xFFFFFFF0, v41  }
0x13f: {  	v3 =	vor.u32 v3, v4  }
0x140: {  	v4 =	vperm.xlane v3, v0;
	_ =	sdelay $0x1  }
0x141: {  	v3 =	vperm.xlane v3, v2;
	v4 =	vadd.s32 v1, v4;
	_ =	sdelay $0x1  }
0x142: {  	v3 =	vadd.s32 v1, v3;
	_ =	sdelay $0x2  }
0x143: {  	[tilespmem:s8], [sflag:$0x2] =	stream.indirect_vreg.gather [hbm4b:s2+s3], $0x80, v4, vm0, $0xb8;
	[tilespmem:$0x10100] =	vst v63  }
0x144: {  	_ = 	snop  }
0x145: {  	[tilespmem:s9], [sflag:$0x2] =	stream.indirect_vreg.gather [hbm4b:s2+s3], $0x80, v3, vm0, $0xb8;
	[tilespmem:$0x10100] =	vst v63  }
0x146: {  	v3 =	vld [tilespmem:$0x80A0];
	_ =	sdelay $0x4  }
0x147: {  	v42 =	vshll.u32 v3, $0x1  }
0x148: {  	v3 =	vand.u32 $0x7, v3;
	v4 =	vand.u32 $0xFFFFFFF0, v42  }
0x149: {  	v3 =	vor.u32 v3, v4  }
0x14a: {  	v4 =	vperm.xlane v3, v0;
	_ =	sdelay $0x1  }
0x14b: {  	v3 =	vperm.xlane v3, v2;
	v4 =	vadd.s32 v1, v4;
	_ =	sdelay $0x1  }
0x14c: {  	v3 =	vadd.s32 v1, v3;
	_ =	sdelay $0x2  }
0x14d: {  	[tilespmem:s10], [sflag:$0x2] =	stream.indirect_vreg.gather [hbm4b:s2+s3], $0x80, v4, vm0, $0xb8;
	[tilespmem:$0x10100] =	vst v63  }
0x14e: {  	_ = 	snop  }
0x14f: {  	[tilespmem:s11], [sflag:$0x2] =	stream.indirect_vreg.gather [hbm4b:s2+s3], $0x80, v3, vm0, $0xb8;
	[tilespmem:$0x10100] =	vst v63  }
0x150: {  	v3 =	vld [tilespmem:$0x80B0];
	_ =	sdelay $0x4  }
0x151: {  	v43 =	vshll.u32 v3, $0x1  }
0x152: {  	v3 =	vand.u32 $0x7, v3;
	v4 =	vand.u32 $0xFFFFFFF0, v43  }
0x153: {  	v3 =	vor.u32 v3, v4  }
0x154: {  	v4 =	vperm.xlane v3, v0;
	_ =	sdelay $0x1  }
0x155: {  	v3 =	vperm.xlane v3, v2;
	v4 =	vadd.s32 v1, v4;
	_ =	sdelay $0x1  }
0x156: {  	v3 =	vadd.s32 v1, v3;
	_ =	sdelay $0x2  }
0x157: {  	[tilespmem:s12], [sflag:$0x2] =	stream.indirect_vreg.gather [hbm4b:s2+s3], $0x80, v4, vm0, $0xb8;
	[tilespmem:$0x10100] =	vst v63  }
0x158: {  	s15 =	simm.s32 $0xB900  }
0x159: {  	[tilespmem:s15], [sflag:$0x2] =	stream.indirect_vreg.gather [hbm4b:s2+s3], $0x80, v3, vm0, $0xb8;
	[tilespmem:$0x10100] =	vst v63  }
0x15a: {  	v3 =	vld [tilespmem:$0x80C0];
	_ =	sdelay $0x4  }
0x15b: {  	v44 =	vshll.u32 v3, $0x1  }
0x15c: {  	v3 =	vand.u32 $0x7, v3;
	v4 =	vand.u32 $0xFFFFFFF0, v44  }
0x15d: {  	v3 =	vor.u32 v3, v4  }
0x15e: {  	v4 =	vperm.xlane v3, v0;
	_ =	sdelay $0x1  }
0x15f: {  	v3 =	vperm.xlane v3, v2;
	v4 =	vadd.s32 v1, v4;
	_ =	sdelay $0x1  }
0x160: {  	v3 =	vadd.s32 v1, v3;
	_ =	sdelay $0x1  }
0x161: {  	s6 =	simm.s32 $0xC100  }
0x162: {  	[tilespmem:s6], [sflag:$0x2] =	stream.indirect_vreg.gather [hbm4b:s2+s3], $0x80, v4, vm0, $0xb8;
	[tilespmem:$0x10100] =	vst v63  }
0x163: {  	s6 =	simm.s32 $0xC900  }
0x164: {  	[tilespmem:s6], [sflag:$0x2] =	stream.indirect_vreg.gather [hbm4b:s2+s3], $0x80, v3, vm0, $0xb8;
	[tilespmem:$0x10100] =	vst v63  }
0x165: {  	v3 =	vld [tilespmem:$0x80D0];
	_ =	sdelay $0x4  }
0x166: {  	v45 =	vshll.u32 v3, $0x1  }
0x167: {  	v3 =	vand.u32 $0x7, v3;
	v4 =	vand.u32 $0xFFFFFFF0, v45  }
0x168: {  	v3 =	vor.u32 v3, v4  }
0x169: {  	v4 =	vperm.xlane v3, v0;
	_ =	sdelay $0x1  }
0x16a: {  	v3 =	vperm.xlane v3, v2;
	v4 =	vadd.s32 v1, v4;
	_ =	sdelay $0x1  }
0x16b: {  	v3 =	vadd.s32 v1, v3;
	_ =	sdelay $0x1  }
0x16c: {  	s15 =	simm.s32 $0xD100  }
0x16d: {  	[tilespmem:s15], [sflag:$0x2] =	stream.indirect_vreg.gather [hbm4b:s2+s3], $0x80, v4, vm0, $0xb8;
	[tilespmem:$0x10100] =	vst v63  }
0x16e: {  	s15 =	simm.s32 $0xD900  }
0x16f: {  	[tilespmem:s15], [sflag:$0x2] =	stream.indirect_vreg.gather [hbm4b:s2+s3], $0x80, v3, vm0, $0xb8;
	[tilespmem:$0x10100] =	vst v63  }
0x170: {  	v3 =	vld [tilespmem:$0x80E0];
	_ =	sdelay $0x4  }
0x171: {  	v46 =	vshll.u32 v3, $0x1  }
0x172: {  	v3 =	vand.u32 $0x7, v3;
	v4 =	vand.u32 $0xFFFFFFF0, v46  }
0x173: {  	v3 =	vor.u32 v3, v4  }
0x174: {  	v4 =	vperm.xlane v3, v0;
	_ =	sdelay $0x1  }
0x175: {  	v3 =	vperm.xlane v3, v2;
	v4 =	vadd.s32 v1, v4;
	_ =	sdelay $0x1  }
0x176: {  	v3 =	vadd.s32 v1, v3;
	_ =	sdelay $0x1  }
0x177: {  	s15 =	simm.s32 $0xE100  }
0x178: {  	[tilespmem:s15], [sflag:$0x2] =	stream.indirect_vreg.gather [hbm4b:s2+s3], $0x80, v4, vm0, $0xb8;
	[tilespmem:$0x10100] =	vst v63  }
0x179: {  	s15 =	simm.s32 $0xE900  }
0x17a: {  	[tilespmem:s15], [sflag:$0x2] =	stream.indirect_vreg.gather [hbm4b:s2+s3], $0x80, v3, vm0, $0xb8;
	[tilespmem:$0x10100] =	vst v63  }
0x17b: {  	v3 =	vld [tilespmem:$0x80F0];
	_ =	sdelay $0x4  }
0x17c: {  	v47 =	vshll.u32 v3, $0x1  }
0x17d: {  	v3 =	vand.u32 $0x7, v3;
	v4 =	vand.u32 $0xFFFFFFF0, v47  }
0x17e: {  	v3 =	vor.u32 v3, v4  }
0x17f: {  	v4 =	vperm.xlane v3, v0;
	_ =	sdelay $0x1  }
0x180: {  	v3 =	vperm.xlane v3, v2;
	v4 =	vadd.s32 v1, v4;
	_ =	sdelay $0x1  }
0x181: {  	v3 =	vadd.s32 v1, v3;
	_ =	sdelay $0x1  }
0x182: {  	s15 =	simm.s32 $0xF100  }
0x183: {  	[tilespmem:s15], [sflag:$0x2] =	stream.indirect_vreg.gather [hbm4b:s2+s3], $0x80, v4, vm0, $0xb8;
	[tilespmem:$0x10100] =	vst v63  }
0x184: {  	s15 =	simm.s32 $0xF900  }
0x185: {  	[tilespmem:s15], [sflag:$0x2] =	stream.indirect_vreg.gather [hbm4b:s2+s3], $0x80, v3, vm0, $0xb8;
	[tilespmem:$0x10100] =	vst v63  }
0x186: {  	_ =	swait.ge [sflag:s13], $0x8000  }
0x187: {  	[sflag:s13] =	ssyncset.done $0x0  }
0x188: {  	s15 =	rddreg [dreg:$0x9];
	[sflag:s13] =	ssyncadd.s32 $0xFFFF8000  }
0x189: {  	[hbm4b:s15+s3] =	stream.linear.scatter [tilespmem:s23], [sflag:$0x3], $0x8000, $0x38;
	[tilespmem:$0x10100] =	vst v63  }
0x18a: {  	_ =	swait.ge [sflag:s5], $0x8000  }
0x18b: {  	[sflag:s5] =	ssyncset.done $0x0  }
0x18c: {  	s15 =	rddreg [dreg:$0xa];
	[sflag:s5] =	ssyncadd.s32 $0xFFFF8000  }
0x18d: {  	[tilespmem:s3], [sflag:$0x3] =	stream.linear.gather [hbm4b:s15+s3], $0x80, $0x38;
	[tilespmem:$0x10100] =	vst v63  }
0x18e: {  	_ =	swait.ge [sflag:s5], $0x80  }
0x18f: {  	[sflag:s5] =	ssyncset.done $0x0  }
0x190: {  	[sflag:s5] =	ssyncadd.s32 $0xFFFFFF80  }
0x191: {  	v3 =	vld [tilespmem:$0x0];
	_ =	sdelay $0x4  }
0x192: {  	v48 =	vshll.u32 v3, $0x1  }
0x193: {  	v3 =	vand.u32 $0x7, v3;
	v4 =	vand.u32 $0xFFFFFFF0, v48  }
0x194: {  	v3 =	vor.u32 v3, v4  }
0x195: {  	v4 =	vperm.xlane v3, v0;
	_ =	sdelay $0x1  }
0x196: {  	v3 =	vperm.xlane v3, v2;
	v4 =	vadd.s32 v1, v4;
	_ =	sdelay $0x1  }
0x197: {  	v3 =	vadd.s32 v1, v3;
	_ =	sdelay $0x2  }
0x198: {  	[tilespmem:s23], [sflag:$0x1] =	stream.indirect_vreg.gather [hbm4b:s2+s3], $0x80, v4, vm0, $0xb8;
	[tilespmem:$0x10100] =	vst v63  }
0x199: {  	_ = 	snop  }
0x19a: {  	[tilespmem:s16], [sflag:$0x1] =	stream.indirect_vreg.gather [hbm4b:s2+s3], $0x80, v3, vm0, $0xb8;
	[tilespmem:$0x10100] =	vst v63  }
0x19b: {  	v3 =	vld [tilespmem:$0x10];
	_ =	sdelay $0x4  }
0x19c: {  	v49 =	vshll.u32 v3, $0x1  }
0x19d: {  	v3 =	vand.u32 $0x7, v3;
	v4 =	vand.u32 $0xFFFFFFF0, v49  }
0x19e: {  	v3 =	vor.u32 v3, v4  }
0x19f: {  	v4 =	vperm.xlane v3, v0;
	_ =	sdelay $0x1  }
0x1a0: {  	v3 =	vperm.xlane v3, v2;
	v4 =	vadd.s32 v1, v4;
	_ =	sdelay $0x1  }
0x1a1: {  	v3 =	vadd.s32 v1, v3;
	_ =	sdelay $0x2  }
0x1a2: {  	[tilespmem:s17], [sflag:$0x1] =	stream.indirect_vreg.gather [hbm4b:s2+s3], $0x80, v4, vm0, $0xb8;
	[tilespmem:$0x10100] =	vst v63  }
0x1a3: {  	_ = 	snop  }
0x1a4: {  	[tilespmem:s18], [sflag:$0x1] =	stream.indirect_vreg.gather [hbm4b:s2+s3], $0x80, v3, vm0, $0xb8;
	[tilespmem:$0x10100] =	vst v63  }
0x1a5: {  	v3 =	vld [tilespmem:$0x20];
	_ =	sdelay $0x4  }
0x1a6: {  	v50 =	vshll.u32 v3, $0x1  }
0x1a7: {  	v3 =	vand.u32 $0x7, v3;
	v4 =	vand.u32 $0xFFFFFFF0, v50  }
0x1a8: {  	v3 =	vor.u32 v3, v4  }
0x1a9: {  	v4 =	vperm.xlane v3, v0;
	_ =	sdelay $0x1  }
0x1aa: {  	v3 =	vperm.xlane v3, v2;
	v4 =	vadd.s32 v1, v4;
	_ =	sdelay $0x1  }
0x1ab: {  	v3 =	vadd.s32 v1, v3;
	_ =	sdelay $0x2  }
0x1ac: {  	[tilespmem:s19], [sflag:$0x1] =	stream.indirect_vreg.gather [hbm4b:s2+s3], $0x80, v4, vm0, $0xb8;
	[tilespmem:$0x10100] =	vst v63  }
0x1ad: {  	_ = 	snop  }
0x1ae: {  	[tilespmem:s20], [sflag:$0x1] =	stream.indirect_vreg.gather [hbm4b:s2+s3], $0x80, v3, vm0, $0xb8;
	[tilespmem:$0x10100] =	vst v63  }
0x1af: {  	v3 =	vld [tilespmem:$0x30];
	_ =	sdelay $0x4  }
0x1b0: {  	v51 =	vshll.u32 v3, $0x1  }
0x1b1: {  	v3 =	vand.u32 $0x7, v3;
	v4 =	vand.u32 $0xFFFFFFF0, v51  }
0x1b2: {  	v3 =	vor.u32 v3, v4  }
0x1b3: {  	v4 =	vperm.xlane v3, v0;
	_ =	sdelay $0x1  }
0x1b4: {  	v3 =	vperm.xlane v3, v2;
	v4 =	vadd.s32 v1, v4;
	_ =	sdelay $0x1  }
0x1b5: {  	v3 =	vadd.s32 v1, v3;
	_ =	sdelay $0x2  }
0x1b6: {  	[tilespmem:s21], [sflag:$0x1] =	stream.indirect_vreg.gather [hbm4b:s2+s3], $0x80, v4, vm0, $0xb8;
	[tilespmem:$0x10100] =	vst v63  }
0x1b7: {  	_ = 	snop  }
0x1b8: {  	[tilespmem:s22], [sflag:$0x1] =	stream.indirect_vreg.gather [hbm4b:s2+s3], $0x80, v3, vm0, $0xb8;
	[tilespmem:$0x10100] =	vst v63  }
0x1b9: {  	v3 =	vld [tilespmem:$0x40];
	_ =	sdelay $0x4  }
0x1ba: {  	v52 =	vshll.u32 v3, $0x1  }
0x1bb: {  	v3 =	vand.u32 $0x7, v3;
	v4 =	vand.u32 $0xFFFFFFF0, v52  }
0x1bc: {  	v3 =	vor.u32 v3, v4  }
0x1bd: {  	v4 =	vperm.xlane v3, v0;
	_ =	sdelay $0x1  }
0x1be: {  	v3 =	vperm.xlane v3, v2;
	v4 =	vadd.s32 v1, v4;
	_ =	sdelay $0x1  }
0x1bf: {  	v3 =	vadd.s32 v1, v3;
	_ =	sdelay $0x2  }
0x1c0: {  	[tilespmem:s24], [sflag:$0x1] =	stream.indirect_vreg.gather [hbm4b:s2+s3], $0x80, v4, vm0, $0xb8;
	[tilespmem:$0x10100] =	vst v63  }
0x1c1: {  	_ = 	snop  }
0x1c2: {  	[tilespmem:s25], [sflag:$0x1] =	stream.indirect_vreg.gather [hbm4b:s2+s3], $0x80, v3, vm0, $0xb8;
	[tilespmem:$0x10100] =	vst v63  }
0x1c3: {  	v3 =	vld [tilespmem:$0x50];
	_ =	sdelay $0x4  }
0x1c4: {  	v53 =	vshll.u32 v3, $0x1  }
0x1c5: {  	v3 =	vand.u32 $0x7, v3;
	v4 =	vand.u32 $0xFFFFFFF0, v53  }
0x1c6: {  	v3 =	vor.u32 v3, v4  }
0x1c7: {  	v4 =	vperm.xlane v3, v0;
	_ =	sdelay $0x1  }
0x1c8: {  	v3 =	vperm.xlane v3, v2;
	v4 =	vadd.s32 v1, v4;
	_ =	sdelay $0x1  }
0x1c9: {  	v3 =	vadd.s32 v1, v3;
	_ =	sdelay $0x2  }
0x1ca: {  	[tilespmem:s26], [sflag:$0x1] =	stream.indirect_vreg.gather [hbm4b:s2+s3], $0x80, v4, vm0, $0xb8;
	[tilespmem:$0x10100] =	vst v63  }
0x1cb: {  	_ = 	snop  }
0x1cc: {  	[tilespmem:s28], [sflag:$0x1] =	stream.indirect_vreg.gather [hbm4b:s2+s3], $0x80, v3, vm0, $0xb8;
	[tilespmem:$0x10100] =	vst v63  }
0x1cd: {  	v3 =	vld [tilespmem:$0x60];
	_ =	sdelay $0x4  }
0x1ce: {  	v54 =	vshll.u32 v3, $0x1  }
0x1cf: {  	v3 =	vand.u32 $0x7, v3;
	v4 =	vand.u32 $0xFFFFFFF0, v54  }
0x1d0: {  	v3 =	vor.u32 v3, v4  }
0x1d1: {  	v4 =	vperm.xlane v3, v0;
	_ =	sdelay $0x1  }
0x1d2: {  	v3 =	vperm.xlane v3, v2;
	v4 =	vadd.s32 v1, v4;
	_ =	sdelay $0x1  }
0x1d3: {  	v3 =	vadd.s32 v1, v3;
	_ =	sdelay $0x2  }
0x1d4: {  	[tilespmem:s29], [sflag:$0x1] =	stream.indirect_vreg.gather [hbm4b:s2+s3], $0x80, v4, vm0, $0xb8;
	[tilespmem:$0x10100] =	vst v63  }
0x1d5: {  	_ = 	snop  }
0x1d6: {  	[tilespmem:s30], [sflag:$0x1] =	stream.indirect_vreg.gather [hbm4b:s2+s3], $0x80, v3, vm0, $0xb8;
	[tilespmem:$0x10100] =	vst v63  }
0x1d7: {  	v3 =	vld [tilespmem:$0x70];
	_ =	sdelay $0x4  }
0x1d8: {  	v55 =	vshll.u32 v3, $0x1  }
0x1d9: {  	v3 =	vand.u32 $0x7, v3;
	v4 =	vand.u32 $0xFFFFFFF0, v55  }
0x1da: {  	v3 =	vor.u32 v3, v4  }
0x1db: {  	v4 =	vperm.xlane v3, v0;
	_ =	sdelay $0x1  }
0x1dc: {  	v3 =	vperm.xlane v3, v2;
	v4 =	vadd.s32 v1, v4;
	_ =	sdelay $0x1  }
0x1dd: {  	v3 =	vadd.s32 v1, v3;
	_ =	sdelay $0x2  }
0x1de: {  	[tilespmem:s31], [sflag:$0x1] =	stream.indirect_vreg.gather [hbm4b:s2+s3], $0x80, v4, vm0, $0xb8;
	[tilespmem:$0x10100] =	vst v63  }
0x1df: {  	_ = 	snop  }
0x1e0: {  	[tilespmem:s1], [sflag:$0x1] =	stream.indirect_vreg.gather [hbm4b:s2+s3], $0x80, v3, vm0, $0xb8;
	[tilespmem:$0x10100] =	vst v63  }
0x1e1: {  	_ =	swait.ge [sflag:s14], $0x8000  }
0x1e2: {  	[sflag:s14] =	ssyncset.done $0x0  }
0x1e3: {  	s1 =	rddreg [dreg:$0xb];
	[sflag:s14] =	ssyncadd.s32 $0xFFFF8000  }
0x1e4: {  	[hbm4b:s1+s3] =	stream.linear.scatter [tilespmem:s0], [sflag:$0x3], $0x8000, $0x38;
	[tilespmem:$0x10100] =	vst v63  }
0x1e5: {  	_ =	swait.ge [sflag:s5], $0x8000  }
0x1e6: {  	[sflag:s5] =	ssyncset.done $0x0  }
0x1e7: {  	s1 =	simm.s32 $0x8080;
	s15 =	rddreg [dreg:$0xc];
	[sflag:s5] =	ssyncadd.s32 $0xFFFF8000  }
0x1e8: {  	[tilespmem:s1], [sflag:$0x3] =	stream.linear.gather [hbm4b:s15+s3], $0x80, $0x38;
	[tilespmem:$0x10100] =	vst v63  }
0x1e9: {  	_ =	swait.ge [sflag:s5], $0x80  }
0x1ea: {  	[sflag:s5] =	ssyncset.done $0x0  }
0x1eb: {  	[sflag:s5] =	ssyncadd.s32 $0xFFFFFF80  }
0x1ec: {  	v3 =	vld [tilespmem:$0x8080];
	_ =	sdelay $0x4  }
0x1ed: {  	v56 =	vshll.u32 v3, $0x1  }
0x1ee: {  	v3 =	vand.u32 $0x7, v3;
	v4 =	vand.u32 $0xFFFFFFF0, v56  }
0x1ef: {  	v3 =	vor.u32 v3, v4  }
0x1f0: {  	v4 =	vperm.xlane v3, v0;
	_ =	sdelay $0x1  }
0x1f1: {  	v3 =	vperm.xlane v3, v2;
	v4 =	vadd.s32 v1, v4;
	_ =	sdelay $0x1  }
0x1f2: {  	v3 =	vadd.s32 v1, v3;
	_ =	sdelay $0x2  }
0x1f3: {  	[tilespmem:s0], [sflag:$0x2] =	stream.indirect_vreg.gather [hbm4b:s2+s3], $0x80, v4, vm0, $0xb8;
	[tilespmem:$0x10100] =	vst v63  }
0x1f4: {  	_ = 	snop  }
0x1f5: {  	[tilespmem:s7], [sflag:$0x2] =	stream.indirect_vreg.gather [hbm4b:s2+s3], $0x80, v3, vm0, $0xb8;
	[tilespmem:$0x10100] =	vst v63  }
0x1f6: {  	v3 =	vld [tilespmem:$0x8090];
	_ =	sdelay $0x4  }
0x1f7: {  	v57 =	vshll.u32 v3, $0x1  }
0x1f8: {  	v3 =	vand.u32 $0x7, v3;
	v4 =	vand.u32 $0xFFFFFFF0, v57  }
0x1f9: {  	v3 =	vor.u32 v3, v4  }
0x1fa: {  	v4 =	vperm.xlane v3, v0;
	_ =	sdelay $0x1  }
0x1fb: {  	v3 =	vperm.xlane v3, v2;
	v4 =	vadd.s32 v1, v4;
	_ =	sdelay $0x1  }
0x1fc: {  	v3 =	vadd.s32 v1, v3;
	_ =	sdelay $0x2  }
0x1fd: {  	[tilespmem:s8], [sflag:$0x2] =	stream.indirect_vreg.gather [hbm4b:s2+s3], $0x80, v4, vm0, $0xb8;
	[tilespmem:$0x10100] =	vst v63  }
0x1fe: {  	_ = 	snop  }
0x1ff: {  	[tilespmem:s9], [sflag:$0x2] =	stream.indirect_vreg.gather [hbm4b:s2+s3], $0x80, v3, vm0, $0xb8;
	[tilespmem:$0x10100] =	vst v63  }
0x200: {  	v3 =	vld [tilespmem:$0x80A0];
	_ =	sdelay $0x4  }
0x201: {  	v58 =	vshll.u32 v3, $0x1  }
0x202: {  	v3 =	vand.u32 $0x7, v3;
	v4 =	vand.u32 $0xFFFFFFF0, v58  }
0x203: {  	v3 =	vor.u32 v3, v4  }
0x204: {  	v4 =	vperm.xlane v3, v0;
	_ =	sdelay $0x1  }
0x205: {  	v3 =	vperm.xlane v3, v2;
	v4 =	vadd.s32 v1, v4;
	_ =	sdelay $0x1  }
0x206: {  	v3 =	vadd.s32 v1, v3;
	_ =	sdelay $0x2  }
0x207: {  	[tilespmem:s10], [sflag:$0x2] =	stream.indirect_vreg.gather [hbm4b:s2+s3], $0x80, v4, vm0, $0xb8;
	[tilespmem:$0x10100] =	vst v63  }
0x208: {  	_ = 	snop  }
0x209: {  	[tilespmem:s11], [sflag:$0x2] =	stream.indirect_vreg.gather [hbm4b:s2+s3], $0x80, v3, vm0, $0xb8;
	[tilespmem:$0x10100] =	vst v63  }
0x20a: {  	v3 =	vld [tilespmem:$0x80B0];
	_ =	sdelay $0x4  }
0x20b: {  	v59 =	vshll.u32 v3, $0x1  }
0x20c: {  	v3 =	vand.u32 $0x7, v3;
	v4 =	vand.u32 $0xFFFFFFF0, v59  }
0x20d: {  	v3 =	vor.u32 v3, v4  }
0x20e: {  	v4 =	vperm.xlane v3, v0;
	_ =	sdelay $0x1  }
0x20f: {  	v3 =	vperm.xlane v3, v2;
	v4 =	vadd.s32 v1, v4;
	_ =	sdelay $0x1  }
0x210: {  	v3 =	vadd.s32 v1, v3;
	_ =	sdelay $0x2  }
0x211: {  	[tilespmem:s12], [sflag:$0x2] =	stream.indirect_vreg.gather [hbm4b:s2+s3], $0x80, v4, vm0, $0xb8;
	[tilespmem:$0x10100] =	vst v63  }
0x212: {  	s15 =	simm.s32 $0xB900  }
0x213: {  	[tilespmem:s15], [sflag:$0x2] =	stream.indirect_vreg.gather [hbm4b:s2+s3], $0x80, v3, vm0, $0xb8;
	[tilespmem:$0x10100] =	vst v63  }
0x214: {  	v3 =	vld [tilespmem:$0x80C0];
	_ =	sdelay $0x4  }
0x215: {  	v60 =	vshll.u32 v3, $0x1  }
0x216: {  	v3 =	vand.u32 $0x7, v3;
	v4 =	vand.u32 $0xFFFFFFF0, v60  }
0x217: {  	v3 =	vor.u32 v3, v4  }
0x218: {  	v4 =	vperm.xlane v3, v0;
	_ =	sdelay $0x1  }
0x219: {  	v3 =	vperm.xlane v3, v2;
	v4 =	vadd.s32 v1, v4;
	_ =	sdelay $0x1  }
0x21a: {  	v3 =	vadd.s32 v1, v3;
	_ =	sdelay $0x1  }
0x21b: {  	s15 =	simm.s32 $0xC100  }
0x21c: {  	[tilespmem:s15], [sflag:$0x2] =	stream.indirect_vreg.gather [hbm4b:s2+s3], $0x80, v4, vm0, $0xb8;
	[tilespmem:$0x10100] =	vst v63  }
0x21d: {  	_ = 	snop  }
0x21e: {  	[tilespmem:s6], [sflag:$0x2] =	stream.indirect_vreg.gather [hbm4b:s2+s3], $0x80, v3, vm0, $0xb8;
	[tilespmem:$0x10100] =	vst v63  }
0x21f: {  	v3 =	vld [tilespmem:$0x80D0];
	_ =	sdelay $0x4  }
0x220: {  	v61 =	vshll.u32 v3, $0x1  }
0x221: {  	v3 =	vand.u32 $0x7, v3;
	v4 =	vand.u32 $0xFFFFFFF0, v61  }
0x222: {  	v3 =	vor.u32 v3, v4  }
0x223: {  	v4 =	vperm.xlane v3, v0;
	_ =	sdelay $0x1  }
0x224: {  	v3 =	vperm.xlane v3, v2;
	v4 =	vadd.s32 v1, v4;
	_ =	sdelay $0x1  }
0x225: {  	v3 =	vadd.s32 v1, v3;
	_ =	sdelay $0x1  }
0x226: {  	s6 =	simm.s32 $0xD100  }
0x227: {  	[tilespmem:s6], [sflag:$0x2] =	stream.indirect_vreg.gather [hbm4b:s2+s3], $0x80, v4, vm0, $0xb8;
	[tilespmem:$0x10100] =	vst v63  }
0x228: {  	s15 =	simm.s32 $0xD900  }
0x229: {  	[tilespmem:s15], [sflag:$0x2] =	stream.indirect_vreg.gather [hbm4b:s2+s3], $0x80, v3, vm0, $0xb8;
	[tilespmem:$0x10100] =	vst v63  }
0x22a: {  	v3 =	vld [tilespmem:$0x80E0];
	_ =	sdelay $0x4  }
0x22b: {  	v62 =	vshll.u32 v3, $0x1  }
0x22c: {  	v3 =	vand.u32 $0x7, v3;
	v4 =	vand.u32 $0xFFFFFFF0, v62  }
0x22d: {  	v3 =	vor.u32 v3, v4  }
0x22e: {  	v4 =	vperm.xlane v3, v0;
	_ =	sdelay $0x1  }
0x22f: {  	v3 =	vperm.xlane v3, v2;
	v4 =	vadd.s32 v1, v4;
	_ =	sdelay $0x1  }
0x230: {  	v3 =	vadd.s32 v1, v3;
	_ =	sdelay $0x1  }
0x231: {  	s6 =	simm.s32 $0xE100  }
0x232: {  	[tilespmem:s6], [sflag:$0x2] =	stream.indirect_vreg.gather [hbm4b:s2+s3], $0x80, v4, vm0, $0xb8;
	[tilespmem:$0x10100] =	vst v63  }
0x233: {  	s15 =	simm.s32 $0xE900  }
0x234: {  	[tilespmem:s15], [sflag:$0x2] =	stream.indirect_vreg.gather [hbm4b:s2+s3], $0x80, v3, vm0, $0xb8;
	[tilespmem:$0x10100] =	vst v63  }
0x235: {  	v3 =	vld [tilespmem:$0x80F0];
	_ =	sdelay $0x4  }
0x236: {  	v63 =	vshll.u32 v3, $0x1  }
0x237: {  	v3 =	vand.u32 $0x7, v3;
	v4 =	vand.u32 $0xFFFFFFF0, v63  }
0x238: {  	v3 =	vor.u32 v3, v4  }
0x239: {  	v4 =	vperm.xlane v3, v0;
	_ =	sdelay $0x1  }
0x23a: {  	v3 =	vperm.xlane v3, v2;
	v4 =	vadd.s32 v1, v4;
	_ =	sdelay $0x1  }
0x23b: {  	v3 =	vadd.s32 v1, v3;
	_ =	sdelay $0x1  }
0x23c: {  	s6 =	simm.s32 $0xF100  }
0x23d: {  	[tilespmem:s6], [sflag:$0x2] =	stream.indirect_vreg.gather [hbm4b:s2+s3], $0x80, v4, vm0, $0xb8;
	[tilespmem:$0x10100] =	vst v63  }
0x23e: {  	s15 =	simm.s32 $0xF900  }
0x23f: {  	[tilespmem:s15], [sflag:$0x2] =	stream.indirect_vreg.gather [hbm4b:s2+s3], $0x80, v3, vm0, $0xb8;
	[tilespmem:$0x10100] =	vst v63  }
0x240: {  	_ =	swait.ge [sflag:s13], $0x8000  }
0x241: {  	[sflag:s13] =	ssyncset.done $0x0  }
0x242: {  	s1 =	rddreg [dreg:$0xd];
	[sflag:s13] =	ssyncadd.s32 $0xFFFF8000  }
0x243: {  	[hbm4b:s1+s3] =	stream.linear.scatter [tilespmem:s23], [sflag:$0x3], $0x8000, $0x38;
	[tilespmem:$0x10100] =	vst v63  }
0x244: {  	_ =	swait.ge [sflag:s5], $0x8000  }
0x245: {  	[sflag:s5] =	ssyncset.done $0x0  }
0x246: {  	[sflag:s5] =	ssyncadd.s32 $0xFFFF8000  }
0x247: {  	_ =	swait.ge [sflag:s14], $0x8000  }
0x248: {  	p0 =	sne.s32 s4, $0x1;
	[sflag:s14] =	ssyncset.done $0x0  }
.Ltmp0:
0x249: {  	s6 =	rddreg [dreg:$0xe];
	[sflag:s14] =	ssyncadd.s32 $0xFFFF8000;
	(pc) =	sbr.rel @p0 .LBB2_1-.Ltmp0, $4  }
0x24a: {  	[hbm4b:s6+s3] =	stream.linear.scatter [tilespmem:s0], [sflag:$0x3], $0x8000, $0x38;
	[tilespmem:$0x10100] =	vst v63  }
0x24b: {  	_ =	swait.ge [sflag:s5], $0x8000  }
0x24c: {  	[sflag:s5] =	ssyncset.done $0x0  }
0x24d: {  	s4 =	sadd.s32 $0xFFFFFFFF, s4;
	[sflag:s5] =	ssyncadd.s32 $0xFFFF8000  }
0x24e: {  	_ =	sfence.sel $0x180000  }
0x24f: {  	[bflag:$0x0] =	sbarrier.arrive $0xFFFF  }
0x250: {  	_ =	strace $0x9000004A  }
0x251: {  	s0 =	stileid.u32;
	[bflag:$0x2] =	sbarrier.arrive $0xFFFF  }
0x252: {  	p0 =	sne.s32 s0, $0x0;
	s0 =	rddreg [dreg:$0x2]  }
0x253: {  	s0 =	sadd.s32 @!p0 $0x100000, s0  }
0x254: {  	[sflag:s0] =	ssyncadd.tile.s32 @!p0 $0x1;
	_ =	shalt  }
.Lfunc_end2:
_tile_overlayer_lowered:
.L_overlay_start_2:
0x255: {  	(tag) =	ssettag $0x2  }
0x256: {  	s0 =	rddreg [dreg:$0x0];
	s2 =	stileid.u32  }
0x257: {  	s1 =	rddreg [dreg:$0x1];
	p0 =	sne.s32 s2, $0x0  }
0x258: {  	s3 =	rddreg [dreg:$0x2];
	[bflag:$0x3] =	sbarrier.arrive $0xFFFF;
	s2 =	simm.s32 @!p0 $0x1C03  }
0x259: {  	[timem:s3], [sflag:s2] =	dma.local @!p0 [hbm:s0], s1  }
0x25a: {  	s0 =	simm.s32 @!p0 $0x3  }
0x25b: {  	_ =	swait.ge @!p0 [sflag:s0], s1  }
0x25c: {  	s1 =	ssub.s32 @!p0 $0x0, s1;
	[sflag:s0] =	ssyncset.done @!p0 $0x0  }
0x25d: {  	[sflag:s0] =	ssyncadd.s32 @!p0 s1  }
0x25e: {  	[bflag:$0x3] =	sbarrier.arrive $0xFFFF  }
0x25f: {  	_ =	shalt  }

// kernel: kernel.28.cloned.1.call-start
scs
__scs_entry_jumppad:
0x0: {  	(pc) =	sbr.rel $0x88, $3  }
0x1: {  	(tag) =	ssettag $0x0;
	lr =	simm.s32 $0x1  }
0x2: {  	[smem:$0x3F98] =	sst lr;
	_ =	strace $0xD0000000  }
0x3: {  	_ = 	snop  }
0x4: {  	_ = 	snop  }
0x5: {  	_ = 	snop  }
0x6: {  	_ = 	snop  }
0x7: {  	_ = 	snop  }
__scs_overlays_trampoline_lowered:
0x8: {  	[smem:$0x3FA7] =	sst s0  }
0x9: {  	[smem:$0x3FA8] =	sst s1  }
0xa: {  	[smem:$0x3FA9] =	sst s2  }
0xb: {  	[smem:$0x3FAA] =	sst s3  }
0xc: {  	[smem:$0x3FAB] =	sst s4  }
0xd: {  	[smem:$0x3FAC] =	sst s5  }
0xe: {  	[smem:$0x3FAD] =	sst s6  }
0xf: {  	[smem:$0x3FAE] =	sst s7  }
0x10: {  	[smem:$0x3FAF] =	sst s8  }
0x11: {  	[smem:$0x3FB0] =	sst s9;
	s0 =	simm.s32 @!p0 $0x0  }
0x12: {  	s1 =	sld [smem:$0x3F96];
	s0 =	simm.s32 @p0 $0x1  }
0x13: {  	[smem:$0x3FB1] =	sst s0;
	s0 =	simm.s32 @!p1 $0x0  }
0x14: {  	s2 =	sld [smem:$0x3F95];
	s0 =	simm.s32 @p1 $0x1  }
0x15: {  	[smem:$0x3FB2] =	sst s0;
	s0 =	simm.s32 @!p2 $0x0  }
0x16: {  	s3 =	sld [smem:$0x3FDB];
	s0 =	simm.s32 @p2 $0x1  }
0x17: {  	s4 =	simm.s32 $0x1BF5;
	[smem:$0x3FB4] =	sst s0  }
0x18: {  	s0 =	sld [smem:$0x3F97];
	_ =	swait.ge [sflag:s4], $0x0  }
0x19: {  	s7 =	sld [smem:$0x3F98]  }
0x1a: {  	s8 =	sadd.s32 $0xFFFFE003, lr  }
0x1b: {  	s9 =	sadd.s32 $0xFFFFFEF7, lr;
	s5 =	simm.s32 $0xFFFFFFFF;
	p2 =	slt.u32 s8, $0xFFFFF086  }
0x1c: {  	p1 =	slt.u32 s9, $0xF7A;
	s5 =	simm.s32 @!p2 $0x0  }
0x1d: {  	s5 =	simm.s32 @p1 $0x1;
	p0 =	seq.s32 s7, s2  }
0x1e: {  	s7 =	smul.u32 @!p0 $0xF7A, s2;
	p2 =	seq.s32 @!p0 s5, $0x0  }
0x1f: {  	s9 =	smul.u32 $0xF7A, s1;
	s8 =	simm.s32 @!p0 $0x1BF5;
	p2 =	por !p2, p0  }
0x20: {  	[sflag:s8] =	ssyncset.s32 @!p0 $0xFFFFF086;
	s6 =	sadd.s32 @!p0 s3, s7;
	s7 =	simm.s32 @!p0 $0x108  }
0x21: {  	s3 =	sadd.s32 s3, s9;
	s6 =	sadd.s32 @!p0 $0x88, s6;
	s7 =	simm.s32 @p2 $0x1082  }
0x22: {  	[simem:s7], [sflag:s8] =	dma.local @!p0 [hbm:s6], $0xF7A  }
0x23: {  	s9 =	sor.u32 $0xD0000000, s2;
	s6 =	simm.s32 $0x108;
	_ =	swait.ge @!p0 [sflag:s8], $0x0  }
0x24: {  	s3 =	sadd.s32 $0x88, s3;
	s6 =	simm.s32 @!p1 $0x1082;
	[sflag:s4] =	ssyncset.s32 $0xFFFFF086  }
0x25: {  	[simem:s6], [sflag:s4] =	dma.local [hbm:s3], $0xF7A  }
0x26: {  	[smem:$0x3F98] =	sst s1;
	(tag) =	ssettag s2;
	_ =	strace s9  }
0x27: {  	s1 =	sld [smem:$0x3FA8]  }
0x28: {  	s2 =	sld [smem:$0x3FA9]  }
0x29: {  	s4 =	sld [smem:$0x3FAB]  }
0x2a: {  	p0 =	seq.s32 s5, $0x0;
	s5 =	sld [smem:$0x3FAC]  }
0x2b: {  	s6 =	sld [smem:$0x3FAD]  }
0x2c: {  	s7 =	sld [smem:$0x3FAE]  }
0x2d: {  	s3 =	simm.s32 $0x108;
	s8 =	sld [smem:$0x3FAF]  }
0x2e: {  	s3 =	simm.s32 @!p0 $0x1082;
	s9 =	sld [smem:$0x3FB0]  }
0x2f: {  	lr =	sadd.s32 s0, s3;
	s0 =	sld [smem:$0x3FA7]  }
0x30: {  	s3 =	sld [smem:$0x3FAA]  }
0x31: {  	[smem:$0x3FB3] =	sst s10  }
0x32: {  	s10 =	sld [smem:$0x3FB1];
	_ =	sdelay $0x3  }
0x33: {  	p0 =	seq.s32 s10, $0x1;
	s10 =	sld [smem:$0x3FB3];
	_ =	sdelay $0x3  }
0x34: {  	[smem:$0x3FB3] =	sst s10  }
0x35: {  	s10 =	sld [smem:$0x3FB2];
	_ =	sdelay $0x3  }
0x36: {  	p1 =	seq.s32 s10, $0x1;
	s10 =	sld [smem:$0x3FB3];
	_ =	sdelay $0x3  }
0x37: {  	[smem:$0x3FB3] =	sst s10  }
0x38: {  	s10 =	sld [smem:$0x3FB4]  }
0x39: {  	_ = 	snop;
	(pc) =	sbr.ind lr, $3  }
0x3a: {  	_ = 	snop  }
0x3b: {  	_ = 	snop  }
0x3c: {  	p2 =	seq.s32 s10, $0x1;
	s10 =	sld [smem:$0x3FB3]  }
0x3d: {  	_ =	shalt  }
0x3e: {  	_ =	shalt  }
0x3f: {  	_ =	shalt  }
0x40: {  	_ =	shalt  }
0x41: {  	_ =	shalt  }
0x42: {  	_ =	shalt  }
0x43: {  	_ =	shalt  }
0x44: {  	_ =	shalt  }
0x45: {  	_ =	shalt  }
0x46: {  	_ =	shalt  }
0x47: {  	_ =	shalt  }
0x48: {  	_ =	shalt  }
0x49: {  	_ =	shalt  }
0x4a: {  	_ =	shalt  }
0x4b: {  	_ =	shalt  }
0x4c: {  	_ =	shalt  }
0x4d: {  	_ =	shalt  }
0x4e: {  	_ =	shalt  }
0x4f: {  	_ =	shalt  }
0x50: {  	_ =	shalt  }
0x51: {  	_ =	shalt  }
0x52: {  	_ =	shalt  }
0x53: {  	_ =	shalt  }
0x54: {  	_ =	shalt  }
0x55: {  	_ =	shalt  }
0x56: {  	_ =	shalt  }
0x57: {  	_ =	shalt  }
0x58: {  	_ =	shalt  }
0x59: {  	_ =	shalt  }
0x5a: {  	_ =	shalt  }
0x5b: {  	_ =	shalt  }
0x5c: {  	_ =	shalt  }
0x5d: {  	_ =	shalt  }
0x5e: {  	_ =	shalt  }
0x5f: {  	_ =	shalt  }
0x60: {  	_ =	shalt  }
0x61: {  	_ =	shalt  }
0x62: {  	_ =	shalt  }
0x63: {  	_ =	shalt  }
0x64: {  	_ =	shalt  }
0x65: {  	_ =	shalt  }
0x66: {  	_ =	shalt  }
0x67: {  	_ =	shalt  }
0x68: {  	_ =	shalt  }
0x69: {  	_ =	shalt  }
0x6a: {  	_ =	shalt  }
0x6b: {  	_ =	shalt  }
0x6c: {  	_ =	shalt  }
0x6d: {  	_ =	shalt  }
0x6e: {  	_ =	shalt  }
0x6f: {  	_ =	shalt  }
0x70: {  	_ =	shalt  }
0x71: {  	_ =	shalt  }
0x72: {  	_ =	shalt  }
0x73: {  	_ =	shalt  }
0x74: {  	_ =	shalt  }
0x75: {  	_ =	shalt  }
0x76: {  	_ =	shalt  }
0x77: {  	_ =	shalt  }
0x78: {  	_ =	shalt  }
0x79: {  	_ =	shalt  }
0x7a: {  	_ =	shalt  }
0x7b: {  	_ =	shalt  }
0x7c: {  	_ =	shalt  }
0x7d: {  	_ =	shalt  }
0x7e: {  	_ =	shalt  }
0x7f: {  	_ =	shalt  }
0x80: {  	_ =	shalt  }
0x81: {  	_ =	shalt  }
0x82: {  	_ =	shalt  }
0x83: {  	_ =	shalt  }
0x84: {  	_ =	shalt  }
0x85: {  	_ =	shalt  }
0x86: {  	_ =	shalt  }
0x87: {  	_ =	shalt  }
.Lfunc_end0:
.L_simem_size_0:
called_computation.1_lowered:
.L_overlay_start_0:
0x88: {  	s2 =	sld [smem:$0x3FD9]  }
0x89: {  	s3 =	sld [smem:$0x3FFE];
	_ =	sdelay $0x1  }
0x8a: {  	s1 =	srdreg.scid  }
0x8b: {  	s0 =	sand.u32 $0x1, s1  }
0x8c: {  	s17 =	sshll.u32 s0, $0xA;
	s2 =	sadd.s32 s3, s2  }
0x8d: {  	s2 =	sadd.s32 s2, s17  }
0x8e: {  	[smem:$0x3FBF] =	sst s2  }
0x8f: {  	_ = 	snop  }
0x90: {  	s2 =	sld [smem:$0x3FD0];
	(tm) =	ssettm $0x1  }
0x91: {  	s18 =	sld [smem:$0x3FFB];
	_ =	sdelay $0x3  }
0x92: {  	_ =	strace s18  }
0x93: {  	s3 =	sld [smem:$0x3FFC];
	_ =	sdelay $0x3  }
0x94: {  	_ =	strace s3  }
0x95: {  	s3 =	sld [smem:$0x3FFD];
	_ =	sdelay $0x3  }
0x96: {  	_ =	strace s3  }
0x97: {  	_ =	strace $0x8FFFFFFF  }
0x98: {  	s19 =	sld [smem:$0x3FDB];
	_ =	sdelay $0x1  }
0x99: {  	s4 =	simm.s32 $_scs_section_size  }
0x9a: {  	s5 =	simm.s32 $_size__tile_overlayer_lowered;
	s6 =	simm.s32 $_tile_overlayer_lowered  }
0x9b: {  	s22 =	simm.s32 $0x1BFF;
	s21 =	sshll.u32 s6, $0x1;
	s3 =	sadd.s32 s4, s19  }
0x9c: {  	s7 =	simm.s32 $0x0;
	s20 =	sshll.u32 s5, $0x1;
	s5 =	sadd.s32 s21, s3  }
0x9d: {  	[timem:s7], [sflag:s22] =	dma.local [hbm:s5], s20  }
0x9e: {  	_ =	swait.ge [sflag:s22], s20  }
0x9f: {  	s4 =	ssub.s32 $0x0, s20;
	[sflag:s22] =	ssyncset.done $0x0  }
0xa0: {  	[sflag:s22] =	ssyncadd.s32 s4;
	_ =	sdelay $0x1  }
0xa1: {  	s23 =	simm.s32 $0x1B8B  }
0xa2: {  	_ =	swait.ge [sflag:s23], $0x1  }
0xa3: {  	[sflag:s23] =	ssyncset.done $0x0  }
0xa4: {  	s25 =	simm.s32 $0x1B8E;
	s24 =	sld [smem:$0x3FFE];
	[sflag:s23] =	ssyncadd.s32 $0xFFFFFFFF  }
0xa5: {  	s26 =	simm.s32 $execute0_lowered;
	[smem:$0x3FD2] =	sst s25  }
0xa6: {  	s5 =	sshll.u32 s26, $0x1;
	_ =	strace $0x80000046;
	[dreg:$0x1] =	wrdreg $0xFFFFFFFF  }
0xa7: {  	s28 =	simm.s32 $_size_execute0_lowered;
	s3 =	sadd.s32 s3, s5;
	[dreg:$0x0] =	wrdreg $0x0  }
0xa8: {  	s5 =	sshll.u32 s28, $0x1;
	[dreg:$0x2] =	wrdreg s3  }
0xa9: {  	[dreg:$0x3] =	wrdreg s5  }
0xaa: {  	[dreg:$0x4] =	wrdreg $0xC0  }
0xab: {  	_ =	task [dreg:s7], $0x5FFFF  }
0xac: {  	[dreg:$0x1] =	wrdreg $0xFFFFFFFF  }
0xad: {  	[dreg:$0x0] =	wrdreg $0x60  }
0xae: {  	[dreg:$0x2] =	wrdreg s2  }
0xaf: {  	[dreg:$0x3] =	wrdreg s24  }
0xb0: {  	[dreg:$0x4] =	wrdreg $0xA  }
0xb1: {  	_ =	task.clear_ibuf [dreg:s7], $0x5FFFF;
	_ =	strace $0x90000046  }
0xb2: {  	s29 =	simm.s32 $0xA;
	_ =	strace $0x80000048  }
0xb3: {  	_ =	swait.ge [sflag:s29], $0x1  }
0xb4: {  	[sflag:s29] =	ssyncadd.s32 $0xFFFFFFFF  }
0xb5: {  	_ =	strace $0x90000048  }
0xb6: {  	_ =	sfence  }
0xb7: {  	s30 =	sld [smem:$0x0];
	_ =	sdelay $0x2  }
0xb8: {  	s31 =	sshll.u32 s1, $0xD;
	s1 =	sshrl.u32 s1, $0x2  }
0xb9: {  	s3 =	sand.u32 $0x4000, s31;
	s1 =	sadd.s32 s1, s30  }
0xba: {  	s0 =	sor.u32 s3, s0;
	s1 =	sshll.u32 s1, $0x11  }
0xbb: {  	s0 =	sor.u32 s1, s0  }
0xbc: {  	s0 =	sadd.s32 $0x8F2B, s0  }
0xbd: {  	[sflag:s0] =	ssyncadd.remote.s32 $0x1  }
0xbe: {  	_ =	sfence.sel $0xFFFF  }
0xbf: {  	[dreg:$0x0] =	wrdreg $0xFFFFFFFF;
	(pc) =	sbr.abs _section_cstart, $3  }
0xc0: {  	[dreg:$0x1] =	wrdreg $0xFFFFFFFF  }
0xc1: {  	_ =	task.clear_ibuf [dreg:s7], $0x2FFFF;
	_ =	strace $0x9FFFFFFF  }
0xc2: {  	(tm) =	ssettm $0x7FFFFFFF  }
0xc3: {  	_ =	shalt  }
tec
execute0_lowered:
.L_overlay_start_1:
0x0: {  	(tag) =	ssettag $0x1  }
0x1: {  	s1 =	srdreg.scid;
	s0 =	stileid.u32  }
0x2: {  	s12 =	sand.u32 $0x1, s1;
	s28 =	sshll.u32 s0, $0x1  }
0x3: {  	s2 =	rddreg [dreg:$0x0];
	s8 =	sor.u32 s12, s28  }
0x4: {  	s9 =	rddreg [dreg:$0x1];
	s11 =	smul.u32 $0x300, s8  }
0x5: {  	s3 =	simm.s32 $0x0;
	s1 =	rddreg [dreg:$0x2]  }
0x6: {  	[smem:$0x7FF] =	sst s3;
	s13 =	sadd.s32 $0x8600, s9;
	s4 =	sshrl.u32 s11, $0x3  }
0x7: {  	_ =	strace $0x80000047;
	s5 =	sadd.s32 s13, s4;
	s4 =	simm.s32 $0x2  }
0x8: {  	[tilespmem:s3], [sflag:$0x2] =	stream.linear.gather [hbm4b:s5+s3], $0x100, $0x38;
	[tilespmem:$0x8100] =	vst v63  }
0x9: {  	_ =	swait.ge [sflag:s4], $0x100  }
0xa: {  	[sflag:s4] =	ssyncset.done $0x0  }
0xb: {  	s6 =	simm.s32 $0x100;
	s7 =	simm.s32 $0x1;
	[sflag:s4] =	ssyncadd.s32 $0xFFFFFF00  }
0xc: {  	[tilespmem:s6], [sflag:$0x1] =	stream.indirect.gather [hbm4b:s2+s6], $0x80, s3, s6, $0xb8;
	[tilespmem:$0x8100] =	vst v63  }
0xd: {  	s8 =	smul.u32 $0x3000, s8;
	_ =	swait.ge [sflag:s7], $0x8000  }
0xe: {  	s14 =	sadd.s32 $0x9200, s9;
	[sflag:s7] =	ssyncset.done $0x0  }
0xf: {  	s8 =	sadd.s32 s14, s8;
	[sflag:s7] =	ssyncadd.s32 $0xFFFF8000  }
0x10: {  	[hbm4b:s8+s3] =	stream.linear.scatter [tilespmem:s6], [sflag:$0x2], $0x8000, $0x38;
	[tilespmem:$0x8100] =	vst v63  }
0x11: {  	s10 =	sadd.s32 $0x100, s11;
	_ =	swait.ge [sflag:s4], $0x8000  }
0x12: {  	s29 =	sshrl.u32 s10, $0x3;
	[sflag:s4] =	ssyncset.done $0x0  }
0x13: {  	s9 =	sadd.s32 s13, s29;
	[sflag:s4] =	ssyncadd.s32 $0xFFFF8000  }
0x14: {  	[tilespmem:s3], [sflag:$0x2] =	stream.linear.gather [hbm4b:s9+s3], $0x100, $0x38;
	[tilespmem:$0x8100] =	vst v63  }
0x15: {  	_ =	swait.ge [sflag:s4], $0x100  }
0x16: {  	[sflag:s4] =	ssyncset.done $0x0  }
0x17: {  	[sflag:s4] =	ssyncadd.s32 $0xFFFFFF00  }
0x18: {  	[tilespmem:s6], [sflag:$0x1] =	stream.indirect.gather [hbm4b:s2+s6], $0x80, s3, s6, $0xb8;
	[tilespmem:$0x8100] =	vst v63  }
0x19: {  	_ =	swait.ge [sflag:s7], $0x8000  }
0x1a: {  	s10 =	sshll.u32 s10, $0x4;
	[sflag:s7] =	ssyncset.done $0x0  }
0x1b: {  	s10 =	sadd.s32 s14, s10;
	[sflag:s7] =	ssyncadd.s32 $0xFFFF8000  }
0x1c: {  	[hbm4b:s10+s3] =	stream.linear.scatter [tilespmem:s6], [sflag:$0x2], $0x8000, $0x38;
	[tilespmem:$0x8100] =	vst v63  }
0x1d: {  	s15 =	sadd.s32 $0x200, s11;
	_ =	swait.ge [sflag:s4], $0x8000  }
0x1e: {  	s11 =	sshrl.u32 s15, $0x3;
	[sflag:s4] =	ssyncset.done $0x0  }
0x1f: {  	s12 =	ssub.s32 $0x2, s12;
	s11 =	sadd.s32 s13, s11;
	[sflag:s4] =	ssyncadd.s32 $0xFFFF8000  }
0x20: {  	[tilespmem:s3], [sflag:$0x2] =	stream.linear.gather [hbm4b:s11+s3], $0x100, $0x38;
	[tilespmem:$0x8100] =	vst v63  }
0x21: {  	s30 =	sshrl.u32 s12, $0x1;
	_ =	swait.ge [sflag:s4], $0x100  }
0x22: {  	s13 =	ssub.s32 s12, s30;
	[sflag:s4] =	ssyncset.done $0x0  }
0x23: {  	s13 =	smax.u32 s13, $0x1;
	[sflag:s4] =	ssyncadd.s32 $0xFFFFFF00  }
0x24: {  	[tilespmem:s6], [sflag:$0x1] =	stream.indirect.gather [hbm4b:s2+s6], $0x80, s3, s6, $0xb8;
	[tilespmem:$0x8100] =	vst v63  }
0x25: {  	p0 =	sne.s32 s13, $0x1;
	_ =	swait.ge [sflag:s7], $0x8000  }
.Ltmp0:
0x26: {  	s31 =	sshll.u32 s15, $0x4;
	[sflag:s7] =	ssyncset.done $0x0;
	(pc) =	sbr.rel @!p0 .LBB2_2-.Ltmp0, $4  }
0x27: {  	s12 =	sadd.s32 s14, s31;
	[sflag:s7] =	ssyncadd.s32 $0xFFFF8000  }
0x28: {  	[hbm4b:s12+s3] =	stream.linear.scatter [tilespmem:s6], [sflag:$0x2], $0x8000, $0x38;
	[tilespmem:$0x8100] =	vst v63  }
0x29: {  	_ =	swait.ge [sflag:s4], $0x8000  }
0x2a: {  	s13 =	sadd.s32 $0xFFFFFFFF, s13;
	[sflag:s4] =	ssyncset.done $0x0  }
.LBB2_1:
0x2b: {  	p0 =	sne.s32 s13, $0x1;
	s13 =	sadd.s32 $0xFFFFFFFF, s13;
	[sflag:s4] =	ssyncadd.s32 $0xFFFF8000  }
0x2c: {  	[tilespmem:s3], [sflag:$0x2] =	stream.linear.gather [hbm4b:s5+s3], $0x100, $0x38;
	[tilespmem:$0x8100] =	vst v63  }
0x2d: {  	_ =	swait.ge [sflag:s4], $0x100  }
0x2e: {  	[sflag:s4] =	ssyncset.done $0x0  }
0x2f: {  	[sflag:s4] =	ssyncadd.s32 $0xFFFFFF00  }
0x30: {  	[tilespmem:s6], [sflag:$0x1] =	stream.indirect.gather [hbm4b:s2+s6], $0x80, s3, s6, $0xb8;
	[tilespmem:$0x8100] =	vst v63  }
0x31: {  	_ =	swait.ge [sflag:s7], $0x8000  }
0x32: {  	[sflag:s7] =	ssyncset.done $0x0  }
0x33: {  	[sflag:s7] =	ssyncadd.s32 $0xFFFF8000  }
0x34: {  	[hbm4b:s8+s3] =	stream.linear.scatter [tilespmem:s6], [sflag:$0x2], $0x8000, $0x38;
	[tilespmem:$0x8100] =	vst v63  }
0x35: {  	_ =	swait.ge [sflag:s4], $0x8000  }
0x36: {  	[sflag:s4] =	ssyncset.done $0x0  }
0x37: {  	[sflag:s4] =	ssyncadd.s32 $0xFFFF8000  }
0x38: {  	[tilespmem:s3], [sflag:$0x2] =	stream.linear.gather [hbm4b:s9+s3], $0x100, $0x38;
	[tilespmem:$0x8100] =	vst v63  }
0x39: {  	_ =	swait.ge [sflag:s4], $0x100  }
0x3a: {  	[sflag:s4] =	ssyncset.done $0x0  }
0x3b: {  	[sflag:s4] =	ssyncadd.s32 $0xFFFFFF00  }
0x3c: {  	[tilespmem:s6], [sflag:$0x1] =	stream.indirect.gather [hbm4b:s2+s6], $0x80, s3, s6, $0xb8;
	[tilespmem:$0x8100] =	vst v63  }
0x3d: {  	_ =	swait.ge [sflag:s7], $0x8000  }
0x3e: {  	[sflag:s7] =	ssyncset.done $0x0  }
0x3f: {  	[sflag:s7] =	ssyncadd.s32 $0xFFFF8000  }
0x40: {  	[hbm4b:s10+s3] =	stream.linear.scatter [tilespmem:s6], [sflag:$0x2], $0x8000, $0x38;
	[tilespmem:$0x8100] =	vst v63  }
0x41: {  	_ =	swait.ge [sflag:s4], $0x8000  }
0x42: {  	[sflag:s4] =	ssyncset.done $0x0  }
0x43: {  	[sflag:s4] =	ssyncadd.s32 $0xFFFF8000  }
0x44: {  	[tilespmem:s3], [sflag:$0x2] =	stream.linear.gather [hbm4b:s11+s3], $0x100, $0x38;
	[tilespmem:$0x8100] =	vst v63  }
0x45: {  	_ =	swait.ge [sflag:s4], $0x100  }
0x46: {  	[sflag:s4] =	ssyncset.done $0x0  }
0x47: {  	[sflag:s4] =	ssyncadd.s32 $0xFFFFFF00  }
0x48: {  	[tilespmem:s6], [sflag:$0x1] =	stream.indirect.gather [hbm4b:s2+s6], $0x80, s3, s6, $0xb8;
	[tilespmem:$0x8100] =	vst v63  }
0x49: {  	_ =	swait.ge [sflag:s7], $0x8000  }
.Ltmp1:
0x4a: {  	[sflag:s7] =	ssyncset.done $0x0;
	(pc) =	sbr.rel @p0 .LBB2_1-.Ltmp1, $4  }
0x4b: {  	[sflag:s7] =	ssyncadd.s32 $0xFFFF8000  }
0x4c: {  	[hbm4b:s12+s3] =	stream.linear.scatter [tilespmem:s6], [sflag:$0x2], $0x8000, $0x38;
	[tilespmem:$0x8100] =	vst v63  }
0x4d: {  	_ =	swait.ge [sflag:s4], $0x8000  }
0x4e: {  	[sflag:s4] =	ssyncset.done $0x0  }
.LBB2_2:
0x4f: {  	[sflag:s4] =	ssyncadd.s32 $0xFFFF8000  }
0x50: {  	_ =	sfence.sel $0x180000  }
0x51: {  	[bflag:$0x0] =	sbarrier.arrive $0xFFFF  }
0x52: {  	p0 =	sne.s32 s0, $0x0;
	_ =	strace $0x90000047  }
0x53: {  	s0 =	sadd.s32 @!p0 $0x100000, s1;
	[bflag:$0x2] =	sbarrier.arrive $0xFFFF  }
0x54: {  	[sflag:s0] =	ssyncadd.tile.s32 @!p0 $0x1;
	_ =	shalt  }
.Lfunc_end2:
_tile_overlayer_lowered:
.L_overlay_start_2:
0x55: {  	(tag) =	ssettag $0x2  }
0x56: {  	s0 =	rddreg [dreg:$0x0];
	s2 =	stileid.u32  }
0x57: {  	s1 =	rddreg [dreg:$0x1];
	p0 =	sne.s32 s2, $0x0  }
0x58: {  	s3 =	rddreg [dreg:$0x2];
	[bflag:$0x3] =	sbarrier.arrive $0xFFFF;
	s2 =	simm.s32 @!p0 $0x1C02  }
0x59: {  	[timem:s3], [sflag:s2] =	dma.local @!p0 [hbm:s0], s1  }
0x5a: {  	s0 =	simm.s32 @!p0 $0x2  }
0x5b: {  	_ =	swait.ge @!p0 [sflag:s0], s1  }
0x5c: {  	s1 =	ssub.s32 @!p0 $0x0, s1;
	[sflag:s0] =	ssyncset.done @!p0 $0x0  }
0x5d: {  	[sflag:s0] =	ssyncadd.s32 @!p0 s1  }
0x5e: {  	[bflag:$0x3] =	sbarrier.arrive $0xFFFF  }
0x5f: {  	_ =	shalt  }

// kernel: kernel.31.cloned.1.call-start
scs
__scs_entry_jumppad:
0x0: {  	(pc) =	sbr.rel $0x88, $3  }
0x1: {  	(tag) =	ssettag $0x0;
	lr =	simm.s32 $0x1  }
0x2: {  	[smem:$0x3F98] =	sst lr;
	_ =	strace $0xD0000000  }
0x3: {  	_ = 	snop  }
0x4: {  	_ = 	snop  }
0x5: {  	_ = 	snop  }
0x6: {  	_ = 	snop  }
0x7: {  	_ = 	snop  }
__scs_overlays_trampoline_lowered:
0x8: {  	[smem:$0x3FA7] =	sst s0  }
0x9: {  	[smem:$0x3FA8] =	sst s1  }
0xa: {  	[smem:$0x3FA9] =	sst s2  }
0xb: {  	[smem:$0x3FAA] =	sst s3  }
0xc: {  	[smem:$0x3FAB] =	sst s4  }
0xd: {  	[smem:$0x3FAC] =	sst s5  }
0xe: {  	[smem:$0x3FAD] =	sst s6  }
0xf: {  	[smem:$0x3FAE] =	sst s7  }
0x10: {  	[smem:$0x3FAF] =	sst s8  }
0x11: {  	[smem:$0x3FB0] =	sst s9;
	s0 =	simm.s32 @!p0 $0x0  }
0x12: {  	s1 =	sld [smem:$0x3F96];
	s0 =	simm.s32 @p0 $0x1  }
0x13: {  	[smem:$0x3FB1] =	sst s0;
	s0 =	simm.s32 @!p1 $0x0  }
0x14: {  	s2 =	sld [smem:$0x3F95];
	s0 =	simm.s32 @p1 $0x1  }
0x15: {  	[smem:$0x3FB2] =	sst s0;
	s0 =	simm.s32 @!p2 $0x0  }
0x16: {  	s3 =	sld [smem:$0x3FDB];
	s0 =	simm.s32 @p2 $0x1  }
0x17: {  	s4 =	simm.s32 $0x1BF5;
	[smem:$0x3FB4] =	sst s0  }
0x18: {  	s0 =	sld [smem:$0x3F97];
	_ =	swait.ge [sflag:s4], $0x0  }
0x19: {  	s7 =	sld [smem:$0x3F98]  }
0x1a: {  	s8 =	sadd.s32 $0xFFFFE003, lr  }
0x1b: {  	s9 =	sadd.s32 $0xFFFFFEF7, lr;
	s5 =	simm.s32 $0xFFFFFFFF;
	p2 =	slt.u32 s8, $0xFFFFF086  }
0x1c: {  	p1 =	slt.u32 s9, $0xF7A;
	s5 =	simm.s32 @!p2 $0x0  }
0x1d: {  	s5 =	simm.s32 @p1 $0x1;
	p0 =	seq.s32 s7, s2  }
0x1e: {  	s7 =	smul.u32 @!p0 $0xF7A, s2;
	p2 =	seq.s32 @!p0 s5, $0x0  }
0x1f: {  	s9 =	smul.u32 $0xF7A, s1;
	s8 =	simm.s32 @!p0 $0x1BF5;
	p2 =	por !p2, p0  }
0x20: {  	[sflag:s8] =	ssyncset.s32 @!p0 $0xFFFFF086;
	s6 =	sadd.s32 @!p0 s3, s7;
	s7 =	simm.s32 @!p0 $0x108  }
0x21: {  	s3 =	sadd.s32 s3, s9;
	s6 =	sadd.s32 @!p0 $0x88, s6;
	s7 =	simm.s32 @p2 $0x1082  }
0x22: {  	[simem:s7], [sflag:s8] =	dma.local @!p0 [hbm:s6], $0xF7A  }
0x23: {  	s9 =	sor.u32 $0xD0000000, s2;
	s6 =	simm.s32 $0x108;
	_ =	swait.ge @!p0 [sflag:s8], $0x0  }
0x24: {  	s3 =	sadd.s32 $0x88, s3;
	s6 =	simm.s32 @!p1 $0x1082;
	[sflag:s4] =	ssyncset.s32 $0xFFFFF086  }
0x25: {  	[simem:s6], [sflag:s4] =	dma.local [hbm:s3], $0xF7A  }
0x26: {  	[smem:$0x3F98] =	sst s1;
	(tag) =	ssettag s2;
	_ =	strace s9  }
0x27: {  	s1 =	sld [smem:$0x3FA8]  }
0x28: {  	s2 =	sld [smem:$0x3FA9]  }
0x29: {  	s4 =	sld [smem:$0x3FAB]  }
0x2a: {  	p0 =	seq.s32 s5, $0x0;
	s5 =	sld [smem:$0x3FAC]  }
0x2b: {  	s6 =	sld [smem:$0x3FAD]  }
0x2c: {  	s7 =	sld [smem:$0x3FAE]  }
0x2d: {  	s3 =	simm.s32 $0x108;
	s8 =	sld [smem:$0x3FAF]  }
0x2e: {  	s3 =	simm.s32 @!p0 $0x1082;
	s9 =	sld [smem:$0x3FB0]  }
0x2f: {  	lr =	sadd.s32 s0, s3;
	s0 =	sld [smem:$0x3FA7]  }
0x30: {  	s3 =	sld [smem:$0x3FAA]  }
0x31: {  	[smem:$0x3FB3] =	sst s10  }
0x32: {  	s10 =	sld [smem:$0x3FB1];
	_ =	sdelay $0x3  }
0x33: {  	p0 =	seq.s32 s10, $0x1;
	s10 =	sld [smem:$0x3FB3];
	_ =	sdelay $0x3  }
0x34: {  	[smem:$0x3FB3] =	sst s10  }
0x35: {  	s10 =	sld [smem:$0x3FB2];
	_ =	sdelay $0x3  }
0x36: {  	p1 =	seq.s32 s10, $0x1;
	s10 =	sld [smem:$0x3FB3];
	_ =	sdelay $0x3  }
0x37: {  	[smem:$0x3FB3] =	sst s10  }
0x38: {  	s10 =	sld [smem:$0x3FB4]  }
0x39: {  	_ = 	snop;
	(pc) =	sbr.ind lr, $3  }
0x3a: {  	_ = 	snop  }
0x3b: {  	_ = 	snop  }
0x3c: {  	p2 =	seq.s32 s10, $0x1;
	s10 =	sld [smem:$0x3FB3]  }
0x3d: {  	_ =	shalt  }
0x3e: {  	_ =	shalt  }
0x3f: {  	_ =	shalt  }
0x40: {  	_ =	shalt  }
0x41: {  	_ =	shalt  }
0x42: {  	_ =	shalt  }
0x43: {  	_ =	shalt  }
0x44: {  	_ =	shalt  }
0x45: {  	_ =	shalt  }
0x46: {  	_ =	shalt  }
0x47: {  	_ =	shalt  }
0x48: {  	_ =	shalt  }
0x49: {  	_ =	shalt  }
0x4a: {  	_ =	shalt  }
0x4b: {  	_ =	shalt  }
0x4c: {  	_ =	shalt  }
0x4d: {  	_ =	shalt  }
0x4e: {  	_ =	shalt  }
0x4f: {  	_ =	shalt  }
0x50: {  	_ =	shalt  }
0x51: {  	_ =	shalt  }
0x52: {  	_ =	shalt  }
0x53: {  	_ =	shalt  }
0x54: {  	_ =	shalt  }
0x55: {  	_ =	shalt  }
0x56: {  	_ =	shalt  }
0x57: {  	_ =	shalt  }
0x58: {  	_ =	shalt  }
0x59: {  	_ =	shalt  }
0x5a: {  	_ =	shalt  }
0x5b: {  	_ =	shalt  }
0x5c: {  	_ =	shalt  }
0x5d: {  	_ =	shalt  }
0x5e: {  	_ =	shalt  }
0x5f: {  	_ =	shalt  }
0x60: {  	_ =	shalt  }
0x61: {  	_ =	shalt  }
0x62: {  	_ =	shalt  }
0x63: {  	_ =	shalt  }
0x64: {  	_ =	shalt  }
0x65: {  	_ =	shalt  }
0x66: {  	_ =	shalt  }
0x67: {  	_ =	shalt  }
0x68: {  	_ =	shalt  }
0x69: {  	_ =	shalt  }
0x6a: {  	_ =	shalt  }
0x6b: {  	_ =	shalt  }
0x6c: {  	_ =	shalt  }
0x6d: {  	_ =	shalt  }
0x6e: {  	_ =	shalt  }
0x6f: {  	_ =	shalt  }
0x70: {  	_ =	shalt  }
0x71: {  	_ =	shalt  }
0x72: {  	_ =	shalt  }
0x73: {  	_ =	shalt  }
0x74: {  	_ =	shalt  }
0x75: {  	_ =	shalt  }
0x76: {  	_ =	shalt  }
0x77: {  	_ =	shalt  }
0x78: {  	_ =	shalt  }
0x79: {  	_ =	shalt  }
0x7a: {  	_ =	shalt  }
0x7b: {  	_ =	shalt  }
0x7c: {  	_ =	shalt  }
0x7d: {  	_ =	shalt  }
0x7e: {  	_ =	shalt  }
0x7f: {  	_ =	shalt  }
0x80: {  	_ =	shalt  }
0x81: {  	_ =	shalt  }
0x82: {  	_ =	shalt  }
0x83: {  	_ =	shalt  }
0x84: {  	_ =	shalt  }
0x85: {  	_ =	shalt  }
0x86: {  	_ =	shalt  }
0x87: {  	_ =	shalt  }
.Lfunc_end0:
.L_simem_size_0:
called_computation.2_lowered:
.L_overlay_start_0:
0x88: {  	s2 =	sld [smem:$0x3FD9]  }
0x89: {  	s3 =	sld [smem:$0x3FFE];
	_ =	sdelay $0x1  }
0x8a: {  	s1 =	srdreg.scid  }
0x8b: {  	s0 =	sand.u32 $0x1, s1  }
0x8c: {  	s17 =	sshll.u32 s0, $0xA;
	s2 =	sadd.s32 s3, s2  }
0x8d: {  	s2 =	sadd.s32 s2, s17  }
0x8e: {  	[smem:$0x3FBF] =	sst s2  }
0x8f: {  	_ = 	snop  }
0x90: {  	(tm) =	ssettm $0x1  }
0x91: {  	s18 =	sld [smem:$0x3FFB];
	_ =	sdelay $0x3  }
0x92: {  	_ =	strace s18  }
0x93: {  	s2 =	sld [smem:$0x3FFC];
	_ =	sdelay $0x3  }
0x94: {  	_ =	strace s2  }
0x95: {  	s2 =	sld [smem:$0x3FFD];
	_ =	sdelay $0x3  }
0x96: {  	_ =	strace s2  }
0x97: {  	_ =	strace $0x8FFFFFFF  }
0x98: {  	s19 =	sld [smem:$0x3FDB];
	_ =	sdelay $0x1  }
0x99: {  	s20 =	simm.s32 $_scs_section_size  }
0x9a: {  	s4 =	simm.s32 $_size__tile_overlayer_lowered;
	s5 =	simm.s32 $_tile_overlayer_lowered  }
0x9b: {  	s6 =	simm.s32 $0x1BFF;
	s21 =	sshll.u32 s5, $0x1;
	s3 =	sadd.s32 s20, s19  }
0x9c: {  	s22 =	simm.s32 $0x0;
	s4 =	sshll.u32 s4, $0x1;
	s5 =	sadd.s32 s21, s3  }
0x9d: {  	[timem:s22], [sflag:s6] =	dma.local [hbm:s5], s4  }
0x9e: {  	_ =	swait.ge [sflag:s6], s4  }
0x9f: {  	s4 =	ssub.s32 $0x0, s4;
	[sflag:s6] =	ssyncset.done $0x0  }
0xa0: {  	[sflag:s6] =	ssyncadd.s32 s4;
	_ =	sdelay $0x1  }
0xa1: {  	s23 =	simm.s32 $0x1B8B  }
0xa2: {  	_ =	swait.ge [sflag:s23], $0x1  }
0xa3: {  	[sflag:s23] =	ssyncset.done $0x0  }
0xa4: {  	[sflag:s23] =	ssyncadd.s32 $0xFFFFFFFF  }
0xa5: {  	s4 =	sld [smem:$0x0]  }
0xa6: {  	s5 =	sand.u32 $0xFFFFFFFE, s1  }
0xa7: {  	p0 =	sne.s32 s1, s5  }
0xa8: {  	s5 =	sshll.u32 @p0 s5, $0xE  }
0xa9: {  	s5 =	sadd.s32 @p0 $0x11B8D, s5;
	s6 =	sshll.u32 @p0 s4, $0x11  }
0xaa: {  	s5 =	sor.u32 @p0 s6, s5  }
0xab: {  	[sflag:s5] =	ssyncadd.remote.s32 @p0 $0x1;
	_ =	sdelay $0x1  }
0xac: {  	s5 =	simm.s32 @p0 $0x1B8D  }
0xad: {  	_ =	swait.eq @p0 [sflag:s5], $0x1  }
0xae: {  	[sflag:s5] =	ssyncadd.s32 @p0 $0xFFFFFFFF  }
0xaf: {  	s6 =	sshll.u32 @!p0 s1, $0xE  }
0xb0: {  	s6 =	sor.u32 @!p0 $0x4000, s6;
	s5 =	simm.s32 @!p0 $0x1B8D  }
0xb1: {  	s4 =	sshll.u32 @!p0 s4, $0x11;
	s6 =	sadd.s32 @!p0 $0x11B8D, s6;
	_ =	swait.eq @!p0 [sflag:s5], $0x1  }
0xb2: {  	s4 =	sor.u32 @!p0 s4, s6;
	[sflag:s5] =	ssyncadd.s32 @!p0 $0xFFFFFFFF  }
0xb3: {  	s25 =	simm.s32 $0x1B8E;
	s24 =	sld [smem:$0x3FFE];
	[sflag:s4] =	ssyncadd.remote.s32 @!p0 $0x1  }
0xb4: {  	s26 =	simm.s32 $execute0_lowered;
	[smem:$0x3FD2] =	sst s25  }
0xb5: {  	s5 =	sshll.u32 s26, $0x1;
	_ =	strace $0x8000004C;
	[dreg:$0x1] =	wrdreg $0xFFFFFFFF  }
0xb6: {  	s28 =	simm.s32 $_size_execute0_lowered;
	s3 =	sadd.s32 s3, s5;
	[dreg:$0x0] =	wrdreg $0x0  }
0xb7: {  	s5 =	sshll.u32 s28, $0x1;
	[dreg:$0x2] =	wrdreg s3  }
0xb8: {  	[dreg:$0x3] =	wrdreg s5  }
0xb9: {  	[dreg:$0x4] =	wrdreg $0xC0  }
0xba: {  	_ =	task [dreg:s22], $0x5FFFF  }
0xbb: {  	[dreg:$0x1] =	wrdreg $0xFFFFFFFF  }
0xbc: {  	[dreg:$0x0] =	wrdreg $0x60  }
0xbd: {  	[dreg:$0x2] =	wrdreg s24  }
0xbe: {  	[dreg:$0x3] =	wrdreg $0xB  }
0xbf: {  	_ =	task.clear_ibuf [dreg:s22], $0x4FFFF;
	_ =	strace $0x9000004C  }
0xc0: {  	s29 =	simm.s32 $0xB;
	_ =	strace $0x8000004E  }
0xc1: {  	_ =	swait.ge [sflag:s29], $0x1  }
0xc2: {  	[sflag:s29] =	ssyncadd.s32 $0xFFFFFFFF  }
0xc3: {  	_ =	strace $0x9000004E  }
0xc4: {  	_ =	sfence  }
0xc5: {  	s30 =	sld [smem:$0x0];
	_ =	sdelay $0x2  }
0xc6: {  	s31 =	sshll.u32 s1, $0xD;
	s1 =	sshrl.u32 s1, $0x2  }
0xc7: {  	s4 =	sand.u32 $0x4000, s31;
	s1 =	sadd.s32 s1, s30  }
0xc8: {  	s0 =	sor.u32 s4, s0;
	s1 =	sshll.u32 s1, $0x11  }
0xc9: {  	s0 =	sor.u32 s1, s0  }
0xca: {  	s0 =	sadd.s32 $0x8F2B, s0  }
0xcb: {  	[sflag:s0] =	ssyncadd.remote.s32 $0x1  }
0xcc: {  	_ =	sfence.sel $0xFFFF  }
0xcd: {  	[dreg:$0x0] =	wrdreg $0xFFFFFFFF;
	(pc) =	sbr.abs _section_cstart, $3  }
0xce: {  	[dreg:$0x1] =	wrdreg $0xFFFFFFFF  }
0xcf: {  	_ =	task.clear_ibuf [dreg:s22], $0x2FFFF;
	_ =	strace $0x9FFFFFFF  }
0xd0: {  	(tm) =	ssettm $0x7FFFFFFF  }
0xd1: {  	_ =	shalt  }
tec
execute0_lowered:
.L_overlay_start_1:
0x0: {  	(tag) =	ssettag $0x1  }
0x1: {  	s4 =	rddreg [dreg:$0x0];
	s2 =	srdreg.scid  }
0x2: {  	s0 =	rddreg [dreg:$0x1];
	s1 =	stileid.u32  }
0x3: {  	s9 =	simm.s32 $0x880;
	s10 =	simm.s32 $0x1080;
	s11 =	simm.s32 $0x1880  }
0x4: {  	s12 =	simm.s32 $0x2080;
	s13 =	simm.s32 $0x2880;
	s14 =	simm.s32 $0x3080  }
0x5: {  	s15 =	simm.s32 $0x3880;
	s16 =	simm.s32 $0x4080;
	s17 =	simm.s32 $0x4880  }
0x6: {  	s18 =	simm.s32 $0x5080;
	s19 =	simm.s32 $0x5880;
	s20 =	simm.s32 $0x6080  }
0x7: {  	s21 =	simm.s32 $0x6880;
	s22 =	simm.s32 $0x7080;
	s23 =	simm.s32 $0x7880  }
0x8: {  	s24 =	simm.s32 $0x1;
	s3 =	sand.u32 $0x1, s2;
	s2 =	simm.s32 $0x0  }
0x9: {  	s5 =	sshll.u32 s1, $0x8;
	s6 =	sshll.u32 s3, $0x7;
	[smem:$0x7FF] =	sst s2  }
0xa: {  	s7 =	ssub.s32 $0x2, s3;
	s3 =	sadd.s32 $0x15D200, s4;
	s5 =	sor.u32 s6, s5  }
0xb: {  	_ =	strace $0x8000004D;
	s8 =	sshrl.u32 s7, $0x1;
	s6 =	sshrl.u32 s5, $0x3  }
0xc: {  	v2 =	vlaneseq.u32;
	s5 =	sshll.u32 s5, $0x5;
	s7 =	ssub.s32 s7, s8;
	s6 =	sadd.s32 s6, s4  }
0xd: {  	vm0 =	vmmov $0xffff;
	v1 =	vshrl.u32 v2, $0x3;
	s8 =	simm.s32 $0x80;
	s5 =	sadd.s32 s5, s4;
	s4 =	sadd.s32 $0x129200, s6  }
0xe: {  	v0 =	vand.u32 $0x7, v2;
	v2 =	vor.u32 $0x8, v2;
	v1 =	vmul.u32 $0x8, v1;
	s5 =	sadd.s32 $0x129400, s5;
	s6 =	smax.u32 s7, $0x1;
	s7 =	simm.s32 $0x2  }
.LBB2_1:
0xf: {  	[tilespmem:s2], [sflag:$0x2] =	stream.linear.gather [hbm4b:s4+s2], $0x80, $0x38;
	[tilespmem:$0x8080] =	vst v63  }
0x10: {  	_ =	swait.ge [sflag:s7], $0x80  }
0x11: {  	[sflag:s7] =	ssyncset.done $0x0  }
0x12: {  	[sflag:s7] =	ssyncadd.s32 $0xFFFFFF80  }
0x13: {  	v3 =	vld [tilespmem:$0x0];
	_ =	sdelay $0x4  }
0x14: {  	v4 =	vshll.u32 v3, $0x1  }
0x15: {  	v3 =	vand.u32 $0x7, v3;
	v4 =	vand.u32 $0xFFFFFFF0, v4  }
0x16: {  	v3 =	vor.u32 v3, v4  }
0x17: {  	v4 =	vperm.xlane v3, v0;
	_ =	sdelay $0x1  }
0x18: {  	v3 =	vperm.xlane v3, v2;
	v4 =	vadd.s32 v1, v4;
	_ =	sdelay $0x1  }
0x19: {  	v3 =	vadd.s32 v1, v3;
	_ =	sdelay $0x2  }
0x1a: {  	[tilespmem:s8], [sflag:$0x1] =	stream.indirect_vreg.gather [hbm4b:s3+s2], $0x80, v4, vm0, $0xb8;
	[tilespmem:$0x8080] =	vst v63  }
0x1b: {  	_ = 	snop  }
0x1c: {  	[tilespmem:s9], [sflag:$0x1] =	stream.indirect_vreg.gather [hbm4b:s3+s2], $0x80, v3, vm0, $0xb8;
	[tilespmem:$0x8080] =	vst v63  }
0x1d: {  	v3 =	vld [tilespmem:$0x10];
	_ =	sdelay $0x4  }
0x1e: {  	v57 =	vshll.u32 v3, $0x1  }
0x1f: {  	v3 =	vand.u32 $0x7, v3;
	v4 =	vand.u32 $0xFFFFFFF0, v57  }
0x20: {  	v3 =	vor.u32 v3, v4  }
0x21: {  	v4 =	vperm.xlane v3, v0;
	_ =	sdelay $0x1  }
0x22: {  	v3 =	vperm.xlane v3, v2;
	v4 =	vadd.s32 v1, v4;
	_ =	sdelay $0x1  }
0x23: {  	v3 =	vadd.s32 v1, v3;
	_ =	sdelay $0x2  }
0x24: {  	[tilespmem:s10], [sflag:$0x1] =	stream.indirect_vreg.gather [hbm4b:s3+s2], $0x80, v4, vm0, $0xb8;
	[tilespmem:$0x8080] =	vst v63  }
0x25: {  	_ = 	snop  }
0x26: {  	[tilespmem:s11], [sflag:$0x1] =	stream.indirect_vreg.gather [hbm4b:s3+s2], $0x80, v3, vm0, $0xb8;
	[tilespmem:$0x8080] =	vst v63  }
0x27: {  	v3 =	vld [tilespmem:$0x20];
	_ =	sdelay $0x4  }
0x28: {  	v58 =	vshll.u32 v3, $0x1  }
0x29: {  	v3 =	vand.u32 $0x7, v3;
	v4 =	vand.u32 $0xFFFFFFF0, v58  }
0x2a: {  	v3 =	vor.u32 v3, v4  }
0x2b: {  	v4 =	vperm.xlane v3, v0;
	_ =	sdelay $0x1  }
0x2c: {  	v3 =	vperm.xlane v3, v2;
	v4 =	vadd.s32 v1, v4;
	_ =	sdelay $0x1  }
0x2d: {  	v3 =	vadd.s32 v1, v3;
	_ =	sdelay $0x2  }
0x2e: {  	[tilespmem:s12], [sflag:$0x1] =	stream.indirect_vreg.gather [hbm4b:s3+s2], $0x80, v4, vm0, $0xb8;
	[tilespmem:$0x8080] =	vst v63  }
0x2f: {  	_ = 	snop  }
0x30: {  	[tilespmem:s13], [sflag:$0x1] =	stream.indirect_vreg.gather [hbm4b:s3+s2], $0x80, v3, vm0, $0xb8;
	[tilespmem:$0x8080] =	vst v63  }
0x31: {  	v3 =	vld [tilespmem:$0x30];
	_ =	sdelay $0x4  }
0x32: {  	v59 =	vshll.u32 v3, $0x1  }
0x33: {  	v3 =	vand.u32 $0x7, v3;
	v4 =	vand.u32 $0xFFFFFFF0, v59  }
0x34: {  	v3 =	vor.u32 v3, v4  }
0x35: {  	v4 =	vperm.xlane v3, v0;
	_ =	sdelay $0x1  }
0x36: {  	v3 =	vperm.xlane v3, v2;
	v4 =	vadd.s32 v1, v4;
	_ =	sdelay $0x1  }
0x37: {  	v3 =	vadd.s32 v1, v3;
	_ =	sdelay $0x2  }
0x38: {  	[tilespmem:s14], [sflag:$0x1] =	stream.indirect_vreg.gather [hbm4b:s3+s2], $0x80, v4, vm0, $0xb8;
	[tilespmem:$0x8080] =	vst v63  }
0x39: {  	_ = 	snop  }
0x3a: {  	[tilespmem:s15], [sflag:$0x1] =	stream.indirect_vreg.gather [hbm4b:s3+s2], $0x80, v3, vm0, $0xb8;
	[tilespmem:$0x8080] =	vst v63  }
0x3b: {  	v3 =	vld [tilespmem:$0x40];
	_ =	sdelay $0x4  }
0x3c: {  	v60 =	vshll.u32 v3, $0x1  }
0x3d: {  	v3 =	vand.u32 $0x7, v3;
	v4 =	vand.u32 $0xFFFFFFF0, v60  }
0x3e: {  	v3 =	vor.u32 v3, v4  }
0x3f: {  	v4 =	vperm.xlane v3, v0;
	_ =	sdelay $0x1  }
0x40: {  	v3 =	vperm.xlane v3, v2;
	v4 =	vadd.s32 v1, v4;
	_ =	sdelay $0x1  }
0x41: {  	v3 =	vadd.s32 v1, v3;
	_ =	sdelay $0x2  }
0x42: {  	[tilespmem:s16], [sflag:$0x1] =	stream.indirect_vreg.gather [hbm4b:s3+s2], $0x80, v4, vm0, $0xb8;
	[tilespmem:$0x8080] =	vst v63  }
0x43: {  	_ = 	snop  }
0x44: {  	[tilespmem:s17], [sflag:$0x1] =	stream.indirect_vreg.gather [hbm4b:s3+s2], $0x80, v3, vm0, $0xb8;
	[tilespmem:$0x8080] =	vst v63  }
0x45: {  	v3 =	vld [tilespmem:$0x50];
	_ =	sdelay $0x4  }
0x46: {  	v61 =	vshll.u32 v3, $0x1  }
0x47: {  	v3 =	vand.u32 $0x7, v3;
	v4 =	vand.u32 $0xFFFFFFF0, v61  }
0x48: {  	v3 =	vor.u32 v3, v4  }
0x49: {  	v4 =	vperm.xlane v3, v0;
	_ =	sdelay $0x1  }
0x4a: {  	v3 =	vperm.xlane v3, v2;
	v4 =	vadd.s32 v1, v4;
	_ =	sdelay $0x1  }
0x4b: {  	v3 =	vadd.s32 v1, v3;
	_ =	sdelay $0x2  }
0x4c: {  	[tilespmem:s18], [sflag:$0x1] =	stream.indirect_vreg.gather [hbm4b:s3+s2], $0x80, v4, vm0, $0xb8;
	[tilespmem:$0x8080] =	vst v63  }
0x4d: {  	_ = 	snop  }
0x4e: {  	[tilespmem:s19], [sflag:$0x1] =	stream.indirect_vreg.gather [hbm4b:s3+s2], $0x80, v3, vm0, $0xb8;
	[tilespmem:$0x8080] =	vst v63  }
0x4f: {  	v3 =	vld [tilespmem:$0x60];
	_ =	sdelay $0x4  }
0x50: {  	v62 =	vshll.u32 v3, $0x1  }
0x51: {  	v3 =	vand.u32 $0x7, v3;
	v4 =	vand.u32 $0xFFFFFFF0, v62  }
0x52: {  	v3 =	vor.u32 v3, v4  }
0x53: {  	v4 =	vperm.xlane v3, v0;
	_ =	sdelay $0x1  }
0x54: {  	v3 =	vperm.xlane v3, v2;
	v4 =	vadd.s32 v1, v4;
	_ =	sdelay $0x1  }
0x55: {  	v3 =	vadd.s32 v1, v3;
	_ =	sdelay $0x2  }
0x56: {  	[tilespmem:s20], [sflag:$0x1] =	stream.indirect_vreg.gather [hbm4b:s3+s2], $0x80, v4, vm0, $0xb8;
	[tilespmem:$0x8080] =	vst v63  }
0x57: {  	_ = 	snop  }
0x58: {  	[tilespmem:s21], [sflag:$0x1] =	stream.indirect_vreg.gather [hbm4b:s3+s2], $0x80, v3, vm0, $0xb8;
	[tilespmem:$0x8080] =	vst v63  }
0x59: {  	v3 =	vld [tilespmem:$0x70];
	_ =	sdelay $0x4  }
0x5a: {  	v63 =	vshll.u32 v3, $0x1  }
0x5b: {  	v3 =	vand.u32 $0x7, v3;
	v4 =	vand.u32 $0xFFFFFFF0, v63  }
0x5c: {  	v3 =	vor.u32 v3, v4  }
0x5d: {  	v4 =	vperm.xlane v3, v0;
	_ =	sdelay $0x1  }
0x5e: {  	v3 =	vperm.xlane v3, v2;
	v4 =	vadd.s32 v1, v4;
	_ =	sdelay $0x1  }
0x5f: {  	v3 =	vadd.s32 v1, v3;
	_ =	sdelay $0x2  }
0x60: {  	[tilespmem:s22], [sflag:$0x1] =	stream.indirect_vreg.gather [hbm4b:s3+s2], $0x80, v4, vm0, $0xb8;
	[tilespmem:$0x8080] =	vst v63  }
0x61: {  	_ = 	snop  }
0x62: {  	[tilespmem:s23], [sflag:$0x1] =	stream.indirect_vreg.gather [hbm4b:s3+s2], $0x80, v3, vm0, $0xb8;
	[tilespmem:$0x8080] =	vst v63  }
0x63: {  	_ =	swait.ge [sflag:s24], $0x8000  }
0x64: {  	p0 =	sne.s32 s6, $0x1;
	[sflag:s24] =	ssyncset.done $0x0  }
.Ltmp0:
0x65: {  	[sflag:s24] =	ssyncadd.s32 $0xFFFF8000;
	(pc) =	sbr.rel @p0 .LBB2_1-.Ltmp0, $4  }
0x66: {  	[hbm4b:s5+s2] =	stream.linear.scatter [tilespmem:s8], [sflag:$0x2], $0x8000, $0x38;
	[tilespmem:$0x8080] =	vst v63  }
0x67: {  	_ =	swait.ge [sflag:s7], $0x8000  }
0x68: {  	[sflag:s7] =	ssyncset.done $0x0  }
0x69: {  	s6 =	sadd.s32 $0xFFFFFFFF, s6;
	[sflag:s7] =	ssyncadd.s32 $0xFFFF8000  }
0x6a: {  	_ =	sfence.sel $0x180000  }
0x6b: {  	[bflag:$0x0] =	sbarrier.arrive $0xFFFF  }
0x6c: {  	p0 =	sne.s32 s1, $0x0;
	_ =	strace $0x9000004D  }
0x6d: {  	s0 =	sadd.s32 @!p0 $0x100000, s0;
	[bflag:$0x2] =	sbarrier.arrive $0xFFFF  }
0x6e: {  	[sflag:s0] =	ssyncadd.tile.s32 @!p0 $0x1;
	_ =	shalt  }
.Lfunc_end2:
_tile_overlayer_lowered:
.L_overlay_start_2:
0x6f: {  	(tag) =	ssettag $0x2  }
0x70: {  	s0 =	rddreg [dreg:$0x0];
	s2 =	stileid.u32  }
0x71: {  	s1 =	rddreg [dreg:$0x1];
	p0 =	sne.s32 s2, $0x0  }
0x72: {  	s3 =	rddreg [dreg:$0x2];
	[bflag:$0x3] =	sbarrier.arrive $0xFFFF;
	s2 =	simm.s32 @!p0 $0x1C02  }
0x73: {  	[timem:s3], [sflag:s2] =	dma.local @!p0 [hbm:s0], s1  }
0x74: {  	s0 =	simm.s32 @!p0 $0x2  }
0x75: {  	_ =	swait.ge @!p0 [sflag:s0], s1  }
0x76: {  	s1 =	ssub.s32 @!p0 $0x0, s1;
	[sflag:s0] =	ssyncset.done @!p0 $0x0  }
0x77: {  	[sflag:s0] =	ssyncadd.s32 @!p0 s1  }
0x78: {  	[bflag:$0x3] =	sbarrier.arrive $0xFFFF  }
0x79: {  	_ =	shalt  }

// kernel: kernel.34.cloned.1.call-start
scs
__scs_entry_jumppad:
0x0: {  	(pc) =	sbr.rel $0x88, $3  }
0x1: {  	(tag) =	ssettag $0x0;
	lr =	simm.s32 $0x1  }
0x2: {  	[smem:$0x3F98] =	sst lr;
	_ =	strace $0xD0000000  }
0x3: {  	_ = 	snop  }
0x4: {  	_ = 	snop  }
0x5: {  	_ = 	snop  }
0x6: {  	_ = 	snop  }
0x7: {  	_ = 	snop  }
__scs_overlays_trampoline_lowered:
0x8: {  	[smem:$0x3FA7] =	sst s0  }
0x9: {  	[smem:$0x3FA8] =	sst s1  }
0xa: {  	[smem:$0x3FA9] =	sst s2  }
0xb: {  	[smem:$0x3FAA] =	sst s3  }
0xc: {  	[smem:$0x3FAB] =	sst s4  }
0xd: {  	[smem:$0x3FAC] =	sst s5  }
0xe: {  	[smem:$0x3FAD] =	sst s6  }
0xf: {  	[smem:$0x3FAE] =	sst s7  }
0x10: {  	[smem:$0x3FAF] =	sst s8  }
0x11: {  	[smem:$0x3FB0] =	sst s9;
	s0 =	simm.s32 @!p0 $0x0  }
0x12: {  	s1 =	sld [smem:$0x3F96];
	s0 =	simm.s32 @p0 $0x1  }
0x13: {  	[smem:$0x3FB1] =	sst s0;
	s0 =	simm.s32 @!p1 $0x0  }
0x14: {  	s2 =	sld [smem:$0x3F95];
	s0 =	simm.s32 @p1 $0x1  }
0x15: {  	[smem:$0x3FB2] =	sst s0;
	s0 =	simm.s32 @!p2 $0x0  }
0x16: {  	s3 =	sld [smem:$0x3FDB];
	s0 =	simm.s32 @p2 $0x1  }
0x17: {  	s4 =	simm.s32 $0x1BF5;
	[smem:$0x3FB4] =	sst s0  }
0x18: {  	s0 =	sld [smem:$0x3F97];
	_ =	swait.ge [sflag:s4], $0x0  }
0x19: {  	s7 =	sld [smem:$0x3F98]  }
0x1a: {  	s8 =	sadd.s32 $0xFFFFE003, lr  }
0x1b: {  	s9 =	sadd.s32 $0xFFFFFEF7, lr;
	s5 =	simm.s32 $0xFFFFFFFF;
	p2 =	slt.u32 s8, $0xFFFFF086  }
0x1c: {  	p1 =	slt.u32 s9, $0xF7A;
	s5 =	simm.s32 @!p2 $0x0  }
0x1d: {  	s5 =	simm.s32 @p1 $0x1;
	p0 =	seq.s32 s7, s2  }
0x1e: {  	s7 =	smul.u32 @!p0 $0xF7A, s2;
	p2 =	seq.s32 @!p0 s5, $0x0  }
0x1f: {  	s9 =	smul.u32 $0xF7A, s1;
	s8 =	simm.s32 @!p0 $0x1BF5;
	p2 =	por !p2, p0  }
0x20: {  	[sflag:s8] =	ssyncset.s32 @!p0 $0xFFFFF086;
	s6 =	sadd.s32 @!p0 s3, s7;
	s7 =	simm.s32 @!p0 $0x108  }
0x21: {  	s3 =	sadd.s32 s3, s9;
	s6 =	sadd.s32 @!p0 $0x88, s6;
	s7 =	simm.s32 @p2 $0x1082  }
0x22: {  	[simem:s7], [sflag:s8] =	dma.local @!p0 [hbm:s6], $0xF7A  }
0x23: {  	s9 =	sor.u32 $0xD0000000, s2;
	s6 =	simm.s32 $0x108;
	_ =	swait.ge @!p0 [sflag:s8], $0x0  }
0x24: {  	s3 =	sadd.s32 $0x88, s3;
	s6 =	simm.s32 @!p1 $0x1082;
	[sflag:s4] =	ssyncset.s32 $0xFFFFF086  }
0x25: {  	[simem:s6], [sflag:s4] =	dma.local [hbm:s3], $0xF7A  }
0x26: {  	[smem:$0x3F98] =	sst s1;
	(tag) =	ssettag s2;
	_ =	strace s9  }
0x27: {  	s1 =	sld [smem:$0x3FA8]  }
0x28: {  	s2 =	sld [smem:$0x3FA9]  }
0x29: {  	s4 =	sld [smem:$0x3FAB]  }
0x2a: {  	p0 =	seq.s32 s5, $0x0;
	s5 =	sld [smem:$0x3FAC]  }
0x2b: {  	s6 =	sld [smem:$0x3FAD]  }
0x2c: {  	s7 =	sld [smem:$0x3FAE]  }
0x2d: {  	s3 =	simm.s32 $0x108;
	s8 =	sld [smem:$0x3FAF]  }
0x2e: {  	s3 =	simm.s32 @!p0 $0x1082;
	s9 =	sld [smem:$0x3FB0]  }
0x2f: {  	lr =	sadd.s32 s0, s3;
	s0 =	sld [smem:$0x3FA7]  }
0x30: {  	s3 =	sld [smem:$0x3FAA]  }
0x31: {  	[smem:$0x3FB3] =	sst s10  }
0x32: {  	s10 =	sld [smem:$0x3FB1];
	_ =	sdelay $0x3  }
0x33: {  	p0 =	seq.s32 s10, $0x1;
	s10 =	sld [smem:$0x3FB3];
	_ =	sdelay $0x3  }
0x34: {  	[smem:$0x3FB3] =	sst s10  }
0x35: {  	s10 =	sld [smem:$0x3FB2];
	_ =	sdelay $0x3  }
0x36: {  	p1 =	seq.s32 s10, $0x1;
	s10 =	sld [smem:$0x3FB3];
	_ =	sdelay $0x3  }
0x37: {  	[smem:$0x3FB3] =	sst s10  }
0x38: {  	s10 =	sld [smem:$0x3FB4]  }
0x39: {  	_ = 	snop;
	(pc) =	sbr.ind lr, $3  }
0x3a: {  	_ = 	snop  }
0x3b: {  	_ = 	snop  }
0x3c: {  	p2 =	seq.s32 s10, $0x1;
	s10 =	sld [smem:$0x3FB3]  }
0x3d: {  	_ =	shalt  }
0x3e: {  	_ =	shalt  }
0x3f: {  	_ =	shalt  }
0x40: {  	_ =	shalt  }
0x41: {  	_ =	shalt  }
0x42: {  	_ =	shalt  }
0x43: {  	_ =	shalt  }
0x44: {  	_ =	shalt  }
0x45: {  	_ =	shalt  }
0x46: {  	_ =	shalt  }
0x47: {  	_ =	shalt  }
0x48: {  	_ =	shalt  }
0x49: {  	_ =	shalt  }
0x4a: {  	_ =	shalt  }
0x4b: {  	_ =	shalt  }
0x4c: {  	_ =	shalt  }
0x4d: {  	_ =	shalt  }
0x4e: {  	_ =	shalt  }
0x4f: {  	_ =	shalt  }
0x50: {  	_ =	shalt  }
0x51: {  	_ =	shalt  }
0x52: {  	_ =	shalt  }
0x53: {  	_ =	shalt  }
0x54: {  	_ =	shalt  }
0x55: {  	_ =	shalt  }
0x56: {  	_ =	shalt  }
0x57: {  	_ =	shalt  }
0x58: {  	_ =	shalt  }
0x59: {  	_ =	shalt  }
0x5a: {  	_ =	shalt  }
0x5b: {  	_ =	shalt  }
0x5c: {  	_ =	shalt  }
0x5d: {  	_ =	shalt  }
0x5e: {  	_ =	shalt  }
0x5f: {  	_ =	shalt  }
0x60: {  	_ =	shalt  }
0x61: {  	_ =	shalt  }
0x62: {  	_ =	shalt  }
0x63: {  	_ =	shalt  }
0x64: {  	_ =	shalt  }
0x65: {  	_ =	shalt  }
0x66: {  	_ =	shalt  }
0x67: {  	_ =	shalt  }
0x68: {  	_ =	shalt  }
0x69: {  	_ =	shalt  }
0x6a: {  	_ =	shalt  }
0x6b: {  	_ =	shalt  }
0x6c: {  	_ =	shalt  }
0x6d: {  	_ =	shalt  }
0x6e: {  	_ =	shalt  }
0x6f: {  	_ =	shalt  }
0x70: {  	_ =	shalt  }
0x71: {  	_ =	shalt  }
0x72: {  	_ =	shalt  }
0x73: {  	_ =	shalt  }
0x74: {  	_ =	shalt  }
0x75: {  	_ =	shalt  }
0x76: {  	_ =	shalt  }
0x77: {  	_ =	shalt  }
0x78: {  	_ =	shalt  }
0x79: {  	_ =	shalt  }
0x7a: {  	_ =	shalt  }
0x7b: {  	_ =	shalt  }
0x7c: {  	_ =	shalt  }
0x7d: {  	_ =	shalt  }
0x7e: {  	_ =	shalt  }
0x7f: {  	_ =	shalt  }
0x80: {  	_ =	shalt  }
0x81: {  	_ =	shalt  }
0x82: {  	_ =	shalt  }
0x83: {  	_ =	shalt  }
0x84: {  	_ =	shalt  }
0x85: {  	_ =	shalt  }
0x86: {  	_ =	shalt  }
0x87: {  	_ =	shalt  }
.Lfunc_end0:
.L_simem_size_0:
called_computation.3_lowered:
.L_overlay_start_0:
0x88: {  	s2 =	sld [smem:$0x3FD9]  }
0x89: {  	s3 =	sld [smem:$0x3FFE];
	_ =	sdelay $0x1  }
0x8a: {  	s1 =	srdreg.scid  }
0x8b: {  	s0 =	sand.u32 $0x1, s1  }
0x8c: {  	s16 =	sshll.u32 s0, $0xA;
	s2 =	sadd.s32 s3, s2  }
0x8d: {  	s2 =	sadd.s32 s2, s16  }
0x8e: {  	[smem:$0x3FBF] =	sst s2  }
0x8f: {  	_ = 	snop  }
0x90: {  	(tm) =	ssettm $0x1  }
0x91: {  	s17 =	sld [smem:$0x3FFB];
	_ =	sdelay $0x3  }
0x92: {  	_ =	strace s17  }
0x93: {  	s2 =	sld [smem:$0x3FFC];
	_ =	sdelay $0x3  }
0x94: {  	_ =	strace s2  }
0x95: {  	s2 =	sld [smem:$0x3FFD];
	_ =	sdelay $0x3  }
0x96: {  	_ =	strace s2  }
0x97: {  	_ =	strace $0x8FFFFFFF  }
0x98: {  	s18 =	sld [smem:$0x3FDB];
	_ =	sdelay $0x1  }
0x99: {  	s19 =	simm.s32 $_scs_section_size  }
0x9a: {  	s4 =	simm.s32 $_size__tile_overlayer_lowered;
	s5 =	simm.s32 $_tile_overlayer_lowered  }
0x9b: {  	s22 =	simm.s32 $0x1BFF;
	s21 =	sshll.u32 s5, $0x1;
	s2 =	sadd.s32 s19, s18  }
0x9c: {  	s6 =	simm.s32 $0x0;
	s20 =	sshll.u32 s4, $0x1;
	s4 =	sadd.s32 s21, s2  }
0x9d: {  	[timem:s6], [sflag:s22] =	dma.local [hbm:s4], s20  }
0x9e: {  	_ =	swait.ge [sflag:s22], s20  }
0x9f: {  	s3 =	ssub.s32 $0x0, s20;
	[sflag:s22] =	ssyncset.done $0x0  }
0xa0: {  	[sflag:s22] =	ssyncadd.s32 s3;
	_ =	sdelay $0x1  }
0xa1: {  	s23 =	simm.s32 $0x1B8B  }
0xa2: {  	_ =	swait.ge [sflag:s23], $0x1  }
0xa3: {  	[sflag:s23] =	ssyncset.done $0x0  }
0xa4: {  	s25 =	simm.s32 $0x1B8E;
	s24 =	sld [smem:$0x3FFE];
	[sflag:s23] =	ssyncadd.s32 $0xFFFFFFFF  }
0xa5: {  	s26 =	simm.s32 $execute0_lowered;
	[smem:$0x3FD2] =	sst s25  }
0xa6: {  	s4 =	sshll.u32 s26, $0x1;
	_ =	strace $0x8000004F;
	[dreg:$0x1] =	wrdreg $0xFFFFFFFF  }
0xa7: {  	s28 =	simm.s32 $_size_execute0_lowered;
	s2 =	sadd.s32 s2, s4;
	[dreg:$0x0] =	wrdreg $0x0  }
0xa8: {  	s4 =	sshll.u32 s28, $0x1;
	[dreg:$0x2] =	wrdreg s2  }
0xa9: {  	[dreg:$0x3] =	wrdreg s4  }
0xaa: {  	[dreg:$0x4] =	wrdreg $0xC0  }
0xab: {  	_ =	task [dreg:s6], $0x5FFFF  }
0xac: {  	[dreg:$0x1] =	wrdreg $0xFFFFFFFF  }
0xad: {  	[dreg:$0x0] =	wrdreg $0x60  }
0xae: {  	[dreg:$0x2] =	wrdreg s24  }
0xaf: {  	[dreg:$0x3] =	wrdreg $0x9  }
0xb0: {  	_ =	task.clear_ibuf [dreg:s6], $0x4FFFF;
	_ =	strace $0x9000004F  }
0xb1: {  	s29 =	simm.s32 $0x9;
	_ =	strace $0x80000051  }
0xb2: {  	_ =	swait.ge [sflag:s29], $0x1  }
0xb3: {  	[sflag:s29] =	ssyncadd.s32 $0xFFFFFFFF  }
0xb4: {  	_ =	strace $0x90000051  }
0xb5: {  	_ =	sfence  }
0xb6: {  	s30 =	sld [smem:$0x0];
	_ =	sdelay $0x2  }
0xb7: {  	s31 =	sshll.u32 s1, $0xD;
	s1 =	sshrl.u32 s1, $0x2  }
0xb8: {  	s3 =	sand.u32 $0x4000, s31;
	s1 =	sadd.s32 s1, s30  }
0xb9: {  	s0 =	sor.u32 s3, s0;
	s1 =	sshll.u32 s1, $0x11  }
0xba: {  	s0 =	sor.u32 s1, s0  }
0xbb: {  	s0 =	sadd.s32 $0x8F2B, s0  }
0xbc: {  	[sflag:s0] =	ssyncadd.remote.s32 $0x1  }
0xbd: {  	_ =	sfence.sel $0xFFFF  }
0xbe: {  	[dreg:$0x0] =	wrdreg $0xFFFFFFFF;
	(pc) =	sbr.abs _section_cstart, $3  }
0xbf: {  	[dreg:$0x1] =	wrdreg $0xFFFFFFFF  }
0xc0: {  	_ =	task.clear_ibuf [dreg:s6], $0x2FFFF;
	_ =	strace $0x9FFFFFFF  }
0xc1: {  	(tm) =	ssettm $0x7FFFFFFF  }
tec
execute0_lowered:
.L_overlay_start_1:
0x0: {  	(tag) =	ssettag $0x1  }
0x1: {  	s3 =	rddreg [dreg:$0x0];
	s2 =	srdreg.scid  }
0x2: {  	s0 =	rddreg [dreg:$0x1];
	s1 =	stileid.u32  }
0x3: {  	s8 =	simm.s32 $0x80;
	s9 =	simm.s32 $0x880;
	s10 =	simm.s32 $0x1080  }
0x4: {  	s11 =	simm.s32 $0x1880;
	s12 =	simm.s32 $0x2080;
	s13 =	simm.s32 $0x2880  }
0x5: {  	s14 =	simm.s32 $0x3080;
	s15 =	simm.s32 $0x3880;
	s16 =	simm.s32 $0x4080  }
0x6: {  	s17 =	simm.s32 $0x4880;
	s18 =	simm.s32 $0x5080;
	s19 =	simm.s32 $0x5880  }
0x7: {  	s20 =	simm.s32 $0x6080;
	s21 =	simm.s32 $0x6880;
	s22 =	simm.s32 $0x7080  }
0x8: {  	s23 =	simm.s32 $0x7880;
	s24 =	simm.s32 $0x1;
	s4 =	sand.u32 $0x1, s2  }
0x9: {  	s2 =	simm.s32 $0x0;
	s5 =	sshll.u32 s1, $0x8;
	s6 =	sshll.u32 s4, $0x7  }
0xa: {  	[smem:$0x7FF] =	sst s2;
	s4 =	ssub.s32 $0x2, s4;
	s5 =	sor.u32 s6, s5  }
0xb: {  	s7 =	sshrl.u32 s4, $0x1;
	s6 =	sshll.u32 s5, $0x5;
	s5 =	sshrl.u32 s5, $0x3  }
0xc: {  	v2 =	vlaneseq.u32;
	_ =	strace $0x80000050;
	s7 =	ssub.s32 s4, s7;
	s5 =	sadd.s32 s5, s3  }
0xd: {  	vm0 =	vmmov $0xffff;
	v1 =	vshrl.u32 v2, $0x3;
	s6 =	sadd.s32 s6, s3;
	s3 =	sadd.s32 $0x15D200, s3;
	s4 =	sadd.s32 $0x14A000, s5  }
0xe: {  	v0 =	vand.u32 $0x7, v2;
	v2 =	vor.u32 $0x8, v2;
	v1 =	vmul.u32 $0x8, v1;
	s5 =	sadd.s32 $0x8600, s6;
	s6 =	smax.u32 s7, $0x1;
	s7 =	simm.s32 $0x2  }
.LBB2_1:
0xf: {  	[tilespmem:s2], [sflag:$0x2] =	stream.linear.gather [hbm4b:s4+s2], $0x80, $0x38;
	[tilespmem:$0x8080] =	vst v63  }
0x10: {  	_ =	swait.ge [sflag:s7], $0x80  }
0x11: {  	[sflag:s7] =	ssyncset.done $0x0  }
0x12: {  	[sflag:s7] =	ssyncadd.s32 $0xFFFFFF80  }
0x13: {  	[tilespmem:s8], [sflag:$0x2] =	stream.linear.gather [hbm4b:s5+s2], $0x8000, $0x38;
	[tilespmem:$0x8080] =	vst v63  }
0x14: {  	_ =	swait.ge [sflag:s7], $0x8000  }
0x15: {  	[sflag:s7] =	ssyncset.done $0x0  }
0x16: {  	[sflag:s7] =	ssyncadd.s32 $0xFFFF8000  }
0x17: {  	v3 =	vld [tilespmem:$0x0];
	_ =	sdelay $0x4  }
0x18: {  	v4 =	vshll.u32 v3, $0x1  }
0x19: {  	v3 =	vand.u32 $0x7, v3;
	v4 =	vand.u32 $0xFFFFFFF0, v4  }
0x1a: {  	v3 =	vor.u32 v3, v4  }
0x1b: {  	v4 =	vperm.xlane v3, v0;
	_ =	sdelay $0x1  }
0x1c: {  	v3 =	vperm.xlane v3, v2;
	v4 =	vadd.s32 v1, v4;
	_ =	sdelay $0x1  }
0x1d: {  	v3 =	vadd.s32 v1, v3;
	_ =	sdelay $0x2  }
0x1e: {  	[hbm4b:s3+s2] =	stream.indirect_vreg.scatter [tilespmem:s8], [sflag:$0x1], $0x80, v4, vm0, $0xb8;
	[tilespmem:$0x8080] =	vst v63  }
0x1f: {  	_ = 	snop  }
0x20: {  	[hbm4b:s3+s2] =	stream.indirect_vreg.scatter [tilespmem:s9], [sflag:$0x1], $0x80, v3, vm0, $0xb8;
	[tilespmem:$0x8080] =	vst v63  }
0x21: {  	v3 =	vld [tilespmem:$0x10];
	_ =	sdelay $0x4  }
0x22: {  	v57 =	vshll.u32 v3, $0x1  }
0x23: {  	v3 =	vand.u32 $0x7, v3;
	v4 =	vand.u32 $0xFFFFFFF0, v57  }
0x24: {  	v3 =	vor.u32 v3, v4  }
0x25: {  	v4 =	vperm.xlane v3, v0;
	_ =	sdelay $0x1  }
0x26: {  	v3 =	vperm.xlane v3, v2;
	v4 =	vadd.s32 v1, v4;
	_ =	sdelay $0x1  }
0x27: {  	v3 =	vadd.s32 v1, v3;
	_ =	sdelay $0x2  }
0x28: {  	[hbm4b:s3+s2] =	stream.indirect_vreg.scatter [tilespmem:s10], [sflag:$0x1], $0x80, v4, vm0, $0xb8;
	[tilespmem:$0x8080] =	vst v63  }
0x29: {  	_ = 	snop  }
0x2a: {  	[hbm4b:s3+s2] =	stream.indirect_vreg.scatter [tilespmem:s11], [sflag:$0x1], $0x80, v3, vm0, $0xb8;
	[tilespmem:$0x8080] =	vst v63  }
0x2b: {  	v3 =	vld [tilespmem:$0x20];
	_ =	sdelay $0x4  }
0x2c: {  	v58 =	vshll.u32 v3, $0x1  }
0x2d: {  	v3 =	vand.u32 $0x7, v3;
	v4 =	vand.u32 $0xFFFFFFF0, v58  }
0x2e: {  	v3 =	vor.u32 v3, v4  }
0x2f: {  	v4 =	vperm.xlane v3, v0;
	_ =	sdelay $0x1  }
0x30: {  	v3 =	vperm.xlane v3, v2;
	v4 =	vadd.s32 v1, v4;
	_ =	sdelay $0x1  }
0x31: {  	v3 =	vadd.s32 v1, v3;
	_ =	sdelay $0x2  }
0x32: {  	[hbm4b:s3+s2] =	stream.indirect_vreg.scatter [tilespmem:s12], [sflag:$0x1], $0x80, v4, vm0, $0xb8;
	[tilespmem:$0x8080] =	vst v63  }
0x33: {  	_ = 	snop  }
0x34: {  	[hbm4b:s3+s2] =	stream.indirect_vreg.scatter [tilespmem:s13], [sflag:$0x1], $0x80, v3, vm0, $0xb8;
	[tilespmem:$0x8080] =	vst v63  }
0x35: {  	v3 =	vld [tilespmem:$0x30];
	_ =	sdelay $0x4  }
0x36: {  	v59 =	vshll.u32 v3, $0x1  }
0x37: {  	v3 =	vand.u32 $0x7, v3;
	v4 =	vand.u32 $0xFFFFFFF0, v59  }
0x38: {  	v3 =	vor.u32 v3, v4  }
0x39: {  	v4 =	vperm.xlane v3, v0;
	_ =	sdelay $0x1  }
0x3a: {  	v3 =	vperm.xlane v3, v2;
	v4 =	vadd.s32 v1, v4;
	_ =	sdelay $0x1  }
0x3b: {  	v3 =	vadd.s32 v1, v3;
	_ =	sdelay $0x2  }
0x3c: {  	[hbm4b:s3+s2] =	stream.indirect_vreg.scatter [tilespmem:s14], [sflag:$0x1], $0x80, v4, vm0, $0xb8;
	[tilespmem:$0x8080] =	vst v63  }
0x3d: {  	_ = 	snop  }
0x3e: {  	[hbm4b:s3+s2] =	stream.indirect_vreg.scatter [tilespmem:s15], [sflag:$0x1], $0x80, v3, vm0, $0xb8;
	[tilespmem:$0x8080] =	vst v63  }
0x3f: {  	v3 =	vld [tilespmem:$0x40];
	_ =	sdelay $0x4  }
0x40: {  	v60 =	vshll.u32 v3, $0x1  }
0x41: {  	v3 =	vand.u32 $0x7, v3;
	v4 =	vand.u32 $0xFFFFFFF0, v60  }
0x42: {  	v3 =	vor.u32 v3, v4  }
0x43: {  	v4 =	vperm.xlane v3, v0;
	_ =	sdelay $0x1  }
0x44: {  	v3 =	vperm.xlane v3, v2;
	v4 =	vadd.s32 v1, v4;
	_ =	sdelay $0x1  }
0x45: {  	v3 =	vadd.s32 v1, v3;
	_ =	sdelay $0x2  }
0x46: {  	[hbm4b:s3+s2] =	stream.indirect_vreg.scatter [tilespmem:s16], [sflag:$0x1], $0x80, v4, vm0, $0xb8;
	[tilespmem:$0x8080] =	vst v63  }
0x47: {  	_ = 	snop  }
0x48: {  	[hbm4b:s3+s2] =	stream.indirect_vreg.scatter [tilespmem:s17], [sflag:$0x1], $0x80, v3, vm0, $0xb8;
	[tilespmem:$0x8080] =	vst v63  }
0x49: {  	v3 =	vld [tilespmem:$0x50];
	_ =	sdelay $0x4  }
0x4a: {  	v61 =	vshll.u32 v3, $0x1  }
0x4b: {  	v3 =	vand.u32 $0x7, v3;
	v4 =	vand.u32 $0xFFFFFFF0, v61  }
0x4c: {  	v3 =	vor.u32 v3, v4  }
0x4d: {  	v4 =	vperm.xlane v3, v0;
	_ =	sdelay $0x1  }
0x4e: {  	v3 =	vperm.xlane v3, v2;
	v4 =	vadd.s32 v1, v4;
	_ =	sdelay $0x1  }
0x4f: {  	v3 =	vadd.s32 v1, v3;
	_ =	sdelay $0x2  }
0x50: {  	[hbm4b:s3+s2] =	stream.indirect_vreg.scatter [tilespmem:s18], [sflag:$0x1], $0x80, v4, vm0, $0xb8;
	[tilespmem:$0x8080] =	vst v63  }
0x51: {  	_ = 	snop  }
0x52: {  	[hbm4b:s3+s2] =	stream.indirect_vreg.scatter [tilespmem:s19], [sflag:$0x1], $0x80, v3, vm0, $0xb8;
	[tilespmem:$0x8080] =	vst v63  }
0x53: {  	v3 =	vld [tilespmem:$0x60];
	_ =	sdelay $0x4  }
0x54: {  	v62 =	vshll.u32 v3, $0x1  }
0x55: {  	v3 =	vand.u32 $0x7, v3;
	v4 =	vand.u32 $0xFFFFFFF0, v62  }
0x56: {  	v3 =	vor.u32 v3, v4  }
0x57: {  	v4 =	vperm.xlane v3, v0;
	_ =	sdelay $0x1  }
0x58: {  	v3 =	vperm.xlane v3, v2;
	v4 =	vadd.s32 v1, v4;
	_ =	sdelay $0x1  }
0x59: {  	v3 =	vadd.s32 v1, v3;
	_ =	sdelay $0x2  }
0x5a: {  	[hbm4b:s3+s2] =	stream.indirect_vreg.scatter [tilespmem:s20], [sflag:$0x1], $0x80, v4, vm0, $0xb8;
	[tilespmem:$0x8080] =	vst v63  }
0x5b: {  	_ = 	snop  }
0x5c: {  	[hbm4b:s3+s2] =	stream.indirect_vreg.scatter [tilespmem:s21], [sflag:$0x1], $0x80, v3, vm0, $0xb8;
	[tilespmem:$0x8080] =	vst v63  }
0x5d: {  	v3 =	vld [tilespmem:$0x70];
	_ =	sdelay $0x4  }
0x5e: {  	v63 =	vshll.u32 v3, $0x1  }
0x5f: {  	v3 =	vand.u32 $0x7, v3;
	v4 =	vand.u32 $0xFFFFFFF0, v63  }
0x60: {  	v3 =	vor.u32 v3, v4  }
0x61: {  	v4 =	vperm.xlane v3, v0;
	_ =	sdelay $0x1  }
0x62: {  	v3 =	vperm.xlane v3, v2;
	v4 =	vadd.s32 v1, v4;
	_ =	sdelay $0x1  }
0x63: {  	v3 =	vadd.s32 v1, v3;
	_ =	sdelay $0x1  }
0x64: {  	p0 =	sne.s32 s6, $0x1  }
0x65: {  	[hbm4b:s3+s2] =	stream.indirect_vreg.scatter [tilespmem:s22], [sflag:$0x1], $0x80, v4, vm0, $0xb8;
	[tilespmem:$0x8080] =	vst v63  }
.Ltmp0:
0x66: {  	_ = 	snop;
	(pc) =	sbr.rel @p0 .LBB2_1-.Ltmp0, $4  }
0x67: {  	[hbm4b:s3+s2] =	stream.indirect_vreg.scatter [tilespmem:s23], [sflag:$0x1], $0x80, v3, vm0, $0xb8;
	[tilespmem:$0x8080] =	vst v63  }
0x68: {  	_ =	swait.ge [sflag:s24], $0x8000  }
0x69: {  	[sflag:s24] =	ssyncset.done $0x0  }
0x6a: {  	s6 =	sadd.s32 $0xFFFFFFFF, s6;
	[sflag:s24] =	ssyncadd.s32 $0xFFFF8000  }
0x6b: {  	_ =	sfence.sel $0x180000  }
0x6c: {  	[bflag:$0x0] =	sbarrier.arrive $0xFFFF  }
0x6d: {  	p0 =	sne.s32 s1, $0x0;
	_ =	strace $0x90000050  }
0x6e: {  	s0 =	sadd.s32 @!p0 $0x100000, s0;
	[bflag:$0x2] =	sbarrier.arrive $0xFFFF  }
0x6f: {  	[sflag:s0] =	ssyncadd.tile.s32 @!p0 $0x1;
	_ =	shalt  }
.Lfunc_end2:
_tile_overlayer_lowered:
.L_overlay_start_2:
0x70: {  	(tag) =	ssettag $0x2  }
0x71: {  	s0 =	rddreg [dreg:$0x0];
	s2 =	stileid.u32  }
0x72: {  	s1 =	rddreg [dreg:$0x1];
	p0 =	sne.s32 s2, $0x0  }
0x73: {  	s3 =	rddreg [dreg:$0x2];
	[bflag:$0x3] =	sbarrier.arrive $0xFFFF;
	s2 =	simm.s32 @!p0 $0x1C02  }
0x74: {  	[timem:s3], [sflag:s2] =	dma.local @!p0 [hbm:s0], s1  }
0x75: {  	s0 =	simm.s32 @!p0 $0x2  }
0x76: {  	_ =	swait.ge @!p0 [sflag:s0], s1  }
0x77: {  	s1 =	ssub.s32 @!p0 $0x0, s1;
	[sflag:s0] =	ssyncset.done @!p0 $0x0  }
0x78: {  	[sflag:s0] =	ssyncadd.s32 @!p0 s1  }
0x79: {  	[bflag:$0x3] =	sbarrier.arrive $0xFFFF  }
0x7a: {  	_ =	shalt  }

// kernel: kernel.37.cloned.1.call-start
scs
__scs_entry_jumppad:
0x0: {  	(pc) =	sbr.rel $0x88, $3  }
0x1: {  	(tag) =	ssettag $0x0;
	lr =	simm.s32 $0x1  }
0x2: {  	[smem:$0x3F98] =	sst lr;
	_ =	strace $0xD0000000  }
0x3: {  	_ = 	snop  }
0x4: {  	_ = 	snop  }
0x5: {  	_ = 	snop  }
0x6: {  	_ = 	snop  }
0x7: {  	_ = 	snop  }
__scs_overlays_trampoline_lowered:
0x8: {  	[smem:$0x3FA7] =	sst s0  }
0x9: {  	[smem:$0x3FA8] =	sst s1  }
0xa: {  	[smem:$0x3FA9] =	sst s2  }
0xb: {  	[smem:$0x3FAA] =	sst s3  }
0xc: {  	[smem:$0x3FAB] =	sst s4  }
0xd: {  	[smem:$0x3FAC] =	sst s5  }
0xe: {  	[smem:$0x3FAD] =	sst s6  }
0xf: {  	[smem:$0x3FAE] =	sst s7  }
0x10: {  	[smem:$0x3FAF] =	sst s8  }
0x11: {  	[smem:$0x3FB0] =	sst s9;
	s0 =	simm.s32 @!p0 $0x0  }
0x12: {  	s1 =	sld [smem:$0x3F96];
	s0 =	simm.s32 @p0 $0x1  }
0x13: {  	[smem:$0x3FB1] =	sst s0;
	s0 =	simm.s32 @!p1 $0x0  }
0x14: {  	s2 =	sld [smem:$0x3F95];
	s0 =	simm.s32 @p1 $0x1  }
0x15: {  	[smem:$0x3FB2] =	sst s0;
	s0 =	simm.s32 @!p2 $0x0  }
0x16: {  	s3 =	sld [smem:$0x3FDB];
	s0 =	simm.s32 @p2 $0x1  }
0x17: {  	s4 =	simm.s32 $0x1BF5;
	[smem:$0x3FB4] =	sst s0  }
0x18: {  	s0 =	sld [smem:$0x3F97];
	_ =	swait.ge [sflag:s4], $0x0  }
0x19: {  	s7 =	sld [smem:$0x3F98]  }
0x1a: {  	s8 =	sadd.s32 $0xFFFFE003, lr  }
0x1b: {  	s9 =	sadd.s32 $0xFFFFFEF7, lr;
	s5 =	simm.s32 $0xFFFFFFFF;
	p2 =	slt.u32 s8, $0xFFFFF086  }
0x1c: {  	p1 =	slt.u32 s9, $0xF7A;
	s5 =	simm.s32 @!p2 $0x0  }
0x1d: {  	s5 =	simm.s32 @p1 $0x1;
	p0 =	seq.s32 s7, s2  }
0x1e: {  	s7 =	smul.u32 @!p0 $0xF7A, s2;
	p2 =	seq.s32 @!p0 s5, $0x0  }
0x1f: {  	s9 =	smul.u32 $0xF7A, s1;
	s8 =	simm.s32 @!p0 $0x1BF5;
	p2 =	por !p2, p0  }
0x20: {  	[sflag:s8] =	ssyncset.s32 @!p0 $0xFFFFF086;
	s6 =	sadd.s32 @!p0 s3, s7;
	s7 =	simm.s32 @!p0 $0x108  }
0x21: {  	s3 =	sadd.s32 s3, s9;
	s6 =	sadd.s32 @!p0 $0x88, s6;
	s7 =	simm.s32 @p2 $0x1082  }
0x22: {  	[simem:s7], [sflag:s8] =	dma.local @!p0 [hbm:s6], $0xF7A  }
0x23: {  	s9 =	sor.u32 $0xD0000000, s2;
	s6 =	simm.s32 $0x108;
	_ =	swait.ge @!p0 [sflag:s8], $0x0  }
0x24: {  	s3 =	sadd.s32 $0x88, s3;
	s6 =	simm.s32 @!p1 $0x1082;
	[sflag:s4] =	ssyncset.s32 $0xFFFFF086  }
0x25: {  	[simem:s6], [sflag:s4] =	dma.local [hbm:s3], $0xF7A  }
0x26: {  	[smem:$0x3F98] =	sst s1;
	(tag) =	ssettag s2;
	_ =	strace s9  }
0x27: {  	s1 =	sld [smem:$0x3FA8]  }
0x28: {  	s2 =	sld [smem:$0x3FA9]  }
0x29: {  	s4 =	sld [smem:$0x3FAB]  }
0x2a: {  	p0 =	seq.s32 s5, $0x0;
	s5 =	sld [smem:$0x3FAC]  }
0x2b: {  	s6 =	sld [smem:$0x3FAD]  }
0x2c: {  	s7 =	sld [smem:$0x3FAE]  }
0x2d: {  	s3 =	simm.s32 $0x108;
	s8 =	sld [smem:$0x3FAF]  }
0x2e: {  	s3 =	simm.s32 @!p0 $0x1082;
	s9 =	sld [smem:$0x3FB0]  }
0x2f: {  	lr =	sadd.s32 s0, s3;
	s0 =	sld [smem:$0x3FA7]  }
0x30: {  	s3 =	sld [smem:$0x3FAA]  }
0x31: {  	[smem:$0x3FB3] =	sst s10  }
0x32: {  	s10 =	sld [smem:$0x3FB1];
	_ =	sdelay $0x3  }
0x33: {  	p0 =	seq.s32 s10, $0x1;
	s10 =	sld [smem:$0x3FB3];
	_ =	sdelay $0x3  }
0x34: {  	[smem:$0x3FB3] =	sst s10  }
0x35: {  	s10 =	sld [smem:$0x3FB2];
	_ =	sdelay $0x3  }
0x36: {  	p1 =	seq.s32 s10, $0x1;
	s10 =	sld [smem:$0x3FB3];
	_ =	sdelay $0x3  }
0x37: {  	[smem:$0x3FB3] =	sst s10  }
0x38: {  	s10 =	sld [smem:$0x3FB4]  }
0x39: {  	_ = 	snop;
	(pc) =	sbr.ind lr, $3  }
0x3a: {  	_ = 	snop  }
0x3b: {  	_ = 	snop  }
0x3c: {  	p2 =	seq.s32 s10, $0x1;
	s10 =	sld [smem:$0x3FB3]  }
0x3d: {  	_ =	shalt  }
0x3e: {  	_ =	shalt  }
0x3f: {  	_ =	shalt  }
0x40: {  	_ =	shalt  }
0x41: {  	_ =	shalt  }
0x42: {  	_ =	shalt  }
0x43: {  	_ =	shalt  }
0x44: {  	_ =	shalt  }
0x45: {  	_ =	shalt  }
0x46: {  	_ =	shalt  }
0x47: {  	_ =	shalt  }
0x48: {  	_ =	shalt  }
0x49: {  	_ =	shalt  }
0x4a: {  	_ =	shalt  }
0x4b: {  	_ =	shalt  }
0x4c: {  	_ =	shalt  }
0x4d: {  	_ =	shalt  }
0x4e: {  	_ =	shalt  }
0x4f: {  	_ =	shalt  }
0x50: {  	_ =	shalt  }
0x51: {  	_ =	shalt  }
0x52: {  	_ =	shalt  }
0x53: {  	_ =	shalt  }
0x54: {  	_ =	shalt  }
0x55: {  	_ =	shalt  }
0x56: {  	_ =	shalt  }
0x57: {  	_ =	shalt  }
0x58: {  	_ =	shalt  }
0x59: {  	_ =	shalt  }
0x5a: {  	_ =	shalt  }
0x5b: {  	_ =	shalt  }
0x5c: {  	_ =	shalt  }
0x5d: {  	_ =	shalt  }
0x5e: {  	_ =	shalt  }
0x5f: {  	_ =	shalt  }
0x60: {  	_ =	shalt  }
0x61: {  	_ =	shalt  }
0x62: {  	_ =	shalt  }
0x63: {  	_ =	shalt  }
0x64: {  	_ =	shalt  }
0x65: {  	_ =	shalt  }
0x66: {  	_ =	shalt  }
0x67: {  	_ =	shalt  }
0x68: {  	_ =	shalt  }
0x69: {  	_ =	shalt  }
0x6a: {  	_ =	shalt  }
0x6b: {  	_ =	shalt  }
0x6c: {  	_ =	shalt  }
0x6d: {  	_ =	shalt  }
0x6e: {  	_ =	shalt  }
0x6f: {  	_ =	shalt  }
0x70: {  	_ =	shalt  }
0x71: {  	_ =	shalt  }
0x72: {  	_ =	shalt  }
0x73: {  	_ =	shalt  }
0x74: {  	_ =	shalt  }
0x75: {  	_ =	shalt  }
0x76: {  	_ =	shalt  }
0x77: {  	_ =	shalt  }
0x78: {  	_ =	shalt  }
0x79: {  	_ =	shalt  }
0x7a: {  	_ =	shalt  }
0x7b: {  	_ =	shalt  }
0x7c: {  	_ =	shalt  }
0x7d: {  	_ =	shalt  }
0x7e: {  	_ =	shalt  }
0x7f: {  	_ =	shalt  }
0x80: {  	_ =	shalt  }
0x81: {  	_ =	shalt  }
0x82: {  	_ =	shalt  }
0x83: {  	_ =	shalt  }
0x84: {  	_ =	shalt  }
0x85: {  	_ =	shalt  }
0x86: {  	_ =	shalt  }
0x87: {  	_ =	shalt  }
.Lfunc_end0:
.L_simem_size_0:
called_computation.4_lowered:
.L_overlay_start_0:
0x88: {  	s2 =	sld [smem:$0x3FD9]  }
0x89: {  	s3 =	sld [smem:$0x3FFE];
	_ =	sdelay $0x1  }
0x8a: {  	s1 =	srdreg.scid  }
0x8b: {  	s0 =	sand.u32 $0x1, s1  }
0x8c: {  	s16 =	sshll.u32 s0, $0xA;
	s2 =	sadd.s32 s3, s2  }
0x8d: {  	s2 =	sadd.s32 s2, s16  }
0x8e: {  	[smem:$0x3FBF] =	sst s2  }
0x8f: {  	_ = 	snop  }
0x90: {  	(tm) =	ssettm $0x1  }
0x91: {  	s17 =	sld [smem:$0x3FFB];
	_ =	sdelay $0x3  }
0x92: {  	_ =	strace s17  }
0x93: {  	s2 =	sld [smem:$0x3FFC];
	_ =	sdelay $0x3  }
0x94: {  	_ =	strace s2  }
0x95: {  	s2 =	sld [smem:$0x3FFD];
	_ =	sdelay $0x3  }
0x96: {  	_ =	strace s2  }
0x97: {  	_ =	strace $0x8FFFFFFF  }
0x98: {  	s18 =	sld [smem:$0x3FDB];
	_ =	sdelay $0x1  }
0x99: {  	s19 =	simm.s32 $_scs_section_size  }
0x9a: {  	s4 =	simm.s32 $_size__tile_overlayer_lowered;
	s5 =	simm.s32 $_tile_overlayer_lowered  }
0x9b: {  	s22 =	simm.s32 $0x1BFF;
	s21 =	sshll.u32 s5, $0x1;
	s2 =	sadd.s32 s19, s18  }
0x9c: {  	s6 =	simm.s32 $0x0;
	s20 =	sshll.u32 s4, $0x1;
	s4 =	sadd.s32 s21, s2  }
0x9d: {  	[timem:s6], [sflag:s22] =	dma.local [hbm:s4], s20  }
0x9e: {  	_ =	swait.ge [sflag:s22], s20  }
0x9f: {  	s3 =	ssub.s32 $0x0, s20;
	[sflag:s22] =	ssyncset.done $0x0  }
0xa0: {  	[sflag:s22] =	ssyncadd.s32 s3;
	_ =	sdelay $0x1  }
0xa1: {  	s23 =	simm.s32 $0x1B8B  }
0xa2: {  	_ =	swait.ge [sflag:s23], $0x1  }
0xa3: {  	[sflag:s23] =	ssyncset.done $0x0  }
0xa4: {  	s25 =	simm.s32 $0x1B8E;
	s24 =	sld [smem:$0x3FFE];
	[sflag:s23] =	ssyncadd.s32 $0xFFFFFFFF  }
0xa5: {  	s26 =	simm.s32 $execute0_lowered;
	[smem:$0x3FD2] =	sst s25  }
0xa6: {  	s4 =	sshll.u32 s26, $0x1;
	_ =	strace $0x80000052;
	[dreg:$0x1] =	wrdreg $0xFFFFFFFF  }
0xa7: {  	s28 =	simm.s32 $_size_execute0_lowered;
	s2 =	sadd.s32 s2, s4;
	[dreg:$0x0] =	wrdreg $0x0  }
0xa8: {  	s4 =	sshll.u32 s28, $0x1;
	[dreg:$0x2] =	wrdreg s2  }
0xa9: {  	[dreg:$0x3] =	wrdreg s4  }
0xaa: {  	[dreg:$0x4] =	wrdreg $0xC0  }
0xab: {  	_ =	task [dreg:s6], $0x5FFFF  }
0xac: {  	[dreg:$0x1] =	wrdreg $0xFFFFFFFF  }
0xad: {  	[dreg:$0x0] =	wrdreg $0x60  }
0xae: {  	[dreg:$0x2] =	wrdreg s24  }
0xaf: {  	[dreg:$0x3] =	wrdreg $0x9  }
0xb0: {  	_ =	task.clear_ibuf [dreg:s6], $0x4FFFF;
	_ =	strace $0x90000052  }
0xb1: {  	s29 =	simm.s32 $0x9;
	_ =	strace $0x80000054  }
0xb2: {  	_ =	swait.ge [sflag:s29], $0x1  }
0xb3: {  	[sflag:s29] =	ssyncadd.s32 $0xFFFFFFFF  }
0xb4: {  	_ =	strace $0x90000054  }
0xb5: {  	_ =	sfence  }
0xb6: {  	s30 =	sld [smem:$0x0];
	_ =	sdelay $0x2  }
0xb7: {  	s31 =	sshll.u32 s1, $0xD;
	s1 =	sshrl.u32 s1, $0x2  }
0xb8: {  	s3 =	sand.u32 $0x4000, s31;
	s1 =	sadd.s32 s1, s30  }
0xb9: {  	s0 =	sor.u32 s3, s0;
	s1 =	sshll.u32 s1, $0x11  }
0xba: {  	s0 =	sor.u32 s1, s0  }
0xbb: {  	s0 =	sadd.s32 $0x8F2B, s0  }
0xbc: {  	[sflag:s0] =	ssyncadd.remote.s32 $0x1  }
0xbd: {  	_ =	sfence.sel $0xFFFF  }
0xbe: {  	[dreg:$0x0] =	wrdreg $0xFFFFFFFF;
	(pc) =	sbr.abs _section_cstart, $3  }
0xbf: {  	[dreg:$0x1] =	wrdreg $0xFFFFFFFF  }
0xc0: {  	_ =	task.clear_ibuf [dreg:s6], $0x2FFFF;
	_ =	strace $0x9FFFFFFF  }
0xc1: {  	(tm) =	ssettm $0x7FFFFFFF  }
tec
execute0_lowered:
.L_overlay_start_1:
0x0: {  	(tag) =	ssettag $0x1  }
0x1: {  	s4 =	rddreg [dreg:$0x0];
	s2 =	srdreg.scid  }
0x2: {  	s0 =	rddreg [dreg:$0x1];
	s1 =	stileid.u32  }
0x3: {  	s9 =	simm.s32 $0x880;
	s10 =	simm.s32 $0x1080;
	s11 =	simm.s32 $0x1880  }
0x4: {  	s12 =	simm.s32 $0x2080;
	s13 =	simm.s32 $0x2880;
	s14 =	simm.s32 $0x3080  }
0x5: {  	s15 =	simm.s32 $0x3880;
	s16 =	simm.s32 $0x4080;
	s17 =	simm.s32 $0x4880  }
0x6: {  	s18 =	simm.s32 $0x5080;
	s19 =	simm.s32 $0x5880;
	s20 =	simm.s32 $0x6080  }
0x7: {  	s21 =	simm.s32 $0x6880;
	s22 =	simm.s32 $0x7080;
	s23 =	simm.s32 $0x7880  }
0x8: {  	s24 =	simm.s32 $0x1;
	s3 =	sand.u32 $0x1, s2;
	s2 =	simm.s32 $0x0  }
0x9: {  	s5 =	sshll.u32 s1, $0x8;
	s6 =	sshll.u32 s3, $0x7;
	[smem:$0x7FF] =	sst s2  }
0xa: {  	s7 =	ssub.s32 $0x2, s3;
	s3 =	sadd.s32 $0x15D200, s4;
	s5 =	sor.u32 s6, s5  }
0xb: {  	_ =	strace $0x80000053;
	s8 =	sshrl.u32 s7, $0x1;
	s6 =	sshrl.u32 s5, $0x3  }
0xc: {  	v2 =	vlaneseq.u32;
	s5 =	sshll.u32 s5, $0x5;
	s7 =	ssub.s32 s7, s8;
	s6 =	sadd.s32 s6, s4  }
0xd: {  	vm0 =	vmmov $0xffff;
	v1 =	vshrl.u32 v2, $0x3;
	s8 =	simm.s32 $0x80;
	s5 =	sadd.s32 s5, s4;
	s4 =	sadd.s32 $0x14A200, s6  }
0xe: {  	v0 =	vand.u32 $0x7, v2;
	v2 =	vor.u32 $0x8, v2;
	v1 =	vmul.u32 $0x8, v1;
	s5 =	sadd.s32 $0x8400, s5;
	s6 =	smax.u32 s7, $0x1;
	s7 =	simm.s32 $0x2  }
.LBB2_1:
0xf: {  	[tilespmem:s2], [sflag:$0x2] =	stream.linear.gather [hbm4b:s4+s2], $0x80, $0x38;
	[tilespmem:$0x8080] =	vst v63  }
0x10: {  	_ =	swait.ge [sflag:s7], $0x80  }
0x11: {  	[sflag:s7] =	ssyncset.done $0x0  }
0x12: {  	[sflag:s7] =	ssyncadd.s32 $0xFFFFFF80  }
0x13: {  	v3 =	vld [tilespmem:$0x0];
	_ =	sdelay $0x4  }
0x14: {  	v4 =	vshll.u32 v3, $0x1  }
0x15: {  	v3 =	vand.u32 $0x7, v3;
	v4 =	vand.u32 $0xFFFFFFF0, v4  }
0x16: {  	v3 =	vor.u32 v3, v4  }
0x17: {  	v4 =	vperm.xlane v3, v0;
	_ =	sdelay $0x1  }
0x18: {  	v3 =	vperm.xlane v3, v2;
	v4 =	vadd.s32 v1, v4;
	_ =	sdelay $0x1  }
0x19: {  	v3 =	vadd.s32 v1, v3;
	_ =	sdelay $0x2  }
0x1a: {  	[tilespmem:s8], [sflag:$0x1] =	stream.indirect_vreg.gather [hbm4b:s3+s2], $0x80, v4, vm0, $0xb8;
	[tilespmem:$0x8080] =	vst v63  }
0x1b: {  	_ = 	snop  }
0x1c: {  	[tilespmem:s9], [sflag:$0x1] =	stream.indirect_vreg.gather [hbm4b:s3+s2], $0x80, v3, vm0, $0xb8;
	[tilespmem:$0x8080] =	vst v63  }
0x1d: {  	v3 =	vld [tilespmem:$0x10];
	_ =	sdelay $0x4  }
0x1e: {  	v57 =	vshll.u32 v3, $0x1  }
0x1f: {  	v3 =	vand.u32 $0x7, v3;
	v4 =	vand.u32 $0xFFFFFFF0, v57  }
0x20: {  	v3 =	vor.u32 v3, v4  }
0x21: {  	v4 =	vperm.xlane v3, v0;
	_ =	sdelay $0x1  }
0x22: {  	v3 =	vperm.xlane v3, v2;
	v4 =	vadd.s32 v1, v4;
	_ =	sdelay $0x1  }
0x23: {  	v3 =	vadd.s32 v1, v3;
	_ =	sdelay $0x2  }
0x24: {  	[tilespmem:s10], [sflag:$0x1] =	stream.indirect_vreg.gather [hbm4b:s3+s2], $0x80, v4, vm0, $0xb8;
	[tilespmem:$0x8080] =	vst v63  }
0x25: {  	_ = 	snop  }
0x26: {  	[tilespmem:s11], [sflag:$0x1] =	stream.indirect_vreg.gather [hbm4b:s3+s2], $0x80, v3, vm0, $0xb8;
	[tilespmem:$0x8080] =	vst v63  }
0x27: {  	v3 =	vld [tilespmem:$0x20];
	_ =	sdelay $0x4  }
0x28: {  	v58 =	vshll.u32 v3, $0x1  }
0x29: {  	v3 =	vand.u32 $0x7, v3;
	v4 =	vand.u32 $0xFFFFFFF0, v58  }
0x2a: {  	v3 =	vor.u32 v3, v4  }
0x2b: {  	v4 =	vperm.xlane v3, v0;
	_ =	sdelay $0x1  }
0x2c: {  	v3 =	vperm.xlane v3, v2;
	v4 =	vadd.s32 v1, v4;
	_ =	sdelay $0x1  }
0x2d: {  	v3 =	vadd.s32 v1, v3;
	_ =	sdelay $0x2  }
0x2e: {  	[tilespmem:s12], [sflag:$0x1] =	stream.indirect_vreg.gather [hbm4b:s3+s2], $0x80, v4, vm0, $0xb8;
	[tilespmem:$0x8080] =	vst v63  }
0x2f: {  	_ = 	snop  }
0x30: {  	[tilespmem:s13], [sflag:$0x1] =	stream.indirect_vreg.gather [hbm4b:s3+s2], $0x80, v3, vm0, $0xb8;
	[tilespmem:$0x8080] =	vst v63  }
0x31: {  	v3 =	vld [tilespmem:$0x30];
	_ =	sdelay $0x4  }
0x32: {  	v59 =	vshll.u32 v3, $0x1  }
0x33: {  	v3 =	vand.u32 $0x7, v3;
	v4 =	vand.u32 $0xFFFFFFF0, v59  }
0x34: {  	v3 =	vor.u32 v3, v4  }
0x35: {  	v4 =	vperm.xlane v3, v0;
	_ =	sdelay $0x1  }
0x36: {  	v3 =	vperm.xlane v3, v2;
	v4 =	vadd.s32 v1, v4;
	_ =	sdelay $0x1  }
0x37: {  	v3 =	vadd.s32 v1, v3;
	_ =	sdelay $0x2  }
0x38: {  	[tilespmem:s14], [sflag:$0x1] =	stream.indirect_vreg.gather [hbm4b:s3+s2], $0x80, v4, vm0, $0xb8;
	[tilespmem:$0x8080] =	vst v63  }
0x39: {  	_ = 	snop  }
0x3a: {  	[tilespmem:s15], [sflag:$0x1] =	stream.indirect_vreg.gather [hbm4b:s3+s2], $0x80, v3, vm0, $0xb8;
	[tilespmem:$0x8080] =	vst v63  }
0x3b: {  	v3 =	vld [tilespmem:$0x40];
	_ =	sdelay $0x4  }
0x3c: {  	v60 =	vshll.u32 v3, $0x1  }
0x3d: {  	v3 =	vand.u32 $0x7, v3;
	v4 =	vand.u32 $0xFFFFFFF0, v60  }
0x3e: {  	v3 =	vor.u32 v3, v4  }
0x3f: {  	v4 =	vperm.xlane v3, v0;
	_ =	sdelay $0x1  }
0x40: {  	v3 =	vperm.xlane v3, v2;
	v4 =	vadd.s32 v1, v4;
	_ =	sdelay $0x1  }
0x41: {  	v3 =	vadd.s32 v1, v3;
	_ =	sdelay $0x2  }
0x42: {  	[tilespmem:s16], [sflag:$0x1] =	stream.indirect_vreg.gather [hbm4b:s3+s2], $0x80, v4, vm0, $0xb8;
	[tilespmem:$0x8080] =	vst v63  }
0x43: {  	_ = 	snop  }
0x44: {  	[tilespmem:s17], [sflag:$0x1] =	stream.indirect_vreg.gather [hbm4b:s3+s2], $0x80, v3, vm0, $0xb8;
	[tilespmem:$0x8080] =	vst v63  }
0x45: {  	v3 =	vld [tilespmem:$0x50];
	_ =	sdelay $0x4  }
0x46: {  	v61 =	vshll.u32 v3, $0x1  }
0x47: {  	v3 =	vand.u32 $0x7, v3;
	v4 =	vand.u32 $0xFFFFFFF0, v61  }
0x48: {  	v3 =	vor.u32 v3, v4  }
0x49: {  	v4 =	vperm.xlane v3, v0;
	_ =	sdelay $0x1  }
0x4a: {  	v3 =	vperm.xlane v3, v2;
	v4 =	vadd.s32 v1, v4;
	_ =	sdelay $0x1  }
0x4b: {  	v3 =	vadd.s32 v1, v3;
	_ =	sdelay $0x2  }
0x4c: {  	[tilespmem:s18], [sflag:$0x1] =	stream.indirect_vreg.gather [hbm4b:s3+s2], $0x80, v4, vm0, $0xb8;
	[tilespmem:$0x8080] =	vst v63  }
0x4d: {  	_ = 	snop  }
0x4e: {  	[tilespmem:s19], [sflag:$0x1] =	stream.indirect_vreg.gather [hbm4b:s3+s2], $0x80, v3, vm0, $0xb8;
	[tilespmem:$0x8080] =	vst v63  }
0x4f: {  	v3 =	vld [tilespmem:$0x60];
	_ =	sdelay $0x4  }
0x50: {  	v62 =	vshll.u32 v3, $0x1  }
0x51: {  	v3 =	vand.u32 $0x7, v3;
	v4 =	vand.u32 $0xFFFFFFF0, v62  }
0x52: {  	v3 =	vor.u32 v3, v4  }
0x53: {  	v4 =	vperm.xlane v3, v0;
	_ =	sdelay $0x1  }
0x54: {  	v3 =	vperm.xlane v3, v2;
	v4 =	vadd.s32 v1, v4;
	_ =	sdelay $0x1  }
0x55: {  	v3 =	vadd.s32 v1, v3;
	_ =	sdelay $0x2  }
0x56: {  	[tilespmem:s20], [sflag:$0x1] =	stream.indirect_vreg.gather [hbm4b:s3+s2], $0x80, v4, vm0, $0xb8;
	[tilespmem:$0x8080] =	vst v63  }
0x57: {  	_ = 	snop  }
0x58: {  	[tilespmem:s21], [sflag:$0x1] =	stream.indirect_vreg.gather [hbm4b:s3+s2], $0x80, v3, vm0, $0xb8;
	[tilespmem:$0x8080] =	vst v63  }
0x59: {  	v3 =	vld [tilespmem:$0x70];
	_ =	sdelay $0x4  }
0x5a: {  	v63 =	vshll.u32 v3, $0x1  }
0x5b: {  	v3 =	vand.u32 $0x7, v3;
	v4 =	vand.u32 $0xFFFFFFF0, v63  }
0x5c: {  	v3 =	vor.u32 v3, v4  }
0x5d: {  	v4 =	vperm.xlane v3, v0;
	_ =	sdelay $0x1  }
0x5e: {  	v3 =	vperm.xlane v3, v2;
	v4 =	vadd.s32 v1, v4;
	_ =	sdelay $0x1  }
0x5f: {  	v3 =	vadd.s32 v1, v3;
	_ =	sdelay $0x2  }
0x60: {  	[tilespmem:s22], [sflag:$0x1] =	stream.indirect_vreg.gather [hbm4b:s3+s2], $0x80, v4, vm0, $0xb8;
	[tilespmem:$0x8080] =	vst v63  }
0x61: {  	_ = 	snop  }
0x62: {  	[tilespmem:s23], [sflag:$0x1] =	stream.indirect_vreg.gather [hbm4b:s3+s2], $0x80, v3, vm0, $0xb8;
	[tilespmem:$0x8080] =	vst v63  }
0x63: {  	_ =	swait.ge [sflag:s24], $0x8000  }
0x64: {  	p0 =	sne.s32 s6, $0x1;
	[sflag:s24] =	ssyncset.done $0x0  }
.Ltmp0:
0x65: {  	[sflag:s24] =	ssyncadd.s32 $0xFFFF8000;
	(pc) =	sbr.rel @p0 .LBB2_1-.Ltmp0, $4  }
0x66: {  	[hbm4b:s5+s2] =	stream.linear.scatter [tilespmem:s8], [sflag:$0x2], $0x8000, $0x38;
	[tilespmem:$0x8080] =	vst v63  }
0x67: {  	_ =	swait.ge [sflag:s7], $0x8000  }
0x68: {  	[sflag:s7] =	ssyncset.done $0x0  }
0x69: {  	s6 =	sadd.s32 $0xFFFFFFFF, s6;
	[sflag:s7] =	ssyncadd.s32 $0xFFFF8000  }
0x6a: {  	_ =	sfence.sel $0x180000  }
0x6b: {  	[bflag:$0x0] =	sbarrier.arrive $0xFFFF  }
0x6c: {  	p0 =	sne.s32 s1, $0x0;
	_ =	strace $0x90000053  }
0x6d: {  	s0 =	sadd.s32 @!p0 $0x100000, s0;
	[bflag:$0x2] =	sbarrier.arrive $0xFFFF  }
0x6e: {  	[sflag:s0] =	ssyncadd.tile.s32 @!p0 $0x1;
	_ =	shalt  }
.Lfunc_end2:
_tile_overlayer_lowered:
.L_overlay_start_2:
0x6f: {  	(tag) =	ssettag $0x2  }
0x70: {  	s0 =	rddreg [dreg:$0x0];
	s2 =	stileid.u32  }
0x71: {  	s1 =	rddreg [dreg:$0x1];
	p0 =	sne.s32 s2, $0x0  }
0x72: {  	s3 =	rddreg [dreg:$0x2];
	[bflag:$0x3] =	sbarrier.arrive $0xFFFF;
	s2 =	simm.s32 @!p0 $0x1C02  }
0x73: {  	[timem:s3], [sflag:s2] =	dma.local @!p0 [hbm:s0], s1  }
0x74: {  	s0 =	simm.s32 @!p0 $0x2  }
0x75: {  	_ =	swait.ge @!p0 [sflag:s0], s1  }
0x76: {  	s1 =	ssub.s32 @!p0 $0x0, s1;
	[sflag:s0] =	ssyncset.done @!p0 $0x0  }
0x77: {  	[sflag:s0] =	ssyncadd.s32 @!p0 s1  }
0x78: {  	[bflag:$0x3] =	sbarrier.arrive $0xFFFF  }
0x79: {  	_ =	shalt  }

// kernel: kernel.40.cloned.1.call-start
scs
__scs_entry_jumppad:
0x0: {  	(pc) =	sbr.rel $0x88, $3  }
0x1: {  	(tag) =	ssettag $0x0;
	lr =	simm.s32 $0x1  }
0x2: {  	[smem:$0x3F98] =	sst lr;
	_ =	strace $0xD0000000  }
0x3: {  	_ = 	snop  }
0x4: {  	_ = 	snop  }
0x5: {  	_ = 	snop  }
0x6: {  	_ = 	snop  }
0x7: {  	_ = 	snop  }
__scs_overlays_trampoline_lowered:
0x8: {  	[smem:$0x3FA7] =	sst s0  }
0x9: {  	[smem:$0x3FA8] =	sst s1  }
0xa: {  	[smem:$0x3FA9] =	sst s2  }
0xb: {  	[smem:$0x3FAA] =	sst s3  }
0xc: {  	[smem:$0x3FAB] =	sst s4  }
0xd: {  	[smem:$0x3FAC] =	sst s5  }
0xe: {  	[smem:$0x3FAD] =	sst s6  }
0xf: {  	[smem:$0x3FAE] =	sst s7  }
0x10: {  	[smem:$0x3FAF] =	sst s8  }
0x11: {  	[smem:$0x3FB0] =	sst s9;
	s0 =	simm.s32 @!p0 $0x0  }
0x12: {  	s1 =	sld [smem:$0x3F96];
	s0 =	simm.s32 @p0 $0x1  }
0x13: {  	[smem:$0x3FB1] =	sst s0;
	s0 =	simm.s32 @!p1 $0x0  }
0x14: {  	s2 =	sld [smem:$0x3F95];
	s0 =	simm.s32 @p1 $0x1  }
0x15: {  	[smem:$0x3FB2] =	sst s0;
	s0 =	simm.s32 @!p2 $0x0  }
0x16: {  	s3 =	sld [smem:$0x3FDB];
	s0 =	simm.s32 @p2 $0x1  }
0x17: {  	s4 =	simm.s32 $0x1BF5;
	[smem:$0x3FB4] =	sst s0  }
0x18: {  	s0 =	sld [smem:$0x3F97];
	_ =	swait.ge [sflag:s4], $0x0  }
0x19: {  	s7 =	sld [smem:$0x3F98]  }
0x1a: {  	s8 =	sadd.s32 $0xFFFFE003, lr  }
0x1b: {  	s9 =	sadd.s32 $0xFFFFFEF7, lr;
	s5 =	simm.s32 $0xFFFFFFFF;
	p2 =	slt.u32 s8, $0xFFFFF086  }
0x1c: {  	p1 =	slt.u32 s9, $0xF7A;
	s5 =	simm.s32 @!p2 $0x0  }
0x1d: {  	s5 =	simm.s32 @p1 $0x1;
	p0 =	seq.s32 s7, s2  }
0x1e: {  	s7 =	smul.u32 @!p0 $0xF7A, s2;
	p2 =	seq.s32 @!p0 s5, $0x0  }
0x1f: {  	s9 =	smul.u32 $0xF7A, s1;
	s8 =	simm.s32 @!p0 $0x1BF5;
	p2 =	por !p2, p0  }
0x20: {  	[sflag:s8] =	ssyncset.s32 @!p0 $0xFFFFF086;
	s6 =	sadd.s32 @!p0 s3, s7;
	s7 =	simm.s32 @!p0 $0x108  }
0x21: {  	s3 =	sadd.s32 s3, s9;
	s6 =	sadd.s32 @!p0 $0x88, s6;
	s7 =	simm.s32 @p2 $0x1082  }
0x22: {  	[simem:s7], [sflag:s8] =	dma.local @!p0 [hbm:s6], $0xF7A  }
0x23: {  	s9 =	sor.u32 $0xD0000000, s2;
	s6 =	simm.s32 $0x108;
	_ =	swait.ge @!p0 [sflag:s8], $0x0  }
0x24: {  	s3 =	sadd.s32 $0x88, s3;
	s6 =	simm.s32 @!p1 $0x1082;
	[sflag:s4] =	ssyncset.s32 $0xFFFFF086  }
0x25: {  	[simem:s6], [sflag:s4] =	dma.local [hbm:s3], $0xF7A  }
0x26: {  	[smem:$0x3F98] =	sst s1;
	(tag) =	ssettag s2;
	_ =	strace s9  }
0x27: {  	s1 =	sld [smem:$0x3FA8]  }
0x28: {  	s2 =	sld [smem:$0x3FA9]  }
0x29: {  	s4 =	sld [smem:$0x3FAB]  }
0x2a: {  	p0 =	seq.s32 s5, $0x0;
	s5 =	sld [smem:$0x3FAC]  }
0x2b: {  	s6 =	sld [smem:$0x3FAD]  }
0x2c: {  	s7 =	sld [smem:$0x3FAE]  }
0x2d: {  	s3 =	simm.s32 $0x108;
	s8 =	sld [smem:$0x3FAF]  }
0x2e: {  	s3 =	simm.s32 @!p0 $0x1082;
	s9 =	sld [smem:$0x3FB0]  }
0x2f: {  	lr =	sadd.s32 s0, s3;
	s0 =	sld [smem:$0x3FA7]  }
0x30: {  	s3 =	sld [smem:$0x3FAA]  }
0x31: {  	[smem:$0x3FB3] =	sst s10  }
0x32: {  	s10 =	sld [smem:$0x3FB1];
	_ =	sdelay $0x3  }
0x33: {  	p0 =	seq.s32 s10, $0x1;
	s10 =	sld [smem:$0x3FB3];
	_ =	sdelay $0x3  }
0x34: {  	[smem:$0x3FB3] =	sst s10  }
0x35: {  	s10 =	sld [smem:$0x3FB2];
	_ =	sdelay $0x3  }
0x36: {  	p1 =	seq.s32 s10, $0x1;
	s10 =	sld [smem:$0x3FB3];
	_ =	sdelay $0x3  }
0x37: {  	[smem:$0x3FB3] =	sst s10  }
0x38: {  	s10 =	sld [smem:$0x3FB4]  }
0x39: {  	_ = 	snop;
	(pc) =	sbr.ind lr, $3  }
0x3a: {  	_ = 	snop  }
0x3b: {  	_ = 	snop  }
0x3c: {  	p2 =	seq.s32 s10, $0x1;
	s10 =	sld [smem:$0x3FB3]  }
0x3d: {  	_ =	shalt  }
0x3e: {  	_ =	shalt  }
0x3f: {  	_ =	shalt  }
0x40: {  	_ =	shalt  }
0x41: {  	_ =	shalt  }
0x42: {  	_ =	shalt  }
0x43: {  	_ =	shalt  }
0x44: {  	_ =	shalt  }
0x45: {  	_ =	shalt  }
0x46: {  	_ =	shalt  }
0x47: {  	_ =	shalt  }
0x48: {  	_ =	shalt  }
0x49: {  	_ =	shalt  }
0x4a: {  	_ =	shalt  }
0x4b: {  	_ =	shalt  }
0x4c: {  	_ =	shalt  }
0x4d: {  	_ =	shalt  }
0x4e: {  	_ =	shalt  }
0x4f: {  	_ =	shalt  }
0x50: {  	_ =	shalt  }
0x51: {  	_ =	shalt  }
0x52: {  	_ =	shalt  }
0x53: {  	_ =	shalt  }
0x54: {  	_ =	shalt  }
0x55: {  	_ =	shalt  }
0x56: {  	_ =	shalt  }
0x57: {  	_ =	shalt  }
0x58: {  	_ =	shalt  }
0x59: {  	_ =	shalt  }
0x5a: {  	_ =	shalt  }
0x5b: {  	_ =	shalt  }
0x5c: {  	_ =	shalt  }
0x5d: {  	_ =	shalt  }
0x5e: {  	_ =	shalt  }
0x5f: {  	_ =	shalt  }
0x60: {  	_ =	shalt  }
0x61: {  	_ =	shalt  }
0x62: {  	_ =	shalt  }
0x63: {  	_ =	shalt  }
0x64: {  	_ =	shalt  }
0x65: {  	_ =	shalt  }
0x66: {  	_ =	shalt  }
0x67: {  	_ =	shalt  }
0x68: {  	_ =	shalt  }
0x69: {  	_ =	shalt  }
0x6a: {  	_ =	shalt  }
0x6b: {  	_ =	shalt  }
0x6c: {  	_ =	shalt  }
0x6d: {  	_ =	shalt  }
0x6e: {  	_ =	shalt  }
0x6f: {  	_ =	shalt  }
0x70: {  	_ =	shalt  }
0x71: {  	_ =	shalt  }
0x72: {  	_ =	shalt  }
0x73: {  	_ =	shalt  }
0x74: {  	_ =	shalt  }
0x75: {  	_ =	shalt  }
0x76: {  	_ =	shalt  }
0x77: {  	_ =	shalt  }
0x78: {  	_ =	shalt  }
0x79: {  	_ =	shalt  }
0x7a: {  	_ =	shalt  }
0x7b: {  	_ =	shalt  }
0x7c: {  	_ =	shalt  }
0x7d: {  	_ =	shalt  }
0x7e: {  	_ =	shalt  }
0x7f: {  	_ =	shalt  }
0x80: {  	_ =	shalt  }
0x81: {  	_ =	shalt  }
0x82: {  	_ =	shalt  }
0x83: {  	_ =	shalt  }
0x84: {  	_ =	shalt  }
0x85: {  	_ =	shalt  }
0x86: {  	_ =	shalt  }
0x87: {  	_ =	shalt  }
.Lfunc_end0:
.L_simem_size_0:
called_computation.5_lowered:
.L_overlay_start_0:
0x88: {  	s2 =	sld [smem:$0x3FD9]  }
0x89: {  	s3 =	sld [smem:$0x3FFE];
	_ =	sdelay $0x1  }
0x8a: {  	s1 =	srdreg.scid  }
0x8b: {  	s0 =	sand.u32 $0x1, s1  }
0x8c: {  	s16 =	sshll.u32 s0, $0xA;
	s2 =	sadd.s32 s3, s2  }
0x8d: {  	s2 =	sadd.s32 s2, s16  }
0x8e: {  	[smem:$0x3FBF] =	sst s2  }
0x8f: {  	_ = 	snop  }
0x90: {  	(tm) =	ssettm $0x1  }
0x91: {  	s17 =	sld [smem:$0x3FFB];
	_ =	sdelay $0x3  }
0x92: {  	_ =	strace s17  }
0x93: {  	s2 =	sld [smem:$0x3FFC];
	_ =	sdelay $0x3  }
0x94: {  	_ =	strace s2  }
0x95: {  	s2 =	sld [smem:$0x3FFD];
	_ =	sdelay $0x3  }
0x96: {  	_ =	strace s2  }
0x97: {  	_ =	strace $0x8FFFFFFF  }
0x98: {  	s18 =	sld [smem:$0x3FDB];
	_ =	sdelay $0x1  }
0x99: {  	s19 =	simm.s32 $_scs_section_size  }
0x9a: {  	s4 =	simm.s32 $_size__tile_overlayer_lowered;
	s5 =	simm.s32 $_tile_overlayer_lowered  }
0x9b: {  	s22 =	simm.s32 $0x1BFF;
	s21 =	sshll.u32 s5, $0x1;
	s2 =	sadd.s32 s19, s18  }
0x9c: {  	s6 =	simm.s32 $0x0;
	s20 =	sshll.u32 s4, $0x1;
	s4 =	sadd.s32 s21, s2  }
0x9d: {  	[timem:s6], [sflag:s22] =	dma.local [hbm:s4], s20  }
0x9e: {  	_ =	swait.ge [sflag:s22], s20  }
0x9f: {  	s3 =	ssub.s32 $0x0, s20;
	[sflag:s22] =	ssyncset.done $0x0  }
0xa0: {  	[sflag:s22] =	ssyncadd.s32 s3;
	_ =	sdelay $0x1  }
0xa1: {  	s23 =	simm.s32 $0x1B8B  }
0xa2: {  	_ =	swait.ge [sflag:s23], $0x1  }
0xa3: {  	[sflag:s23] =	ssyncset.done $0x0  }
0xa4: {  	s25 =	simm.s32 $0x1B8E;
	s24 =	sld [smem:$0x3FFE];
	[sflag:s23] =	ssyncadd.s32 $0xFFFFFFFF  }
0xa5: {  	s26 =	simm.s32 $execute0_lowered;
	[smem:$0x3FD2] =	sst s25  }
0xa6: {  	s4 =	sshll.u32 s26, $0x1;
	_ =	strace $0x80000055;
	[dreg:$0x1] =	wrdreg $0xFFFFFFFF  }
0xa7: {  	s28 =	simm.s32 $_size_execute0_lowered;
	s2 =	sadd.s32 s2, s4;
	[dreg:$0x0] =	wrdreg $0x0  }
0xa8: {  	s4 =	sshll.u32 s28, $0x1;
	[dreg:$0x2] =	wrdreg s2  }
0xa9: {  	[dreg:$0x3] =	wrdreg s4  }
0xaa: {  	[dreg:$0x4] =	wrdreg $0xC0  }
0xab: {  	_ =	task [dreg:s6], $0x5FFFF  }
0xac: {  	[dreg:$0x1] =	wrdreg $0xFFFFFFFF  }
0xad: {  	[dreg:$0x0] =	wrdreg $0x60  }
0xae: {  	[dreg:$0x2] =	wrdreg s24  }
0xaf: {  	[dreg:$0x3] =	wrdreg $0x9  }
0xb0: {  	_ =	task.clear_ibuf [dreg:s6], $0x4FFFF;
	_ =	strace $0x90000055  }
0xb1: {  	s29 =	simm.s32 $0x9;
	_ =	strace $0x80000057  }
0xb2: {  	_ =	swait.ge [sflag:s29], $0x1  }
0xb3: {  	[sflag:s29] =	ssyncadd.s32 $0xFFFFFFFF  }
0xb4: {  	_ =	strace $0x90000057  }
0xb5: {  	_ =	sfence  }
0xb6: {  	s30 =	sld [smem:$0x0];
	_ =	sdelay $0x2  }
0xb7: {  	s31 =	sshll.u32 s1, $0xD;
	s1 =	sshrl.u32 s1, $0x2  }
0xb8: {  	s3 =	sand.u32 $0x4000, s31;
	s1 =	sadd.s32 s1, s30  }
0xb9: {  	s0 =	sor.u32 s3, s0;
	s1 =	sshll.u32 s1, $0x11  }
0xba: {  	s0 =	sor.u32 s1, s0  }
0xbb: {  	s0 =	sadd.s32 $0x8F2B, s0  }
0xbc: {  	[sflag:s0] =	ssyncadd.remote.s32 $0x1  }
0xbd: {  	_ =	sfence.sel $0xFFFF  }
0xbe: {  	[dreg:$0x0] =	wrdreg $0xFFFFFFFF;
	(pc) =	sbr.abs _section_cstart, $3  }
0xbf: {  	[dreg:$0x1] =	wrdreg $0xFFFFFFFF  }
0xc0: {  	_ =	task.clear_ibuf [dreg:s6], $0x2FFFF;
	_ =	strace $0x9FFFFFFF  }
0xc1: {  	(tm) =	ssettm $0x7FFFFFFF  }
tec
execute0_lowered:
.L_overlay_start_1:
0x0: {  	(tag) =	ssettag $0x1  }
0x1: {  	s3 =	rddreg [dreg:$0x0];
	s2 =	srdreg.scid  }
0x2: {  	s0 =	rddreg [dreg:$0x1];
	s1 =	stileid.u32  }
0x3: {  	s8 =	simm.s32 $0x80;
	s9 =	simm.s32 $0x880;
	s10 =	simm.s32 $0x1080  }
0x4: {  	s11 =	simm.s32 $0x1880;
	s12 =	simm.s32 $0x2080;
	s13 =	simm.s32 $0x2880  }
0x5: {  	s14 =	simm.s32 $0x3080;
	s15 =	simm.s32 $0x3880;
	s16 =	simm.s32 $0x4080  }
0x6: {  	s17 =	simm.s32 $0x4880;
	s18 =	simm.s32 $0x5080;
	s19 =	simm.s32 $0x5880  }
0x7: {  	s20 =	simm.s32 $0x6080;
	s21 =	simm.s32 $0x6880;
	s22 =	simm.s32 $0x7080  }
0x8: {  	s23 =	simm.s32 $0x7880;
	s24 =	simm.s32 $0x1;
	s4 =	sand.u32 $0x1, s2  }
0x9: {  	s2 =	simm.s32 $0x0;
	s5 =	sshll.u32 s1, $0x8;
	s6 =	sshll.u32 s4, $0x7  }
0xa: {  	[smem:$0x7FF] =	sst s2;
	s4 =	ssub.s32 $0x2, s4;
	s5 =	sor.u32 s6, s5  }
0xb: {  	s7 =	sshrl.u32 s4, $0x1;
	s6 =	sshll.u32 s5, $0x5;
	s5 =	sshrl.u32 s5, $0x3  }
0xc: {  	v2 =	vlaneseq.u32;
	_ =	strace $0x80000056;
	s7 =	ssub.s32 s4, s7;
	s5 =	sadd.s32 s5, s3  }
0xd: {  	vm0 =	vmmov $0xffff;
	v1 =	vshrl.u32 v2, $0x3;
	s6 =	sadd.s32 s6, s3;
	s3 =	sadd.s32 $0x15D200, s3;
	s4 =	sadd.s32 $0x14AC00, s5  }
0xe: {  	v0 =	vand.u32 $0x7, v2;
	v2 =	vor.u32 $0x8, v2;
	v1 =	vmul.u32 $0x8, v1;
	s5 =	sadd.s32 $0x8400, s6;
	s6 =	smax.u32 s7, $0x1;
	s7 =	simm.s32 $0x2  }
.LBB2_1:
0xf: {  	[tilespmem:s2], [sflag:$0x2] =	stream.linear.gather [hbm4b:s4+s2], $0x80, $0x38;
	[tilespmem:$0x8080] =	vst v63  }
0x10: {  	_ =	swait.ge [sflag:s7], $0x80  }
0x11: {  	[sflag:s7] =	ssyncset.done $0x0  }
0x12: {  	[sflag:s7] =	ssyncadd.s32 $0xFFFFFF80  }
0x13: {  	[tilespmem:s8], [sflag:$0x2] =	stream.linear.gather [hbm4b:s5+s2], $0x8000, $0x38;
	[tilespmem:$0x8080] =	vst v63  }
0x14: {  	_ =	swait.ge [sflag:s7], $0x8000  }
0x15: {  	[sflag:s7] =	ssyncset.done $0x0  }
0x16: {  	[sflag:s7] =	ssyncadd.s32 $0xFFFF8000  }
0x17: {  	v3 =	vld [tilespmem:$0x0];
	_ =	sdelay $0x4  }
0x18: {  	v4 =	vshll.u32 v3, $0x1  }
0x19: {  	v3 =	vand.u32 $0x7, v3;
	v4 =	vand.u32 $0xFFFFFFF0, v4  }
0x1a: {  	v3 =	vor.u32 v3, v4  }
0x1b: {  	v4 =	vperm.xlane v3, v0;
	_ =	sdelay $0x1  }
0x1c: {  	v3 =	vperm.xlane v3, v2;
	v4 =	vadd.s32 v1, v4;
	_ =	sdelay $0x1  }
0x1d: {  	v3 =	vadd.s32 v1, v3;
	_ =	sdelay $0x2  }
0x1e: {  	[hbm4b:s3+s2] =	stream.indirect_vreg.scatter [tilespmem:s8], [sflag:$0x1], $0x80, v4, vm0, $0xb8;
	[tilespmem:$0x8080] =	vst v63  }
0x1f: {  	_ = 	snop  }
0x20: {  	[hbm4b:s3+s2] =	stream.indirect_vreg.scatter [tilespmem:s9], [sflag:$0x1], $0x80, v3, vm0, $0xb8;
	[tilespmem:$0x8080] =	vst v63  }
0x21: {  	v3 =	vld [tilespmem:$0x10];
	_ =	sdelay $0x4  }
0x22: {  	v57 =	vshll.u32 v3, $0x1  }
0x23: {  	v3 =	vand.u32 $0x7, v3;
	v4 =	vand.u32 $0xFFFFFFF0, v57  }
0x24: {  	v3 =	vor.u32 v3, v4  }
0x25: {  	v4 =	vperm.xlane v3, v0;
	_ =	sdelay $0x1  }
0x26: {  	v3 =	vperm.xlane v3, v2;
	v4 =	vadd.s32 v1, v4;
	_ =	sdelay $0x1  }
0x27: {  	v3 =	vadd.s32 v1, v3;
	_ =	sdelay $0x2  }
0x28: {  	[hbm4b:s3+s2] =	stream.indirect_vreg.scatter [tilespmem:s10], [sflag:$0x1], $0x80, v4, vm0, $0xb8;
	[tilespmem:$0x8080] =	vst v63  }
0x29: {  	_ = 	snop  }
0x2a: {  	[hbm4b:s3+s2] =	stream.indirect_vreg.scatter [tilespmem:s11], [sflag:$0x1], $0x80, v3, vm0, $0xb8;
	[tilespmem:$0x8080] =	vst v63  }
0x2b: {  	v3 =	vld [tilespmem:$0x20];
	_ =	sdelay $0x4  }
0x2c: {  	v58 =	vshll.u32 v3, $0x1  }
0x2d: {  	v3 =	vand.u32 $0x7, v3;
	v4 =	vand.u32 $0xFFFFFFF0, v58  }
0x2e: {  	v3 =	vor.u32 v3, v4  }
0x2f: {  	v4 =	vperm.xlane v3, v0;
	_ =	sdelay $0x1  }
0x30: {  	v3 =	vperm.xlane v3, v2;
	v4 =	vadd.s32 v1, v4;
	_ =	sdelay $0x1  }
0x31: {  	v3 =	vadd.s32 v1, v3;
	_ =	sdelay $0x2  }
0x32: {  	[hbm4b:s3+s2] =	stream.indirect_vreg.scatter [tilespmem:s12], [sflag:$0x1], $0x80, v4, vm0, $0xb8;
	[tilespmem:$0x8080] =	vst v63  }
0x33: {  	_ = 	snop  }
0x34: {  	[hbm4b:s3+s2] =	stream.indirect_vreg.scatter [tilespmem:s13], [sflag:$0x1], $0x80, v3, vm0, $0xb8;
	[tilespmem:$0x8080] =	vst v63  }
0x35: {  	v3 =	vld [tilespmem:$0x30];
	_ =	sdelay $0x4  }
0x36: {  	v59 =	vshll.u32 v3, $0x1  }
0x37: {  	v3 =	vand.u32 $0x7, v3;
	v4 =	vand.u32 $0xFFFFFFF0, v59  }
0x38: {  	v3 =	vor.u32 v3, v4  }
0x39: {  	v4 =	vperm.xlane v3, v0;
	_ =	sdelay $0x1  }
0x3a: {  	v3 =	vperm.xlane v3, v2;
	v4 =	vadd.s32 v1, v4;
	_ =	sdelay $0x1  }
0x3b: {  	v3 =	vadd.s32 v1, v3;
	_ =	sdelay $0x2  }
0x3c: {  	[hbm4b:s3+s2] =	stream.indirect_vreg.scatter [tilespmem:s14], [sflag:$0x1], $0x80, v4, vm0, $0xb8;
	[tilespmem:$0x8080] =	vst v63  }
0x3d: {  	_ = 	snop  }
0x3e: {  	[hbm4b:s3+s2] =	stream.indirect_vreg.scatter [tilespmem:s15], [sflag:$0x1], $0x80, v3, vm0, $0xb8;
	[tilespmem:$0x8080] =	vst v63  }
0x3f: {  	v3 =	vld [tilespmem:$0x40];
	_ =	sdelay $0x4  }
0x40: {  	v60 =	vshll.u32 v3, $0x1  }
0x41: {  	v3 =	vand.u32 $0x7, v3;
	v4 =	vand.u32 $0xFFFFFFF0, v60  }
0x42: {  	v3 =	vor.u32 v3, v4  }
0x43: {  	v4 =	vperm.xlane v3, v0;
	_ =	sdelay $0x1  }
0x44: {  	v3 =	vperm.xlane v3, v2;
	v4 =	vadd.s32 v1, v4;
	_ =	sdelay $0x1  }
0x45: {  	v3 =	vadd.s32 v1, v3;
	_ =	sdelay $0x2  }
0x46: {  	[hbm4b:s3+s2] =	stream.indirect_vreg.scatter [tilespmem:s16], [sflag:$0x1], $0x80, v4, vm0, $0xb8;
	[tilespmem:$0x8080] =	vst v63  }
0x47: {  	_ = 	snop  }
0x48: {  	[hbm4b:s3+s2] =	stream.indirect_vreg.scatter [tilespmem:s17], [sflag:$0x1], $0x80, v3, vm0, $0xb8;
	[tilespmem:$0x8080] =	vst v63  }
0x49: {  	v3 =	vld [tilespmem:$0x50];
	_ =	sdelay $0x4  }
0x4a: {  	v61 =	vshll.u32 v3, $0x1  }
0x4b: {  	v3 =	vand.u32 $0x7, v3;
	v4 =	vand.u32 $0xFFFFFFF0, v61  }
0x4c: {  	v3 =	vor.u32 v3, v4  }
0x4d: {  	v4 =	vperm.xlane v3, v0;
	_ =	sdelay $0x1  }
0x4e: {  	v3 =	vperm.xlane v3, v2;
	v4 =	vadd.s32 v1, v4;
	_ =	sdelay $0x1  }
0x4f: {  	v3 =	vadd.s32 v1, v3;
	_ =	sdelay $0x2  }
0x50: {  	[hbm4b:s3+s2] =	stream.indirect_vreg.scatter [tilespmem:s18], [sflag:$0x1], $0x80, v4, vm0, $0xb8;
	[tilespmem:$0x8080] =	vst v63  }
0x51: {  	_ = 	snop  }
0x52: {  	[hbm4b:s3+s2] =	stream.indirect_vreg.scatter [tilespmem:s19], [sflag:$0x1], $0x80, v3, vm0, $0xb8;
	[tilespmem:$0x8080] =	vst v63  }
0x53: {  	v3 =	vld [tilespmem:$0x60];
	_ =	sdelay $0x4  }
0x54: {  	v62 =	vshll.u32 v3, $0x1  }
0x55: {  	v3 =	vand.u32 $0x7, v3;
	v4 =	vand.u32 $0xFFFFFFF0, v62  }
0x56: {  	v3 =	vor.u32 v3, v4  }
0x57: {  	v4 =	vperm.xlane v3, v0;
	_ =	sdelay $0x1  }
0x58: {  	v3 =	vperm.xlane v3, v2;
	v4 =	vadd.s32 v1, v4;
	_ =	sdelay $0x1  }
0x59: {  	v3 =	vadd.s32 v1, v3;
	_ =	sdelay $0x2  }
0x5a: {  	[hbm4b:s3+s2] =	stream.indirect_vreg.scatter [tilespmem:s20], [sflag:$0x1], $0x80, v4, vm0, $0xb8;
	[tilespmem:$0x8080] =	vst v63  }
0x5b: {  	_ = 	snop  }
0x5c: {  	[hbm4b:s3+s2] =	stream.indirect_vreg.scatter [tilespmem:s21], [sflag:$0x1], $0x80, v3, vm0, $0xb8;
	[tilespmem:$0x8080] =	vst v63  }
0x5d: {  	v3 =	vld [tilespmem:$0x70];
	_ =	sdelay $0x4  }
0x5e: {  	v63 =	vshll.u32 v3, $0x1  }
0x5f: {  	v3 =	vand.u32 $0x7, v3;
	v4 =	vand.u32 $0xFFFFFFF0, v63  }
0x60: {  	v3 =	vor.u32 v3, v4  }
0x61: {  	v4 =	vperm.xlane v3, v0;
	_ =	sdelay $0x1  }
0x62: {  	v3 =	vperm.xlane v3, v2;
	v4 =	vadd.s32 v1, v4;
	_ =	sdelay $0x1  }
0x63: {  	v3 =	vadd.s32 v1, v3;
	_ =	sdelay $0x1  }
0x64: {  	p0 =	sne.s32 s6, $0x1  }
0x65: {  	[hbm4b:s3+s2] =	stream.indirect_vreg.scatter [tilespmem:s22], [sflag:$0x1], $0x80, v4, vm0, $0xb8;
	[tilespmem:$0x8080] =	vst v63  }
.Ltmp0:
0x66: {  	_ = 	snop;
	(pc) =	sbr.rel @p0 .LBB2_1-.Ltmp0, $4  }
0x67: {  	[hbm4b:s3+s2] =	stream.indirect_vreg.scatter [tilespmem:s23], [sflag:$0x1], $0x80, v3, vm0, $0xb8;
	[tilespmem:$0x8080] =	vst v63  }
0x68: {  	_ =	swait.ge [sflag:s24], $0x8000  }
0x69: {  	[sflag:s24] =	ssyncset.done $0x0  }
0x6a: {  	s6 =	sadd.s32 $0xFFFFFFFF, s6;
	[sflag:s24] =	ssyncadd.s32 $0xFFFF8000  }
0x6b: {  	_ =	sfence.sel $0x180000  }
0x6c: {  	[bflag:$0x0] =	sbarrier.arrive $0xFFFF  }
0x6d: {  	p0 =	sne.s32 s1, $0x0;
	_ =	strace $0x90000056  }
0x6e: {  	s0 =	sadd.s32 @!p0 $0x100000, s0;
	[bflag:$0x2] =	sbarrier.arrive $0xFFFF  }
0x6f: {  	[sflag:s0] =	ssyncadd.tile.s32 @!p0 $0x1;
	_ =	shalt  }
.Lfunc_end2:
_tile_overlayer_lowered:
.L_overlay_start_2:
0x70: {  	(tag) =	ssettag $0x2  }
0x71: {  	s0 =	rddreg [dreg:$0x0];
	s2 =	stileid.u32  }
0x72: {  	s1 =	rddreg [dreg:$0x1];
	p0 =	sne.s32 s2, $0x0  }
0x73: {  	s3 =	rddreg [dreg:$0x2];
	[bflag:$0x3] =	sbarrier.arrive $0xFFFF;
	s2 =	simm.s32 @!p0 $0x1C02  }
0x74: {  	[timem:s3], [sflag:s2] =	dma.local @!p0 [hbm:s0], s1  }
0x75: {  	s0 =	simm.s32 @!p0 $0x2  }
0x76: {  	_ =	swait.ge @!p0 [sflag:s0], s1  }
0x77: {  	s1 =	ssub.s32 @!p0 $0x0, s1;
	[sflag:s0] =	ssyncset.done @!p0 $0x0  }
0x78: {  	[sflag:s0] =	ssyncadd.s32 @!p0 s1  }
0x79: {  	[bflag:$0x3] =	sbarrier.arrive $0xFFFF  }
0x7a: {  	_ =	shalt  }

// kernel: kernel.43.cloned.1.call-start
scs
__scs_entry_jumppad:
0x0: {  	(pc) =	sbr.rel $0x88, $3  }
0x1: {  	(tag) =	ssettag $0x0;
	lr =	simm.s32 $0x1  }
0x2: {  	[smem:$0x3F98] =	sst lr;
	_ =	strace $0xD0000000  }
0x3: {  	_ = 	snop  }
0x4: {  	_ = 	snop  }
0x5: {  	_ = 	snop  }
0x6: {  	_ = 	snop  }
0x7: {  	_ = 	snop  }
__scs_overlays_trampoline_lowered:
0x8: {  	[smem:$0x3FA7] =	sst s0  }
0x9: {  	[smem:$0x3FA8] =	sst s1  }
0xa: {  	[smem:$0x3FA9] =	sst s2  }
0xb: {  	[smem:$0x3FAA] =	sst s3  }
0xc: {  	[smem:$0x3FAB] =	sst s4  }
0xd: {  	[smem:$0x3FAC] =	sst s5  }
0xe: {  	[smem:$0x3FAD] =	sst s6  }
0xf: {  	[smem:$0x3FAE] =	sst s7  }
0x10: {  	[smem:$0x3FAF] =	sst s8  }
0x11: {  	[smem:$0x3FB0] =	sst s9;
	s0 =	simm.s32 @!p0 $0x0  }
0x12: {  	s1 =	sld [smem:$0x3F96];
	s0 =	simm.s32 @p0 $0x1  }
0x13: {  	[smem:$0x3FB1] =	sst s0;
	s0 =	simm.s32 @!p1 $0x0  }
0x14: {  	s2 =	sld [smem:$0x3F95];
	s0 =	simm.s32 @p1 $0x1  }
0x15: {  	[smem:$0x3FB2] =	sst s0;
	s0 =	simm.s32 @!p2 $0x0  }
0x16: {  	s3 =	sld [smem:$0x3FDB];
	s0 =	simm.s32 @p2 $0x1  }
0x17: {  	s4 =	simm.s32 $0x1BF5;
	[smem:$0x3FB4] =	sst s0  }
0x18: {  	s0 =	sld [smem:$0x3F97];
	_ =	swait.ge [sflag:s4], $0x0  }
0x19: {  	s7 =	sld [smem:$0x3F98]  }
0x1a: {  	s8 =	sadd.s32 $0xFFFFE003, lr  }
0x1b: {  	s9 =	sadd.s32 $0xFFFFFEF7, lr;
	s5 =	simm.s32 $0xFFFFFFFF;
	p2 =	slt.u32 s8, $0xFFFFF086  }
0x1c: {  	p1 =	slt.u32 s9, $0xF7A;
	s5 =	simm.s32 @!p2 $0x0  }
0x1d: {  	s5 =	simm.s32 @p1 $0x1;
	p0 =	seq.s32 s7, s2  }
0x1e: {  	s7 =	smul.u32 @!p0 $0xF7A, s2;
	p2 =	seq.s32 @!p0 s5, $0x0  }
0x1f: {  	s9 =	smul.u32 $0xF7A, s1;
	s8 =	simm.s32 @!p0 $0x1BF5;
	p2 =	por !p2, p0  }
0x20: {  	[sflag:s8] =	ssyncset.s32 @!p0 $0xFFFFF086;
	s6 =	sadd.s32 @!p0 s3, s7;
	s7 =	simm.s32 @!p0 $0x108  }
0x21: {  	s3 =	sadd.s32 s3, s9;
	s6 =	sadd.s32 @!p0 $0x88, s6;
	s7 =	simm.s32 @p2 $0x1082  }
0x22: {  	[simem:s7], [sflag:s8] =	dma.local @!p0 [hbm:s6], $0xF7A  }
0x23: {  	s9 =	sor.u32 $0xD0000000, s2;
	s6 =	simm.s32 $0x108;
	_ =	swait.ge @!p0 [sflag:s8], $0x0  }
0x24: {  	s3 =	sadd.s32 $0x88, s3;
	s6 =	simm.s32 @!p1 $0x1082;
	[sflag:s4] =	ssyncset.s32 $0xFFFFF086  }
0x25: {  	[simem:s6], [sflag:s4] =	dma.local [hbm:s3], $0xF7A  }
0x26: {  	[smem:$0x3F98] =	sst s1;
	(tag) =	ssettag s2;
	_ =	strace s9  }
0x27: {  	s1 =	sld [smem:$0x3FA8]  }
0x28: {  	s2 =	sld [smem:$0x3FA9]  }
0x29: {  	s4 =	sld [smem:$0x3FAB]  }
0x2a: {  	p0 =	seq.s32 s5, $0x0;
	s5 =	sld [smem:$0x3FAC]  }
0x2b: {  	s6 =	sld [smem:$0x3FAD]  }
0x2c: {  	s7 =	sld [smem:$0x3FAE]  }
0x2d: {  	s3 =	simm.s32 $0x108;
	s8 =	sld [smem:$0x3FAF]  }
0x2e: {  	s3 =	simm.s32 @!p0 $0x1082;
	s9 =	sld [smem:$0x3FB0]  }
0x2f: {  	lr =	sadd.s32 s0, s3;
	s0 =	sld [smem:$0x3FA7]  }
0x30: {  	s3 =	sld [smem:$0x3FAA]  }
0x31: {  	[smem:$0x3FB3] =	sst s10  }
0x32: {  	s10 =	sld [smem:$0x3FB1];
	_ =	sdelay $0x3  }
0x33: {  	p0 =	seq.s32 s10, $0x1;
	s10 =	sld [smem:$0x3FB3];
	_ =	sdelay $0x3  }
0x34: {  	[smem:$0x3FB3] =	sst s10  }
0x35: {  	s10 =	sld [smem:$0x3FB2];
	_ =	sdelay $0x3  }
0x36: {  	p1 =	seq.s32 s10, $0x1;
	s10 =	sld [smem:$0x3FB3];
	_ =	sdelay $0x3  }
0x37: {  	[smem:$0x3FB3] =	sst s10  }
0x38: {  	s10 =	sld [smem:$0x3FB4]  }
0x39: {  	_ = 	snop;
	(pc) =	sbr.ind lr, $3  }
0x3a: {  	_ = 	snop  }
0x3b: {  	_ = 	snop  }
0x3c: {  	p2 =	seq.s32 s10, $0x1;
	s10 =	sld [smem:$0x3FB3]  }
0x3d: {  	_ =	shalt  }
0x3e: {  	_ =	shalt  }
0x3f: {  	_ =	shalt  }
0x40: {  	_ =	shalt  }
0x41: {  	_ =	shalt  }
0x42: {  	_ =	shalt  }
0x43: {  	_ =	shalt  }
0x44: {  	_ =	shalt  }
0x45: {  	_ =	shalt  }
0x46: {  	_ =	shalt  }
0x47: {  	_ =	shalt  }
0x48: {  	_ =	shalt  }
0x49: {  	_ =	shalt  }
0x4a: {  	_ =	shalt  }
0x4b: {  	_ =	shalt  }
0x4c: {  	_ =	shalt  }
0x4d: {  	_ =	shalt  }
0x4e: {  	_ =	shalt  }
0x4f: {  	_ =	shalt  }
0x50: {  	_ =	shalt  }
0x51: {  	_ =	shalt  }
0x52: {  	_ =	shalt  }
0x53: {  	_ =	shalt  }
0x54: {  	_ =	shalt  }
0x55: {  	_ =	shalt  }
0x56: {  	_ =	shalt  }
0x57: {  	_ =	shalt  }
0x58: {  	_ =	shalt  }
0x59: {  	_ =	shalt  }
0x5a: {  	_ =	shalt  }
0x5b: {  	_ =	shalt  }
0x5c: {  	_ =	shalt  }
0x5d: {  	_ =	shalt  }
0x5e: {  	_ =	shalt  }
0x5f: {  	_ =	shalt  }
0x60: {  	_ =	shalt  }
0x61: {  	_ =	shalt  }
0x62: {  	_ =	shalt  }
0x63: {  	_ =	shalt  }
0x64: {  	_ =	shalt  }
0x65: {  	_ =	shalt  }
0x66: {  	_ =	shalt  }
0x67: {  	_ =	shalt  }
0x68: {  	_ =	shalt  }
0x69: {  	_ =	shalt  }
0x6a: {  	_ =	shalt  }
0x6b: {  	_ =	shalt  }
0x6c: {  	_ =	shalt  }
0x6d: {  	_ =	shalt  }
0x6e: {  	_ =	shalt  }
0x6f: {  	_ =	shalt  }
0x70: {  	_ =	shalt  }
0x71: {  	_ =	shalt  }
0x72: {  	_ =	shalt  }
0x73: {  	_ =	shalt  }
0x74: {  	_ =	shalt  }
0x75: {  	_ =	shalt  }
0x76: {  	_ =	shalt  }
0x77: {  	_ =	shalt  }
0x78: {  	_ =	shalt  }
0x79: {  	_ =	shalt  }
0x7a: {  	_ =	shalt  }
0x7b: {  	_ =	shalt  }
0x7c: {  	_ =	shalt  }
0x7d: {  	_ =	shalt  }
0x7e: {  	_ =	shalt  }
0x7f: {  	_ =	shalt  }
0x80: {  	_ =	shalt  }
0x81: {  	_ =	shalt  }
0x82: {  	_ =	shalt  }
0x83: {  	_ =	shalt  }
0x84: {  	_ =	shalt  }
0x85: {  	_ =	shalt  }
0x86: {  	_ =	shalt  }
0x87: {  	_ =	shalt  }
.Lfunc_end0:
.L_simem_size_0:
called_computation.6_lowered:
.L_overlay_start_0:
0x88: {  	s2 =	sld [smem:$0x3FD9]  }
0x89: {  	s3 =	sld [smem:$0x3FFE];
	_ =	sdelay $0x1  }
0x8a: {  	s1 =	srdreg.scid  }
0x8b: {  	s0 =	sand.u32 $0x1, s1  }
0x8c: {  	s16 =	sshll.u32 s0, $0xA;
	s2 =	sadd.s32 s3, s2  }
0x8d: {  	s2 =	sadd.s32 s2, s16  }
0x8e: {  	[smem:$0x3FBF] =	sst s2  }
0x8f: {  	_ = 	snop  }
0x90: {  	(tm) =	ssettm $0x1  }
0x91: {  	s17 =	sld [smem:$0x3FFB];
	_ =	sdelay $0x3  }
0x92: {  	_ =	strace s17  }
0x93: {  	s2 =	sld [smem:$0x3FFC];
	_ =	sdelay $0x3  }
0x94: {  	_ =	strace s2  }
0x95: {  	s2 =	sld [smem:$0x3FFD];
	_ =	sdelay $0x3  }
0x96: {  	_ =	strace s2  }
0x97: {  	_ =	strace $0x8FFFFFFF  }
0x98: {  	s18 =	sld [smem:$0x3FDB];
	_ =	sdelay $0x1  }
0x99: {  	s19 =	simm.s32 $_scs_section_size  }
0x9a: {  	s4 =	simm.s32 $_size__tile_overlayer_lowered;
	s5 =	simm.s32 $_tile_overlayer_lowered  }
0x9b: {  	s22 =	simm.s32 $0x1BFF;
	s21 =	sshll.u32 s5, $0x1;
	s2 =	sadd.s32 s19, s18  }
0x9c: {  	s6 =	simm.s32 $0x0;
	s20 =	sshll.u32 s4, $0x1;
	s4 =	sadd.s32 s21, s2  }
0x9d: {  	[timem:s6], [sflag:s22] =	dma.local [hbm:s4], s20  }
0x9e: {  	_ =	swait.ge [sflag:s22], s20  }
0x9f: {  	s3 =	ssub.s32 $0x0, s20;
	[sflag:s22] =	ssyncset.done $0x0  }
0xa0: {  	[sflag:s22] =	ssyncadd.s32 s3;
	_ =	sdelay $0x1  }
0xa1: {  	s23 =	simm.s32 $0x1B8B  }
0xa2: {  	_ =	swait.ge [sflag:s23], $0x1  }
0xa3: {  	[sflag:s23] =	ssyncset.done $0x0  }
0xa4: {  	s25 =	simm.s32 $0x1B8E;
	s24 =	sld [smem:$0x3FFE];
	[sflag:s23] =	ssyncadd.s32 $0xFFFFFFFF  }
0xa5: {  	s26 =	simm.s32 $execute0_lowered;
	[smem:$0x3FD2] =	sst s25  }
0xa6: {  	s4 =	sshll.u32 s26, $0x1;
	_ =	strace $0x80000058;
	[dreg:$0x1] =	wrdreg $0xFFFFFFFF  }
0xa7: {  	s28 =	simm.s32 $_size_execute0_lowered;
	s2 =	sadd.s32 s2, s4;
	[dreg:$0x0] =	wrdreg $0x0  }
0xa8: {  	s4 =	sshll.u32 s28, $0x1;
	[dreg:$0x2] =	wrdreg s2  }
0xa9: {  	[dreg:$0x3] =	wrdreg s4  }
0xaa: {  	[dreg:$0x4] =	wrdreg $0xC0  }
0xab: {  	_ =	task [dreg:s6], $0x5FFFF  }
0xac: {  	[dreg:$0x1] =	wrdreg $0xFFFFFFFF  }
0xad: {  	[dreg:$0x0] =	wrdreg $0x60  }
0xae: {  	[dreg:$0x2] =	wrdreg s24  }
0xaf: {  	[dreg:$0x3] =	wrdreg $0x9  }
0xb0: {  	_ =	task.clear_ibuf [dreg:s6], $0x4FFFF;
	_ =	strace $0x90000058  }
0xb1: {  	s29 =	simm.s32 $0x9;
	_ =	strace $0x8000005A  }
0xb2: {  	_ =	swait.ge [sflag:s29], $0x1  }
0xb3: {  	[sflag:s29] =	ssyncadd.s32 $0xFFFFFFFF  }
0xb4: {  	_ =	strace $0x9000005A  }
0xb5: {  	_ =	sfence  }
0xb6: {  	s30 =	sld [smem:$0x0];
	_ =	sdelay $0x2  }
0xb7: {  	s31 =	sshll.u32 s1, $0xD;
	s1 =	sshrl.u32 s1, $0x2  }
0xb8: {  	s3 =	sand.u32 $0x4000, s31;
	s1 =	sadd.s32 s1, s30  }
0xb9: {  	s0 =	sor.u32 s3, s0;
	s1 =	sshll.u32 s1, $0x11  }
0xba: {  	s0 =	sor.u32 s1, s0  }
0xbb: {  	s0 =	sadd.s32 $0x8F2B, s0  }
0xbc: {  	[sflag:s0] =	ssyncadd.remote.s32 $0x1  }
0xbd: {  	_ =	sfence.sel $0xFFFF  }
0xbe: {  	[dreg:$0x0] =	wrdreg $0xFFFFFFFF;
	(pc) =	sbr.abs _section_cstart, $3  }
0xbf: {  	[dreg:$0x1] =	wrdreg $0xFFFFFFFF  }
0xc0: {  	_ =	task.clear_ibuf [dreg:s6], $0x2FFFF;
	_ =	strace $0x9FFFFFFF  }
0xc1: {  	(tm) =	ssettm $0x7FFFFFFF  }
tec
execute0_lowered:
.L_overlay_start_1:
0x0: {  	(tag) =	ssettag $0x1  }
0x1: {  	s4 =	rddreg [dreg:$0x0];
	s2 =	srdreg.scid  }
0x2: {  	s0 =	rddreg [dreg:$0x1];
	s1 =	stileid.u32  }
0x3: {  	s9 =	simm.s32 $0x880;
	s10 =	simm.s32 $0x1080;
	s11 =	simm.s32 $0x1880  }
0x4: {  	s12 =	simm.s32 $0x2080;
	s13 =	simm.s32 $0x2880;
	s14 =	simm.s32 $0x3080  }
0x5: {  	s15 =	simm.s32 $0x3880;
	s16 =	simm.s32 $0x4080;
	s17 =	simm.s32 $0x4880  }
0x6: {  	s18 =	simm.s32 $0x5080;
	s19 =	simm.s32 $0x5880;
	s20 =	simm.s32 $0x6080  }
0x7: {  	s21 =	simm.s32 $0x6880;
	s22 =	simm.s32 $0x7080;
	s23 =	simm.s32 $0x7880  }
0x8: {  	s24 =	simm.s32 $0x1;
	s3 =	sand.u32 $0x1, s2;
	s2 =	simm.s32 $0x0  }
0x9: {  	s5 =	sshll.u32 s1, $0x8;
	s6 =	sshll.u32 s3, $0x7;
	[smem:$0x7FF] =	sst s2  }
0xa: {  	s7 =	ssub.s32 $0x2, s3;
	s3 =	sadd.s32 $0x15D200, s4;
	s5 =	sor.u32 s6, s5  }
0xb: {  	_ =	strace $0x80000059;
	s8 =	sshrl.u32 s7, $0x1;
	s6 =	sshrl.u32 s5, $0x3  }
0xc: {  	v2 =	vlaneseq.u32;
	s5 =	sshll.u32 s5, $0x5;
	s7 =	ssub.s32 s7, s8;
	s6 =	sadd.s32 s6, s4  }
0xd: {  	vm0 =	vmmov $0xffff;
	v1 =	vshrl.u32 v2, $0x3;
	s8 =	simm.s32 $0x80;
	s5 =	sadd.s32 s5, s4;
	s4 =	sadd.s32 $0x14A400, s6  }
0xe: {  	v0 =	vand.u32 $0x7, v2;
	v2 =	vor.u32 $0x8, v2;
	v1 =	vmul.u32 $0x8, v1;
	s5 =	sadd.s32 $0x8400, s5;
	s6 =	smax.u32 s7, $0x1;
	s7 =	simm.s32 $0x2  }
.LBB2_1:
0xf: {  	[tilespmem:s2], [sflag:$0x2] =	stream.linear.gather [hbm4b:s4+s2], $0x80, $0x38;
	[tilespmem:$0x8080] =	vst v63  }
0x10: {  	_ =	swait.ge [sflag:s7], $0x80  }
0x11: {  	[sflag:s7] =	ssyncset.done $0x0  }
0x12: {  	[sflag:s7] =	ssyncadd.s32 $0xFFFFFF80  }
0x13: {  	v3 =	vld [tilespmem:$0x0];
	_ =	sdelay $0x4  }
0x14: {  	v4 =	vshll.u32 v3, $0x1  }
0x15: {  	v3 =	vand.u32 $0x7, v3;
	v4 =	vand.u32 $0xFFFFFFF0, v4  }
0x16: {  	v3 =	vor.u32 v3, v4  }
0x17: {  	v4 =	vperm.xlane v3, v0;
	_ =	sdelay $0x1  }
0x18: {  	v3 =	vperm.xlane v3, v2;
	v4 =	vadd.s32 v1, v4;
	_ =	sdelay $0x1  }
0x19: {  	v3 =	vadd.s32 v1, v3;
	_ =	sdelay $0x2  }
0x1a: {  	[tilespmem:s8], [sflag:$0x1] =	stream.indirect_vreg.gather [hbm4b:s3+s2], $0x80, v4, vm0, $0xb8;
	[tilespmem:$0x8080] =	vst v63  }
0x1b: {  	_ = 	snop  }
0x1c: {  	[tilespmem:s9], [sflag:$0x1] =	stream.indirect_vreg.gather [hbm4b:s3+s2], $0x80, v3, vm0, $0xb8;
	[tilespmem:$0x8080] =	vst v63  }
0x1d: {  	v3 =	vld [tilespmem:$0x10];
	_ =	sdelay $0x4  }
0x1e: {  	v57 =	vshll.u32 v3, $0x1  }
0x1f: {  	v3 =	vand.u32 $0x7, v3;
	v4 =	vand.u32 $0xFFFFFFF0, v57  }
0x20: {  	v3 =	vor.u32 v3, v4  }
0x21: {  	v4 =	vperm.xlane v3, v0;
	_ =	sdelay $0x1  }
0x22: {  	v3 =	vperm.xlane v3, v2;
	v4 =	vadd.s32 v1, v4;
	_ =	sdelay $0x1  }
0x23: {  	v3 =	vadd.s32 v1, v3;
	_ =	sdelay $0x2  }
0x24: {  	[tilespmem:s10], [sflag:$0x1] =	stream.indirect_vreg.gather [hbm4b:s3+s2], $0x80, v4, vm0, $0xb8;
	[tilespmem:$0x8080] =	vst v63  }
0x25: {  	_ = 	snop  }
0x26: {  	[tilespmem:s11], [sflag:$0x1] =	stream.indirect_vreg.gather [hbm4b:s3+s2], $0x80, v3, vm0, $0xb8;
	[tilespmem:$0x8080] =	vst v63  }
0x27: {  	v3 =	vld [tilespmem:$0x20];
	_ =	sdelay $0x4  }
0x28: {  	v58 =	vshll.u32 v3, $0x1  }
0x29: {  	v3 =	vand.u32 $0x7, v3;
	v4 =	vand.u32 $0xFFFFFFF0, v58  }
0x2a: {  	v3 =	vor.u32 v3, v4  }
0x2b: {  	v4 =	vperm.xlane v3, v0;
	_ =	sdelay $0x1  }
0x2c: {  	v3 =	vperm.xlane v3, v2;
	v4 =	vadd.s32 v1, v4;
	_ =	sdelay $0x1  }
0x2d: {  	v3 =	vadd.s32 v1, v3;
	_ =	sdelay $0x2  }
0x2e: {  	[tilespmem:s12], [sflag:$0x1] =	stream.indirect_vreg.gather [hbm4b:s3+s2], $0x80, v4, vm0, $0xb8;
	[tilespmem:$0x8080] =	vst v63  }
0x2f: {  	_ = 	snop  }
0x30: {  	[tilespmem:s13], [sflag:$0x1] =	stream.indirect_vreg.gather [hbm4b:s3+s2], $0x80, v3, vm0, $0xb8;
	[tilespmem:$0x8080] =	vst v63  }
0x31: {  	v3 =	vld [tilespmem:$0x30];
	_ =	sdelay $0x4  }
0x32: {  	v59 =	vshll.u32 v3, $0x1  }
0x33: {  	v3 =	vand.u32 $0x7, v3;
	v4 =	vand.u32 $0xFFFFFFF0, v59  }
0x34: {  	v3 =	vor.u32 v3, v4  }
0x35: {  	v4 =	vperm.xlane v3, v0;
	_ =	sdelay $0x1  }
0x36: {  	v3 =	vperm.xlane v3, v2;
	v4 =	vadd.s32 v1, v4;
	_ =	sdelay $0x1  }
0x37: {  	v3 =	vadd.s32 v1, v3;
	_ =	sdelay $0x2  }
0x38: {  	[tilespmem:s14], [sflag:$0x1] =	stream.indirect_vreg.gather [hbm4b:s3+s2], $0x80, v4, vm0, $0xb8;
	[tilespmem:$0x8080] =	vst v63  }
0x39: {  	_ = 	snop  }
0x3a: {  	[tilespmem:s15], [sflag:$0x1] =	stream.indirect_vreg.gather [hbm4b:s3+s2], $0x80, v3, vm0, $0xb8;
	[tilespmem:$0x8080] =	vst v63  }
0x3b: {  	v3 =	vld [tilespmem:$0x40];
	_ =	sdelay $0x4  }
0x3c: {  	v60 =	vshll.u32 v3, $0x1  }
0x3d: {  	v3 =	vand.u32 $0x7, v3;
	v4 =	vand.u32 $0xFFFFFFF0, v60  }
0x3e: {  	v3 =	vor.u32 v3, v4  }
0x3f: {  	v4 =	vperm.xlane v3, v0;
	_ =	sdelay $0x1  }
0x40: {  	v3 =	vperm.xlane v3, v2;
	v4 =	vadd.s32 v1, v4;
	_ =	sdelay $0x1  }
0x41: {  	v3 =	vadd.s32 v1, v3;
	_ =	sdelay $0x2  }
0x42: {  	[tilespmem:s16], [sflag:$0x1] =	stream.indirect_vreg.gather [hbm4b:s3+s2], $0x80, v4, vm0, $0xb8;
	[tilespmem:$0x8080] =	vst v63  }
0x43: {  	_ = 	snop  }
0x44: {  	[tilespmem:s17], [sflag:$0x1] =	stream.indirect_vreg.gather [hbm4b:s3+s2], $0x80, v3, vm0, $0xb8;
	[tilespmem:$0x8080] =	vst v63  }
0x45: {  	v3 =	vld [tilespmem:$0x50];
	_ =	sdelay $0x4  }
0x46: {  	v61 =	vshll.u32 v3, $0x1  }
0x47: {  	v3 =	vand.u32 $0x7, v3;
	v4 =	vand.u32 $0xFFFFFFF0, v61  }
0x48: {  	v3 =	vor.u32 v3, v4  }
0x49: {  	v4 =	vperm.xlane v3, v0;
	_ =	sdelay $0x1  }
0x4a: {  	v3 =	vperm.xlane v3, v2;
	v4 =	vadd.s32 v1, v4;
	_ =	sdelay $0x1  }
0x4b: {  	v3 =	vadd.s32 v1, v3;
	_ =	sdelay $0x2  }
0x4c: {  	[tilespmem:s18], [sflag:$0x1] =	stream.indirect_vreg.gather [hbm4b:s3+s2], $0x80, v4, vm0, $0xb8;
	[tilespmem:$0x8080] =	vst v63  }
0x4d: {  	_ = 	snop  }
0x4e: {  	[tilespmem:s19], [sflag:$0x1] =	stream.indirect_vreg.gather [hbm4b:s3+s2], $0x80, v3, vm0, $0xb8;
	[tilespmem:$0x8080] =	vst v63  }
0x4f: {  	v3 =	vld [tilespmem:$0x60];
	_ =	sdelay $0x4  }
0x50: {  	v62 =	vshll.u32 v3, $0x1  }
0x51: {  	v3 =	vand.u32 $0x7, v3;
	v4 =	vand.u32 $0xFFFFFFF0, v62  }
0x52: {  	v3 =	vor.u32 v3, v4  }
0x53: {  	v4 =	vperm.xlane v3, v0;
	_ =	sdelay $0x1  }
0x54: {  	v3 =	vperm.xlane v3, v2;
	v4 =	vadd.s32 v1, v4;
	_ =	sdelay $0x1  }
0x55: {  	v3 =	vadd.s32 v1, v3;
	_ =	sdelay $0x2  }
0x56: {  	[tilespmem:s20], [sflag:$0x1] =	stream.indirect_vreg.gather [hbm4b:s3+s2], $0x80, v4, vm0, $0xb8;
	[tilespmem:$0x8080] =	vst v63  }
0x57: {  	_ = 	snop  }
0x58: {  	[tilespmem:s21], [sflag:$0x1] =	stream.indirect_vreg.gather [hbm4b:s3+s2], $0x80, v3, vm0, $0xb8;
	[tilespmem:$0x8080] =	vst v63  }
0x59: {  	v3 =	vld [tilespmem:$0x70];
	_ =	sdelay $0x4  }
0x5a: {  	v63 =	vshll.u32 v3, $0x1  }
0x5b: {  	v3 =	vand.u32 $0x7, v3;
	v4 =	vand.u32 $0xFFFFFFF0, v63  }
0x5c: {  	v3 =	vor.u32 v3, v4  }
0x5d: {  	v4 =	vperm.xlane v3, v0;
	_ =	sdelay $0x1  }
0x5e: {  	v3 =	vperm.xlane v3, v2;
	v4 =	vadd.s32 v1, v4;
	_ =	sdelay $0x1  }
0x5f: {  	v3 =	vadd.s32 v1, v3;
	_ =	sdelay $0x2  }
0x60: {  	[tilespmem:s22], [sflag:$0x1] =	stream.indirect_vreg.gather [hbm4b:s3+s2], $0x80, v4, vm0, $0xb8;
	[tilespmem:$0x8080] =	vst v63  }
0x61: {  	_ = 	snop  }
0x62: {  	[tilespmem:s23], [sflag:$0x1] =	stream.indirect_vreg.gather [hbm4b:s3+s2], $0x80, v3, vm0, $0xb8;
	[tilespmem:$0x8080] =	vst v63  }
0x63: {  	_ =	swait.ge [sflag:s24], $0x8000  }
0x64: {  	p0 =	sne.s32 s6, $0x1;
	[sflag:s24] =	ssyncset.done $0x0  }
.Ltmp0:
0x65: {  	[sflag:s24] =	ssyncadd.s32 $0xFFFF8000;
	(pc) =	sbr.rel @p0 .LBB2_1-.Ltmp0, $4  }
0x66: {  	[hbm4b:s5+s2] =	stream.linear.scatter [tilespmem:s8], [sflag:$0x2], $0x8000, $0x38;
	[tilespmem:$0x8080] =	vst v63  }
0x67: {  	_ =	swait.ge [sflag:s7], $0x8000  }
0x68: {  	[sflag:s7] =	ssyncset.done $0x0  }
0x69: {  	s6 =	sadd.s32 $0xFFFFFFFF, s6;
	[sflag:s7] =	ssyncadd.s32 $0xFFFF8000  }
0x6a: {  	_ =	sfence.sel $0x180000  }
0x6b: {  	[bflag:$0x0] =	sbarrier.arrive $0xFFFF  }
0x6c: {  	p0 =	sne.s32 s1, $0x0;
	_ =	strace $0x90000059  }
0x6d: {  	s0 =	sadd.s32 @!p0 $0x100000, s0;
	[bflag:$0x2] =	sbarrier.arrive $0xFFFF  }
0x6e: {  	[sflag:s0] =	ssyncadd.tile.s32 @!p0 $0x1;
	_ =	shalt  }
.Lfunc_end2:
_tile_overlayer_lowered:
.L_overlay_start_2:
0x6f: {  	(tag) =	ssettag $0x2  }
0x70: {  	s0 =	rddreg [dreg:$0x0];
	s2 =	stileid.u32  }
0x71: {  	s1 =	rddreg [dreg:$0x1];
	p0 =	sne.s32 s2, $0x0  }
0x72: {  	s3 =	rddreg [dreg:$0x2];
	[bflag:$0x3] =	sbarrier.arrive $0xFFFF;
	s2 =	simm.s32 @!p0 $0x1C02  }
0x73: {  	[timem:s3], [sflag:s2] =	dma.local @!p0 [hbm:s0], s1  }
0x74: {  	s0 =	simm.s32 @!p0 $0x2  }
0x75: {  	_ =	swait.ge @!p0 [sflag:s0], s1  }
0x76: {  	s1 =	ssub.s32 @!p0 $0x0, s1;
	[sflag:s0] =	ssyncset.done @!p0 $0x0  }
0x77: {  	[sflag:s0] =	ssyncadd.s32 @!p0 s1  }
0x78: {  	[bflag:$0x3] =	sbarrier.arrive $0xFFFF  }
0x79: {  	_ =	shalt  }

// kernel: kernel.46.cloned.1.call-start
scs
__scs_entry_jumppad:
0x0: {  	(pc) =	sbr.rel $0x88, $3  }
0x1: {  	(tag) =	ssettag $0x0;
	lr =	simm.s32 $0x1  }
0x2: {  	[smem:$0x3F98] =	sst lr;
	_ =	strace $0xD0000000  }
0x3: {  	_ = 	snop  }
0x4: {  	_ = 	snop  }
0x5: {  	_ = 	snop  }
0x6: {  	_ = 	snop  }
0x7: {  	_ = 	snop  }
__scs_overlays_trampoline_lowered:
0x8: {  	[smem:$0x3FA7] =	sst s0  }
0x9: {  	[smem:$0x3FA8] =	sst s1  }
0xa: {  	[smem:$0x3FA9] =	sst s2  }
0xb: {  	[smem:$0x3FAA] =	sst s3  }
0xc: {  	[smem:$0x3FAB] =	sst s4  }
0xd: {  	[smem:$0x3FAC] =	sst s5  }
0xe: {  	[smem:$0x3FAD] =	sst s6  }
0xf: {  	[smem:$0x3FAE] =	sst s7  }
0x10: {  	[smem:$0x3FAF] =	sst s8  }
0x11: {  	[smem:$0x3FB0] =	sst s9;
	s0 =	simm.s32 @!p0 $0x0  }
0x12: {  	s1 =	sld [smem:$0x3F96];
	s0 =	simm.s32 @p0 $0x1  }
0x13: {  	[smem:$0x3FB1] =	sst s0;
	s0 =	simm.s32 @!p1 $0x0  }
0x14: {  	s2 =	sld [smem:$0x3F95];
	s0 =	simm.s32 @p1 $0x1  }
0x15: {  	[smem:$0x3FB2] =	sst s0;
	s0 =	simm.s32 @!p2 $0x0  }
0x16: {  	s3 =	sld [smem:$0x3FDB];
	s0 =	simm.s32 @p2 $0x1  }
0x17: {  	s4 =	simm.s32 $0x1BF5;
	[smem:$0x3FB4] =	sst s0  }
0x18: {  	s0 =	sld [smem:$0x3F97];
	_ =	swait.ge [sflag:s4], $0x0  }
0x19: {  	s7 =	sld [smem:$0x3F98]  }
0x1a: {  	s8 =	sadd.s32 $0xFFFFE003, lr  }
0x1b: {  	s9 =	sadd.s32 $0xFFFFFEF7, lr;
	s5 =	simm.s32 $0xFFFFFFFF;
	p2 =	slt.u32 s8, $0xFFFFF086  }
0x1c: {  	p1 =	slt.u32 s9, $0xF7A;
	s5 =	simm.s32 @!p2 $0x0  }
0x1d: {  	s5 =	simm.s32 @p1 $0x1;
	p0 =	seq.s32 s7, s2  }
0x1e: {  	s7 =	smul.u32 @!p0 $0xF7A, s2;
	p2 =	seq.s32 @!p0 s5, $0x0  }
0x1f: {  	s9 =	smul.u32 $0xF7A, s1;
	s8 =	simm.s32 @!p0 $0x1BF5;
	p2 =	por !p2, p0  }
0x20: {  	[sflag:s8] =	ssyncset.s32 @!p0 $0xFFFFF086;
	s6 =	sadd.s32 @!p0 s3, s7;
	s7 =	simm.s32 @!p0 $0x108  }
0x21: {  	s3 =	sadd.s32 s3, s9;
	s6 =	sadd.s32 @!p0 $0x88, s6;
	s7 =	simm.s32 @p2 $0x1082  }
0x22: {  	[simem:s7], [sflag:s8] =	dma.local @!p0 [hbm:s6], $0xF7A  }
0x23: {  	s9 =	sor.u32 $0xD0000000, s2;
	s6 =	simm.s32 $0x108;
	_ =	swait.ge @!p0 [sflag:s8], $0x0  }
0x24: {  	s3 =	sadd.s32 $0x88, s3;
	s6 =	simm.s32 @!p1 $0x1082;
	[sflag:s4] =	ssyncset.s32 $0xFFFFF086  }
0x25: {  	[simem:s6], [sflag:s4] =	dma.local [hbm:s3], $0xF7A  }
0x26: {  	[smem:$0x3F98] =	sst s1;
	(tag) =	ssettag s2;
	_ =	strace s9  }
0x27: {  	s1 =	sld [smem:$0x3FA8]  }
0x28: {  	s2 =	sld [smem:$0x3FA9]  }
0x29: {  	s4 =	sld [smem:$0x3FAB]  }
0x2a: {  	p0 =	seq.s32 s5, $0x0;
	s5 =	sld [smem:$0x3FAC]  }
0x2b: {  	s6 =	sld [smem:$0x3FAD]  }
0x2c: {  	s7 =	sld [smem:$0x3FAE]  }
0x2d: {  	s3 =	simm.s32 $0x108;
	s8 =	sld [smem:$0x3FAF]  }
0x2e: {  	s3 =	simm.s32 @!p0 $0x1082;
	s9 =	sld [smem:$0x3FB0]  }
0x2f: {  	lr =	sadd.s32 s0, s3;
	s0 =	sld [smem:$0x3FA7]  }
0x30: {  	s3 =	sld [smem:$0x3FAA]  }
0x31: {  	[smem:$0x3FB3] =	sst s10  }
0x32: {  	s10 =	sld [smem:$0x3FB1];
	_ =	sdelay $0x3  }
0x33: {  	p0 =	seq.s32 s10, $0x1;
	s10 =	sld [smem:$0x3FB3];
	_ =	sdelay $0x3  }
0x34: {  	[smem:$0x3FB3] =	sst s10  }
0x35: {  	s10 =	sld [smem:$0x3FB2];
	_ =	sdelay $0x3  }
0x36: {  	p1 =	seq.s32 s10, $0x1;
	s10 =	sld [smem:$0x3FB3];
	_ =	sdelay $0x3  }
0x37: {  	[smem:$0x3FB3] =	sst s10  }
0x38: {  	s10 =	sld [smem:$0x3FB4]  }
0x39: {  	_ = 	snop;
	(pc) =	sbr.ind lr, $3  }
0x3a: {  	_ = 	snop  }
0x3b: {  	_ = 	snop  }
0x3c: {  	p2 =	seq.s32 s10, $0x1;
	s10 =	sld [smem:$0x3FB3]  }
0x3d: {  	_ =	shalt  }
0x3e: {  	_ =	shalt  }
0x3f: {  	_ =	shalt  }
0x40: {  	_ =	shalt  }
0x41: {  	_ =	shalt  }
0x42: {  	_ =	shalt  }
0x43: {  	_ =	shalt  }
0x44: {  	_ =	shalt  }
0x45: {  	_ =	shalt  }
0x46: {  	_ =	shalt  }
0x47: {  	_ =	shalt  }
0x48: {  	_ =	shalt  }
0x49: {  	_ =	shalt  }
0x4a: {  	_ =	shalt  }
0x4b: {  	_ =	shalt  }
0x4c: {  	_ =	shalt  }
0x4d: {  	_ =	shalt  }
0x4e: {  	_ =	shalt  }
0x4f: {  	_ =	shalt  }
0x50: {  	_ =	shalt  }
0x51: {  	_ =	shalt  }
0x52: {  	_ =	shalt  }
0x53: {  	_ =	shalt  }
0x54: {  	_ =	shalt  }
0x55: {  	_ =	shalt  }
0x56: {  	_ =	shalt  }
0x57: {  	_ =	shalt  }
0x58: {  	_ =	shalt  }
0x59: {  	_ =	shalt  }
0x5a: {  	_ =	shalt  }
0x5b: {  	_ =	shalt  }
0x5c: {  	_ =	shalt  }
0x5d: {  	_ =	shalt  }
0x5e: {  	_ =	shalt  }
0x5f: {  	_ =	shalt  }
0x60: {  	_ =	shalt  }
0x61: {  	_ =	shalt  }
0x62: {  	_ =	shalt  }
0x63: {  	_ =	shalt  }
0x64: {  	_ =	shalt  }
0x65: {  	_ =	shalt  }
0x66: {  	_ =	shalt  }
0x67: {  	_ =	shalt  }
0x68: {  	_ =	shalt  }
0x69: {  	_ =	shalt  }
0x6a: {  	_ =	shalt  }
0x6b: {  	_ =	shalt  }
0x6c: {  	_ =	shalt  }
0x6d: {  	_ =	shalt  }
0x6e: {  	_ =	shalt  }
0x6f: {  	_ =	shalt  }
0x70: {  	_ =	shalt  }
0x71: {  	_ =	shalt  }
0x72: {  	_ =	shalt  }
0x73: {  	_ =	shalt  }
0x74: {  	_ =	shalt  }
0x75: {  	_ =	shalt  }
0x76: {  	_ =	shalt  }
0x77: {  	_ =	shalt  }
0x78: {  	_ =	shalt  }
0x79: {  	_ =	shalt  }
0x7a: {  	_ =	shalt  }
0x7b: {  	_ =	shalt  }
0x7c: {  	_ =	shalt  }
0x7d: {  	_ =	shalt  }
0x7e: {  	_ =	shalt  }
0x7f: {  	_ =	shalt  }
0x80: {  	_ =	shalt  }
0x81: {  	_ =	shalt  }
0x82: {  	_ =	shalt  }
0x83: {  	_ =	shalt  }
0x84: {  	_ =	shalt  }
0x85: {  	_ =	shalt  }
0x86: {  	_ =	shalt  }
0x87: {  	_ =	shalt  }
.Lfunc_end0:
.L_simem_size_0:
called_computation.7_lowered:
.L_overlay_start_0:
0x88: {  	s2 =	sld [smem:$0x3FD9]  }
0x89: {  	s3 =	sld [smem:$0x3FFE];
	_ =	sdelay $0x1  }
0x8a: {  	s1 =	srdreg.scid  }
0x8b: {  	s0 =	sand.u32 $0x1, s1  }
0x8c: {  	s16 =	sshll.u32 s0, $0xA;
	s2 =	sadd.s32 s3, s2  }
0x8d: {  	s2 =	sadd.s32 s2, s16  }
0x8e: {  	[smem:$0x3FBF] =	sst s2  }
0x8f: {  	_ = 	snop  }
0x90: {  	(tm) =	ssettm $0x1  }
0x91: {  	s17 =	sld [smem:$0x3FFB];
	_ =	sdelay $0x3  }
0x92: {  	_ =	strace s17  }
0x93: {  	s2 =	sld [smem:$0x3FFC];
	_ =	sdelay $0x3  }
0x94: {  	_ =	strace s2  }
0x95: {  	s2 =	sld [smem:$0x3FFD];
	_ =	sdelay $0x3  }
0x96: {  	_ =	strace s2  }
0x97: {  	_ =	strace $0x8FFFFFFF  }
0x98: {  	s18 =	sld [smem:$0x3FDB];
	_ =	sdelay $0x1  }
0x99: {  	s19 =	simm.s32 $_scs_section_size  }
0x9a: {  	s4 =	simm.s32 $_size__tile_overlayer_lowered;
	s5 =	simm.s32 $_tile_overlayer_lowered  }
0x9b: {  	s22 =	simm.s32 $0x1BFF;
	s21 =	sshll.u32 s5, $0x1;
	s2 =	sadd.s32 s19, s18  }
0x9c: {  	s6 =	simm.s32 $0x0;
	s20 =	sshll.u32 s4, $0x1;
	s4 =	sadd.s32 s21, s2  }
0x9d: {  	[timem:s6], [sflag:s22] =	dma.local [hbm:s4], s20  }
0x9e: {  	_ =	swait.ge [sflag:s22], s20  }
0x9f: {  	s3 =	ssub.s32 $0x0, s20;
	[sflag:s22] =	ssyncset.done $0x0  }
0xa0: {  	[sflag:s22] =	ssyncadd.s32 s3;
	_ =	sdelay $0x1  }
0xa1: {  	s23 =	simm.s32 $0x1B8B  }
0xa2: {  	_ =	swait.ge [sflag:s23], $0x1  }
0xa3: {  	[sflag:s23] =	ssyncset.done $0x0  }
0xa4: {  	s25 =	simm.s32 $0x1B8E;
	s24 =	sld [smem:$0x3FFE];
	[sflag:s23] =	ssyncadd.s32 $0xFFFFFFFF  }
0xa5: {  	s26 =	simm.s32 $execute0_lowered;
	[smem:$0x3FD2] =	sst s25  }
0xa6: {  	s4 =	sshll.u32 s26, $0x1;
	_ =	strace $0x8000005B;
	[dreg:$0x1] =	wrdreg $0xFFFFFFFF  }
0xa7: {  	s28 =	simm.s32 $_size_execute0_lowered;
	s2 =	sadd.s32 s2, s4;
	[dreg:$0x0] =	wrdreg $0x0  }
0xa8: {  	s4 =	sshll.u32 s28, $0x1;
	[dreg:$0x2] =	wrdreg s2  }
0xa9: {  	[dreg:$0x3] =	wrdreg s4  }
0xaa: {  	[dreg:$0x4] =	wrdreg $0xC0  }
0xab: {  	_ =	task [dreg:s6], $0x5FFFF  }
0xac: {  	[dreg:$0x1] =	wrdreg $0xFFFFFFFF  }
0xad: {  	[dreg:$0x0] =	wrdreg $0x60  }
0xae: {  	[dreg:$0x2] =	wrdreg s24  }
0xaf: {  	[dreg:$0x3] =	wrdreg $0x9  }
0xb0: {  	_ =	task.clear_ibuf [dreg:s6], $0x4FFFF;
	_ =	strace $0x9000005B  }
0xb1: {  	s29 =	simm.s32 $0x9;
	_ =	strace $0x8000005D  }
0xb2: {  	_ =	swait.ge [sflag:s29], $0x1  }
0xb3: {  	[sflag:s29] =	ssyncadd.s32 $0xFFFFFFFF  }
0xb4: {  	_ =	strace $0x9000005D  }
0xb5: {  	_ =	sfence  }
0xb6: {  	s30 =	sld [smem:$0x0];
	_ =	sdelay $0x2  }
0xb7: {  	s31 =	sshll.u32 s1, $0xD;
	s1 =	sshrl.u32 s1, $0x2  }
0xb8: {  	s3 =	sand.u32 $0x4000, s31;
	s1 =	sadd.s32 s1, s30  }
0xb9: {  	s0 =	sor.u32 s3, s0;
	s1 =	sshll.u32 s1, $0x11  }
0xba: {  	s0 =	sor.u32 s1, s0  }
0xbb: {  	s0 =	sadd.s32 $0x8F2B, s0  }
0xbc: {  	[sflag:s0] =	ssyncadd.remote.s32 $0x1  }
0xbd: {  	_ =	sfence.sel $0xFFFF  }
0xbe: {  	[dreg:$0x0] =	wrdreg $0xFFFFFFFF;
	(pc) =	sbr.abs _section_cstart, $3  }
0xbf: {  	[dreg:$0x1] =	wrdreg $0xFFFFFFFF  }
0xc0: {  	_ =	task.clear_ibuf [dreg:s6], $0x2FFFF;
	_ =	strace $0x9FFFFFFF  }
0xc1: {  	(tm) =	ssettm $0x7FFFFFFF  }
tec
execute0_lowered:
.L_overlay_start_1:
0x0: {  	(tag) =	ssettag $0x1  }
0x1: {  	s3 =	rddreg [dreg:$0x0];
	s2 =	srdreg.scid  }
0x2: {  	s0 =	rddreg [dreg:$0x1];
	s1 =	stileid.u32  }
0x3: {  	s8 =	simm.s32 $0x80;
	s9 =	simm.s32 $0x880;
	s10 =	simm.s32 $0x1080  }
0x4: {  	s11 =	simm.s32 $0x1880;
	s12 =	simm.s32 $0x2080;
	s13 =	simm.s32 $0x2880  }
0x5: {  	s14 =	simm.s32 $0x3080;
	s15 =	simm.s32 $0x3880;
	s16 =	simm.s32 $0x4080  }
0x6: {  	s17 =	simm.s32 $0x4880;
	s18 =	simm.s32 $0x5080;
	s19 =	simm.s32 $0x5880  }
0x7: {  	s20 =	simm.s32 $0x6080;
	s21 =	simm.s32 $0x6880;
	s22 =	simm.s32 $0x7080  }
0x8: {  	s23 =	simm.s32 $0x7880;
	s24 =	simm.s32 $0x1;
	s4 =	sand.u32 $0x1, s2  }
0x9: {  	s2 =	simm.s32 $0x0;
	s5 =	sshll.u32 s1, $0x8;
	s6 =	sshll.u32 s4, $0x7  }
0xa: {  	[smem:$0x7FF] =	sst s2;
	s4 =	ssub.s32 $0x2, s4;
	s5 =	sor.u32 s6, s5  }
0xb: {  	s7 =	sshrl.u32 s4, $0x1;
	s6 =	sshll.u32 s5, $0x5;
	s5 =	sshrl.u32 s5, $0x3  }
0xc: {  	v2 =	vlaneseq.u32;
	_ =	strace $0x8000005C;
	s7 =	ssub.s32 s4, s7;
	s5 =	sadd.s32 s5, s3  }
0xd: {  	vm0 =	vmmov $0xffff;
	v1 =	vshrl.u32 v2, $0x3;
	s6 =	sadd.s32 s6, s3;
	s3 =	sadd.s32 $0x15D200, s3;
	s4 =	sadd.s32 $0x14AE00, s5  }
0xe: {  	v0 =	vand.u32 $0x7, v2;
	v2 =	vor.u32 $0x8, v2;
	v1 =	vmul.u32 $0x8, v1;
	s5 =	sadd.s32 $0x8400, s6;
	s6 =	smax.u32 s7, $0x1;
	s7 =	simm.s32 $0x2  }
.LBB2_1:
0xf: {  	[tilespmem:s2], [sflag:$0x2] =	stream.linear.gather [hbm4b:s4+s2], $0x80, $0x38;
	[tilespmem:$0x8080] =	vst v63  }
0x10: {  	_ =	swait.ge [sflag:s7], $0x80  }
0x11: {  	[sflag:s7] =	ssyncset.done $0x0  }
0x12: {  	[sflag:s7] =	ssyncadd.s32 $0xFFFFFF80  }
0x13: {  	[tilespmem:s8], [sflag:$0x2] =	stream.linear.gather [hbm4b:s5+s2], $0x8000, $0x38;
	[tilespmem:$0x8080] =	vst v63  }
0x14: {  	_ =	swait.ge [sflag:s7], $0x8000  }
0x15: {  	[sflag:s7] =	ssyncset.done $0x0  }
0x16: {  	[sflag:s7] =	ssyncadd.s32 $0xFFFF8000  }
0x17: {  	v3 =	vld [tilespmem:$0x0];
	_ =	sdelay $0x4  }
0x18: {  	v4 =	vshll.u32 v3, $0x1  }
0x19: {  	v3 =	vand.u32 $0x7, v3;
	v4 =	vand.u32 $0xFFFFFFF0, v4  }
0x1a: {  	v3 =	vor.u32 v3, v4  }
0x1b: {  	v4 =	vperm.xlane v3, v0;
	_ =	sdelay $0x1  }
0x1c: {  	v3 =	vperm.xlane v3, v2;
	v4 =	vadd.s32 v1, v4;
	_ =	sdelay $0x1  }
0x1d: {  	v3 =	vadd.s32 v1, v3;
	_ =	sdelay $0x2  }
0x1e: {  	[hbm4b:s3+s2] =	stream.indirect_vreg.scatter [tilespmem:s8], [sflag:$0x1], $0x80, v4, vm0, $0xb8;
	[tilespmem:$0x8080] =	vst v63  }
0x1f: {  	_ = 	snop  }
0x20: {  	[hbm4b:s3+s2] =	stream.indirect_vreg.scatter [tilespmem:s9], [sflag:$0x1], $0x80, v3, vm0, $0xb8;
	[tilespmem:$0x8080] =	vst v63  }
0x21: {  	v3 =	vld [tilespmem:$0x10];
	_ =	sdelay $0x4  }
0x22: {  	v57 =	vshll.u32 v3, $0x1  }
0x23: {  	v3 =	vand.u32 $0x7, v3;
	v4 =	vand.u32 $0xFFFFFFF0, v57  }
0x24: {  	v3 =	vor.u32 v3, v4  }
0x25: {  	v4 =	vperm.xlane v3, v0;
	_ =	sdelay $0x1  }
0x26: {  	v3 =	vperm.xlane v3, v2;
	v4 =	vadd.s32 v1, v4;
	_ =	sdelay $0x1  }
0x27: {  	v3 =	vadd.s32 v1, v3;
	_ =	sdelay $0x2  }
0x28: {  	[hbm4b:s3+s2] =	stream.indirect_vreg.scatter [tilespmem:s10], [sflag:$0x1], $0x80, v4, vm0, $0xb8;
	[tilespmem:$0x8080] =	vst v63  }
0x29: {  	_ = 	snop  }
0x2a: {  	[hbm4b:s3+s2] =	stream.indirect_vreg.scatter [tilespmem:s11], [sflag:$0x1], $0x80, v3, vm0, $0xb8;
	[tilespmem:$0x8080] =	vst v63  }
0x2b: {  	v3 =	vld [tilespmem:$0x20];
	_ =	sdelay $0x4  }
0x2c: {  	v58 =	vshll.u32 v3, $0x1  }
0x2d: {  	v3 =	vand.u32 $0x7, v3;
	v4 =	vand.u32 $0xFFFFFFF0, v58  }
0x2e: {  	v3 =	vor.u32 v3, v4  }
0x2f: {  	v4 =	vperm.xlane v3, v0;
	_ =	sdelay $0x1  }
0x30: {  	v3 =	vperm.xlane v3, v2;
	v4 =	vadd.s32 v1, v4;
	_ =	sdelay $0x1  }
0x31: {  	v3 =	vadd.s32 v1, v3;
	_ =	sdelay $0x2  }
0x32: {  	[hbm4b:s3+s2] =	stream.indirect_vreg.scatter [tilespmem:s12], [sflag:$0x1], $0x80, v4, vm0, $0xb8;
	[tilespmem:$0x8080] =	vst v63  }
0x33: {  	_ = 	snop  }
0x34: {  	[hbm4b:s3+s2] =	stream.indirect_vreg.scatter [tilespmem:s13], [sflag:$0x1], $0x80, v3, vm0, $0xb8;
	[tilespmem:$0x8080] =	vst v63  }
0x35: {  	v3 =	vld [tilespmem:$0x30];
	_ =	sdelay $0x4  }
0x36: {  	v59 =	vshll.u32 v3, $0x1  }
0x37: {  	v3 =	vand.u32 $0x7, v3;
	v4 =	vand.u32 $0xFFFFFFF0, v59  }
0x38: {  	v3 =	vor.u32 v3, v4  }
0x39: {  	v4 =	vperm.xlane v3, v0;
	_ =	sdelay $0x1  }
0x3a: {  	v3 =	vperm.xlane v3, v2;
	v4 =	vadd.s32 v1, v4;
	_ =	sdelay $0x1  }
0x3b: {  	v3 =	vadd.s32 v1, v3;
	_ =	sdelay $0x2  }
0x3c: {  	[hbm4b:s3+s2] =	stream.indirect_vreg.scatter [tilespmem:s14], [sflag:$0x1], $0x80, v4, vm0, $0xb8;
	[tilespmem:$0x8080] =	vst v63  }
0x3d: {  	_ = 	snop  }
0x3e: {  	[hbm4b:s3+s2] =	stream.indirect_vreg.scatter [tilespmem:s15], [sflag:$0x1], $0x80, v3, vm0, $0xb8;
	[tilespmem:$0x8080] =	vst v63  }
0x3f: {  	v3 =	vld [tilespmem:$0x40];
	_ =	sdelay $0x4  }
0x40: {  	v60 =	vshll.u32 v3, $0x1  }
0x41: {  	v3 =	vand.u32 $0x7, v3;
	v4 =	vand.u32 $0xFFFFFFF0, v60  }
0x42: {  	v3 =	vor.u32 v3, v4  }
0x43: {  	v4 =	vperm.xlane v3, v0;
	_ =	sdelay $0x1  }
0x44: {  	v3 =	vperm.xlane v3, v2;
	v4 =	vadd.s32 v1, v4;
	_ =	sdelay $0x1  }
0x45: {  	v3 =	vadd.s32 v1, v3;
	_ =	sdelay $0x2  }
0x46: {  	[hbm4b:s3+s2] =	stream.indirect_vreg.scatter [tilespmem:s16], [sflag:$0x1], $0x80, v4, vm0, $0xb8;
	[tilespmem:$0x8080] =	vst v63  }
0x47: {  	_ = 	snop  }
0x48: {  	[hbm4b:s3+s2] =	stream.indirect_vreg.scatter [tilespmem:s17], [sflag:$0x1], $0x80, v3, vm0, $0xb8;
	[tilespmem:$0x8080] =	vst v63  }
0x49: {  	v3 =	vld [tilespmem:$0x50];
	_ =	sdelay $0x4  }
0x4a: {  	v61 =	vshll.u32 v3, $0x1  }
0x4b: {  	v3 =	vand.u32 $0x7, v3;
	v4 =	vand.u32 $0xFFFFFFF0, v61  }
0x4c: {  	v3 =	vor.u32 v3, v4  }
0x4d: {  	v4 =	vperm.xlane v3, v0;
	_ =	sdelay $0x1  }
0x4e: {  	v3 =	vperm.xlane v3, v2;
	v4 =	vadd.s32 v1, v4;
	_ =	sdelay $0x1  }
0x4f: {  	v3 =	vadd.s32 v1, v3;
	_ =	sdelay $0x2  }
0x50: {  	[hbm4b:s3+s2] =	stream.indirect_vreg.scatter [tilespmem:s18], [sflag:$0x1], $0x80, v4, vm0, $0xb8;
	[tilespmem:$0x8080] =	vst v63  }
0x51: {  	_ = 	snop  }
0x52: {  	[hbm4b:s3+s2] =	stream.indirect_vreg.scatter [tilespmem:s19], [sflag:$0x1], $0x80, v3, vm0, $0xb8;
	[tilespmem:$0x8080] =	vst v63  }
0x53: {  	v3 =	vld [tilespmem:$0x60];
	_ =	sdelay $0x4  }
0x54: {  	v62 =	vshll.u32 v3, $0x1  }
0x55: {  	v3 =	vand.u32 $0x7, v3;
	v4 =	vand.u32 $0xFFFFFFF0, v62  }
0x56: {  	v3 =	vor.u32 v3, v4  }
0x57: {  	v4 =	vperm.xlane v3, v0;
	_ =	sdelay $0x1  }
0x58: {  	v3 =	vperm.xlane v3, v2;
	v4 =	vadd.s32 v1, v4;
	_ =	sdelay $0x1  }
0x59: {  	v3 =	vadd.s32 v1, v3;
	_ =	sdelay $0x2  }
0x5a: {  	[hbm4b:s3+s2] =	stream.indirect_vreg.scatter [tilespmem:s20], [sflag:$0x1], $0x80, v4, vm0, $0xb8;
	[tilespmem:$0x8080] =	vst v63  }
0x5b: {  	_ = 	snop  }
0x5c: {  	[hbm4b:s3+s2] =	stream.indirect_vreg.scatter [tilespmem:s21], [sflag:$0x1], $0x80, v3, vm0, $0xb8;
	[tilespmem:$0x8080] =	vst v63  }
0x5d: {  	v3 =	vld [tilespmem:$0x70];
	_ =	sdelay $0x4  }
0x5e: {  	v63 =	vshll.u32 v3, $0x1  }
0x5f: {  	v3 =	vand.u32 $0x7, v3;
	v4 =	vand.u32 $0xFFFFFFF0, v63  }
0x60: {  	v3 =	vor.u32 v3, v4  }
0x61: {  	v4 =	vperm.xlane v3, v0;
	_ =	sdelay $0x1  }
0x62: {  	v3 =	vperm.xlane v3, v2;
	v4 =	vadd.s32 v1, v4;
	_ =	sdelay $0x1  }
0x63: {  	v3 =	vadd.s32 v1, v3;
	_ =	sdelay $0x1  }
0x64: {  	p0 =	sne.s32 s6, $0x1  }
0x65: {  	[hbm4b:s3+s2] =	stream.indirect_vreg.scatter [tilespmem:s22], [sflag:$0x1], $0x80, v4, vm0, $0xb8;
	[tilespmem:$0x8080] =	vst v63  }
.Ltmp0:
0x66: {  	_ = 	snop;
	(pc) =	sbr.rel @p0 .LBB2_1-.Ltmp0, $4  }
0x67: {  	[hbm4b:s3+s2] =	stream.indirect_vreg.scatter [tilespmem:s23], [sflag:$0x1], $0x80, v3, vm0, $0xb8;
	[tilespmem:$0x8080] =	vst v63  }
0x68: {  	_ =	swait.ge [sflag:s24], $0x8000  }
0x69: {  	[sflag:s24] =	ssyncset.done $0x0  }
0x6a: {  	s6 =	sadd.s32 $0xFFFFFFFF, s6;
	[sflag:s24] =	ssyncadd.s32 $0xFFFF8000  }
0x6b: {  	_ =	sfence.sel $0x180000  }
0x6c: {  	[bflag:$0x0] =	sbarrier.arrive $0xFFFF  }
0x6d: {  	p0 =	sne.s32 s1, $0x0;
	_ =	strace $0x9000005C  }
0x6e: {  	s0 =	sadd.s32 @!p0 $0x100000, s0;
	[bflag:$0x2] =	sbarrier.arrive $0xFFFF  }
0x6f: {  	[sflag:s0] =	ssyncadd.tile.s32 @!p0 $0x1;
	_ =	shalt  }
.Lfunc_end2:
_tile_overlayer_lowered:
.L_overlay_start_2:
0x70: {  	(tag) =	ssettag $0x2  }
0x71: {  	s0 =	rddreg [dreg:$0x0];
	s2 =	stileid.u32  }
0x72: {  	s1 =	rddreg [dreg:$0x1];
	p0 =	sne.s32 s2, $0x0  }
0x73: {  	s3 =	rddreg [dreg:$0x2];
	[bflag:$0x3] =	sbarrier.arrive $0xFFFF;
	s2 =	simm.s32 @!p0 $0x1C02  }
0x74: {  	[timem:s3], [sflag:s2] =	dma.local @!p0 [hbm:s0], s1  }
0x75: {  	s0 =	simm.s32 @!p0 $0x2  }
0x76: {  	_ =	swait.ge @!p0 [sflag:s0], s1  }
0x77: {  	s1 =	ssub.s32 @!p0 $0x0, s1;
	[sflag:s0] =	ssyncset.done @!p0 $0x0  }
0x78: {  	[sflag:s0] =	ssyncadd.s32 @!p0 s1  }
0x79: {  	[bflag:$0x3] =	sbarrier.arrive $0xFFFF  }
0x7a: {  	_ =	shalt  }

// kernel: kernel.49.cloned.1.call-start
scs
__scs_entry_jumppad:
0x0: {  	(pc) =	sbr.rel $0x88, $3  }
0x1: {  	(tag) =	ssettag $0x0;
	lr =	simm.s32 $0x1  }
0x2: {  	[smem:$0x3F98] =	sst lr;
	_ =	strace $0xD0000000  }
0x3: {  	_ = 	snop  }
0x4: {  	_ = 	snop  }
0x5: {  	_ = 	snop  }
0x6: {  	_ = 	snop  }
0x7: {  	_ = 	snop  }
__scs_overlays_trampoline_lowered:
0x8: {  	[smem:$0x3FA7] =	sst s0  }
0x9: {  	[smem:$0x3FA8] =	sst s1  }
0xa: {  	[smem:$0x3FA9] =	sst s2  }
0xb: {  	[smem:$0x3FAA] =	sst s3  }
0xc: {  	[smem:$0x3FAB] =	sst s4  }
0xd: {  	[smem:$0x3FAC] =	sst s5  }
0xe: {  	[smem:$0x3FAD] =	sst s6  }
0xf: {  	[smem:$0x3FAE] =	sst s7  }
0x10: {  	[smem:$0x3FAF] =	sst s8  }
0x11: {  	[smem:$0x3FB0] =	sst s9;
	s0 =	simm.s32 @!p0 $0x0  }
0x12: {  	s1 =	sld [smem:$0x3F96];
	s0 =	simm.s32 @p0 $0x1  }
0x13: {  	[smem:$0x3FB1] =	sst s0;
	s0 =	simm.s32 @!p1 $0x0  }
0x14: {  	s2 =	sld [smem:$0x3F95];
	s0 =	simm.s32 @p1 $0x1  }
0x15: {  	[smem:$0x3FB2] =	sst s0;
	s0 =	simm.s32 @!p2 $0x0  }
0x16: {  	s3 =	sld [smem:$0x3FDB];
	s0 =	simm.s32 @p2 $0x1  }
0x17: {  	s4 =	simm.s32 $0x1BF5;
	[smem:$0x3FB4] =	sst s0  }
0x18: {  	s0 =	sld [smem:$0x3F97];
	_ =	swait.ge [sflag:s4], $0x0  }
0x19: {  	s7 =	sld [smem:$0x3F98]  }
0x1a: {  	s8 =	sadd.s32 $0xFFFFE003, lr  }
0x1b: {  	s9 =	sadd.s32 $0xFFFFFEF7, lr;
	s5 =	simm.s32 $0xFFFFFFFF;
	p2 =	slt.u32 s8, $0xFFFFF086  }
0x1c: {  	p1 =	slt.u32 s9, $0xF7A;
	s5 =	simm.s32 @!p2 $0x0  }
0x1d: {  	s5 =	simm.s32 @p1 $0x1;
	p0 =	seq.s32 s7, s2  }
0x1e: {  	s7 =	smul.u32 @!p0 $0xF7A, s2;
	p2 =	seq.s32 @!p0 s5, $0x0  }
0x1f: {  	s9 =	smul.u32 $0xF7A, s1;
	s8 =	simm.s32 @!p0 $0x1BF5;
	p2 =	por !p2, p0  }
0x20: {  	[sflag:s8] =	ssyncset.s32 @!p0 $0xFFFFF086;
	s6 =	sadd.s32 @!p0 s3, s7;
	s7 =	simm.s32 @!p0 $0x108  }
0x21: {  	s3 =	sadd.s32 s3, s9;
	s6 =	sadd.s32 @!p0 $0x88, s6;
	s7 =	simm.s32 @p2 $0x1082  }
0x22: {  	[simem:s7], [sflag:s8] =	dma.local @!p0 [hbm:s6], $0xF7A  }
0x23: {  	s9 =	sor.u32 $0xD0000000, s2;
	s6 =	simm.s32 $0x108;
	_ =	swait.ge @!p0 [sflag:s8], $0x0  }
0x24: {  	s3 =	sadd.s32 $0x88, s3;
	s6 =	simm.s32 @!p1 $0x1082;
	[sflag:s4] =	ssyncset.s32 $0xFFFFF086  }
0x25: {  	[simem:s6], [sflag:s4] =	dma.local [hbm:s3], $0xF7A  }
0x26: {  	[smem:$0x3F98] =	sst s1;
	(tag) =	ssettag s2;
	_ =	strace s9  }
0x27: {  	s1 =	sld [smem:$0x3FA8]  }
0x28: {  	s2 =	sld [smem:$0x3FA9]  }
0x29: {  	s4 =	sld [smem:$0x3FAB]  }
0x2a: {  	p0 =	seq.s32 s5, $0x0;
	s5 =	sld [smem:$0x3FAC]  }
0x2b: {  	s6 =	sld [smem:$0x3FAD]  }
0x2c: {  	s7 =	sld [smem:$0x3FAE]  }
0x2d: {  	s3 =	simm.s32 $0x108;
	s8 =	sld [smem:$0x3FAF]  }
0x2e: {  	s3 =	simm.s32 @!p0 $0x1082;
	s9 =	sld [smem:$0x3FB0]  }
0x2f: {  	lr =	sadd.s32 s0, s3;
	s0 =	sld [smem:$0x3FA7]  }
0x30: {  	s3 =	sld [smem:$0x3FAA]  }
0x31: {  	[smem:$0x3FB3] =	sst s10  }
0x32: {  	s10 =	sld [smem:$0x3FB1];
	_ =	sdelay $0x3  }
0x33: {  	p0 =	seq.s32 s10, $0x1;
	s10 =	sld [smem:$0x3FB3];
	_ =	sdelay $0x3  }
0x34: {  	[smem:$0x3FB3] =	sst s10  }
0x35: {  	s10 =	sld [smem:$0x3FB2];
	_ =	sdelay $0x3  }
0x36: {  	p1 =	seq.s32 s10, $0x1;
	s10 =	sld [smem:$0x3FB3];
	_ =	sdelay $0x3  }
0x37: {  	[smem:$0x3FB3] =	sst s10  }
0x38: {  	s10 =	sld [smem:$0x3FB4]  }
0x39: {  	_ = 	snop;
	(pc) =	sbr.ind lr, $3  }
0x3a: {  	_ = 	snop  }
0x3b: {  	_ = 	snop  }
0x3c: {  	p2 =	seq.s32 s10, $0x1;
	s10 =	sld [smem:$0x3FB3]  }
0x3d: {  	_ =	shalt  }
0x3e: {  	_ =	shalt  }
0x3f: {  	_ =	shalt  }
0x40: {  	_ =	shalt  }
0x41: {  	_ =	shalt  }
0x42: {  	_ =	shalt  }
0x43: {  	_ =	shalt  }
0x44: {  	_ =	shalt  }
0x45: {  	_ =	shalt  }
0x46: {  	_ =	shalt  }
0x47: {  	_ =	shalt  }
0x48: {  	_ =	shalt  }
0x49: {  	_ =	shalt  }
0x4a: {  	_ =	shalt  }
0x4b: {  	_ =	shalt  }
0x4c: {  	_ =	shalt  }
0x4d: {  	_ =	shalt  }
0x4e: {  	_ =	shalt  }
0x4f: {  	_ =	shalt  }
0x50: {  	_ =	shalt  }
0x51: {  	_ =	shalt  }
0x52: {  	_ =	shalt  }
0x53: {  	_ =	shalt  }
0x54: {  	_ =	shalt  }
0x55: {  	_ =	shalt  }
0x56: {  	_ =	shalt  }
0x57: {  	_ =	shalt  }
0x58: {  	_ =	shalt  }
0x59: {  	_ =	shalt  }
0x5a: {  	_ =	shalt  }
0x5b: {  	_ =	shalt  }
0x5c: {  	_ =	shalt  }
0x5d: {  	_ =	shalt  }
0x5e: {  	_ =	shalt  }
0x5f: {  	_ =	shalt  }
0x60: {  	_ =	shalt  }
0x61: {  	_ =	shalt  }
0x62: {  	_ =	shalt  }
0x63: {  	_ =	shalt  }
0x64: {  	_ =	shalt  }
0x65: {  	_ =	shalt  }
0x66: {  	_ =	shalt  }
0x67: {  	_ =	shalt  }
0x68: {  	_ =	shalt  }
0x69: {  	_ =	shalt  }
0x6a: {  	_ =	shalt  }
0x6b: {  	_ =	shalt  }
0x6c: {  	_ =	shalt  }
0x6d: {  	_ =	shalt  }
0x6e: {  	_ =	shalt  }
0x6f: {  	_ =	shalt  }
0x70: {  	_ =	shalt  }
0x71: {  	_ =	shalt  }
0x72: {  	_ =	shalt  }
0x73: {  	_ =	shalt  }
0x74: {  	_ =	shalt  }
0x75: {  	_ =	shalt  }
0x76: {  	_ =	shalt  }
0x77: {  	_ =	shalt  }
0x78: {  	_ =	shalt  }
0x79: {  	_ =	shalt  }
0x7a: {  	_ =	shalt  }
0x7b: {  	_ =	shalt  }
0x7c: {  	_ =	shalt  }
0x7d: {  	_ =	shalt  }
0x7e: {  	_ =	shalt  }
0x7f: {  	_ =	shalt  }
0x80: {  	_ =	shalt  }
0x81: {  	_ =	shalt  }
0x82: {  	_ =	shalt  }
0x83: {  	_ =	shalt  }
0x84: {  	_ =	shalt  }
0x85: {  	_ =	shalt  }
0x86: {  	_ =	shalt  }
0x87: {  	_ =	shalt  }
.Lfunc_end0:
.L_simem_size_0:
called_computation.8_lowered:
.L_overlay_start_0:
0x88: {  	s2 =	sld [smem:$0x3FD9]  }
0x89: {  	s3 =	sld [smem:$0x3FFE];
	_ =	sdelay $0x1  }
0x8a: {  	s1 =	srdreg.scid  }
0x8b: {  	s0 =	sand.u32 $0x1, s1  }
0x8c: {  	s16 =	sshll.u32 s0, $0xA;
	s2 =	sadd.s32 s3, s2  }
0x8d: {  	s2 =	sadd.s32 s2, s16  }
0x8e: {  	[smem:$0x3FBF] =	sst s2  }
0x8f: {  	_ = 	snop  }
0x90: {  	(tm) =	ssettm $0x1  }
0x91: {  	s17 =	sld [smem:$0x3FFB];
	_ =	sdelay $0x3  }
0x92: {  	_ =	strace s17  }
0x93: {  	s2 =	sld [smem:$0x3FFC];
	_ =	sdelay $0x3  }
0x94: {  	_ =	strace s2  }
0x95: {  	s2 =	sld [smem:$0x3FFD];
	_ =	sdelay $0x3  }
0x96: {  	_ =	strace s2  }
0x97: {  	_ =	strace $0x8FFFFFFF  }
0x98: {  	s18 =	sld [smem:$0x3FDB];
	_ =	sdelay $0x1  }
0x99: {  	s19 =	simm.s32 $_scs_section_size  }
0x9a: {  	s4 =	simm.s32 $_size__tile_overlayer_lowered;
	s5 =	simm.s32 $_tile_overlayer_lowered  }
0x9b: {  	s22 =	simm.s32 $0x1BFF;
	s21 =	sshll.u32 s5, $0x1;
	s2 =	sadd.s32 s19, s18  }
0x9c: {  	s6 =	simm.s32 $0x0;
	s20 =	sshll.u32 s4, $0x1;
	s4 =	sadd.s32 s21, s2  }
0x9d: {  	[timem:s6], [sflag:s22] =	dma.local [hbm:s4], s20  }
0x9e: {  	_ =	swait.ge [sflag:s22], s20  }
0x9f: {  	s3 =	ssub.s32 $0x0, s20;
	[sflag:s22] =	ssyncset.done $0x0  }
0xa0: {  	[sflag:s22] =	ssyncadd.s32 s3;
	_ =	sdelay $0x1  }
0xa1: {  	s23 =	simm.s32 $0x1B8B  }
0xa2: {  	_ =	swait.ge [sflag:s23], $0x1  }
0xa3: {  	[sflag:s23] =	ssyncset.done $0x0  }
0xa4: {  	s25 =	simm.s32 $0x1B8E;
	s24 =	sld [smem:$0x3FFE];
	[sflag:s23] =	ssyncadd.s32 $0xFFFFFFFF  }
0xa5: {  	s26 =	simm.s32 $execute0_lowered;
	[smem:$0x3FD2] =	sst s25  }
0xa6: {  	s4 =	sshll.u32 s26, $0x1;
	_ =	strace $0x8000005E;
	[dreg:$0x1] =	wrdreg $0xFFFFFFFF  }
0xa7: {  	s28 =	simm.s32 $_size_execute0_lowered;
	s2 =	sadd.s32 s2, s4;
	[dreg:$0x0] =	wrdreg $0x0  }
0xa8: {  	s4 =	sshll.u32 s28, $0x1;
	[dreg:$0x2] =	wrdreg s2  }
0xa9: {  	[dreg:$0x3] =	wrdreg s4  }
0xaa: {  	[dreg:$0x4] =	wrdreg $0xC0  }
0xab: {  	_ =	task [dreg:s6], $0x5FFFF  }
0xac: {  	[dreg:$0x1] =	wrdreg $0xFFFFFFFF  }
0xad: {  	[dreg:$0x0] =	wrdreg $0x60  }
0xae: {  	[dreg:$0x2] =	wrdreg s24  }
0xaf: {  	[dreg:$0x3] =	wrdreg $0x9  }
0xb0: {  	_ =	task.clear_ibuf [dreg:s6], $0x4FFFF;
	_ =	strace $0x9000005E  }
0xb1: {  	s29 =	simm.s32 $0x9;
	_ =	strace $0x80000060  }
0xb2: {  	_ =	swait.ge [sflag:s29], $0x1  }
0xb3: {  	[sflag:s29] =	ssyncadd.s32 $0xFFFFFFFF  }
0xb4: {  	_ =	strace $0x90000060  }
0xb5: {  	_ =	sfence  }
0xb6: {  	s30 =	sld [smem:$0x0];
	_ =	sdelay $0x2  }
0xb7: {  	s31 =	sshll.u32 s1, $0xD;
	s1 =	sshrl.u32 s1, $0x2  }
0xb8: {  	s3 =	sand.u32 $0x4000, s31;
	s1 =	sadd.s32 s1, s30  }
0xb9: {  	s0 =	sor.u32 s3, s0;
	s1 =	sshll.u32 s1, $0x11  }
0xba: {  	s0 =	sor.u32 s1, s0  }
0xbb: {  	s0 =	sadd.s32 $0x8F2B, s0  }
0xbc: {  	[sflag:s0] =	ssyncadd.remote.s32 $0x1  }
0xbd: {  	_ =	sfence.sel $0xFFFF  }
0xbe: {  	[dreg:$0x0] =	wrdreg $0xFFFFFFFF;
	(pc) =	sbr.abs _section_cstart, $3  }
0xbf: {  	[dreg:$0x1] =	wrdreg $0xFFFFFFFF  }
0xc0: {  	_ =	task.clear_ibuf [dreg:s6], $0x2FFFF;
	_ =	strace $0x9FFFFFFF  }
0xc1: {  	(tm) =	ssettm $0x7FFFFFFF  }
tec
execute0_lowered:
.L_overlay_start_1:
0x0: {  	(tag) =	ssettag $0x1  }
0x1: {  	s4 =	rddreg [dreg:$0x0];
	s2 =	srdreg.scid  }
0x2: {  	s0 =	rddreg [dreg:$0x1];
	s1 =	stileid.u32  }
0x3: {  	s9 =	simm.s32 $0x880;
	s10 =	simm.s32 $0x1080;
	s11 =	simm.s32 $0x1880  }
0x4: {  	s12 =	simm.s32 $0x2080;
	s13 =	simm.s32 $0x2880;
	s14 =	simm.s32 $0x3080  }
0x5: {  	s15 =	simm.s32 $0x3880;
	s16 =	simm.s32 $0x4080;
	s17 =	simm.s32 $0x4880  }
0x6: {  	s18 =	simm.s32 $0x5080;
	s19 =	simm.s32 $0x5880;
	s20 =	simm.s32 $0x6080  }
0x7: {  	s21 =	simm.s32 $0x6880;
	s22 =	simm.s32 $0x7080;
	s23 =	simm.s32 $0x7880  }
0x8: {  	s24 =	simm.s32 $0x1;
	s3 =	sand.u32 $0x1, s2;
	s2 =	simm.s32 $0x0  }
0x9: {  	s5 =	sshll.u32 s1, $0x8;
	s6 =	sshll.u32 s3, $0x7;
	[smem:$0x7FF] =	sst s2  }
0xa: {  	s7 =	ssub.s32 $0x2, s3;
	s3 =	sadd.s32 $0x15D200, s4;
	s5 =	sor.u32 s6, s5  }
0xb: {  	_ =	strace $0x8000005F;
	s8 =	sshrl.u32 s7, $0x1;
	s6 =	sshrl.u32 s5, $0x3  }
0xc: {  	v2 =	vlaneseq.u32;
	s5 =	sshll.u32 s5, $0x5;
	s7 =	ssub.s32 s7, s8;
	s6 =	sadd.s32 s6, s4  }
0xd: {  	vm0 =	vmmov $0xffff;
	v1 =	vshrl.u32 v2, $0x3;
	s8 =	simm.s32 $0x80;
	s5 =	sadd.s32 s5, s4;
	s4 =	sadd.s32 $0x14A600, s6  }
0xe: {  	v0 =	vand.u32 $0x7, v2;
	v2 =	vor.u32 $0x8, v2;
	v1 =	vmul.u32 $0x8, v1;
	s5 =	sadd.s32 $0x8400, s5;
	s6 =	smax.u32 s7, $0x1;
	s7 =	simm.s32 $0x2  }
.LBB2_1:
0xf: {  	[tilespmem:s2], [sflag:$0x2] =	stream.linear.gather [hbm4b:s4+s2], $0x80, $0x38;
	[tilespmem:$0x8080] =	vst v63  }
0x10: {  	_ =	swait.ge [sflag:s7], $0x80  }
0x11: {  	[sflag:s7] =	ssyncset.done $0x0  }
0x12: {  	[sflag:s7] =	ssyncadd.s32 $0xFFFFFF80  }
0x13: {  	v3 =	vld [tilespmem:$0x0];
	_ =	sdelay $0x4  }
0x14: {  	v4 =	vshll.u32 v3, $0x1  }
0x15: {  	v3 =	vand.u32 $0x7, v3;
	v4 =	vand.u32 $0xFFFFFFF0, v4  }
0x16: {  	v3 =	vor.u32 v3, v4  }
0x17: {  	v4 =	vperm.xlane v3, v0;
	_ =	sdelay $0x1  }
0x18: {  	v3 =	vperm.xlane v3, v2;
	v4 =	vadd.s32 v1, v4;
	_ =	sdelay $0x1  }
0x19: {  	v3 =	vadd.s32 v1, v3;
	_ =	sdelay $0x2  }
0x1a: {  	[tilespmem:s8], [sflag:$0x1] =	stream.indirect_vreg.gather [hbm4b:s3+s2], $0x80, v4, vm0, $0xb8;
	[tilespmem:$0x8080] =	vst v63  }
0x1b: {  	_ = 	snop  }
0x1c: {  	[tilespmem:s9], [sflag:$0x1] =	stream.indirect_vreg.gather [hbm4b:s3+s2], $0x80, v3, vm0, $0xb8;
	[tilespmem:$0x8080] =	vst v63  }
0x1d: {  	v3 =	vld [tilespmem:$0x10];
	_ =	sdelay $0x4  }
0x1e: {  	v57 =	vshll.u32 v3, $0x1  }
0x1f: {  	v3 =	vand.u32 $0x7, v3;
	v4 =	vand.u32 $0xFFFFFFF0, v57  }
0x20: {  	v3 =	vor.u32 v3, v4  }
0x21: {  	v4 =	vperm.xlane v3, v0;
	_ =	sdelay $0x1  }
0x22: {  	v3 =	vperm.xlane v3, v2;
	v4 =	vadd.s32 v1, v4;
	_ =	sdelay $0x1  }
0x23: {  	v3 =	vadd.s32 v1, v3;
	_ =	sdelay $0x2  }
0x24: {  	[tilespmem:s10], [sflag:$0x1] =	stream.indirect_vreg.gather [hbm4b:s3+s2], $0x80, v4, vm0, $0xb8;
	[tilespmem:$0x8080] =	vst v63  }
0x25: {  	_ = 	snop  }
0x26: {  	[tilespmem:s11], [sflag:$0x1] =	stream.indirect_vreg.gather [hbm4b:s3+s2], $0x80, v3, vm0, $0xb8;
	[tilespmem:$0x8080] =	vst v63  }
0x27: {  	v3 =	vld [tilespmem:$0x20];
	_ =	sdelay $0x4  }
0x28: {  	v58 =	vshll.u32 v3, $0x1  }
0x29: {  	v3 =	vand.u32 $0x7, v3;
	v4 =	vand.u32 $0xFFFFFFF0, v58  }
0x2a: {  	v3 =	vor.u32 v3, v4  }
0x2b: {  	v4 =	vperm.xlane v3, v0;
	_ =	sdelay $0x1  }
0x2c: {  	v3 =	vperm.xlane v3, v2;
	v4 =	vadd.s32 v1, v4;
	_ =	sdelay $0x1  }
0x2d: {  	v3 =	vadd.s32 v1, v3;
	_ =	sdelay $0x2  }
0x2e: {  	[tilespmem:s12], [sflag:$0x1] =	stream.indirect_vreg.gather [hbm4b:s3+s2], $0x80, v4, vm0, $0xb8;
	[tilespmem:$0x8080] =	vst v63  }
0x2f: {  	_ = 	snop  }
0x30: {  	[tilespmem:s13], [sflag:$0x1] =	stream.indirect_vreg.gather [hbm4b:s3+s2], $0x80, v3, vm0, $0xb8;
	[tilespmem:$0x8080] =	vst v63  }
0x31: {  	v3 =	vld [tilespmem:$0x30];
	_ =	sdelay $0x4  }
0x32: {  	v59 =	vshll.u32 v3, $0x1  }
0x33: {  	v3 =	vand.u32 $0x7, v3;
	v4 =	vand.u32 $0xFFFFFFF0, v59  }
0x34: {  	v3 =	vor.u32 v3, v4  }
0x35: {  	v4 =	vperm.xlane v3, v0;
	_ =	sdelay $0x1  }
0x36: {  	v3 =	vperm.xlane v3, v2;
	v4 =	vadd.s32 v1, v4;
	_ =	sdelay $0x1  }
0x37: {  	v3 =	vadd.s32 v1, v3;
	_ =	sdelay $0x2  }
0x38: {  	[tilespmem:s14], [sflag:$0x1] =	stream.indirect_vreg.gather [hbm4b:s3+s2], $0x80, v4, vm0, $0xb8;
	[tilespmem:$0x8080] =	vst v63  }
0x39: {  	_ = 	snop  }
0x3a: {  	[tilespmem:s15], [sflag:$0x1] =	stream.indirect_vreg.gather [hbm4b:s3+s2], $0x80, v3, vm0, $0xb8;
	[tilespmem:$0x8080] =	vst v63  }
0x3b: {  	v3 =	vld [tilespmem:$0x40];
	_ =	sdelay $0x4  }
0x3c: {  	v60 =	vshll.u32 v3, $0x1  }
0x3d: {  	v3 =	vand.u32 $0x7, v3;
	v4 =	vand.u32 $0xFFFFFFF0, v60  }
0x3e: {  	v3 =	vor.u32 v3, v4  }
0x3f: {  	v4 =	vperm.xlane v3, v0;
	_ =	sdelay $0x1  }
0x40: {  	v3 =	vperm.xlane v3, v2;
	v4 =	vadd.s32 v1, v4;
	_ =	sdelay $0x1  }
0x41: {  	v3 =	vadd.s32 v1, v3;
	_ =	sdelay $0x2  }
0x42: {  	[tilespmem:s16], [sflag:$0x1] =	stream.indirect_vreg.gather [hbm4b:s3+s2], $0x80, v4, vm0, $0xb8;
	[tilespmem:$0x8080] =	vst v63  }
0x43: {  	_ = 	snop  }
0x44: {  	[tilespmem:s17], [sflag:$0x1] =	stream.indirect_vreg.gather [hbm4b:s3+s2], $0x80, v3, vm0, $0xb8;
	[tilespmem:$0x8080] =	vst v63  }
0x45: {  	v3 =	vld [tilespmem:$0x50];
	_ =	sdelay $0x4  }
0x46: {  	v61 =	vshll.u32 v3, $0x1  }
0x47: {  	v3 =	vand.u32 $0x7, v3;
	v4 =	vand.u32 $0xFFFFFFF0, v61  }
0x48: {  	v3 =	vor.u32 v3, v4  }
0x49: {  	v4 =	vperm.xlane v3, v0;
	_ =	sdelay $0x1  }
0x4a: {  	v3 =	vperm.xlane v3, v2;
	v4 =	vadd.s32 v1, v4;
	_ =	sdelay $0x1  }
0x4b: {  	v3 =	vadd.s32 v1, v3;
	_ =	sdelay $0x2  }
0x4c: {  	[tilespmem:s18], [sflag:$0x1] =	stream.indirect_vreg.gather [hbm4b:s3+s2], $0x80, v4, vm0, $0xb8;
	[tilespmem:$0x8080] =	vst v63  }
0x4d: {  	_ = 	snop  }
0x4e: {  	[tilespmem:s19], [sflag:$0x1] =	stream.indirect_vreg.gather [hbm4b:s3+s2], $0x80, v3, vm0, $0xb8;
	[tilespmem:$0x8080] =	vst v63  }
0x4f: {  	v3 =	vld [tilespmem:$0x60];
	_ =	sdelay $0x4  }
0x50: {  	v62 =	vshll.u32 v3, $0x1  }
0x51: {  	v3 =	vand.u32 $0x7, v3;
	v4 =	vand.u32 $0xFFFFFFF0, v62  }
0x52: {  	v3 =	vor.u32 v3, v4  }
0x53: {  	v4 =	vperm.xlane v3, v0;
	_ =	sdelay $0x1  }
0x54: {  	v3 =	vperm.xlane v3, v2;
	v4 =	vadd.s32 v1, v4;
	_ =	sdelay $0x1  }
0x55: {  	v3 =	vadd.s32 v1, v3;
	_ =	sdelay $0x2  }
0x56: {  	[tilespmem:s20], [sflag:$0x1] =	stream.indirect_vreg.gather [hbm4b:s3+s2], $0x80, v4, vm0, $0xb8;
	[tilespmem:$0x8080] =	vst v63  }
0x57: {  	_ = 	snop  }
0x58: {  	[tilespmem:s21], [sflag:$0x1] =	stream.indirect_vreg.gather [hbm4b:s3+s2], $0x80, v3, vm0, $0xb8;
	[tilespmem:$0x8080] =	vst v63  }
0x59: {  	v3 =	vld [tilespmem:$0x70];
	_ =	sdelay $0x4  }
0x5a: {  	v63 =	vshll.u32 v3, $0x1  }
0x5b: {  	v3 =	vand.u32 $0x7, v3;
	v4 =	vand.u32 $0xFFFFFFF0, v63  }
0x5c: {  	v3 =	vor.u32 v3, v4  }
0x5d: {  	v4 =	vperm.xlane v3, v0;
	_ =	sdelay $0x1  }
0x5e: {  	v3 =	vperm.xlane v3, v2;
	v4 =	vadd.s32 v1, v4;
	_ =	sdelay $0x1  }
0x5f: {  	v3 =	vadd.s32 v1, v3;
	_ =	sdelay $0x2  }
0x60: {  	[tilespmem:s22], [sflag:$0x1] =	stream.indirect_vreg.gather [hbm4b:s3+s2], $0x80, v4, vm0, $0xb8;
	[tilespmem:$0x8080] =	vst v63  }
0x61: {  	_ = 	snop  }
0x62: {  	[tilespmem:s23], [sflag:$0x1] =	stream.indirect_vreg.gather [hbm4b:s3+s2], $0x80, v3, vm0, $0xb8;
	[tilespmem:$0x8080] =	vst v63  }
0x63: {  	_ =	swait.ge [sflag:s24], $0x8000  }
0x64: {  	p0 =	sne.s32 s6, $0x1;
	[sflag:s24] =	ssyncset.done $0x0  }
.Ltmp0:
0x65: {  	[sflag:s24] =	ssyncadd.s32 $0xFFFF8000;
	(pc) =	sbr.rel @p0 .LBB2_1-.Ltmp0, $4  }
0x66: {  	[hbm4b:s5+s2] =	stream.linear.scatter [tilespmem:s8], [sflag:$0x2], $0x8000, $0x38;
	[tilespmem:$0x8080] =	vst v63  }
0x67: {  	_ =	swait.ge [sflag:s7], $0x8000  }
0x68: {  	[sflag:s7] =	ssyncset.done $0x0  }
0x69: {  	s6 =	sadd.s32 $0xFFFFFFFF, s6;
	[sflag:s7] =	ssyncadd.s32 $0xFFFF8000  }
0x6a: {  	_ =	sfence.sel $0x180000  }
0x6b: {  	[bflag:$0x0] =	sbarrier.arrive $0xFFFF  }
0x6c: {  	p0 =	sne.s32 s1, $0x0;
	_ =	strace $0x9000005F  }
0x6d: {  	s0 =	sadd.s32 @!p0 $0x100000, s0;
	[bflag:$0x2] =	sbarrier.arrive $0xFFFF  }
0x6e: {  	[sflag:s0] =	ssyncadd.tile.s32 @!p0 $0x1;
	_ =	shalt  }
.Lfunc_end2:
_tile_overlayer_lowered:
.L_overlay_start_2:
0x6f: {  	(tag) =	ssettag $0x2  }
0x70: {  	s0 =	rddreg [dreg:$0x0];
	s2 =	stileid.u32  }
0x71: {  	s1 =	rddreg [dreg:$0x1];
	p0 =	sne.s32 s2, $0x0  }
0x72: {  	s3 =	rddreg [dreg:$0x2];
	[bflag:$0x3] =	sbarrier.arrive $0xFFFF;
	s2 =	simm.s32 @!p0 $0x1C02  }
0x73: {  	[timem:s3], [sflag:s2] =	dma.local @!p0 [hbm:s0], s1  }
0x74: {  	s0 =	simm.s32 @!p0 $0x2  }
0x75: {  	_ =	swait.ge @!p0 [sflag:s0], s1  }
0x76: {  	s1 =	ssub.s32 @!p0 $0x0, s1;
	[sflag:s0] =	ssyncset.done @!p0 $0x0  }
0x77: {  	[sflag:s0] =	ssyncadd.s32 @!p0 s1  }
0x78: {  	[bflag:$0x3] =	sbarrier.arrive $0xFFFF  }
0x79: {  	_ =	shalt  }

// kernel: kernel.52.cloned.1.call-start
scs
__scs_entry_jumppad:
0x0: {  	(pc) =	sbr.rel $0x88, $3  }
0x1: {  	(tag) =	ssettag $0x0;
	lr =	simm.s32 $0x1  }
0x2: {  	[smem:$0x3F98] =	sst lr;
	_ =	strace $0xD0000000  }
0x3: {  	_ = 	snop  }
0x4: {  	_ = 	snop  }
0x5: {  	_ = 	snop  }
0x6: {  	_ = 	snop  }
0x7: {  	_ = 	snop  }
__scs_overlays_trampoline_lowered:
0x8: {  	[smem:$0x3FA7] =	sst s0  }
0x9: {  	[smem:$0x3FA8] =	sst s1  }
0xa: {  	[smem:$0x3FA9] =	sst s2  }
0xb: {  	[smem:$0x3FAA] =	sst s3  }
0xc: {  	[smem:$0x3FAB] =	sst s4  }
0xd: {  	[smem:$0x3FAC] =	sst s5  }
0xe: {  	[smem:$0x3FAD] =	sst s6  }
0xf: {  	[smem:$0x3FAE] =	sst s7  }
0x10: {  	[smem:$0x3FAF] =	sst s8  }
0x11: {  	[smem:$0x3FB0] =	sst s9;
	s0 =	simm.s32 @!p0 $0x0  }
0x12: {  	s1 =	sld [smem:$0x3F96];
	s0 =	simm.s32 @p0 $0x1  }
0x13: {  	[smem:$0x3FB1] =	sst s0;
	s0 =	simm.s32 @!p1 $0x0  }
0x14: {  	s2 =	sld [smem:$0x3F95];
	s0 =	simm.s32 @p1 $0x1  }
0x15: {  	[smem:$0x3FB2] =	sst s0;
	s0 =	simm.s32 @!p2 $0x0  }
0x16: {  	s3 =	sld [smem:$0x3FDB];
	s0 =	simm.s32 @p2 $0x1  }
0x17: {  	s4 =	simm.s32 $0x1BF5;
	[smem:$0x3FB4] =	sst s0  }
0x18: {  	s0 =	sld [smem:$0x3F97];
	_ =	swait.ge [sflag:s4], $0x0  }
0x19: {  	s7 =	sld [smem:$0x3F98]  }
0x1a: {  	s8 =	sadd.s32 $0xFFFFE003, lr  }
0x1b: {  	s9 =	sadd.s32 $0xFFFFFEF7, lr;
	s5 =	simm.s32 $0xFFFFFFFF;
	p2 =	slt.u32 s8, $0xFFFFF086  }
0x1c: {  	p1 =	slt.u32 s9, $0xF7A;
	s5 =	simm.s32 @!p2 $0x0  }
0x1d: {  	s5 =	simm.s32 @p1 $0x1;
	p0 =	seq.s32 s7, s2  }
0x1e: {  	s7 =	smul.u32 @!p0 $0xF7A, s2;
	p2 =	seq.s32 @!p0 s5, $0x0  }
0x1f: {  	s9 =	smul.u32 $0xF7A, s1;
	s8 =	simm.s32 @!p0 $0x1BF5;
	p2 =	por !p2, p0  }
0x20: {  	[sflag:s8] =	ssyncset.s32 @!p0 $0xFFFFF086;
	s6 =	sadd.s32 @!p0 s3, s7;
	s7 =	simm.s32 @!p0 $0x108  }
0x21: {  	s3 =	sadd.s32 s3, s9;
	s6 =	sadd.s32 @!p0 $0x88, s6;
	s7 =	simm.s32 @p2 $0x1082  }
0x22: {  	[simem:s7], [sflag:s8] =	dma.local @!p0 [hbm:s6], $0xF7A  }
0x23: {  	s9 =	sor.u32 $0xD0000000, s2;
	s6 =	simm.s32 $0x108;
	_ =	swait.ge @!p0 [sflag:s8], $0x0  }
0x24: {  	s3 =	sadd.s32 $0x88, s3;
	s6 =	simm.s32 @!p1 $0x1082;
	[sflag:s4] =	ssyncset.s32 $0xFFFFF086  }
0x25: {  	[simem:s6], [sflag:s4] =	dma.local [hbm:s3], $0xF7A  }
0x26: {  	[smem:$0x3F98] =	sst s1;
	(tag) =	ssettag s2;
	_ =	strace s9  }
0x27: {  	s1 =	sld [smem:$0x3FA8]  }
0x28: {  	s2 =	sld [smem:$0x3FA9]  }
0x29: {  	s4 =	sld [smem:$0x3FAB]  }
0x2a: {  	p0 =	seq.s32 s5, $0x0;
	s5 =	sld [smem:$0x3FAC]  }
0x2b: {  	s6 =	sld [smem:$0x3FAD]  }
0x2c: {  	s7 =	sld [smem:$0x3FAE]  }
0x2d: {  	s3 =	simm.s32 $0x108;
	s8 =	sld [smem:$0x3FAF]  }
0x2e: {  	s3 =	simm.s32 @!p0 $0x1082;
	s9 =	sld [smem:$0x3FB0]  }
0x2f: {  	lr =	sadd.s32 s0, s3;
	s0 =	sld [smem:$0x3FA7]  }
0x30: {  	s3 =	sld [smem:$0x3FAA]  }
0x31: {  	[smem:$0x3FB3] =	sst s10  }
0x32: {  	s10 =	sld [smem:$0x3FB1];
	_ =	sdelay $0x3  }
0x33: {  	p0 =	seq.s32 s10, $0x1;
	s10 =	sld [smem:$0x3FB3];
	_ =	sdelay $0x3  }
0x34: {  	[smem:$0x3FB3] =	sst s10  }
0x35: {  	s10 =	sld [smem:$0x3FB2];
	_ =	sdelay $0x3  }
0x36: {  	p1 =	seq.s32 s10, $0x1;
	s10 =	sld [smem:$0x3FB3];
	_ =	sdelay $0x3  }
0x37: {  	[smem:$0x3FB3] =	sst s10  }
0x38: {  	s10 =	sld [smem:$0x3FB4]  }
0x39: {  	_ = 	snop;
	(pc) =	sbr.ind lr, $3  }
0x3a: {  	_ = 	snop  }
0x3b: {  	_ = 	snop  }
0x3c: {  	p2 =	seq.s32 s10, $0x1;
	s10 =	sld [smem:$0x3FB3]  }
0x3d: {  	_ =	shalt  }
0x3e: {  	_ =	shalt  }
0x3f: {  	_ =	shalt  }
0x40: {  	_ =	shalt  }
0x41: {  	_ =	shalt  }
0x42: {  	_ =	shalt  }
0x43: {  	_ =	shalt  }
0x44: {  	_ =	shalt  }
0x45: {  	_ =	shalt  }
0x46: {  	_ =	shalt  }
0x47: {  	_ =	shalt  }
0x48: {  	_ =	shalt  }
0x49: {  	_ =	shalt  }
0x4a: {  	_ =	shalt  }
0x4b: {  	_ =	shalt  }
0x4c: {  	_ =	shalt  }
0x4d: {  	_ =	shalt  }
0x4e: {  	_ =	shalt  }
0x4f: {  	_ =	shalt  }
0x50: {  	_ =	shalt  }
0x51: {  	_ =	shalt  }
0x52: {  	_ =	shalt  }
0x53: {  	_ =	shalt  }
0x54: {  	_ =	shalt  }
0x55: {  	_ =	shalt  }
0x56: {  	_ =	shalt  }
0x57: {  	_ =	shalt  }
0x58: {  	_ =	shalt  }
0x59: {  	_ =	shalt  }
0x5a: {  	_ =	shalt  }
0x5b: {  	_ =	shalt  }
0x5c: {  	_ =	shalt  }
0x5d: {  	_ =	shalt  }
0x5e: {  	_ =	shalt  }
0x5f: {  	_ =	shalt  }
0x60: {  	_ =	shalt  }
0x61: {  	_ =	shalt  }
0x62: {  	_ =	shalt  }
0x63: {  	_ =	shalt  }
0x64: {  	_ =	shalt  }
0x65: {  	_ =	shalt  }
0x66: {  	_ =	shalt  }
0x67: {  	_ =	shalt  }
0x68: {  	_ =	shalt  }
0x69: {  	_ =	shalt  }
0x6a: {  	_ =	shalt  }
0x6b: {  	_ =	shalt  }
0x6c: {  	_ =	shalt  }
0x6d: {  	_ =	shalt  }
0x6e: {  	_ =	shalt  }
0x6f: {  	_ =	shalt  }
0x70: {  	_ =	shalt  }
0x71: {  	_ =	shalt  }
0x72: {  	_ =	shalt  }
0x73: {  	_ =	shalt  }
0x74: {  	_ =	shalt  }
0x75: {  	_ =	shalt  }
0x76: {  	_ =	shalt  }
0x77: {  	_ =	shalt  }
0x78: {  	_ =	shalt  }
0x79: {  	_ =	shalt  }
0x7a: {  	_ =	shalt  }
0x7b: {  	_ =	shalt  }
0x7c: {  	_ =	shalt  }
0x7d: {  	_ =	shalt  }
0x7e: {  	_ =	shalt  }
0x7f: {  	_ =	shalt  }
0x80: {  	_ =	shalt  }
0x81: {  	_ =	shalt  }
0x82: {  	_ =	shalt  }
0x83: {  	_ =	shalt  }
0x84: {  	_ =	shalt  }
0x85: {  	_ =	shalt  }
0x86: {  	_ =	shalt  }
0x87: {  	_ =	shalt  }
.Lfunc_end0:
.L_simem_size_0:
called_computation.9_lowered:
.L_overlay_start_0:
0x88: {  	s2 =	sld [smem:$0x3FD9]  }
0x89: {  	s3 =	sld [smem:$0x3FFE];
	_ =	sdelay $0x1  }
0x8a: {  	s1 =	srdreg.scid  }
0x8b: {  	s0 =	sand.u32 $0x1, s1  }
0x8c: {  	s16 =	sshll.u32 s0, $0xA;
	s2 =	sadd.s32 s3, s2  }
0x8d: {  	s2 =	sadd.s32 s2, s16  }
0x8e: {  	[smem:$0x3FBF] =	sst s2  }
0x8f: {  	_ = 	snop  }
0x90: {  	(tm) =	ssettm $0x1  }
0x91: {  	s17 =	sld [smem:$0x3FFB];
	_ =	sdelay $0x3  }
0x92: {  	_ =	strace s17  }
0x93: {  	s2 =	sld [smem:$0x3FFC];
	_ =	sdelay $0x3  }
0x94: {  	_ =	strace s2  }
0x95: {  	s2 =	sld [smem:$0x3FFD];
	_ =	sdelay $0x3  }
0x96: {  	_ =	strace s2  }
0x97: {  	_ =	strace $0x8FFFFFFF  }
0x98: {  	s18 =	sld [smem:$0x3FDB];
	_ =	sdelay $0x1  }
0x99: {  	s19 =	simm.s32 $_scs_section_size  }
0x9a: {  	s4 =	simm.s32 $_size__tile_overlayer_lowered;
	s5 =	simm.s32 $_tile_overlayer_lowered  }
0x9b: {  	s22 =	simm.s32 $0x1BFF;
	s21 =	sshll.u32 s5, $0x1;
	s2 =	sadd.s32 s19, s18  }
0x9c: {  	s6 =	simm.s32 $0x0;
	s20 =	sshll.u32 s4, $0x1;
	s4 =	sadd.s32 s21, s2  }
0x9d: {  	[timem:s6], [sflag:s22] =	dma.local [hbm:s4], s20  }
0x9e: {  	_ =	swait.ge [sflag:s22], s20  }
0x9f: {  	s3 =	ssub.s32 $0x0, s20;
	[sflag:s22] =	ssyncset.done $0x0  }
0xa0: {  	[sflag:s22] =	ssyncadd.s32 s3;
	_ =	sdelay $0x1  }
0xa1: {  	s23 =	simm.s32 $0x1B8B  }
0xa2: {  	_ =	swait.ge [sflag:s23], $0x1  }
0xa3: {  	[sflag:s23] =	ssyncset.done $0x0  }
0xa4: {  	s25 =	simm.s32 $0x1B8E;
	s24 =	sld [smem:$0x3FFE];
	[sflag:s23] =	ssyncadd.s32 $0xFFFFFFFF  }
0xa5: {  	s26 =	simm.s32 $execute0_lowered;
	[smem:$0x3FD2] =	sst s25  }
0xa6: {  	s4 =	sshll.u32 s26, $0x1;
	_ =	strace $0x80000061;
	[dreg:$0x1] =	wrdreg $0xFFFFFFFF  }
0xa7: {  	s28 =	simm.s32 $_size_execute0_lowered;
	s2 =	sadd.s32 s2, s4;
	[dreg:$0x0] =	wrdreg $0x0  }
0xa8: {  	s4 =	sshll.u32 s28, $0x1;
	[dreg:$0x2] =	wrdreg s2  }
0xa9: {  	[dreg:$0x3] =	wrdreg s4  }
0xaa: {  	[dreg:$0x4] =	wrdreg $0xC0  }
0xab: {  	_ =	task [dreg:s6], $0x5FFFF  }
0xac: {  	[dreg:$0x1] =	wrdreg $0xFFFFFFFF  }
0xad: {  	[dreg:$0x0] =	wrdreg $0x60  }
0xae: {  	[dreg:$0x2] =	wrdreg s24  }
0xaf: {  	[dreg:$0x3] =	wrdreg $0x9  }
0xb0: {  	_ =	task.clear_ibuf [dreg:s6], $0x4FFFF;
	_ =	strace $0x90000061  }
0xb1: {  	s29 =	simm.s32 $0x9;
	_ =	strace $0x80000063  }
0xb2: {  	_ =	swait.ge [sflag:s29], $0x1  }
0xb3: {  	[sflag:s29] =	ssyncadd.s32 $0xFFFFFFFF  }
0xb4: {  	_ =	strace $0x90000063  }
0xb5: {  	_ =	sfence  }
0xb6: {  	s30 =	sld [smem:$0x0];
	_ =	sdelay $0x2  }
0xb7: {  	s31 =	sshll.u32 s1, $0xD;
	s1 =	sshrl.u32 s1, $0x2  }
0xb8: {  	s3 =	sand.u32 $0x4000, s31;
	s1 =	sadd.s32 s1, s30  }
0xb9: {  	s0 =	sor.u32 s3, s0;
	s1 =	sshll.u32 s1, $0x11  }
0xba: {  	s0 =	sor.u32 s1, s0  }
0xbb: {  	s0 =	sadd.s32 $0x8F2B, s0  }
0xbc: {  	[sflag:s0] =	ssyncadd.remote.s32 $0x1  }
0xbd: {  	_ =	sfence.sel $0xFFFF  }
0xbe: {  	[dreg:$0x0] =	wrdreg $0xFFFFFFFF;
	(pc) =	sbr.abs _section_cstart, $3  }
0xbf: {  	[dreg:$0x1] =	wrdreg $0xFFFFFFFF  }
0xc0: {  	_ =	task.clear_ibuf [dreg:s6], $0x2FFFF;
	_ =	strace $0x9FFFFFFF  }
0xc1: {  	(tm) =	ssettm $0x7FFFFFFF  }
tec
execute0_lowered:
.L_overlay_start_1:
0x0: {  	(tag) =	ssettag $0x1  }
0x1: {  	s3 =	rddreg [dreg:$0x0];
	s2 =	srdreg.scid  }
0x2: {  	s0 =	rddreg [dreg:$0x1];
	s1 =	stileid.u32  }
0x3: {  	s8 =	simm.s32 $0x80;
	s9 =	simm.s32 $0x880;
	s10 =	simm.s32 $0x1080  }
0x4: {  	s11 =	simm.s32 $0x1880;
	s12 =	simm.s32 $0x2080;
	s13 =	simm.s32 $0x2880  }
0x5: {  	s14 =	simm.s32 $0x3080;
	s15 =	simm.s32 $0x3880;
	s16 =	simm.s32 $0x4080  }
0x6: {  	s17 =	simm.s32 $0x4880;
	s18 =	simm.s32 $0x5080;
	s19 =	simm.s32 $0x5880  }
0x7: {  	s20 =	simm.s32 $0x6080;
	s21 =	simm.s32 $0x6880;
	s22 =	simm.s32 $0x7080  }
0x8: {  	s23 =	simm.s32 $0x7880;
	s24 =	simm.s32 $0x1;
	s4 =	sand.u32 $0x1, s2  }
0x9: {  	s2 =	simm.s32 $0x0;
	s5 =	sshll.u32 s1, $0x8;
	s6 =	sshll.u32 s4, $0x7  }
0xa: {  	[smem:$0x7FF] =	sst s2;
	s4 =	ssub.s32 $0x2, s4;
	s5 =	sor.u32 s6, s5  }
0xb: {  	s7 =	sshrl.u32 s4, $0x1;
	s6 =	sshll.u32 s5, $0x5;
	s5 =	sshrl.u32 s5, $0x3  }
0xc: {  	v2 =	vlaneseq.u32;
	_ =	strace $0x80000062;
	s7 =	ssub.s32 s4, s7;
	s5 =	sadd.s32 s5, s3  }
0xd: {  	vm0 =	vmmov $0xffff;
	v1 =	vshrl.u32 v2, $0x3;
	s6 =	sadd.s32 s6, s3;
	s3 =	sadd.s32 $0x15D200, s3;
	s4 =	sadd.s32 $0x14B000, s5  }
0xe: {  	v0 =	vand.u32 $0x7, v2;
	v2 =	vor.u32 $0x8, v2;
	v1 =	vmul.u32 $0x8, v1;
	s5 =	sadd.s32 $0x8400, s6;
	s6 =	smax.u32 s7, $0x1;
	s7 =	simm.s32 $0x2  }
.LBB2_1:
0xf: {  	[tilespmem:s2], [sflag:$0x2] =	stream.linear.gather [hbm4b:s4+s2], $0x80, $0x38;
	[tilespmem:$0x8080] =	vst v63  }
0x10: {  	_ =	swait.ge [sflag:s7], $0x80  }
0x11: {  	[sflag:s7] =	ssyncset.done $0x0  }
0x12: {  	[sflag:s7] =	ssyncadd.s32 $0xFFFFFF80  }
0x13: {  	[tilespmem:s8], [sflag:$0x2] =	stream.linear.gather [hbm4b:s5+s2], $0x8000, $0x38;
	[tilespmem:$0x8080] =	vst v63  }
0x14: {  	_ =	swait.ge [sflag:s7], $0x8000  }
0x15: {  	[sflag:s7] =	ssyncset.done $0x0  }
0x16: {  	[sflag:s7] =	ssyncadd.s32 $0xFFFF8000  }
0x17: {  	v3 =	vld [tilespmem:$0x0];
	_ =	sdelay $0x4  }
0x18: {  	v4 =	vshll.u32 v3, $0x1  }
0x19: {  	v3 =	vand.u32 $0x7, v3;
	v4 =	vand.u32 $0xFFFFFFF0, v4  }
0x1a: {  	v3 =	vor.u32 v3, v4  }
0x1b: {  	v4 =	vperm.xlane v3, v0;
	_ =	sdelay $0x1  }
0x1c: {  	v3 =	vperm.xlane v3, v2;
	v4 =	vadd.s32 v1, v4;
	_ =	sdelay $0x1  }
0x1d: {  	v3 =	vadd.s32 v1, v3;
	_ =	sdelay $0x2  }
0x1e: {  	[hbm4b:s3+s2] =	stream.indirect_vreg.scatter [tilespmem:s8], [sflag:$0x1], $0x80, v4, vm0, $0xb8;
	[tilespmem:$0x8080] =	vst v63  }
0x1f: {  	_ = 	snop  }
0x20: {  	[hbm4b:s3+s2] =	stream.indirect_vreg.scatter [tilespmem:s9], [sflag:$0x1], $0x80, v3, vm0, $0xb8;
	[tilespmem:$0x8080] =	vst v63  }
0x21: {  	v3 =	vld [tilespmem:$0x10];
	_ =	sdelay $0x4  }
0x22: {  	v57 =	vshll.u32 v3, $0x1  }
0x23: {  	v3 =	vand.u32 $0x7, v3;
	v4 =	vand.u32 $0xFFFFFFF0, v57  }
0x24: {  	v3 =	vor.u32 v3, v4  }
0x25: {  	v4 =	vperm.xlane v3, v0;
	_ =	sdelay $0x1  }
0x26: {  	v3 =	vperm.xlane v3, v2;
	v4 =	vadd.s32 v1, v4;
	_ =	sdelay $0x1  }
0x27: {  	v3 =	vadd.s32 v1, v3;
	_ =	sdelay $0x2  }
0x28: {  	[hbm4b:s3+s2] =	stream.indirect_vreg.scatter [tilespmem:s10], [sflag:$0x1], $0x80, v4, vm0, $0xb8;
	[tilespmem:$0x8080] =	vst v63  }
0x29: {  	_ = 	snop  }
0x2a: {  	[hbm4b:s3+s2] =	stream.indirect_vreg.scatter [tilespmem:s11], [sflag:$0x1], $0x80, v3, vm0, $0xb8;
	[tilespmem:$0x8080] =	vst v63  }
0x2b: {  	v3 =	vld [tilespmem:$0x20];
	_ =	sdelay $0x4  }
0x2c: {  	v58 =	vshll.u32 v3, $0x1  }
0x2d: {  	v3 =	vand.u32 $0x7, v3;
	v4 =	vand.u32 $0xFFFFFFF0, v58  }
0x2e: {  	v3 =	vor.u32 v3, v4  }
0x2f: {  	v4 =	vperm.xlane v3, v0;
	_ =	sdelay $0x1  }
0x30: {  	v3 =	vperm.xlane v3, v2;
	v4 =	vadd.s32 v1, v4;
	_ =	sdelay $0x1  }
0x31: {  	v3 =	vadd.s32 v1, v3;
	_ =	sdelay $0x2  }
0x32: {  	[hbm4b:s3+s2] =	stream.indirect_vreg.scatter [tilespmem:s12], [sflag:$0x1], $0x80, v4, vm0, $0xb8;
	[tilespmem:$0x8080] =	vst v63  }
0x33: {  	_ = 	snop  }
0x34: {  	[hbm4b:s3+s2] =	stream.indirect_vreg.scatter [tilespmem:s13], [sflag:$0x1], $0x80, v3, vm0, $0xb8;
	[tilespmem:$0x8080] =	vst v63  }
0x35: {  	v3 =	vld [tilespmem:$0x30];
	_ =	sdelay $0x4  }
0x36: {  	v59 =	vshll.u32 v3, $0x1  }
0x37: {  	v3 =	vand.u32 $0x7, v3;
	v4 =	vand.u32 $0xFFFFFFF0, v59  }
0x38: {  	v3 =	vor.u32 v3, v4  }
0x39: {  	v4 =	vperm.xlane v3, v0;
	_ =	sdelay $0x1  }
0x3a: {  	v3 =	vperm.xlane v3, v2;
	v4 =	vadd.s32 v1, v4;
	_ =	sdelay $0x1  }
0x3b: {  	v3 =	vadd.s32 v1, v3;
	_ =	sdelay $0x2  }
0x3c: {  	[hbm4b:s3+s2] =	stream.indirect_vreg.scatter [tilespmem:s14], [sflag:$0x1], $0x80, v4, vm0, $0xb8;
	[tilespmem:$0x8080] =	vst v63  }
0x3d: {  	_ = 	snop  }
0x3e: {  	[hbm4b:s3+s2] =	stream.indirect_vreg.scatter [tilespmem:s15], [sflag:$0x1], $0x80, v3, vm0, $0xb8;
	[tilespmem:$0x8080] =	vst v63  }
0x3f: {  	v3 =	vld [tilespmem:$0x40];
	_ =	sdelay $0x4  }
0x40: {  	v60 =	vshll.u32 v3, $0x1  }
0x41: {  	v3 =	vand.u32 $0x7, v3;
	v4 =	vand.u32 $0xFFFFFFF0, v60  }
0x42: {  	v3 =	vor.u32 v3, v4  }
0x43: {  	v4 =	vperm.xlane v3, v0;
	_ =	sdelay $0x1  }
0x44: {  	v3 =	vperm.xlane v3, v2;
	v4 =	vadd.s32 v1, v4;
	_ =	sdelay $0x1  }
0x45: {  	v3 =	vadd.s32 v1, v3;
	_ =	sdelay $0x2  }
0x46: {  	[hbm4b:s3+s2] =	stream.indirect_vreg.scatter [tilespmem:s16], [sflag:$0x1], $0x80, v4, vm0, $0xb8;
	[tilespmem:$0x8080] =	vst v63  }
0x47: {  	_ = 	snop  }
0x48: {  	[hbm4b:s3+s2] =	stream.indirect_vreg.scatter [tilespmem:s17], [sflag:$0x1], $0x80, v3, vm0, $0xb8;
	[tilespmem:$0x8080] =	vst v63  }
0x49: {  	v3 =	vld [tilespmem:$0x50];
	_ =	sdelay $0x4  }
0x4a: {  	v61 =	vshll.u32 v3, $0x1  }
0x4b: {  	v3 =	vand.u32 $0x7, v3;
	v4 =	vand.u32 $0xFFFFFFF0, v61  }
0x4c: {  	v3 =	vor.u32 v3, v4  }
0x4d: {  	v4 =	vperm.xlane v3, v0;
	_ =	sdelay $0x1  }
0x4e: {  	v3 =	vperm.xlane v3, v2;
	v4 =	vadd.s32 v1, v4;
	_ =	sdelay $0x1  }
0x4f: {  	v3 =	vadd.s32 v1, v3;
	_ =	sdelay $0x2  }
0x50: {  	[hbm4b:s3+s2] =	stream.indirect_vreg.scatter [tilespmem:s18], [sflag:$0x1], $0x80, v4, vm0, $0xb8;
	[tilespmem:$0x8080] =	vst v63  }
0x51: {  	_ = 	snop  }
0x52: {  	[hbm4b:s3+s2] =	stream.indirect_vreg.scatter [tilespmem:s19], [sflag:$0x1], $0x80, v3, vm0, $0xb8;
	[tilespmem:$0x8080] =	vst v63  }
0x53: {  	v3 =	vld [tilespmem:$0x60];
	_ =	sdelay $0x4  }
0x54: {  	v62 =	vshll.u32 v3, $0x1  }
0x55: {  	v3 =	vand.u32 $0x7, v3;
	v4 =	vand.u32 $0xFFFFFFF0, v62  }
0x56: {  	v3 =	vor.u32 v3, v4  }
0x57: {  	v4 =	vperm.xlane v3, v0;
	_ =	sdelay $0x1  }
0x58: {  	v3 =	vperm.xlane v3, v2;
	v4 =	vadd.s32 v1, v4;
	_ =	sdelay $0x1  }
0x59: {  	v3 =	vadd.s32 v1, v3;
	_ =	sdelay $0x2  }
0x5a: {  	[hbm4b:s3+s2] =	stream.indirect_vreg.scatter [tilespmem:s20], [sflag:$0x1], $0x80, v4, vm0, $0xb8;
	[tilespmem:$0x8080] =	vst v63  }
0x5b: {  	_ = 	snop  }
0x5c: {  	[hbm4b:s3+s2] =	stream.indirect_vreg.scatter [tilespmem:s21], [sflag:$0x1], $0x80, v3, vm0, $0xb8;
	[tilespmem:$0x8080] =	vst v63  }
0x5d: {  	v3 =	vld [tilespmem:$0x70];
	_ =	sdelay $0x4  }
0x5e: {  	v63 =	vshll.u32 v3, $0x1  }
0x5f: {  	v3 =	vand.u32 $0x7, v3;
	v4 =	vand.u32 $0xFFFFFFF0, v63  }
0x60: {  	v3 =	vor.u32 v3, v4  }
0x61: {  	v4 =	vperm.xlane v3, v0;
	_ =	sdelay $0x1  }
0x62: {  	v3 =	vperm.xlane v3, v2;
	v4 =	vadd.s32 v1, v4;
	_ =	sdelay $0x1  }
0x63: {  	v3 =	vadd.s32 v1, v3;
	_ =	sdelay $0x1  }
0x64: {  	p0 =	sne.s32 s6, $0x1  }
0x65: {  	[hbm4b:s3+s2] =	stream.indirect_vreg.scatter [tilespmem:s22], [sflag:$0x1], $0x80, v4, vm0, $0xb8;
	[tilespmem:$0x8080] =	vst v63  }
.Ltmp0:
0x66: {  	_ = 	snop;
	(pc) =	sbr.rel @p0 .LBB2_1-.Ltmp0, $4  }
0x67: {  	[hbm4b:s3+s2] =	stream.indirect_vreg.scatter [tilespmem:s23], [sflag:$0x1], $0x80, v3, vm0, $0xb8;
	[tilespmem:$0x8080] =	vst v63  }
0x68: {  	_ =	swait.ge [sflag:s24], $0x8000  }
0x69: {  	[sflag:s24] =	ssyncset.done $0x0  }
0x6a: {  	s6 =	sadd.s32 $0xFFFFFFFF, s6;
	[sflag:s24] =	ssyncadd.s32 $0xFFFF8000  }
0x6b: {  	_ =	sfence.sel $0x180000  }
0x6c: {  	[bflag:$0x0] =	sbarrier.arrive $0xFFFF  }
0x6d: {  	p0 =	sne.s32 s1, $0x0;
	_ =	strace $0x90000062  }
0x6e: {  	s0 =	sadd.s32 @!p0 $0x100000, s0;
	[bflag:$0x2] =	sbarrier.arrive $0xFFFF  }
0x6f: {  	[sflag:s0] =	ssyncadd.tile.s32 @!p0 $0x1;
	_ =	shalt  }
.Lfunc_end2:
_tile_overlayer_lowered:
.L_overlay_start_2:
0x70: {  	(tag) =	ssettag $0x2  }
0x71: {  	s0 =	rddreg [dreg:$0x0];
	s2 =	stileid.u32  }
0x72: {  	s1 =	rddreg [dreg:$0x1];
	p0 =	sne.s32 s2, $0x0  }
0x73: {  	s3 =	rddreg [dreg:$0x2];
	[bflag:$0x3] =	sbarrier.arrive $0xFFFF;
	s2 =	simm.s32 @!p0 $0x1C02  }
0x74: {  	[timem:s3], [sflag:s2] =	dma.local @!p0 [hbm:s0], s1  }
0x75: {  	s0 =	simm.s32 @!p0 $0x2  }
0x76: {  	_ =	swait.ge @!p0 [sflag:s0], s1  }
0x77: {  	s1 =	ssub.s32 @!p0 $0x0, s1;
	[sflag:s0] =	ssyncset.done @!p0 $0x0  }
0x78: {  	[sflag:s0] =	ssyncadd.s32 @!p0 s1  }
0x79: {  	[bflag:$0x3] =	sbarrier.arrive $0xFFFF  }
0x7a: {  	_ =	shalt  }

// kernel: kernel.55.cloned.1.call-start
scs
__scs_entry_jumppad:
0x0: {  	(pc) =	sbr.rel $0x88, $3  }
0x1: {  	(tag) =	ssettag $0x0;
	lr =	simm.s32 $0x1  }
0x2: {  	[smem:$0x3F98] =	sst lr;
	_ =	strace $0xD0000000  }
0x3: {  	_ = 	snop  }
0x4: {  	_ = 	snop  }
0x5: {  	_ = 	snop  }
0x6: {  	_ = 	snop  }
0x7: {  	_ = 	snop  }
__scs_overlays_trampoline_lowered:
0x8: {  	[smem:$0x3FA7] =	sst s0  }
0x9: {  	[smem:$0x3FA8] =	sst s1  }
0xa: {  	[smem:$0x3FA9] =	sst s2  }
0xb: {  	[smem:$0x3FAA] =	sst s3  }
0xc: {  	[smem:$0x3FAB] =	sst s4  }
0xd: {  	[smem:$0x3FAC] =	sst s5  }
0xe: {  	[smem:$0x3FAD] =	sst s6  }
0xf: {  	[smem:$0x3FAE] =	sst s7  }
0x10: {  	[smem:$0x3FAF] =	sst s8  }
0x11: {  	[smem:$0x3FB0] =	sst s9;
	s0 =	simm.s32 @!p0 $0x0  }
0x12: {  	s1 =	sld [smem:$0x3F96];
	s0 =	simm.s32 @p0 $0x1  }
0x13: {  	[smem:$0x3FB1] =	sst s0;
	s0 =	simm.s32 @!p1 $0x0  }
0x14: {  	s2 =	sld [smem:$0x3F95];
	s0 =	simm.s32 @p1 $0x1  }
0x15: {  	[smem:$0x3FB2] =	sst s0;
	s0 =	simm.s32 @!p2 $0x0  }
0x16: {  	s3 =	sld [smem:$0x3FDB];
	s0 =	simm.s32 @p2 $0x1  }
0x17: {  	s4 =	simm.s32 $0x1BF5;
	[smem:$0x3FB4] =	sst s0  }
0x18: {  	s0 =	sld [smem:$0x3F97];
	_ =	swait.ge [sflag:s4], $0x0  }
0x19: {  	s7 =	sld [smem:$0x3F98]  }
0x1a: {  	s8 =	sadd.s32 $0xFFFFE003, lr  }
0x1b: {  	s9 =	sadd.s32 $0xFFFFFEF7, lr;
	s5 =	simm.s32 $0xFFFFFFFF;
	p2 =	slt.u32 s8, $0xFFFFF086  }
0x1c: {  	p1 =	slt.u32 s9, $0xF7A;
	s5 =	simm.s32 @!p2 $0x0  }
0x1d: {  	s5 =	simm.s32 @p1 $0x1;
	p0 =	seq.s32 s7, s2  }
0x1e: {  	s7 =	smul.u32 @!p0 $0xF7A, s2;
	p2 =	seq.s32 @!p0 s5, $0x0  }
0x1f: {  	s9 =	smul.u32 $0xF7A, s1;
	s8 =	simm.s32 @!p0 $0x1BF5;
	p2 =	por !p2, p0  }
0x20: {  	[sflag:s8] =	ssyncset.s32 @!p0 $0xFFFFF086;
	s6 =	sadd.s32 @!p0 s3, s7;
	s7 =	simm.s32 @!p0 $0x108  }
0x21: {  	s3 =	sadd.s32 s3, s9;
	s6 =	sadd.s32 @!p0 $0x88, s6;
	s7 =	simm.s32 @p2 $0x1082  }
0x22: {  	[simem:s7], [sflag:s8] =	dma.local @!p0 [hbm:s6], $0xF7A  }
0x23: {  	s9 =	sor.u32 $0xD0000000, s2;
	s6 =	simm.s32 $0x108;
	_ =	swait.ge @!p0 [sflag:s8], $0x0  }
0x24: {  	s3 =	sadd.s32 $0x88, s3;
	s6 =	simm.s32 @!p1 $0x1082;
	[sflag:s4] =	ssyncset.s32 $0xFFFFF086  }
0x25: {  	[simem:s6], [sflag:s4] =	dma.local [hbm:s3], $0xF7A  }
0x26: {  	[smem:$0x3F98] =	sst s1;
	(tag) =	ssettag s2;
	_ =	strace s9  }
0x27: {  	s1 =	sld [smem:$0x3FA8]  }
0x28: {  	s2 =	sld [smem:$0x3FA9]  }
0x29: {  	s4 =	sld [smem:$0x3FAB]  }
0x2a: {  	p0 =	seq.s32 s5, $0x0;
	s5 =	sld [smem:$0x3FAC]  }
0x2b: {  	s6 =	sld [smem:$0x3FAD]  }
0x2c: {  	s7 =	sld [smem:$0x3FAE]  }
0x2d: {  	s3 =	simm.s32 $0x108;
	s8 =	sld [smem:$0x3FAF]  }
0x2e: {  	s3 =	simm.s32 @!p0 $0x1082;
	s9 =	sld [smem:$0x3FB0]  }
0x2f: {  	lr =	sadd.s32 s0, s3;
	s0 =	sld [smem:$0x3FA7]  }
0x30: {  	s3 =	sld [smem:$0x3FAA]  }
0x31: {  	[smem:$0x3FB3] =	sst s10  }
0x32: {  	s10 =	sld [smem:$0x3FB1];
	_ =	sdelay $0x3  }
0x33: {  	p0 =	seq.s32 s10, $0x1;
	s10 =	sld [smem:$0x3FB3];
	_ =	sdelay $0x3  }
0x34: {  	[smem:$0x3FB3] =	sst s10  }
0x35: {  	s10 =	sld [smem:$0x3FB2];
	_ =	sdelay $0x3  }
0x36: {  	p1 =	seq.s32 s10, $0x1;
	s10 =	sld [smem:$0x3FB3];
	_ =	sdelay $0x3  }
0x37: {  	[smem:$0x3FB3] =	sst s10  }
0x38: {  	s10 =	sld [smem:$0x3FB4]  }
0x39: {  	_ = 	snop;
	(pc) =	sbr.ind lr, $3  }
0x3a: {  	_ = 	snop  }
0x3b: {  	_ = 	snop  }
0x3c: {  	p2 =	seq.s32 s10, $0x1;
	s10 =	sld [smem:$0x3FB3]  }
0x3d: {  	_ =	shalt  }
0x3e: {  	_ =	shalt  }
0x3f: {  	_ =	shalt  }
0x40: {  	_ =	shalt  }
0x41: {  	_ =	shalt  }
0x42: {  	_ =	shalt  }
0x43: {  	_ =	shalt  }
0x44: {  	_ =	shalt  }
0x45: {  	_ =	shalt  }
0x46: {  	_ =	shalt  }
0x47: {  	_ =	shalt  }
0x48: {  	_ =	shalt  }
0x49: {  	_ =	shalt  }
0x4a: {  	_ =	shalt  }
0x4b: {  	_ =	shalt  }
0x4c: {  	_ =	shalt  }
0x4d: {  	_ =	shalt  }
0x4e: {  	_ =	shalt  }
0x4f: {  	_ =	shalt  }
0x50: {  	_ =	shalt  }
0x51: {  	_ =	shalt  }
0x52: {  	_ =	shalt  }
0x53: {  	_ =	shalt  }
0x54: {  	_ =	shalt  }
0x55: {  	_ =	shalt  }
0x56: {  	_ =	shalt  }
0x57: {  	_ =	shalt  }
0x58: {  	_ =	shalt  }
0x59: {  	_ =	shalt  }
0x5a: {  	_ =	shalt  }
0x5b: {  	_ =	shalt  }
0x5c: {  	_ =	shalt  }
0x5d: {  	_ =	shalt  }
0x5e: {  	_ =	shalt  }
0x5f: {  	_ =	shalt  }
0x60: {  	_ =	shalt  }
0x61: {  	_ =	shalt  }
0x62: {  	_ =	shalt  }
0x63: {  	_ =	shalt  }
0x64: {  	_ =	shalt  }
0x65: {  	_ =	shalt  }
0x66: {  	_ =	shalt  }
0x67: {  	_ =	shalt  }
0x68: {  	_ =	shalt  }
0x69: {  	_ =	shalt  }
0x6a: {  	_ =	shalt  }
0x6b: {  	_ =	shalt  }
0x6c: {  	_ =	shalt  }
0x6d: {  	_ =	shalt  }
0x6e: {  	_ =	shalt  }
0x6f: {  	_ =	shalt  }
0x70: {  	_ =	shalt  }
0x71: {  	_ =	shalt  }
0x72: {  	_ =	shalt  }
0x73: {  	_ =	shalt  }
0x74: {  	_ =	shalt  }
0x75: {  	_ =	shalt  }
0x76: {  	_ =	shalt  }
0x77: {  	_ =	shalt  }
0x78: {  	_ =	shalt  }
0x79: {  	_ =	shalt  }
0x7a: {  	_ =	shalt  }
0x7b: {  	_ =	shalt  }
0x7c: {  	_ =	shalt  }
0x7d: {  	_ =	shalt  }
0x7e: {  	_ =	shalt  }
0x7f: {  	_ =	shalt  }
0x80: {  	_ =	shalt  }
0x81: {  	_ =	shalt  }
0x82: {  	_ =	shalt  }
0x83: {  	_ =	shalt  }
0x84: {  	_ =	shalt  }
0x85: {  	_ =	shalt  }
0x86: {  	_ =	shalt  }
0x87: {  	_ =	shalt  }
.Lfunc_end0:
.L_simem_size_0:
called_computation.10_lowered:
.L_overlay_start_0:
0x88: {  	s2 =	sld [smem:$0x3FD9]  }
0x89: {  	s3 =	sld [smem:$0x3FFE];
	_ =	sdelay $0x1  }
0x8a: {  	s1 =	srdreg.scid  }
0x8b: {  	s0 =	sand.u32 $0x1, s1  }
0x8c: {  	s16 =	sshll.u32 s0, $0xA;
	s2 =	sadd.s32 s3, s2  }
0x8d: {  	s2 =	sadd.s32 s2, s16  }
0x8e: {  	[smem:$0x3FBF] =	sst s2  }
0x8f: {  	_ = 	snop  }
0x90: {  	(tm) =	ssettm $0x1  }
0x91: {  	s17 =	sld [smem:$0x3FFB];
	_ =	sdelay $0x3  }
0x92: {  	_ =	strace s17  }
0x93: {  	s2 =	sld [smem:$0x3FFC];
	_ =	sdelay $0x3  }
0x94: {  	_ =	strace s2  }
0x95: {  	s2 =	sld [smem:$0x3FFD];
	_ =	sdelay $0x3  }
0x96: {  	_ =	strace s2  }
0x97: {  	_ =	strace $0x8FFFFFFF  }
0x98: {  	s18 =	sld [smem:$0x3FDB];
	_ =	sdelay $0x1  }
0x99: {  	s19 =	simm.s32 $_scs_section_size  }
0x9a: {  	s4 =	simm.s32 $_size__tile_overlayer_lowered;
	s5 =	simm.s32 $_tile_overlayer_lowered  }
0x9b: {  	s22 =	simm.s32 $0x1BFF;
	s21 =	sshll.u32 s5, $0x1;
	s2 =	sadd.s32 s19, s18  }
0x9c: {  	s6 =	simm.s32 $0x0;
	s20 =	sshll.u32 s4, $0x1;
	s4 =	sadd.s32 s21, s2  }
0x9d: {  	[timem:s6], [sflag:s22] =	dma.local [hbm:s4], s20  }
0x9e: {  	_ =	swait.ge [sflag:s22], s20  }
0x9f: {  	s3 =	ssub.s32 $0x0, s20;
	[sflag:s22] =	ssyncset.done $0x0  }
0xa0: {  	[sflag:s22] =	ssyncadd.s32 s3;
	_ =	sdelay $0x1  }
0xa1: {  	s23 =	simm.s32 $0x1B8B  }
0xa2: {  	_ =	swait.ge [sflag:s23], $0x1  }
0xa3: {  	[sflag:s23] =	ssyncset.done $0x0  }
0xa4: {  	s25 =	simm.s32 $0x1B8E;
	s24 =	sld [smem:$0x3FFE];
	[sflag:s23] =	ssyncadd.s32 $0xFFFFFFFF  }
0xa5: {  	s26 =	simm.s32 $execute0_lowered;
	[smem:$0x3FD2] =	sst s25  }
0xa6: {  	s4 =	sshll.u32 s26, $0x1;
	_ =	strace $0x80000064;
	[dreg:$0x1] =	wrdreg $0xFFFFFFFF  }
0xa7: {  	s28 =	simm.s32 $_size_execute0_lowered;
	s2 =	sadd.s32 s2, s4;
	[dreg:$0x0] =	wrdreg $0x0  }
0xa8: {  	s4 =	sshll.u32 s28, $0x1;
	[dreg:$0x2] =	wrdreg s2  }
0xa9: {  	[dreg:$0x3] =	wrdreg s4  }
0xaa: {  	[dreg:$0x4] =	wrdreg $0xC0  }
0xab: {  	_ =	task [dreg:s6], $0x5FFFF  }
0xac: {  	[dreg:$0x1] =	wrdreg $0xFFFFFFFF  }
0xad: {  	[dreg:$0x0] =	wrdreg $0x60  }
0xae: {  	[dreg:$0x2] =	wrdreg s24  }
0xaf: {  	[dreg:$0x3] =	wrdreg $0x9  }
0xb0: {  	_ =	task.clear_ibuf [dreg:s6], $0x4FFFF;
	_ =	strace $0x90000064  }
0xb1: {  	s29 =	simm.s32 $0x9;
	_ =	strace $0x80000066  }
0xb2: {  	_ =	swait.ge [sflag:s29], $0x1  }
0xb3: {  	[sflag:s29] =	ssyncadd.s32 $0xFFFFFFFF  }
0xb4: {  	_ =	strace $0x90000066  }
0xb5: {  	_ =	sfence  }
0xb6: {  	s30 =	sld [smem:$0x0];
	_ =	sdelay $0x2  }
0xb7: {  	s31 =	sshll.u32 s1, $0xD;
	s1 =	sshrl.u32 s1, $0x2  }
0xb8: {  	s3 =	sand.u32 $0x4000, s31;
	s1 =	sadd.s32 s1, s30  }
0xb9: {  	s0 =	sor.u32 s3, s0;
	s1 =	sshll.u32 s1, $0x11  }
0xba: {  	s0 =	sor.u32 s1, s0  }
0xbb: {  	s0 =	sadd.s32 $0x8F2B, s0  }
0xbc: {  	[sflag:s0] =	ssyncadd.remote.s32 $0x1  }
0xbd: {  	_ =	sfence.sel $0xFFFF  }
0xbe: {  	[dreg:$0x0] =	wrdreg $0xFFFFFFFF;
	(pc) =	sbr.abs _section_cstart, $3  }
0xbf: {  	[dreg:$0x1] =	wrdreg $0xFFFFFFFF  }
0xc0: {  	_ =	task.clear_ibuf [dreg:s6], $0x2FFFF;
	_ =	strace $0x9FFFFFFF  }
0xc1: {  	(tm) =	ssettm $0x7FFFFFFF  }
tec
execute0_lowered:
.L_overlay_start_1:
0x0: {  	(tag) =	ssettag $0x1  }
0x1: {  	s4 =	rddreg [dreg:$0x0];
	s2 =	srdreg.scid  }
0x2: {  	s0 =	rddreg [dreg:$0x1];
	s1 =	stileid.u32  }
0x3: {  	s9 =	simm.s32 $0x880;
	s10 =	simm.s32 $0x1080;
	s11 =	simm.s32 $0x1880  }
0x4: {  	s12 =	simm.s32 $0x2080;
	s13 =	simm.s32 $0x2880;
	s14 =	simm.s32 $0x3080  }
0x5: {  	s15 =	simm.s32 $0x3880;
	s16 =	simm.s32 $0x4080;
	s17 =	simm.s32 $0x4880  }
0x6: {  	s18 =	simm.s32 $0x5080;
	s19 =	simm.s32 $0x5880;
	s20 =	simm.s32 $0x6080  }
0x7: {  	s21 =	simm.s32 $0x6880;
	s22 =	simm.s32 $0x7080;
	s23 =	simm.s32 $0x7880  }
0x8: {  	s24 =	simm.s32 $0x1;
	s3 =	sand.u32 $0x1, s2;
	s2 =	simm.s32 $0x0  }
0x9: {  	s5 =	sshll.u32 s1, $0x8;
	s6 =	sshll.u32 s3, $0x7;
	[smem:$0x7FF] =	sst s2  }
0xa: {  	s7 =	ssub.s32 $0x2, s3;
	s3 =	sadd.s32 $0x15D200, s4;
	s5 =	sor.u32 s6, s5  }
0xb: {  	_ =	strace $0x80000065;
	s8 =	sshrl.u32 s7, $0x1;
	s6 =	sshrl.u32 s5, $0x3  }
0xc: {  	v2 =	vlaneseq.u32;
	s5 =	sshll.u32 s5, $0x5;
	s7 =	ssub.s32 s7, s8;
	s6 =	sadd.s32 s6, s4  }
0xd: {  	vm0 =	vmmov $0xffff;
	v1 =	vshrl.u32 v2, $0x3;
	s8 =	simm.s32 $0x80;
	s5 =	sadd.s32 s5, s4;
	s4 =	sadd.s32 $0x14A800, s6  }
0xe: {  	v0 =	vand.u32 $0x7, v2;
	v2 =	vor.u32 $0x8, v2;
	v1 =	vmul.u32 $0x8, v1;
	s5 =	sadd.s32 $0x8400, s5;
	s6 =	smax.u32 s7, $0x1;
	s7 =	simm.s32 $0x2  }
.LBB2_1:
0xf: {  	[tilespmem:s2], [sflag:$0x2] =	stream.linear.gather [hbm4b:s4+s2], $0x80, $0x38;
	[tilespmem:$0x8080] =	vst v63  }
0x10: {  	_ =	swait.ge [sflag:s7], $0x80  }
0x11: {  	[sflag:s7] =	ssyncset.done $0x0  }
0x12: {  	[sflag:s7] =	ssyncadd.s32 $0xFFFFFF80  }
0x13: {  	v3 =	vld [tilespmem:$0x0];
	_ =	sdelay $0x4  }
0x14: {  	v4 =	vshll.u32 v3, $0x1  }
0x15: {  	v3 =	vand.u32 $0x7, v3;
	v4 =	vand.u32 $0xFFFFFFF0, v4  }
0x16: {  	v3 =	vor.u32 v3, v4  }
0x17: {  	v4 =	vperm.xlane v3, v0;
	_ =	sdelay $0x1  }
0x18: {  	v3 =	vperm.xlane v3, v2;
	v4 =	vadd.s32 v1, v4;
	_ =	sdelay $0x1  }
0x19: {  	v3 =	vadd.s32 v1, v3;
	_ =	sdelay $0x2  }
0x1a: {  	[tilespmem:s8], [sflag:$0x1] =	stream.indirect_vreg.gather [hbm4b:s3+s2], $0x80, v4, vm0, $0xb8;
	[tilespmem:$0x8080] =	vst v63  }
0x1b: {  	_ = 	snop  }
0x1c: {  	[tilespmem:s9], [sflag:$0x1] =	stream.indirect_vreg.gather [hbm4b:s3+s2], $0x80, v3, vm0, $0xb8;
	[tilespmem:$0x8080] =	vst v63  }
0x1d: {  	v3 =	vld [tilespmem:$0x10];
	_ =	sdelay $0x4  }
0x1e: {  	v57 =	vshll.u32 v3, $0x1  }
0x1f: {  	v3 =	vand.u32 $0x7, v3;
	v4 =	vand.u32 $0xFFFFFFF0, v57  }
0x20: {  	v3 =	vor.u32 v3, v4  }
0x21: {  	v4 =	vperm.xlane v3, v0;
	_ =	sdelay $0x1  }
0x22: {  	v3 =	vperm.xlane v3, v2;
	v4 =	vadd.s32 v1, v4;
	_ =	sdelay $0x1  }
0x23: {  	v3 =	vadd.s32 v1, v3;
	_ =	sdelay $0x2  }
0x24: {  	[tilespmem:s10], [sflag:$0x1] =	stream.indirect_vreg.gather [hbm4b:s3+s2], $0x80, v4, vm0, $0xb8;
	[tilespmem:$0x8080] =	vst v63  }
0x25: {  	_ = 	snop  }
0x26: {  	[tilespmem:s11], [sflag:$0x1] =	stream.indirect_vreg.gather [hbm4b:s3+s2], $0x80, v3, vm0, $0xb8;
	[tilespmem:$0x8080] =	vst v63  }
0x27: {  	v3 =	vld [tilespmem:$0x20];
	_ =	sdelay $0x4  }
0x28: {  	v58 =	vshll.u32 v3, $0x1  }
0x29: {  	v3 =	vand.u32 $0x7, v3;
	v4 =	vand.u32 $0xFFFFFFF0, v58  }
0x2a: {  	v3 =	vor.u32 v3, v4  }
0x2b: {  	v4 =	vperm.xlane v3, v0;
	_ =	sdelay $0x1  }
0x2c: {  	v3 =	vperm.xlane v3, v2;
	v4 =	vadd.s32 v1, v4;
	_ =	sdelay $0x1  }
0x2d: {  	v3 =	vadd.s32 v1, v3;
	_ =	sdelay $0x2  }
0x2e: {  	[tilespmem:s12], [sflag:$0x1] =	stream.indirect_vreg.gather [hbm4b:s3+s2], $0x80, v4, vm0, $0xb8;
	[tilespmem:$0x8080] =	vst v63  }
0x2f: {  	_ = 	snop  }
0x30: {  	[tilespmem:s13], [sflag:$0x1] =	stream.indirect_vreg.gather [hbm4b:s3+s2], $0x80, v3, vm0, $0xb8;
	[tilespmem:$0x8080] =	vst v63  }
0x31: {  	v3 =	vld [tilespmem:$0x30];
	_ =	sdelay $0x4  }
0x32: {  	v59 =	vshll.u32 v3, $0x1  }
0x33: {  	v3 =	vand.u32 $0x7, v3;
	v4 =	vand.u32 $0xFFFFFFF0, v59  }
0x34: {  	v3 =	vor.u32 v3, v4  }
0x35: {  	v4 =	vperm.xlane v3, v0;
	_ =	sdelay $0x1  }
0x36: {  	v3 =	vperm.xlane v3, v2;
	v4 =	vadd.s32 v1, v4;
	_ =	sdelay $0x1  }
0x37: {  	v3 =	vadd.s32 v1, v3;
	_ =	sdelay $0x2  }
0x38: {  	[tilespmem:s14], [sflag:$0x1] =	stream.indirect_vreg.gather [hbm4b:s3+s2], $0x80, v4, vm0, $0xb8;
	[tilespmem:$0x8080] =	vst v63  }
0x39: {  	_ = 	snop  }
0x3a: {  	[tilespmem:s15], [sflag:$0x1] =	stream.indirect_vreg.gather [hbm4b:s3+s2], $0x80, v3, vm0, $0xb8;
	[tilespmem:$0x8080] =	vst v63  }
0x3b: {  	v3 =	vld [tilespmem:$0x40];
	_ =	sdelay $0x4  }
0x3c: {  	v60 =	vshll.u32 v3, $0x1  }
0x3d: {  	v3 =	vand.u32 $0x7, v3;
	v4 =	vand.u32 $0xFFFFFFF0, v60  }
0x3e: {  	v3 =	vor.u32 v3, v4  }
0x3f: {  	v4 =	vperm.xlane v3, v0;
	_ =	sdelay $0x1  }
0x40: {  	v3 =	vperm.xlane v3, v2;
	v4 =	vadd.s32 v1, v4;
	_ =	sdelay $0x1  }
0x41: {  	v3 =	vadd.s32 v1, v3;
	_ =	sdelay $0x2  }
0x42: {  	[tilespmem:s16], [sflag:$0x1] =	stream.indirect_vreg.gather [hbm4b:s3+s2], $0x80, v4, vm0, $0xb8;
	[tilespmem:$0x8080] =	vst v63  }
0x43: {  	_ = 	snop  }
0x44: {  	[tilespmem:s17], [sflag:$0x1] =	stream.indirect_vreg.gather [hbm4b:s3+s2], $0x80, v3, vm0, $0xb8;
	[tilespmem:$0x8080] =	vst v63  }
0x45: {  	v3 =	vld [tilespmem:$0x50];
	_ =	sdelay $0x4  }
0x46: {  	v61 =	vshll.u32 v3, $0x1  }
0x47: {  	v3 =	vand.u32 $0x7, v3;
	v4 =	vand.u32 $0xFFFFFFF0, v61  }
0x48: {  	v3 =	vor.u32 v3, v4  }
0x49: {  	v4 =	vperm.xlane v3, v0;
	_ =	sdelay $0x1  }
0x4a: {  	v3 =	vperm.xlane v3, v2;
	v4 =	vadd.s32 v1, v4;
	_ =	sdelay $0x1  }
0x4b: {  	v3 =	vadd.s32 v1, v3;
	_ =	sdelay $0x2  }
0x4c: {  	[tilespmem:s18], [sflag:$0x1] =	stream.indirect_vreg.gather [hbm4b:s3+s2], $0x80, v4, vm0, $0xb8;
	[tilespmem:$0x8080] =	vst v63  }
0x4d: {  	_ = 	snop  }
0x4e: {  	[tilespmem:s19], [sflag:$0x1] =	stream.indirect_vreg.gather [hbm4b:s3+s2], $0x80, v3, vm0, $0xb8;
	[tilespmem:$0x8080] =	vst v63  }
0x4f: {  	v3 =	vld [tilespmem:$0x60];
	_ =	sdelay $0x4  }
0x50: {  	v62 =	vshll.u32 v3, $0x1  }
0x51: {  	v3 =	vand.u32 $0x7, v3;
	v4 =	vand.u32 $0xFFFFFFF0, v62  }
0x52: {  	v3 =	vor.u32 v3, v4  }
0x53: {  	v4 =	vperm.xlane v3, v0;
	_ =	sdelay $0x1  }
0x54: {  	v3 =	vperm.xlane v3, v2;
	v4 =	vadd.s32 v1, v4;
	_ =	sdelay $0x1  }
0x55: {  	v3 =	vadd.s32 v1, v3;
	_ =	sdelay $0x2  }
0x56: {  	[tilespmem:s20], [sflag:$0x1] =	stream.indirect_vreg.gather [hbm4b:s3+s2], $0x80, v4, vm0, $0xb8;
	[tilespmem:$0x8080] =	vst v63  }
0x57: {  	_ = 	snop  }
0x58: {  	[tilespmem:s21], [sflag:$0x1] =	stream.indirect_vreg.gather [hbm4b:s3+s2], $0x80, v3, vm0, $0xb8;
	[tilespmem:$0x8080] =	vst v63  }
0x59: {  	v3 =	vld [tilespmem:$0x70];
	_ =	sdelay $0x4  }
0x5a: {  	v63 =	vshll.u32 v3, $0x1  }
0x5b: {  	v3 =	vand.u32 $0x7, v3;
	v4 =	vand.u32 $0xFFFFFFF0, v63  }
0x5c: {  	v3 =	vor.u32 v3, v4  }
0x5d: {  	v4 =	vperm.xlane v3, v0;
	_ =	sdelay $0x1  }
0x5e: {  	v3 =	vperm.xlane v3, v2;
	v4 =	vadd.s32 v1, v4;
	_ =	sdelay $0x1  }
0x5f: {  	v3 =	vadd.s32 v1, v3;
	_ =	sdelay $0x2  }
0x60: {  	[tilespmem:s22], [sflag:$0x1] =	stream.indirect_vreg.gather [hbm4b:s3+s2], $0x80, v4, vm0, $0xb8;
	[tilespmem:$0x8080] =	vst v63  }
0x61: {  	_ = 	snop  }
0x62: {  	[tilespmem:s23], [sflag:$0x1] =	stream.indirect_vreg.gather [hbm4b:s3+s2], $0x80, v3, vm0, $0xb8;
	[tilespmem:$0x8080] =	vst v63  }
0x63: {  	_ =	swait.ge [sflag:s24], $0x8000  }
0x64: {  	p0 =	sne.s32 s6, $0x1;
	[sflag:s24] =	ssyncset.done $0x0  }
.Ltmp0:
0x65: {  	[sflag:s24] =	ssyncadd.s32 $0xFFFF8000;
	(pc) =	sbr.rel @p0 .LBB2_1-.Ltmp0, $4  }
0x66: {  	[hbm4b:s5+s2] =	stream.linear.scatter [tilespmem:s8], [sflag:$0x2], $0x8000, $0x38;
	[tilespmem:$0x8080] =	vst v63  }
0x67: {  	_ =	swait.ge [sflag:s7], $0x8000  }
0x68: {  	[sflag:s7] =	ssyncset.done $0x0  }
0x69: {  	s6 =	sadd.s32 $0xFFFFFFFF, s6;
	[sflag:s7] =	ssyncadd.s32 $0xFFFF8000  }
0x6a: {  	_ =	sfence.sel $0x180000  }
0x6b: {  	[bflag:$0x0] =	sbarrier.arrive $0xFFFF  }
0x6c: {  	p0 =	sne.s32 s1, $0x0;
	_ =	strace $0x90000065  }
0x6d: {  	s0 =	sadd.s32 @!p0 $0x100000, s0;
	[bflag:$0x2] =	sbarrier.arrive $0xFFFF  }
0x6e: {  	[sflag:s0] =	ssyncadd.tile.s32 @!p0 $0x1;
	_ =	shalt  }
.Lfunc_end2:
_tile_overlayer_lowered:
.L_overlay_start_2:
0x6f: {  	(tag) =	ssettag $0x2  }
0x70: {  	s0 =	rddreg [dreg:$0x0];
	s2 =	stileid.u32  }
0x71: {  	s1 =	rddreg [dreg:$0x1];
	p0 =	sne.s32 s2, $0x0  }
0x72: {  	s3 =	rddreg [dreg:$0x2];
	[bflag:$0x3] =	sbarrier.arrive $0xFFFF;
	s2 =	simm.s32 @!p0 $0x1C02  }
0x73: {  	[timem:s3], [sflag:s2] =	dma.local @!p0 [hbm:s0], s1  }
0x74: {  	s0 =	simm.s32 @!p0 $0x2  }
0x75: {  	_ =	swait.ge @!p0 [sflag:s0], s1  }
0x76: {  	s1 =	ssub.s32 @!p0 $0x0, s1;
	[sflag:s0] =	ssyncset.done @!p0 $0x0  }
0x77: {  	[sflag:s0] =	ssyncadd.s32 @!p0 s1  }
0x78: {  	[bflag:$0x3] =	sbarrier.arrive $0xFFFF  }
0x79: {  	_ =	shalt  }

// kernel: kernel.58.cloned.1.call-start
scs
__scs_entry_jumppad:
0x0: {  	(pc) =	sbr.rel $0x88, $3  }
0x1: {  	(tag) =	ssettag $0x0;
	lr =	simm.s32 $0x1  }
0x2: {  	[smem:$0x3F98] =	sst lr;
	_ =	strace $0xD0000000  }
0x3: {  	_ = 	snop  }
0x4: {  	_ = 	snop  }
0x5: {  	_ = 	snop  }
0x6: {  	_ = 	snop  }
0x7: {  	_ = 	snop  }
__scs_overlays_trampoline_lowered:
0x8: {  	[smem:$0x3FA7] =	sst s0  }
0x9: {  	[smem:$0x3FA8] =	sst s1  }
0xa: {  	[smem:$0x3FA9] =	sst s2  }
0xb: {  	[smem:$0x3FAA] =	sst s3  }
0xc: {  	[smem:$0x3FAB] =	sst s4  }
0xd: {  	[smem:$0x3FAC] =	sst s5  }
0xe: {  	[smem:$0x3FAD] =	sst s6  }
0xf: {  	[smem:$0x3FAE] =	sst s7  }
0x10: {  	[smem:$0x3FAF] =	sst s8  }
0x11: {  	[smem:$0x3FB0] =	sst s9;
	s0 =	simm.s32 @!p0 $0x0  }
0x12: {  	s1 =	sld [smem:$0x3F96];
	s0 =	simm.s32 @p0 $0x1  }
0x13: {  	[smem:$0x3FB1] =	sst s0;
	s0 =	simm.s32 @!p1 $0x0  }
0x14: {  	s2 =	sld [smem:$0x3F95];
	s0 =	simm.s32 @p1 $0x1  }
0x15: {  	[smem:$0x3FB2] =	sst s0;
	s0 =	simm.s32 @!p2 $0x0  }
0x16: {  	s3 =	sld [smem:$0x3FDB];
	s0 =	simm.s32 @p2 $0x1  }
0x17: {  	s4 =	simm.s32 $0x1BF5;
	[smem:$0x3FB4] =	sst s0  }
0x18: {  	s0 =	sld [smem:$0x3F97];
	_ =	swait.ge [sflag:s4], $0x0  }
0x19: {  	s7 =	sld [smem:$0x3F98]  }
0x1a: {  	s8 =	sadd.s32 $0xFFFFE003, lr  }
0x1b: {  	s9 =	sadd.s32 $0xFFFFFEF7, lr;
	s5 =	simm.s32 $0xFFFFFFFF;
	p2 =	slt.u32 s8, $0xFFFFF086  }
0x1c: {  	p1 =	slt.u32 s9, $0xF7A;
	s5 =	simm.s32 @!p2 $0x0  }
0x1d: {  	s5 =	simm.s32 @p1 $0x1;
	p0 =	seq.s32 s7, s2  }
0x1e: {  	s7 =	smul.u32 @!p0 $0xF7A, s2;
	p2 =	seq.s32 @!p0 s5, $0x0  }
0x1f: {  	s9 =	smul.u32 $0xF7A, s1;
	s8 =	simm.s32 @!p0 $0x1BF5;
	p2 =	por !p2, p0  }
0x20: {  	[sflag:s8] =	ssyncset.s32 @!p0 $0xFFFFF086;
	s6 =	sadd.s32 @!p0 s3, s7;
	s7 =	simm.s32 @!p0 $0x108  }
0x21: {  	s3 =	sadd.s32 s3, s9;
	s6 =	sadd.s32 @!p0 $0x88, s6;
	s7 =	simm.s32 @p2 $0x1082  }
0x22: {  	[simem:s7], [sflag:s8] =	dma.local @!p0 [hbm:s6], $0xF7A  }
0x23: {  	s9 =	sor.u32 $0xD0000000, s2;
	s6 =	simm.s32 $0x108;
	_ =	swait.ge @!p0 [sflag:s8], $0x0  }
0x24: {  	s3 =	sadd.s32 $0x88, s3;
	s6 =	simm.s32 @!p1 $0x1082;
	[sflag:s4] =	ssyncset.s32 $0xFFFFF086  }
0x25: {  	[simem:s6], [sflag:s4] =	dma.local [hbm:s3], $0xF7A  }
0x26: {  	[smem:$0x3F98] =	sst s1;
	(tag) =	ssettag s2;
	_ =	strace s9  }
0x27: {  	s1 =	sld [smem:$0x3FA8]  }
0x28: {  	s2 =	sld [smem:$0x3FA9]  }
0x29: {  	s4 =	sld [smem:$0x3FAB]  }
0x2a: {  	p0 =	seq.s32 s5, $0x0;
	s5 =	sld [smem:$0x3FAC]  }
0x2b: {  	s6 =	sld [smem:$0x3FAD]  }
0x2c: {  	s7 =	sld [smem:$0x3FAE]  }
0x2d: {  	s3 =	simm.s32 $0x108;
	s8 =	sld [smem:$0x3FAF]  }
0x2e: {  	s3 =	simm.s32 @!p0 $0x1082;
	s9 =	sld [smem:$0x3FB0]  }
0x2f: {  	lr =	sadd.s32 s0, s3;
	s0 =	sld [smem:$0x3FA7]  }
0x30: {  	s3 =	sld [smem:$0x3FAA]  }
0x31: {  	[smem:$0x3FB3] =	sst s10  }
0x32: {  	s10 =	sld [smem:$0x3FB1];
	_ =	sdelay $0x3  }
0x33: {  	p0 =	seq.s32 s10, $0x1;
	s10 =	sld [smem:$0x3FB3];
	_ =	sdelay $0x3  }
0x34: {  	[smem:$0x3FB3] =	sst s10  }
0x35: {  	s10 =	sld [smem:$0x3FB2];
	_ =	sdelay $0x3  }
0x36: {  	p1 =	seq.s32 s10, $0x1;
	s10 =	sld [smem:$0x3FB3];
	_ =	sdelay $0x3  }
0x37: {  	[smem:$0x3FB3] =	sst s10  }
0x38: {  	s10 =	sld [smem:$0x3FB4]  }
0x39: {  	_ = 	snop;
	(pc) =	sbr.ind lr, $3  }
0x3a: {  	_ = 	snop  }
0x3b: {  	_ = 	snop  }
0x3c: {  	p2 =	seq.s32 s10, $0x1;
	s10 =	sld [smem:$0x3FB3]  }
0x3d: {  	_ =	shalt  }
0x3e: {  	_ =	shalt  }
0x3f: {  	_ =	shalt  }
0x40: {  	_ =	shalt  }
0x41: {  	_ =	shalt  }
0x42: {  	_ =	shalt  }
0x43: {  	_ =	shalt  }
0x44: {  	_ =	shalt  }
0x45: {  	_ =	shalt  }
0x46: {  	_ =	shalt  }
0x47: {  	_ =	shalt  }
0x48: {  	_ =	shalt  }
0x49: {  	_ =	shalt  }
0x4a: {  	_ =	shalt  }
0x4b: {  	_ =	shalt  }
0x4c: {  	_ =	shalt  }
0x4d: {  	_ =	shalt  }
0x4e: {  	_ =	shalt  }
0x4f: {  	_ =	shalt  }
0x50: {  	_ =	shalt  }
0x51: {  	_ =	shalt  }
0x52: {  	_ =	shalt  }
0x53: {  	_ =	shalt  }
0x54: {  	_ =	shalt  }
0x55: {  	_ =	shalt  }
0x56: {  	_ =	shalt  }
0x57: {  	_ =	shalt  }
0x58: {  	_ =	shalt  }
0x59: {  	_ =	shalt  }
0x5a: {  	_ =	shalt  }
0x5b: {  	_ =	shalt  }
0x5c: {  	_ =	shalt  }
0x5d: {  	_ =	shalt  }
0x5e: {  	_ =	shalt  }
0x5f: {  	_ =	shalt  }
0x60: {  	_ =	shalt  }
0x61: {  	_ =	shalt  }
0x62: {  	_ =	shalt  }
0x63: {  	_ =	shalt  }
0x64: {  	_ =	shalt  }
0x65: {  	_ =	shalt  }
0x66: {  	_ =	shalt  }
0x67: {  	_ =	shalt  }
0x68: {  	_ =	shalt  }
0x69: {  	_ =	shalt  }
0x6a: {  	_ =	shalt  }
0x6b: {  	_ =	shalt  }
0x6c: {  	_ =	shalt  }
0x6d: {  	_ =	shalt  }
0x6e: {  	_ =	shalt  }
0x6f: {  	_ =	shalt  }
0x70: {  	_ =	shalt  }
0x71: {  	_ =	shalt  }
0x72: {  	_ =	shalt  }
0x73: {  	_ =	shalt  }
0x74: {  	_ =	shalt  }
0x75: {  	_ =	shalt  }
0x76: {  	_ =	shalt  }
0x77: {  	_ =	shalt  }
0x78: {  	_ =	shalt  }
0x79: {  	_ =	shalt  }
0x7a: {  	_ =	shalt  }
0x7b: {  	_ =	shalt  }
0x7c: {  	_ =	shalt  }
0x7d: {  	_ =	shalt  }
0x7e: {  	_ =	shalt  }
0x7f: {  	_ =	shalt  }
0x80: {  	_ =	shalt  }
0x81: {  	_ =	shalt  }
0x82: {  	_ =	shalt  }
0x83: {  	_ =	shalt  }
0x84: {  	_ =	shalt  }
0x85: {  	_ =	shalt  }
0x86: {  	_ =	shalt  }
0x87: {  	_ =	shalt  }
.Lfunc_end0:
.L_simem_size_0:
called_computation.11_lowered:
.L_overlay_start_0:
0x88: {  	s2 =	sld [smem:$0x3FD9]  }
0x89: {  	s3 =	sld [smem:$0x3FFE];
	_ =	sdelay $0x1  }
0x8a: {  	s1 =	srdreg.scid  }
0x8b: {  	s0 =	sand.u32 $0x1, s1  }
0x8c: {  	s16 =	sshll.u32 s0, $0xA;
	s2 =	sadd.s32 s3, s2  }
0x8d: {  	s2 =	sadd.s32 s2, s16  }
0x8e: {  	[smem:$0x3FBF] =	sst s2  }
0x8f: {  	_ = 	snop  }
0x90: {  	(tm) =	ssettm $0x1  }
0x91: {  	s17 =	sld [smem:$0x3FFB];
	_ =	sdelay $0x3  }
0x92: {  	_ =	strace s17  }
0x93: {  	s2 =	sld [smem:$0x3FFC];
	_ =	sdelay $0x3  }
0x94: {  	_ =	strace s2  }
0x95: {  	s2 =	sld [smem:$0x3FFD];
	_ =	sdelay $0x3  }
0x96: {  	_ =	strace s2  }
0x97: {  	_ =	strace $0x8FFFFFFF  }
0x98: {  	s18 =	sld [smem:$0x3FDB];
	_ =	sdelay $0x1  }
0x99: {  	s19 =	simm.s32 $_scs_section_size  }
0x9a: {  	s4 =	simm.s32 $_size__tile_overlayer_lowered;
	s5 =	simm.s32 $_tile_overlayer_lowered  }
0x9b: {  	s22 =	simm.s32 $0x1BFF;
	s21 =	sshll.u32 s5, $0x1;
	s2 =	sadd.s32 s19, s18  }
0x9c: {  	s6 =	simm.s32 $0x0;
	s20 =	sshll.u32 s4, $0x1;
	s4 =	sadd.s32 s21, s2  }
0x9d: {  	[timem:s6], [sflag:s22] =	dma.local [hbm:s4], s20  }
0x9e: {  	_ =	swait.ge [sflag:s22], s20  }
0x9f: {  	s3 =	ssub.s32 $0x0, s20;
	[sflag:s22] =	ssyncset.done $0x0  }
0xa0: {  	[sflag:s22] =	ssyncadd.s32 s3;
	_ =	sdelay $0x1  }
0xa1: {  	s23 =	simm.s32 $0x1B8B  }
0xa2: {  	_ =	swait.ge [sflag:s23], $0x1  }
0xa3: {  	[sflag:s23] =	ssyncset.done $0x0  }
0xa4: {  	s25 =	simm.s32 $0x1B8E;
	s24 =	sld [smem:$0x3FFE];
	[sflag:s23] =	ssyncadd.s32 $0xFFFFFFFF  }
0xa5: {  	s26 =	simm.s32 $execute0_lowered;
	[smem:$0x3FD2] =	sst s25  }
0xa6: {  	s4 =	sshll.u32 s26, $0x1;
	_ =	strace $0x80000067;
	[dreg:$0x1] =	wrdreg $0xFFFFFFFF  }
0xa7: {  	s28 =	simm.s32 $_size_execute0_lowered;
	s2 =	sadd.s32 s2, s4;
	[dreg:$0x0] =	wrdreg $0x0  }
0xa8: {  	s4 =	sshll.u32 s28, $0x1;
	[dreg:$0x2] =	wrdreg s2  }
0xa9: {  	[dreg:$0x3] =	wrdreg s4  }
0xaa: {  	[dreg:$0x4] =	wrdreg $0xC0  }
0xab: {  	_ =	task [dreg:s6], $0x5FFFF  }
0xac: {  	[dreg:$0x1] =	wrdreg $0xFFFFFFFF  }
0xad: {  	[dreg:$0x0] =	wrdreg $0x60  }
0xae: {  	[dreg:$0x2] =	wrdreg s24  }
0xaf: {  	[dreg:$0x3] =	wrdreg $0x9  }
0xb0: {  	_ =	task.clear_ibuf [dreg:s6], $0x4FFFF;
	_ =	strace $0x90000067  }
0xb1: {  	s29 =	simm.s32 $0x9;
	_ =	strace $0x80000069  }
0xb2: {  	_ =	swait.ge [sflag:s29], $0x1  }
0xb3: {  	[sflag:s29] =	ssyncadd.s32 $0xFFFFFFFF  }
0xb4: {  	_ =	strace $0x90000069  }
0xb5: {  	_ =	sfence  }
0xb6: {  	s30 =	sld [smem:$0x0];
	_ =	sdelay $0x2  }
0xb7: {  	s31 =	sshll.u32 s1, $0xD;
	s1 =	sshrl.u32 s1, $0x2  }
0xb8: {  	s3 =	sand.u32 $0x4000, s31;
	s1 =	sadd.s32 s1, s30  }
0xb9: {  	s0 =	sor.u32 s3, s0;
	s1 =	sshll.u32 s1, $0x11  }
0xba: {  	s0 =	sor.u32 s1, s0  }
0xbb: {  	s0 =	sadd.s32 $0x8F2B, s0  }
0xbc: {  	[sflag:s0] =	ssyncadd.remote.s32 $0x1  }
0xbd: {  	_ =	sfence.sel $0xFFFF  }
0xbe: {  	[dreg:$0x0] =	wrdreg $0xFFFFFFFF;
	(pc) =	sbr.abs _section_cstart, $3  }
0xbf: {  	[dreg:$0x1] =	wrdreg $0xFFFFFFFF  }
0xc0: {  	_ =	task.clear_ibuf [dreg:s6], $0x2FFFF;
	_ =	strace $0x9FFFFFFF  }
0xc1: {  	(tm) =	ssettm $0x7FFFFFFF  }
tec
execute0_lowered:
.L_overlay_start_1:
0x0: {  	(tag) =	ssettag $0x1  }
0x1: {  	s3 =	rddreg [dreg:$0x0];
	s2 =	srdreg.scid  }
0x2: {  	s0 =	rddreg [dreg:$0x1];
	s1 =	stileid.u32  }
0x3: {  	s8 =	simm.s32 $0x80;
	s9 =	simm.s32 $0x880;
	s10 =	simm.s32 $0x1080  }
0x4: {  	s11 =	simm.s32 $0x1880;
	s12 =	simm.s32 $0x2080;
	s13 =	simm.s32 $0x2880  }
0x5: {  	s14 =	simm.s32 $0x3080;
	s15 =	simm.s32 $0x3880;
	s16 =	simm.s32 $0x4080  }
0x6: {  	s17 =	simm.s32 $0x4880;
	s18 =	simm.s32 $0x5080;
	s19 =	simm.s32 $0x5880  }
0x7: {  	s20 =	simm.s32 $0x6080;
	s21 =	simm.s32 $0x6880;
	s22 =	simm.s32 $0x7080  }
0x8: {  	s23 =	simm.s32 $0x7880;
	s24 =	simm.s32 $0x1;
	s4 =	sand.u32 $0x1, s2  }
0x9: {  	s2 =	simm.s32 $0x0;
	s5 =	sshll.u32 s1, $0x8;
	s6 =	sshll.u32 s4, $0x7  }
0xa: {  	[smem:$0x7FF] =	sst s2;
	s4 =	ssub.s32 $0x2, s4;
	s5 =	sor.u32 s6, s5  }
0xb: {  	s7 =	sshrl.u32 s4, $0x1;
	s6 =	sshll.u32 s5, $0x5;
	s5 =	sshrl.u32 s5, $0x3  }
0xc: {  	v2 =	vlaneseq.u32;
	_ =	strace $0x80000068;
	s7 =	ssub.s32 s4, s7;
	s5 =	sadd.s32 s5, s3  }
0xd: {  	vm0 =	vmmov $0xffff;
	v1 =	vshrl.u32 v2, $0x3;
	s6 =	sadd.s32 s6, s3;
	s3 =	sadd.s32 $0x15D200, s3;
	s4 =	sadd.s32 $0x14B200, s5  }
0xe: {  	v0 =	vand.u32 $0x7, v2;
	v2 =	vor.u32 $0x8, v2;
	v1 =	vmul.u32 $0x8, v1;
	s5 =	sadd.s32 $0x8400, s6;
	s6 =	smax.u32 s7, $0x1;
	s7 =	simm.s32 $0x2  }
.LBB2_1:
0xf: {  	[tilespmem:s2], [sflag:$0x2] =	stream.linear.gather [hbm4b:s4+s2], $0x80, $0x38;
	[tilespmem:$0x8080] =	vst v63  }
0x10: {  	_ =	swait.ge [sflag:s7], $0x80  }
0x11: {  	[sflag:s7] =	ssyncset.done $0x0  }
0x12: {  	[sflag:s7] =	ssyncadd.s32 $0xFFFFFF80  }
0x13: {  	[tilespmem:s8], [sflag:$0x2] =	stream.linear.gather [hbm4b:s5+s2], $0x8000, $0x38;
	[tilespmem:$0x8080] =	vst v63  }
0x14: {  	_ =	swait.ge [sflag:s7], $0x8000  }
0x15: {  	[sflag:s7] =	ssyncset.done $0x0  }
0x16: {  	[sflag:s7] =	ssyncadd.s32 $0xFFFF8000  }
0x17: {  	v3 =	vld [tilespmem:$0x0];
	_ =	sdelay $0x4  }
0x18: {  	v4 =	vshll.u32 v3, $0x1  }
0x19: {  	v3 =	vand.u32 $0x7, v3;
	v4 =	vand.u32 $0xFFFFFFF0, v4  }
0x1a: {  	v3 =	vor.u32 v3, v4  }
0x1b: {  	v4 =	vperm.xlane v3, v0;
	_ =	sdelay $0x1  }
0x1c: {  	v3 =	vperm.xlane v3, v2;
	v4 =	vadd.s32 v1, v4;
	_ =	sdelay $0x1  }
0x1d: {  	v3 =	vadd.s32 v1, v3;
	_ =	sdelay $0x2  }
0x1e: {  	[hbm4b:s3+s2] =	stream.indirect_vreg.scatter [tilespmem:s8], [sflag:$0x1], $0x80, v4, vm0, $0xb8;
	[tilespmem:$0x8080] =	vst v63  }
0x1f: {  	_ = 	snop  }
0x20: {  	[hbm4b:s3+s2] =	stream.indirect_vreg.scatter [tilespmem:s9], [sflag:$0x1], $0x80, v3, vm0, $0xb8;
	[tilespmem:$0x8080] =	vst v63  }
0x21: {  	v3 =	vld [tilespmem:$0x10];
	_ =	sdelay $0x4  }
0x22: {  	v57 =	vshll.u32 v3, $0x1  }
0x23: {  	v3 =	vand.u32 $0x7, v3;
	v4 =	vand.u32 $0xFFFFFFF0, v57  }
0x24: {  	v3 =	vor.u32 v3, v4  }
0x25: {  	v4 =	vperm.xlane v3, v0;
	_ =	sdelay $0x1  }
0x26: {  	v3 =	vperm.xlane v3, v2;
	v4 =	vadd.s32 v1, v4;
	_ =	sdelay $0x1  }
0x27: {  	v3 =	vadd.s32 v1, v3;
	_ =	sdelay $0x2  }
0x28: {  	[hbm4b:s3+s2] =	stream.indirect_vreg.scatter [tilespmem:s10], [sflag:$0x1], $0x80, v4, vm0, $0xb8;
	[tilespmem:$0x8080] =	vst v63  }
0x29: {  	_ = 	snop  }
0x2a: {  	[hbm4b:s3+s2] =	stream.indirect_vreg.scatter [tilespmem:s11], [sflag:$0x1], $0x80, v3, vm0, $0xb8;
	[tilespmem:$0x8080] =	vst v63  }
0x2b: {  	v3 =	vld [tilespmem:$0x20];
	_ =	sdelay $0x4  }
0x2c: {  	v58 =	vshll.u32 v3, $0x1  }
0x2d: {  	v3 =	vand.u32 $0x7, v3;
	v4 =	vand.u32 $0xFFFFFFF0, v58  }
0x2e: {  	v3 =	vor.u32 v3, v4  }
0x2f: {  	v4 =	vperm.xlane v3, v0;
	_ =	sdelay $0x1  }
0x30: {  	v3 =	vperm.xlane v3, v2;
	v4 =	vadd.s32 v1, v4;
	_ =	sdelay $0x1  }
0x31: {  	v3 =	vadd.s32 v1, v3;
	_ =	sdelay $0x2  }
0x32: {  	[hbm4b:s3+s2] =	stream.indirect_vreg.scatter [tilespmem:s12], [sflag:$0x1], $0x80, v4, vm0, $0xb8;
	[tilespmem:$0x8080] =	vst v63  }
0x33: {  	_ = 	snop  }
0x34: {  	[hbm4b:s3+s2] =	stream.indirect_vreg.scatter [tilespmem:s13], [sflag:$0x1], $0x80, v3, vm0, $0xb8;
	[tilespmem:$0x8080] =	vst v63  }
0x35: {  	v3 =	vld [tilespmem:$0x30];
	_ =	sdelay $0x4  }
0x36: {  	v59 =	vshll.u32 v3, $0x1  }
0x37: {  	v3 =	vand.u32 $0x7, v3;
	v4 =	vand.u32 $0xFFFFFFF0, v59  }
0x38: {  	v3 =	vor.u32 v3, v4  }
0x39: {  	v4 =	vperm.xlane v3, v0;
	_ =	sdelay $0x1  }
0x3a: {  	v3 =	vperm.xlane v3, v2;
	v4 =	vadd.s32 v1, v4;
	_ =	sdelay $0x1  }
0x3b: {  	v3 =	vadd.s32 v1, v3;
	_ =	sdelay $0x2  }
0x3c: {  	[hbm4b:s3+s2] =	stream.indirect_vreg.scatter [tilespmem:s14], [sflag:$0x1], $0x80, v4, vm0, $0xb8;
	[tilespmem:$0x8080] =	vst v63  }
0x3d: {  	_ = 	snop  }
0x3e: {  	[hbm4b:s3+s2] =	stream.indirect_vreg.scatter [tilespmem:s15], [sflag:$0x1], $0x80, v3, vm0, $0xb8;
	[tilespmem:$0x8080] =	vst v63  }
0x3f: {  	v3 =	vld [tilespmem:$0x40];
	_ =	sdelay $0x4  }
0x40: {  	v60 =	vshll.u32 v3, $0x1  }
0x41: {  	v3 =	vand.u32 $0x7, v3;
	v4 =	vand.u32 $0xFFFFFFF0, v60  }
0x42: {  	v3 =	vor.u32 v3, v4  }
0x43: {  	v4 =	vperm.xlane v3, v0;
	_ =	sdelay $0x1  }
0x44: {  	v3 =	vperm.xlane v3, v2;
	v4 =	vadd.s32 v1, v4;
	_ =	sdelay $0x1  }
0x45: {  	v3 =	vadd.s32 v1, v3;
	_ =	sdelay $0x2  }
0x46: {  	[hbm4b:s3+s2] =	stream.indirect_vreg.scatter [tilespmem:s16], [sflag:$0x1], $0x80, v4, vm0, $0xb8;
	[tilespmem:$0x8080] =	vst v63  }
0x47: {  	_ = 	snop  }
0x48: {  	[hbm4b:s3+s2] =	stream.indirect_vreg.scatter [tilespmem:s17], [sflag:$0x1], $0x80, v3, vm0, $0xb8;
	[tilespmem:$0x8080] =	vst v63  }
0x49: {  	v3 =	vld [tilespmem:$0x50];
	_ =	sdelay $0x4  }
0x4a: {  	v61 =	vshll.u32 v3, $0x1  }
0x4b: {  	v3 =	vand.u32 $0x7, v3;
	v4 =	vand.u32 $0xFFFFFFF0, v61  }
0x4c: {  	v3 =	vor.u32 v3, v4  }
0x4d: {  	v4 =	vperm.xlane v3, v0;
	_ =	sdelay $0x1  }
0x4e: {  	v3 =	vperm.xlane v3, v2;
	v4 =	vadd.s32 v1, v4;
	_ =	sdelay $0x1  }
0x4f: {  	v3 =	vadd.s32 v1, v3;
	_ =	sdelay $0x2  }
0x50: {  	[hbm4b:s3+s2] =	stream.indirect_vreg.scatter [tilespmem:s18], [sflag:$0x1], $0x80, v4, vm0, $0xb8;
	[tilespmem:$0x8080] =	vst v63  }
0x51: {  	_ = 	snop  }
0x52: {  	[hbm4b:s3+s2] =	stream.indirect_vreg.scatter [tilespmem:s19], [sflag:$0x1], $0x80, v3, vm0, $0xb8;
	[tilespmem:$0x8080] =	vst v63  }
0x53: {  	v3 =	vld [tilespmem:$0x60];
	_ =	sdelay $0x4  }
0x54: {  	v62 =	vshll.u32 v3, $0x1  }
0x55: {  	v3 =	vand.u32 $0x7, v3;
	v4 =	vand.u32 $0xFFFFFFF0, v62  }
0x56: {  	v3 =	vor.u32 v3, v4  }
0x57: {  	v4 =	vperm.xlane v3, v0;
	_ =	sdelay $0x1  }
0x58: {  	v3 =	vperm.xlane v3, v2;
	v4 =	vadd.s32 v1, v4;
	_ =	sdelay $0x1  }
0x59: {  	v3 =	vadd.s32 v1, v3;
	_ =	sdelay $0x2  }
0x5a: {  	[hbm4b:s3+s2] =	stream.indirect_vreg.scatter [tilespmem:s20], [sflag:$0x1], $0x80, v4, vm0, $0xb8;
	[tilespmem:$0x8080] =	vst v63  }
0x5b: {  	_ = 	snop  }
0x5c: {  	[hbm4b:s3+s2] =	stream.indirect_vreg.scatter [tilespmem:s21], [sflag:$0x1], $0x80, v3, vm0, $0xb8;
	[tilespmem:$0x8080] =	vst v63  }
0x5d: {  	v3 =	vld [tilespmem:$0x70];
	_ =	sdelay $0x4  }
0x5e: {  	v63 =	vshll.u32 v3, $0x1  }
0x5f: {  	v3 =	vand.u32 $0x7, v3;
	v4 =	vand.u32 $0xFFFFFFF0, v63  }
0x60: {  	v3 =	vor.u32 v3, v4  }
0x61: {  	v4 =	vperm.xlane v3, v0;
	_ =	sdelay $0x1  }
0x62: {  	v3 =	vperm.xlane v3, v2;
	v4 =	vadd.s32 v1, v4;
	_ =	sdelay $0x1  }
0x63: {  	v3 =	vadd.s32 v1, v3;
	_ =	sdelay $0x1  }
0x64: {  	p0 =	sne.s32 s6, $0x1  }
0x65: {  	[hbm4b:s3+s2] =	stream.indirect_vreg.scatter [tilespmem:s22], [sflag:$0x1], $0x80, v4, vm0, $0xb8;
	[tilespmem:$0x8080] =	vst v63  }
.Ltmp0:
0x66: {  	_ = 	snop;
	(pc) =	sbr.rel @p0 .LBB2_1-.Ltmp0, $4  }
0x67: {  	[hbm4b:s3+s2] =	stream.indirect_vreg.scatter [tilespmem:s23], [sflag:$0x1], $0x80, v3, vm0, $0xb8;
	[tilespmem:$0x8080] =	vst v63  }
0x68: {  	_ =	swait.ge [sflag:s24], $0x8000  }
0x69: {  	[sflag:s24] =	ssyncset.done $0x0  }
0x6a: {  	s6 =	sadd.s32 $0xFFFFFFFF, s6;
	[sflag:s24] =	ssyncadd.s32 $0xFFFF8000  }
0x6b: {  	_ =	sfence.sel $0x180000  }
0x6c: {  	[bflag:$0x0] =	sbarrier.arrive $0xFFFF  }
0x6d: {  	p0 =	sne.s32 s1, $0x0;
	_ =	strace $0x90000068  }
0x6e: {  	s0 =	sadd.s32 @!p0 $0x100000, s0;
	[bflag:$0x2] =	sbarrier.arrive $0xFFFF  }
0x6f: {  	[sflag:s0] =	ssyncadd.tile.s32 @!p0 $0x1;
	_ =	shalt  }
.Lfunc_end2:
_tile_overlayer_lowered:
.L_overlay_start_2:
0x70: {  	(tag) =	ssettag $0x2  }
0x71: {  	s0 =	rddreg [dreg:$0x0];
	s2 =	stileid.u32  }
0x72: {  	s1 =	rddreg [dreg:$0x1];
	p0 =	sne.s32 s2, $0x0  }
0x73: {  	s3 =	rddreg [dreg:$0x2];
	[bflag:$0x3] =	sbarrier.arrive $0xFFFF;
	s2 =	simm.s32 @!p0 $0x1C02  }
0x74: {  	[timem:s3], [sflag:s2] =	dma.local @!p0 [hbm:s0], s1  }
0x75: {  	s0 =	simm.s32 @!p0 $0x2  }
0x76: {  	_ =	swait.ge @!p0 [sflag:s0], s1  }
0x77: {  	s1 =	ssub.s32 @!p0 $0x0, s1;
	[sflag:s0] =	ssyncset.done @!p0 $0x0  }
0x78: {  	[sflag:s0] =	ssyncadd.s32 @!p0 s1  }
0x79: {  	[bflag:$0x3] =	sbarrier.arrive $0xFFFF  }
0x7a: {  	_ =	shalt  }

// kernel: kernel.61.cloned.1.call-start
scs
__scs_entry_jumppad:
0x0: {  	(pc) =	sbr.rel $0x88, $3  }
0x1: {  	(tag) =	ssettag $0x0;
	lr =	simm.s32 $0x1  }
0x2: {  	[smem:$0x3F98] =	sst lr;
	_ =	strace $0xD0000000  }
0x3: {  	_ = 	snop  }
0x4: {  	_ = 	snop  }
0x5: {  	_ = 	snop  }
0x6: {  	_ = 	snop  }
0x7: {  	_ = 	snop  }
__scs_overlays_trampoline_lowered:
0x8: {  	[smem:$0x3FA7] =	sst s0  }
0x9: {  	[smem:$0x3FA8] =	sst s1  }
0xa: {  	[smem:$0x3FA9] =	sst s2  }
0xb: {  	[smem:$0x3FAA] =	sst s3  }
0xc: {  	[smem:$0x3FAB] =	sst s4  }
0xd: {  	[smem:$0x3FAC] =	sst s5  }
0xe: {  	[smem:$0x3FAD] =	sst s6  }
0xf: {  	[smem:$0x3FAE] =	sst s7  }
0x10: {  	[smem:$0x3FAF] =	sst s8  }
0x11: {  	[smem:$0x3FB0] =	sst s9;
	s0 =	simm.s32 @!p0 $0x0  }
0x12: {  	s1 =	sld [smem:$0x3F96];
	s0 =	simm.s32 @p0 $0x1  }
0x13: {  	[smem:$0x3FB1] =	sst s0;
	s0 =	simm.s32 @!p1 $0x0  }
0x14: {  	s2 =	sld [smem:$0x3F95];
	s0 =	simm.s32 @p1 $0x1  }
0x15: {  	[smem:$0x3FB2] =	sst s0;
	s0 =	simm.s32 @!p2 $0x0  }
0x16: {  	s3 =	sld [smem:$0x3FDB];
	s0 =	simm.s32 @p2 $0x1  }
0x17: {  	s4 =	simm.s32 $0x1BF5;
	[smem:$0x3FB4] =	sst s0  }
0x18: {  	s0 =	sld [smem:$0x3F97];
	_ =	swait.ge [sflag:s4], $0x0  }
0x19: {  	s7 =	sld [smem:$0x3F98]  }
0x1a: {  	s8 =	sadd.s32 $0xFFFFE003, lr  }
0x1b: {  	s9 =	sadd.s32 $0xFFFFFEF7, lr;
	s5 =	simm.s32 $0xFFFFFFFF;
	p2 =	slt.u32 s8, $0xFFFFF086  }
0x1c: {  	p1 =	slt.u32 s9, $0xF7A;
	s5 =	simm.s32 @!p2 $0x0  }
0x1d: {  	s5 =	simm.s32 @p1 $0x1;
	p0 =	seq.s32 s7, s2  }
0x1e: {  	s7 =	smul.u32 @!p0 $0xF7A, s2;
	p2 =	seq.s32 @!p0 s5, $0x0  }
0x1f: {  	s9 =	smul.u32 $0xF7A, s1;
	s8 =	simm.s32 @!p0 $0x1BF5;
	p2 =	por !p2, p0  }
0x20: {  	[sflag:s8] =	ssyncset.s32 @!p0 $0xFFFFF086;
	s6 =	sadd.s32 @!p0 s3, s7;
	s7 =	simm.s32 @!p0 $0x108  }
0x21: {  	s3 =	sadd.s32 s3, s9;
	s6 =	sadd.s32 @!p0 $0x88, s6;
	s7 =	simm.s32 @p2 $0x1082  }
0x22: {  	[simem:s7], [sflag:s8] =	dma.local @!p0 [hbm:s6], $0xF7A  }
0x23: {  	s9 =	sor.u32 $0xD0000000, s2;
	s6 =	simm.s32 $0x108;
	_ =	swait.ge @!p0 [sflag:s8], $0x0  }
0x24: {  	s3 =	sadd.s32 $0x88, s3;
	s6 =	simm.s32 @!p1 $0x1082;
	[sflag:s4] =	ssyncset.s32 $0xFFFFF086  }
0x25: {  	[simem:s6], [sflag:s4] =	dma.local [hbm:s3], $0xF7A  }
0x26: {  	[smem:$0x3F98] =	sst s1;
	(tag) =	ssettag s2;
	_ =	strace s9  }
0x27: {  	s1 =	sld [smem:$0x3FA8]  }
0x28: {  	s2 =	sld [smem:$0x3FA9]  }
0x29: {  	s4 =	sld [smem:$0x3FAB]  }
0x2a: {  	p0 =	seq.s32 s5, $0x0;
	s5 =	sld [smem:$0x3FAC]  }
0x2b: {  	s6 =	sld [smem:$0x3FAD]  }
0x2c: {  	s7 =	sld [smem:$0x3FAE]  }
0x2d: {  	s3 =	simm.s32 $0x108;
	s8 =	sld [smem:$0x3FAF]  }
0x2e: {  	s3 =	simm.s32 @!p0 $0x1082;
	s9 =	sld [smem:$0x3FB0]  }
0x2f: {  	lr =	sadd.s32 s0, s3;
	s0 =	sld [smem:$0x3FA7]  }
0x30: {  	s3 =	sld [smem:$0x3FAA]  }
0x31: {  	[smem:$0x3FB3] =	sst s10  }
0x32: {  	s10 =	sld [smem:$0x3FB1];
	_ =	sdelay $0x3  }
0x33: {  	p0 =	seq.s32 s10, $0x1;
	s10 =	sld [smem:$0x3FB3];
	_ =	sdelay $0x3  }
0x34: {  	[smem:$0x3FB3] =	sst s10  }
0x35: {  	s10 =	sld [smem:$0x3FB2];
	_ =	sdelay $0x3  }
0x36: {  	p1 =	seq.s32 s10, $0x1;
	s10 =	sld [smem:$0x3FB3];
	_ =	sdelay $0x3  }
0x37: {  	[smem:$0x3FB3] =	sst s10  }
0x38: {  	s10 =	sld [smem:$0x3FB4]  }
0x39: {  	_ = 	snop;
	(pc) =	sbr.ind lr, $3  }
0x3a: {  	_ = 	snop  }
0x3b: {  	_ = 	snop  }
0x3c: {  	p2 =	seq.s32 s10, $0x1;
	s10 =	sld [smem:$0x3FB3]  }
0x3d: {  	_ =	shalt  }
0x3e: {  	_ =	shalt  }
0x3f: {  	_ =	shalt  }
0x40: {  	_ =	shalt  }
0x41: {  	_ =	shalt  }
0x42: {  	_ =	shalt  }
0x43: {  	_ =	shalt  }
0x44: {  	_ =	shalt  }
0x45: {  	_ =	shalt  }
0x46: {  	_ =	shalt  }
0x47: {  	_ =	shalt  }
0x48: {  	_ =	shalt  }
0x49: {  	_ =	shalt  }
0x4a: {  	_ =	shalt  }
0x4b: {  	_ =	shalt  }
0x4c: {  	_ =	shalt  }
0x4d: {  	_ =	shalt  }
0x4e: {  	_ =	shalt  }
0x4f: {  	_ =	shalt  }
0x50: {  	_ =	shalt  }
0x51: {  	_ =	shalt  }
0x52: {  	_ =	shalt  }
0x53: {  	_ =	shalt  }
0x54: {  	_ =	shalt  }
0x55: {  	_ =	shalt  }
0x56: {  	_ =	shalt  }
0x57: {  	_ =	shalt  }
0x58: {  	_ =	shalt  }
0x59: {  	_ =	shalt  }
0x5a: {  	_ =	shalt  }
0x5b: {  	_ =	shalt  }
0x5c: {  	_ =	shalt  }
0x5d: {  	_ =	shalt  }
0x5e: {  	_ =	shalt  }
0x5f: {  	_ =	shalt  }
0x60: {  	_ =	shalt  }
0x61: {  	_ =	shalt  }
0x62: {  	_ =	shalt  }
0x63: {  	_ =	shalt  }
0x64: {  	_ =	shalt  }
0x65: {  	_ =	shalt  }
0x66: {  	_ =	shalt  }
0x67: {  	_ =	shalt  }
0x68: {  	_ =	shalt  }
0x69: {  	_ =	shalt  }
0x6a: {  	_ =	shalt  }
0x6b: {  	_ =	shalt  }
0x6c: {  	_ =	shalt  }
0x6d: {  	_ =	shalt  }
0x6e: {  	_ =	shalt  }
0x6f: {  	_ =	shalt  }
0x70: {  	_ =	shalt  }
0x71: {  	_ =	shalt  }
0x72: {  	_ =	shalt  }
0x73: {  	_ =	shalt  }
0x74: {  	_ =	shalt  }
0x75: {  	_ =	shalt  }
0x76: {  	_ =	shalt  }
0x77: {  	_ =	shalt  }
0x78: {  	_ =	shalt  }
0x79: {  	_ =	shalt  }
0x7a: {  	_ =	shalt  }
0x7b: {  	_ =	shalt  }
0x7c: {  	_ =	shalt  }
0x7d: {  	_ =	shalt  }
0x7e: {  	_ =	shalt  }
0x7f: {  	_ =	shalt  }
0x80: {  	_ =	shalt  }
0x81: {  	_ =	shalt  }
0x82: {  	_ =	shalt  }
0x83: {  	_ =	shalt  }
0x84: {  	_ =	shalt  }
0x85: {  	_ =	shalt  }
0x86: {  	_ =	shalt  }
0x87: {  	_ =	shalt  }
.Lfunc_end0:
.L_simem_size_0:
called_computation.12_lowered:
.L_overlay_start_0:
0x88: {  	s2 =	sld [smem:$0x3FD9]  }
0x89: {  	s3 =	sld [smem:$0x3FFE];
	_ =	sdelay $0x1  }
0x8a: {  	s1 =	srdreg.scid  }
0x8b: {  	s0 =	sand.u32 $0x1, s1  }
0x8c: {  	s16 =	sshll.u32 s0, $0xA;
	s2 =	sadd.s32 s3, s2  }
0x8d: {  	s2 =	sadd.s32 s2, s16  }
0x8e: {  	[smem:$0x3FBF] =	sst s2  }
0x8f: {  	_ = 	snop  }
0x90: {  	(tm) =	ssettm $0x1  }
0x91: {  	s17 =	sld [smem:$0x3FFB];
	_ =	sdelay $0x3  }
0x92: {  	_ =	strace s17  }
0x93: {  	s2 =	sld [smem:$0x3FFC];
	_ =	sdelay $0x3  }
0x94: {  	_ =	strace s2  }
0x95: {  	s2 =	sld [smem:$0x3FFD];
	_ =	sdelay $0x3  }
0x96: {  	_ =	strace s2  }
0x97: {  	_ =	strace $0x8FFFFFFF  }
0x98: {  	s18 =	sld [smem:$0x3FDB];
	_ =	sdelay $0x1  }
0x99: {  	s19 =	simm.s32 $_scs_section_size  }
0x9a: {  	s4 =	simm.s32 $_size__tile_overlayer_lowered;
	s5 =	simm.s32 $_tile_overlayer_lowered  }
0x9b: {  	s22 =	simm.s32 $0x1BFF;
	s21 =	sshll.u32 s5, $0x1;
	s2 =	sadd.s32 s19, s18  }
0x9c: {  	s6 =	simm.s32 $0x0;
	s20 =	sshll.u32 s4, $0x1;
	s4 =	sadd.s32 s21, s2  }
0x9d: {  	[timem:s6], [sflag:s22] =	dma.local [hbm:s4], s20  }
0x9e: {  	_ =	swait.ge [sflag:s22], s20  }
0x9f: {  	s3 =	ssub.s32 $0x0, s20;
	[sflag:s22] =	ssyncset.done $0x0  }
0xa0: {  	[sflag:s22] =	ssyncadd.s32 s3;
	_ =	sdelay $0x1  }
0xa1: {  	s23 =	simm.s32 $0x1B8B  }
0xa2: {  	_ =	swait.ge [sflag:s23], $0x1  }
0xa3: {  	[sflag:s23] =	ssyncset.done $0x0  }
0xa4: {  	s25 =	simm.s32 $0x1B8E;
	s24 =	sld [smem:$0x3FFE];
	[sflag:s23] =	ssyncadd.s32 $0xFFFFFFFF  }
0xa5: {  	s26 =	simm.s32 $execute0_lowered;
	[smem:$0x3FD2] =	sst s25  }
0xa6: {  	s4 =	sshll.u32 s26, $0x1;
	_ =	strace $0x8000006A;
	[dreg:$0x1] =	wrdreg $0xFFFFFFFF  }
0xa7: {  	s28 =	simm.s32 $_size_execute0_lowered;
	s2 =	sadd.s32 s2, s4;
	[dreg:$0x0] =	wrdreg $0x0  }
0xa8: {  	s4 =	sshll.u32 s28, $0x1;
	[dreg:$0x2] =	wrdreg s2  }
0xa9: {  	[dreg:$0x3] =	wrdreg s4  }
0xaa: {  	[dreg:$0x4] =	wrdreg $0xC0  }
0xab: {  	_ =	task [dreg:s6], $0x5FFFF  }
0xac: {  	[dreg:$0x1] =	wrdreg $0xFFFFFFFF  }
0xad: {  	[dreg:$0x0] =	wrdreg $0x60  }
0xae: {  	[dreg:$0x2] =	wrdreg s24  }
0xaf: {  	[dreg:$0x3] =	wrdreg $0x9  }
0xb0: {  	_ =	task.clear_ibuf [dreg:s6], $0x4FFFF;
	_ =	strace $0x9000006A  }
0xb1: {  	s29 =	simm.s32 $0x9;
	_ =	strace $0x8000006C  }
0xb2: {  	_ =	swait.ge [sflag:s29], $0x1  }
0xb3: {  	[sflag:s29] =	ssyncadd.s32 $0xFFFFFFFF  }
0xb4: {  	_ =	strace $0x9000006C  }
0xb5: {  	_ =	sfence  }
0xb6: {  	s30 =	sld [smem:$0x0];
	_ =	sdelay $0x2  }
0xb7: {  	s31 =	sshll.u32 s1, $0xD;
	s1 =	sshrl.u32 s1, $0x2  }
0xb8: {  	s3 =	sand.u32 $0x4000, s31;
	s1 =	sadd.s32 s1, s30  }
0xb9: {  	s0 =	sor.u32 s3, s0;
	s1 =	sshll.u32 s1, $0x11  }
0xba: {  	s0 =	sor.u32 s1, s0  }
0xbb: {  	s0 =	sadd.s32 $0x8F2B, s0  }
0xbc: {  	[sflag:s0] =	ssyncadd.remote.s32 $0x1  }
0xbd: {  	_ =	sfence.sel $0xFFFF  }
0xbe: {  	[dreg:$0x0] =	wrdreg $0xFFFFFFFF;
	(pc) =	sbr.abs _section_cstart, $3  }
0xbf: {  	[dreg:$0x1] =	wrdreg $0xFFFFFFFF  }
0xc0: {  	_ =	task.clear_ibuf [dreg:s6], $0x2FFFF;
	_ =	strace $0x9FFFFFFF  }
0xc1: {  	(tm) =	ssettm $0x7FFFFFFF  }
tec
execute0_lowered:
.L_overlay_start_1:
0x0: {  	(tag) =	ssettag $0x1  }
0x1: {  	s4 =	rddreg [dreg:$0x0];
	s2 =	srdreg.scid  }
0x2: {  	s0 =	rddreg [dreg:$0x1];
	s1 =	stileid.u32  }
0x3: {  	s9 =	simm.s32 $0x880;
	s10 =	simm.s32 $0x1080;
	s11 =	simm.s32 $0x1880  }
0x4: {  	s12 =	simm.s32 $0x2080;
	s13 =	simm.s32 $0x2880;
	s14 =	simm.s32 $0x3080  }
0x5: {  	s15 =	simm.s32 $0x3880;
	s16 =	simm.s32 $0x4080;
	s17 =	simm.s32 $0x4880  }
0x6: {  	s18 =	simm.s32 $0x5080;
	s19 =	simm.s32 $0x5880;
	s20 =	simm.s32 $0x6080  }
0x7: {  	s21 =	simm.s32 $0x6880;
	s22 =	simm.s32 $0x7080;
	s23 =	simm.s32 $0x7880  }
0x8: {  	s24 =	simm.s32 $0x1;
	s3 =	sand.u32 $0x1, s2;
	s2 =	simm.s32 $0x0  }
0x9: {  	s5 =	sshll.u32 s1, $0x8;
	s6 =	sshll.u32 s3, $0x7;
	[smem:$0x7FF] =	sst s2  }
0xa: {  	s7 =	ssub.s32 $0x2, s3;
	s3 =	sadd.s32 $0x15D200, s4;
	s5 =	sor.u32 s6, s5  }
0xb: {  	_ =	strace $0x8000006B;
	s8 =	sshrl.u32 s7, $0x1;
	s6 =	sshrl.u32 s5, $0x3  }
0xc: {  	v2 =	vlaneseq.u32;
	s5 =	sshll.u32 s5, $0x5;
	s7 =	ssub.s32 s7, s8;
	s6 =	sadd.s32 s6, s4  }
0xd: {  	vm0 =	vmmov $0xffff;
	v1 =	vshrl.u32 v2, $0x3;
	s8 =	simm.s32 $0x80;
	s5 =	sadd.s32 s5, s4;
	s4 =	sadd.s32 $0x14AA00, s6  }
0xe: {  	v0 =	vand.u32 $0x7, v2;
	v2 =	vor.u32 $0x8, v2;
	v1 =	vmul.u32 $0x8, v1;
	s5 =	sadd.s32 $0x8400, s5;
	s6 =	smax.u32 s7, $0x1;
	s7 =	simm.s32 $0x2  }
.LBB2_1:
0xf: {  	[tilespmem:s2], [sflag:$0x2] =	stream.linear.gather [hbm4b:s4+s2], $0x80, $0x38;
	[tilespmem:$0x8080] =	vst v63  }
0x10: {  	_ =	swait.ge [sflag:s7], $0x80  }
0x11: {  	[sflag:s7] =	ssyncset.done $0x0  }
0x12: {  	[sflag:s7] =	ssyncadd.s32 $0xFFFFFF80  }
0x13: {  	v3 =	vld [tilespmem:$0x0];
	_ =	sdelay $0x4  }
0x14: {  	v4 =	vshll.u32 v3, $0x1  }
0x15: {  	v3 =	vand.u32 $0x7, v3;
	v4 =	vand.u32 $0xFFFFFFF0, v4  }
0x16: {  	v3 =	vor.u32 v3, v4  }
0x17: {  	v4 =	vperm.xlane v3, v0;
	_ =	sdelay $0x1  }
0x18: {  	v3 =	vperm.xlane v3, v2;
	v4 =	vadd.s32 v1, v4;
	_ =	sdelay $0x1  }
0x19: {  	v3 =	vadd.s32 v1, v3;
	_ =	sdelay $0x2  }
0x1a: {  	[tilespmem:s8], [sflag:$0x1] =	stream.indirect_vreg.gather [hbm4b:s3+s2], $0x80, v4, vm0, $0xb8;
	[tilespmem:$0x8080] =	vst v63  }
0x1b: {  	_ = 	snop  }
0x1c: {  	[tilespmem:s9], [sflag:$0x1] =	stream.indirect_vreg.gather [hbm4b:s3+s2], $0x80, v3, vm0, $0xb8;
	[tilespmem:$0x8080] =	vst v63  }
0x1d: {  	v3 =	vld [tilespmem:$0x10];
	_ =	sdelay $0x4  }
0x1e: {  	v57 =	vshll.u32 v3, $0x1  }
0x1f: {  	v3 =	vand.u32 $0x7, v3;
	v4 =	vand.u32 $0xFFFFFFF0, v57  }
0x20: {  	v3 =	vor.u32 v3, v4  }
0x21: {  	v4 =	vperm.xlane v3, v0;
	_ =	sdelay $0x1  }
0x22: {  	v3 =	vperm.xlane v3, v2;
	v4 =	vadd.s32 v1, v4;
	_ =	sdelay $0x1  }
0x23: {  	v3 =	vadd.s32 v1, v3;
	_ =	sdelay $0x2  }
0x24: {  	[tilespmem:s10], [sflag:$0x1] =	stream.indirect_vreg.gather [hbm4b:s3+s2], $0x80, v4, vm0, $0xb8;
	[tilespmem:$0x8080] =	vst v63  }
0x25: {  	_ = 	snop  }
0x26: {  	[tilespmem:s11], [sflag:$0x1] =	stream.indirect_vreg.gather [hbm4b:s3+s2], $0x80, v3, vm0, $0xb8;
	[tilespmem:$0x8080] =	vst v63  }
0x27: {  	v3 =	vld [tilespmem:$0x20];
	_ =	sdelay $0x4  }
0x28: {  	v58 =	vshll.u32 v3, $0x1  }
0x29: {  	v3 =	vand.u32 $0x7, v3;
	v4 =	vand.u32 $0xFFFFFFF0, v58  }
0x2a: {  	v3 =	vor.u32 v3, v4  }
0x2b: {  	v4 =	vperm.xlane v3, v0;
	_ =	sdelay $0x1  }
0x2c: {  	v3 =	vperm.xlane v3, v2;
	v4 =	vadd.s32 v1, v4;
	_ =	sdelay $0x1  }
0x2d: {  	v3 =	vadd.s32 v1, v3;
	_ =	sdelay $0x2  }
0x2e: {  	[tilespmem:s12], [sflag:$0x1] =	stream.indirect_vreg.gather [hbm4b:s3+s2], $0x80, v4, vm0, $0xb8;
	[tilespmem:$0x8080] =	vst v63  }
0x2f: {  	_ = 	snop  }
0x30: {  	[tilespmem:s13], [sflag:$0x1] =	stream.indirect_vreg.gather [hbm4b:s3+s2], $0x80, v3, vm0, $0xb8;
	[tilespmem:$0x8080] =	vst v63  }
0x31: {  	v3 =	vld [tilespmem:$0x30];
	_ =	sdelay $0x4  }
0x32: {  	v59 =	vshll.u32 v3, $0x1  }
0x33: {  	v3 =	vand.u32 $0x7, v3;
	v4 =	vand.u32 $0xFFFFFFF0, v59  }
0x34: {  	v3 =	vor.u32 v3, v4  }
0x35: {  	v4 =	vperm.xlane v3, v0;
	_ =	sdelay $0x1  }
0x36: {  	v3 =	vperm.xlane v3, v2;
	v4 =	vadd.s32 v1, v4;
	_ =	sdelay $0x1  }
0x37: {  	v3 =	vadd.s32 v1, v3;
	_ =	sdelay $0x2  }
0x38: {  	[tilespmem:s14], [sflag:$0x1] =	stream.indirect_vreg.gather [hbm4b:s3+s2], $0x80, v4, vm0, $0xb8;
	[tilespmem:$0x8080] =	vst v63  }
0x39: {  	_ = 	snop  }
0x3a: {  	[tilespmem:s15], [sflag:$0x1] =	stream.indirect_vreg.gather [hbm4b:s3+s2], $0x80, v3, vm0, $0xb8;
	[tilespmem:$0x8080] =	vst v63  }
0x3b: {  	v3 =	vld [tilespmem:$0x40];
	_ =	sdelay $0x4  }
0x3c: {  	v60 =	vshll.u32 v3, $0x1  }
0x3d: {  	v3 =	vand.u32 $0x7, v3;
	v4 =	vand.u32 $0xFFFFFFF0, v60  }
0x3e: {  	v3 =	vor.u32 v3, v4  }
0x3f: {  	v4 =	vperm.xlane v3, v0;
	_ =	sdelay $0x1  }
0x40: {  	v3 =	vperm.xlane v3, v2;
	v4 =	vadd.s32 v1, v4;
	_ =	sdelay $0x1  }
0x41: {  	v3 =	vadd.s32 v1, v3;
	_ =	sdelay $0x2  }
0x42: {  	[tilespmem:s16], [sflag:$0x1] =	stream.indirect_vreg.gather [hbm4b:s3+s2], $0x80, v4, vm0, $0xb8;
	[tilespmem:$0x8080] =	vst v63  }
0x43: {  	_ = 	snop  }
0x44: {  	[tilespmem:s17], [sflag:$0x1] =	stream.indirect_vreg.gather [hbm4b:s3+s2], $0x80, v3, vm0, $0xb8;
	[tilespmem:$0x8080] =	vst v63  }
0x45: {  	v3 =	vld [tilespmem:$0x50];
	_ =	sdelay $0x4  }
0x46: {  	v61 =	vshll.u32 v3, $0x1  }
0x47: {  	v3 =	vand.u32 $0x7, v3;
	v4 =	vand.u32 $0xFFFFFFF0, v61  }
0x48: {  	v3 =	vor.u32 v3, v4  }
0x49: {  	v4 =	vperm.xlane v3, v0;
	_ =	sdelay $0x1  }
0x4a: {  	v3 =	vperm.xlane v3, v2;
	v4 =	vadd.s32 v1, v4;
	_ =	sdelay $0x1  }
0x4b: {  	v3 =	vadd.s32 v1, v3;
	_ =	sdelay $0x2  }
0x4c: {  	[tilespmem:s18], [sflag:$0x1] =	stream.indirect_vreg.gather [hbm4b:s3+s2], $0x80, v4, vm0, $0xb8;
	[tilespmem:$0x8080] =	vst v63  }
0x4d: {  	_ = 	snop  }
0x4e: {  	[tilespmem:s19], [sflag:$0x1] =	stream.indirect_vreg.gather [hbm4b:s3+s2], $0x80, v3, vm0, $0xb8;
	[tilespmem:$0x8080] =	vst v63  }
0x4f: {  	v3 =	vld [tilespmem:$0x60];
	_ =	sdelay $0x4  }
0x50: {  	v62 =	vshll.u32 v3, $0x1  }
0x51: {  	v3 =	vand.u32 $0x7, v3;
	v4 =	vand.u32 $0xFFFFFFF0, v62  }
0x52: {  	v3 =	vor.u32 v3, v4  }
0x53: {  	v4 =	vperm.xlane v3, v0;
	_ =	sdelay $0x1  }
0x54: {  	v3 =	vperm.xlane v3, v2;
	v4 =	vadd.s32 v1, v4;
	_ =	sdelay $0x1  }
0x55: {  	v3 =	vadd.s32 v1, v3;
	_ =	sdelay $0x2  }
0x56: {  	[tilespmem:s20], [sflag:$0x1] =	stream.indirect_vreg.gather [hbm4b:s3+s2], $0x80, v4, vm0, $0xb8;
	[tilespmem:$0x8080] =	vst v63  }
0x57: {  	_ = 	snop  }
0x58: {  	[tilespmem:s21], [sflag:$0x1] =	stream.indirect_vreg.gather [hbm4b:s3+s2], $0x80, v3, vm0, $0xb8;
	[tilespmem:$0x8080] =	vst v63  }
0x59: {  	v3 =	vld [tilespmem:$0x70];
	_ =	sdelay $0x4  }
0x5a: {  	v63 =	vshll.u32 v3, $0x1  }
0x5b: {  	v3 =	vand.u32 $0x7, v3;
	v4 =	vand.u32 $0xFFFFFFF0, v63  }
0x5c: {  	v3 =	vor.u32 v3, v4  }
0x5d: {  	v4 =	vperm.xlane v3, v0;
	_ =	sdelay $0x1  }
0x5e: {  	v3 =	vperm.xlane v3, v2;
	v4 =	vadd.s32 v1, v4;
	_ =	sdelay $0x1  }
0x5f: {  	v3 =	vadd.s32 v1, v3;
	_ =	sdelay $0x2  }
0x60: {  	[tilespmem:s22], [sflag:$0x1] =	stream.indirect_vreg.gather [hbm4b:s3+s2], $0x80, v4, vm0, $0xb8;
	[tilespmem:$0x8080] =	vst v63  }
0x61: {  	_ = 	snop  }
0x62: {  	[tilespmem:s23], [sflag:$0x1] =	stream.indirect_vreg.gather [hbm4b:s3+s2], $0x80, v3, vm0, $0xb8;
	[tilespmem:$0x8080] =	vst v63  }
0x63: {  	_ =	swait.ge [sflag:s24], $0x8000  }
0x64: {  	p0 =	sne.s32 s6, $0x1;
	[sflag:s24] =	ssyncset.done $0x0  }
.Ltmp0:
0x65: {  	[sflag:s24] =	ssyncadd.s32 $0xFFFF8000;
	(pc) =	sbr.rel @p0 .LBB2_1-.Ltmp0, $4  }
0x66: {  	[hbm4b:s5+s2] =	stream.linear.scatter [tilespmem:s8], [sflag:$0x2], $0x8000, $0x38;
	[tilespmem:$0x8080] =	vst v63  }
0x67: {  	_ =	swait.ge [sflag:s7], $0x8000  }
0x68: {  	[sflag:s7] =	ssyncset.done $0x0  }
0x69: {  	s6 =	sadd.s32 $0xFFFFFFFF, s6;
	[sflag:s7] =	ssyncadd.s32 $0xFFFF8000  }
0x6a: {  	_ =	sfence.sel $0x180000  }
0x6b: {  	[bflag:$0x0] =	sbarrier.arrive $0xFFFF  }
0x6c: {  	p0 =	sne.s32 s1, $0x0;
	_ =	strace $0x9000006B  }
0x6d: {  	s0 =	sadd.s32 @!p0 $0x100000, s0;
	[bflag:$0x2] =	sbarrier.arrive $0xFFFF  }
0x6e: {  	[sflag:s0] =	ssyncadd.tile.s32 @!p0 $0x1;
	_ =	shalt  }
.Lfunc_end2:
_tile_overlayer_lowered:
.L_overlay_start_2:
0x6f: {  	(tag) =	ssettag $0x2  }
0x70: {  	s0 =	rddreg [dreg:$0x0];
	s2 =	stileid.u32  }
0x71: {  	s1 =	rddreg [dreg:$0x1];
	p0 =	sne.s32 s2, $0x0  }
0x72: {  	s3 =	rddreg [dreg:$0x2];
	[bflag:$0x3] =	sbarrier.arrive $0xFFFF;
	s2 =	simm.s32 @!p0 $0x1C02  }
0x73: {  	[timem:s3], [sflag:s2] =	dma.local @!p0 [hbm:s0], s1  }
0x74: {  	s0 =	simm.s32 @!p0 $0x2  }
0x75: {  	_ =	swait.ge @!p0 [sflag:s0], s1  }
0x76: {  	s1 =	ssub.s32 @!p0 $0x0, s1;
	[sflag:s0] =	ssyncset.done @!p0 $0x0  }
0x77: {  	[sflag:s0] =	ssyncadd.s32 @!p0 s1  }
0x78: {  	[bflag:$0x3] =	sbarrier.arrive $0xFFFF  }
0x79: {  	_ =	shalt  }

// kernel: kernel.64.cloned.1.call-start
scs
__scs_entry_jumppad:
0x0: {  	(pc) =	sbr.rel $0x88, $3  }
0x1: {  	(tag) =	ssettag $0x0;
	lr =	simm.s32 $0x1  }
0x2: {  	[smem:$0x3F98] =	sst lr;
	_ =	strace $0xD0000000  }
0x3: {  	_ = 	snop  }
0x4: {  	_ = 	snop  }
0x5: {  	_ = 	snop  }
0x6: {  	_ = 	snop  }
0x7: {  	_ = 	snop  }
__scs_overlays_trampoline_lowered:
0x8: {  	[smem:$0x3FA7] =	sst s0  }
0x9: {  	[smem:$0x3FA8] =	sst s1  }
0xa: {  	[smem:$0x3FA9] =	sst s2  }
0xb: {  	[smem:$0x3FAA] =	sst s3  }
0xc: {  	[smem:$0x3FAB] =	sst s4  }
0xd: {  	[smem:$0x3FAC] =	sst s5  }
0xe: {  	[smem:$0x3FAD] =	sst s6  }
0xf: {  	[smem:$0x3FAE] =	sst s7  }
0x10: {  	[smem:$0x3FAF] =	sst s8  }
0x11: {  	[smem:$0x3FB0] =	sst s9;
	s0 =	simm.s32 @!p0 $0x0  }
0x12: {  	s1 =	sld [smem:$0x3F96];
	s0 =	simm.s32 @p0 $0x1  }
0x13: {  	[smem:$0x3FB1] =	sst s0;
	s0 =	simm.s32 @!p1 $0x0  }
0x14: {  	s2 =	sld [smem:$0x3F95];
	s0 =	simm.s32 @p1 $0x1  }
0x15: {  	[smem:$0x3FB2] =	sst s0;
	s0 =	simm.s32 @!p2 $0x0  }
0x16: {  	s3 =	sld [smem:$0x3FDB];
	s0 =	simm.s32 @p2 $0x1  }
0x17: {  	s4 =	simm.s32 $0x1BF5;
	[smem:$0x3FB4] =	sst s0  }
0x18: {  	s0 =	sld [smem:$0x3F97];
	_ =	swait.ge [sflag:s4], $0x0  }
0x19: {  	s7 =	sld [smem:$0x3F98]  }
0x1a: {  	s8 =	sadd.s32 $0xFFFFE003, lr  }
0x1b: {  	s9 =	sadd.s32 $0xFFFFFEF7, lr;
	s5 =	simm.s32 $0xFFFFFFFF;
	p2 =	slt.u32 s8, $0xFFFFF086  }
0x1c: {  	p1 =	slt.u32 s9, $0xF7A;
	s5 =	simm.s32 @!p2 $0x0  }
0x1d: {  	s5 =	simm.s32 @p1 $0x1;
	p0 =	seq.s32 s7, s2  }
0x1e: {  	s7 =	smul.u32 @!p0 $0xF7A, s2;
	p2 =	seq.s32 @!p0 s5, $0x0  }
0x1f: {  	s9 =	smul.u32 $0xF7A, s1;
	s8 =	simm.s32 @!p0 $0x1BF5;
	p2 =	por !p2, p0  }
0x20: {  	[sflag:s8] =	ssyncset.s32 @!p0 $0xFFFFF086;
	s6 =	sadd.s32 @!p0 s3, s7;
	s7 =	simm.s32 @!p0 $0x108  }
0x21: {  	s3 =	sadd.s32 s3, s9;
	s6 =	sadd.s32 @!p0 $0x88, s6;
	s7 =	simm.s32 @p2 $0x1082  }
0x22: {  	[simem:s7], [sflag:s8] =	dma.local @!p0 [hbm:s6], $0xF7A  }
0x23: {  	s9 =	sor.u32 $0xD0000000, s2;
	s6 =	simm.s32 $0x108;
	_ =	swait.ge @!p0 [sflag:s8], $0x0  }
0x24: {  	s3 =	sadd.s32 $0x88, s3;
	s6 =	simm.s32 @!p1 $0x1082;
	[sflag:s4] =	ssyncset.s32 $0xFFFFF086  }
0x25: {  	[simem:s6], [sflag:s4] =	dma.local [hbm:s3], $0xF7A  }
0x26: {  	[smem:$0x3F98] =	sst s1;
	(tag) =	ssettag s2;
	_ =	strace s9  }
0x27: {  	s1 =	sld [smem:$0x3FA8]  }
0x28: {  	s2 =	sld [smem:$0x3FA9]  }
0x29: {  	s4 =	sld [smem:$0x3FAB]  }
0x2a: {  	p0 =	seq.s32 s5, $0x0;
	s5 =	sld [smem:$0x3FAC]  }
0x2b: {  	s6 =	sld [smem:$0x3FAD]  }
0x2c: {  	s7 =	sld [smem:$0x3FAE]  }
0x2d: {  	s3 =	simm.s32 $0x108;
	s8 =	sld [smem:$0x3FAF]  }
0x2e: {  	s3 =	simm.s32 @!p0 $0x1082;
	s9 =	sld [smem:$0x3FB0]  }
0x2f: {  	lr =	sadd.s32 s0, s3;
	s0 =	sld [smem:$0x3FA7]  }
0x30: {  	s3 =	sld [smem:$0x3FAA]  }
0x31: {  	[smem:$0x3FB3] =	sst s10  }
0x32: {  	s10 =	sld [smem:$0x3FB1];
	_ =	sdelay $0x3  }
0x33: {  	p0 =	seq.s32 s10, $0x1;
	s10 =	sld [smem:$0x3FB3];
	_ =	sdelay $0x3  }
0x34: {  	[smem:$0x3FB3] =	sst s10  }
0x35: {  	s10 =	sld [smem:$0x3FB2];
	_ =	sdelay $0x3  }
0x36: {  	p1 =	seq.s32 s10, $0x1;
	s10 =	sld [smem:$0x3FB3];
	_ =	sdelay $0x3  }
0x37: {  	[smem:$0x3FB3] =	sst s10  }
0x38: {  	s10 =	sld [smem:$0x3FB4]  }
0x39: {  	_ = 	snop;
	(pc) =	sbr.ind lr, $3  }
0x3a: {  	_ = 	snop  }
0x3b: {  	_ = 	snop  }
0x3c: {  	p2 =	seq.s32 s10, $0x1;
	s10 =	sld [smem:$0x3FB3]  }
0x3d: {  	_ =	shalt  }
0x3e: {  	_ =	shalt  }
0x3f: {  	_ =	shalt  }
0x40: {  	_ =	shalt  }
0x41: {  	_ =	shalt  }
0x42: {  	_ =	shalt  }
0x43: {  	_ =	shalt  }
0x44: {  	_ =	shalt  }
0x45: {  	_ =	shalt  }
0x46: {  	_ =	shalt  }
0x47: {  	_ =	shalt  }
0x48: {  	_ =	shalt  }
0x49: {  	_ =	shalt  }
0x4a: {  	_ =	shalt  }
0x4b: {  	_ =	shalt  }
0x4c: {  	_ =	shalt  }
0x4d: {  	_ =	shalt  }
0x4e: {  	_ =	shalt  }
0x4f: {  	_ =	shalt  }
0x50: {  	_ =	shalt  }
0x51: {  	_ =	shalt  }
0x52: {  	_ =	shalt  }
0x53: {  	_ =	shalt  }
0x54: {  	_ =	shalt  }
0x55: {  	_ =	shalt  }
0x56: {  	_ =	shalt  }
0x57: {  	_ =	shalt  }
0x58: {  	_ =	shalt  }
0x59: {  	_ =	shalt  }
0x5a: {  	_ =	shalt  }
0x5b: {  	_ =	shalt  }
0x5c: {  	_ =	shalt  }
0x5d: {  	_ =	shalt  }
0x5e: {  	_ =	shalt  }
0x5f: {  	_ =	shalt  }
0x60: {  	_ =	shalt  }
0x61: {  	_ =	shalt  }
0x62: {  	_ =	shalt  }
0x63: {  	_ =	shalt  }
0x64: {  	_ =	shalt  }
0x65: {  	_ =	shalt  }
0x66: {  	_ =	shalt  }
0x67: {  	_ =	shalt  }
0x68: {  	_ =	shalt  }
0x69: {  	_ =	shalt  }
0x6a: {  	_ =	shalt  }
0x6b: {  	_ =	shalt  }
0x6c: {  	_ =	shalt  }
0x6d: {  	_ =	shalt  }
0x6e: {  	_ =	shalt  }
0x6f: {  	_ =	shalt  }
0x70: {  	_ =	shalt  }
0x71: {  	_ =	shalt  }
0x72: {  	_ =	shalt  }
0x73: {  	_ =	shalt  }
0x74: {  	_ =	shalt  }
0x75: {  	_ =	shalt  }
0x76: {  	_ =	shalt  }
0x77: {  	_ =	shalt  }
0x78: {  	_ =	shalt  }
0x79: {  	_ =	shalt  }
0x7a: {  	_ =	shalt  }
0x7b: {  	_ =	shalt  }
0x7c: {  	_ =	shalt  }
0x7d: {  	_ =	shalt  }
0x7e: {  	_ =	shalt  }
0x7f: {  	_ =	shalt  }
0x80: {  	_ =	shalt  }
0x81: {  	_ =	shalt  }
0x82: {  	_ =	shalt  }
0x83: {  	_ =	shalt  }
0x84: {  	_ =	shalt  }
0x85: {  	_ =	shalt  }
0x86: {  	_ =	shalt  }
0x87: {  	_ =	shalt  }
.Lfunc_end0:
.L_simem_size_0:
called_computation.13_lowered:
.L_overlay_start_0:
0x88: {  	s2 =	sld [smem:$0x3FD9]  }
0x89: {  	s3 =	sld [smem:$0x3FFE];
	_ =	sdelay $0x1  }
0x8a: {  	s1 =	srdreg.scid  }
0x8b: {  	s0 =	sand.u32 $0x1, s1  }
0x8c: {  	s17 =	sshll.u32 s0, $0xA;
	s2 =	sadd.s32 s3, s2  }
0x8d: {  	s2 =	sadd.s32 s2, s17  }
0x8e: {  	[smem:$0x3FBF] =	sst s2  }
0x8f: {  	_ = 	snop  }
0x90: {  	s2 =	sld [smem:$0x3FD0];
	(tm) =	ssettm $0x1  }
0x91: {  	s18 =	sld [smem:$0x3FFB];
	_ =	sdelay $0x3  }
0x92: {  	_ =	strace s18  }
0x93: {  	s3 =	sld [smem:$0x3FFC];
	_ =	sdelay $0x3  }
0x94: {  	_ =	strace s3  }
0x95: {  	s3 =	sld [smem:$0x3FFD];
	_ =	sdelay $0x3  }
0x96: {  	_ =	strace s3  }
0x97: {  	_ =	strace $0x8FFFFFFF  }
0x98: {  	s19 =	sld [smem:$0x3FDB];
	_ =	sdelay $0x1  }
0x99: {  	s4 =	simm.s32 $_scs_section_size  }
0x9a: {  	s5 =	simm.s32 $_size__tile_overlayer_lowered;
	s6 =	simm.s32 $_tile_overlayer_lowered  }
0x9b: {  	s22 =	simm.s32 $0x1BFF;
	s21 =	sshll.u32 s6, $0x1;
	s3 =	sadd.s32 s4, s19  }
0x9c: {  	s7 =	simm.s32 $0x0;
	s20 =	sshll.u32 s5, $0x1;
	s5 =	sadd.s32 s21, s3  }
0x9d: {  	[timem:s7], [sflag:s22] =	dma.local [hbm:s5], s20  }
0x9e: {  	_ =	swait.ge [sflag:s22], s20  }
0x9f: {  	s4 =	ssub.s32 $0x0, s20;
	[sflag:s22] =	ssyncset.done $0x0  }
0xa0: {  	[sflag:s22] =	ssyncadd.s32 s4;
	_ =	sdelay $0x1  }
0xa1: {  	s23 =	simm.s32 $0x1B8B  }
0xa2: {  	_ =	swait.ge [sflag:s23], $0x1  }
0xa3: {  	[sflag:s23] =	ssyncset.done $0x0  }
0xa4: {  	s25 =	simm.s32 $0x1B8E;
	s24 =	sld [smem:$0x3FFE];
	[sflag:s23] =	ssyncadd.s32 $0xFFFFFFFF  }
0xa5: {  	s26 =	simm.s32 $execute0_lowered;
	[smem:$0x3FD2] =	sst s25  }
0xa6: {  	s5 =	sshll.u32 s26, $0x1;
	_ =	strace $0x8000006D;
	[dreg:$0x1] =	wrdreg $0xFFFFFFFF  }
0xa7: {  	s28 =	simm.s32 $_size_execute0_lowered;
	s3 =	sadd.s32 s3, s5;
	[dreg:$0x0] =	wrdreg $0x0  }
0xa8: {  	s5 =	sshll.u32 s28, $0x1;
	[dreg:$0x2] =	wrdreg s3  }
0xa9: {  	[dreg:$0x3] =	wrdreg s5  }
0xaa: {  	[dreg:$0x4] =	wrdreg $0xC0  }
0xab: {  	_ =	task [dreg:s7], $0x5FFFF  }
0xac: {  	[dreg:$0x1] =	wrdreg $0xFFFFFFFF  }
0xad: {  	[dreg:$0x0] =	wrdreg $0x60  }
0xae: {  	[dreg:$0x2] =	wrdreg s2  }
0xaf: {  	[dreg:$0x3] =	wrdreg s24  }
0xb0: {  	[dreg:$0x4] =	wrdreg $0x9  }
0xb1: {  	_ =	task.clear_ibuf [dreg:s7], $0x5FFFF;
	_ =	strace $0x9000006D  }
0xb2: {  	s29 =	simm.s32 $0x9;
	_ =	strace $0x8000006F  }
0xb3: {  	_ =	swait.ge [sflag:s29], $0x1  }
0xb4: {  	[sflag:s29] =	ssyncadd.s32 $0xFFFFFFFF  }
0xb5: {  	_ =	strace $0x9000006F  }
0xb6: {  	_ =	sfence  }
0xb7: {  	s30 =	sld [smem:$0x0];
	_ =	sdelay $0x2  }
0xb8: {  	s31 =	sshll.u32 s1, $0xD;
	s1 =	sshrl.u32 s1, $0x2  }
0xb9: {  	s3 =	sand.u32 $0x4000, s31;
	s1 =	sadd.s32 s1, s30  }
0xba: {  	s0 =	sor.u32 s3, s0;
	s1 =	sshll.u32 s1, $0x11  }
0xbb: {  	s0 =	sor.u32 s1, s0  }
0xbc: {  	s0 =	sadd.s32 $0x8F2B, s0  }
0xbd: {  	[sflag:s0] =	ssyncadd.remote.s32 $0x1  }
0xbe: {  	_ =	sfence.sel $0xFFFF  }
0xbf: {  	[dreg:$0x0] =	wrdreg $0xFFFFFFFF;
	(pc) =	sbr.abs _section_cstart, $3  }
0xc0: {  	[dreg:$0x1] =	wrdreg $0xFFFFFFFF  }
0xc1: {  	_ =	task.clear_ibuf [dreg:s7], $0x2FFFF;
	_ =	strace $0x9FFFFFFF  }
0xc2: {  	(tm) =	ssettm $0x7FFFFFFF  }
0xc3: {  	_ =	shalt  }
tec
execute0_lowered:
.L_overlay_start_1:
0x0: {  	(tag) =	ssettag $0x1  }
0x1: {  	s1 =	srdreg.scid;
	s5 =	rddreg [dreg:$0x0]  }
0x2: {  	s0 =	stileid.u32;
	s4 =	rddreg [dreg:$0x1]  }
0x3: {  	s2 =	simm.s32 $0x0;
	s10 =	simm.s32 $0x1080;
	s11 =	simm.s32 $0x1880  }
0x4: {  	s12 =	simm.s32 $0x2080;
	s13 =	simm.s32 $0x2880;
	s14 =	simm.s32 $0x3080  }
0x5: {  	s15 =	simm.s32 $0x3880;
	s16 =	simm.s32 $0x4080;
	s17 =	simm.s32 $0x4880  }
0x6: {  	s18 =	simm.s32 $0x5080;
	s19 =	simm.s32 $0x5880;
	s20 =	simm.s32 $0x6080  }
0x7: {  	s21 =	simm.s32 $0x6880;
	s22 =	simm.s32 $0x7080;
	s23 =	simm.s32 $0x7880  }
0x8: {  	s24 =	simm.s32 $0x1;
	s3 =	sand.u32 $0x1, s1;
	s1 =	rddreg [dreg:$0x2]  }
0x9: {  	s6 =	sshll.u32 s0, $0x8;
	[smem:$0x7FF] =	sst s2;
	s7 =	sshll.u32 s3, $0x7  }
0xa: {  	s8 =	ssub.s32 $0x2, s3;
	_ =	strace $0x8000006E;
	s6 =	sor.u32 s7, s6  }
0xb: {  	s3 =	sadd.s32 $0x15D200, s4;
	s9 =	sshrl.u32 s8, $0x1;
	s7 =	sshrl.u32 s6, $0x3  }
0xc: {  	v2 =	vlaneseq.u32;
	s8 =	ssub.s32 s8, s9;
	s6 =	sshll.u32 s6, $0x5;
	s9 =	simm.s32 $0x880  }
0xd: {  	vm0 =	vmmov $0xffff;
	v1 =	vshrl.u32 v2, $0x3;
	s7 =	sadd.s32 s7, s4;
	s5 =	sadd.s32 s5, s6;
	s6 =	smax.u32 s8, $0x1  }
0xe: {  	v0 =	vand.u32 $0x7, v2;
	v2 =	vor.u32 $0x8, v2;
	v1 =	vmul.u32 $0x8, v1;
	s8 =	simm.s32 $0x80;
	s4 =	sadd.s32 $0x14B400, s7;
	s7 =	simm.s32 $0x2  }
.LBB2_1:
0xf: {  	[tilespmem:s2], [sflag:$0x2] =	stream.linear.gather [hbm4b:s4+s2], $0x80, $0x38;
	[tilespmem:$0x8080] =	vst v63  }
0x10: {  	_ =	swait.ge [sflag:s7], $0x80  }
0x11: {  	[sflag:s7] =	ssyncset.done $0x0  }
0x12: {  	[sflag:s7] =	ssyncadd.s32 $0xFFFFFF80  }
0x13: {  	[tilespmem:s8], [sflag:$0x2] =	stream.linear.gather [hbm4b:s5+s2], $0x8000, $0x38;
	[tilespmem:$0x8080] =	vst v63  }
0x14: {  	_ =	swait.ge [sflag:s7], $0x8000  }
0x15: {  	[sflag:s7] =	ssyncset.done $0x0  }
0x16: {  	[sflag:s7] =	ssyncadd.s32 $0xFFFF8000  }
0x17: {  	v3 =	vld [tilespmem:$0x0];
	_ =	sdelay $0x4  }
0x18: {  	v4 =	vshll.u32 v3, $0x1  }
0x19: {  	v3 =	vand.u32 $0x7, v3;
	v4 =	vand.u32 $0xFFFFFFF0, v4  }
0x1a: {  	v3 =	vor.u32 v3, v4  }
0x1b: {  	v4 =	vperm.xlane v3, v0;
	_ =	sdelay $0x1  }
0x1c: {  	v3 =	vperm.xlane v3, v2;
	v4 =	vadd.s32 v1, v4;
	_ =	sdelay $0x1  }
0x1d: {  	v3 =	vadd.s32 v1, v3;
	_ =	sdelay $0x2  }
0x1e: {  	[hbm4b:s3+s2] =	stream.indirect_vreg.scatter [tilespmem:s8], [sflag:$0x1], $0x80, v4, vm0, $0xb8;
	[tilespmem:$0x8080] =	vst v63  }
0x1f: {  	_ = 	snop  }
0x20: {  	[hbm4b:s3+s2] =	stream.indirect_vreg.scatter [tilespmem:s9], [sflag:$0x1], $0x80, v3, vm0, $0xb8;
	[tilespmem:$0x8080] =	vst v63  }
0x21: {  	v3 =	vld [tilespmem:$0x10];
	_ =	sdelay $0x4  }
0x22: {  	v57 =	vshll.u32 v3, $0x1  }
0x23: {  	v3 =	vand.u32 $0x7, v3;
	v4 =	vand.u32 $0xFFFFFFF0, v57  }
0x24: {  	v3 =	vor.u32 v3, v4  }
0x25: {  	v4 =	vperm.xlane v3, v0;
	_ =	sdelay $0x1  }
0x26: {  	v3 =	vperm.xlane v3, v2;
	v4 =	vadd.s32 v1, v4;
	_ =	sdelay $0x1  }
0x27: {  	v3 =	vadd.s32 v1, v3;
	_ =	sdelay $0x2  }
0x28: {  	[hbm4b:s3+s2] =	stream.indirect_vreg.scatter [tilespmem:s10], [sflag:$0x1], $0x80, v4, vm0, $0xb8;
	[tilespmem:$0x8080] =	vst v63  }
0x29: {  	_ = 	snop  }
0x2a: {  	[hbm4b:s3+s2] =	stream.indirect_vreg.scatter [tilespmem:s11], [sflag:$0x1], $0x80, v3, vm0, $0xb8;
	[tilespmem:$0x8080] =	vst v63  }
0x2b: {  	v3 =	vld [tilespmem:$0x20];
	_ =	sdelay $0x4  }
0x2c: {  	v58 =	vshll.u32 v3, $0x1  }
0x2d: {  	v3 =	vand.u32 $0x7, v3;
	v4 =	vand.u32 $0xFFFFFFF0, v58  }
0x2e: {  	v3 =	vor.u32 v3, v4  }
0x2f: {  	v4 =	vperm.xlane v3, v0;
	_ =	sdelay $0x1  }
0x30: {  	v3 =	vperm.xlane v3, v2;
	v4 =	vadd.s32 v1, v4;
	_ =	sdelay $0x1  }
0x31: {  	v3 =	vadd.s32 v1, v3;
	_ =	sdelay $0x2  }
0x32: {  	[hbm4b:s3+s2] =	stream.indirect_vreg.scatter [tilespmem:s12], [sflag:$0x1], $0x80, v4, vm0, $0xb8;
	[tilespmem:$0x8080] =	vst v63  }
0x33: {  	_ = 	snop  }
0x34: {  	[hbm4b:s3+s2] =	stream.indirect_vreg.scatter [tilespmem:s13], [sflag:$0x1], $0x80, v3, vm0, $0xb8;
	[tilespmem:$0x8080] =	vst v63  }
0x35: {  	v3 =	vld [tilespmem:$0x30];
	_ =	sdelay $0x4  }
0x36: {  	v59 =	vshll.u32 v3, $0x1  }
0x37: {  	v3 =	vand.u32 $0x7, v3;
	v4 =	vand.u32 $0xFFFFFFF0, v59  }
0x38: {  	v3 =	vor.u32 v3, v4  }
0x39: {  	v4 =	vperm.xlane v3, v0;
	_ =	sdelay $0x1  }
0x3a: {  	v3 =	vperm.xlane v3, v2;
	v4 =	vadd.s32 v1, v4;
	_ =	sdelay $0x1  }
0x3b: {  	v3 =	vadd.s32 v1, v3;
	_ =	sdelay $0x2  }
0x3c: {  	[hbm4b:s3+s2] =	stream.indirect_vreg.scatter [tilespmem:s14], [sflag:$0x1], $0x80, v4, vm0, $0xb8;
	[tilespmem:$0x8080] =	vst v63  }
0x3d: {  	_ = 	snop  }
0x3e: {  	[hbm4b:s3+s2] =	stream.indirect_vreg.scatter [tilespmem:s15], [sflag:$0x1], $0x80, v3, vm0, $0xb8;
	[tilespmem:$0x8080] =	vst v63  }
0x3f: {  	v3 =	vld [tilespmem:$0x40];
	_ =	sdelay $0x4  }
0x40: {  	v60 =	vshll.u32 v3, $0x1  }
0x41: {  	v3 =	vand.u32 $0x7, v3;
	v4 =	vand.u32 $0xFFFFFFF0, v60  }
0x42: {  	v3 =	vor.u32 v3, v4  }
0x43: {  	v4 =	vperm.xlane v3, v0;
	_ =	sdelay $0x1  }
0x44: {  	v3 =	vperm.xlane v3, v2;
	v4 =	vadd.s32 v1, v4;
	_ =	sdelay $0x1  }
0x45: {  	v3 =	vadd.s32 v1, v3;
	_ =	sdelay $0x2  }
0x46: {  	[hbm4b:s3+s2] =	stream.indirect_vreg.scatter [tilespmem:s16], [sflag:$0x1], $0x80, v4, vm0, $0xb8;
	[tilespmem:$0x8080] =	vst v63  }
0x47: {  	_ = 	snop  }
0x48: {  	[hbm4b:s3+s2] =	stream.indirect_vreg.scatter [tilespmem:s17], [sflag:$0x1], $0x80, v3, vm0, $0xb8;
	[tilespmem:$0x8080] =	vst v63  }
0x49: {  	v3 =	vld [tilespmem:$0x50];
	_ =	sdelay $0x4  }
0x4a: {  	v61 =	vshll.u32 v3, $0x1  }
0x4b: {  	v3 =	vand.u32 $0x7, v3;
	v4 =	vand.u32 $0xFFFFFFF0, v61  }
0x4c: {  	v3 =	vor.u32 v3, v4  }
0x4d: {  	v4 =	vperm.xlane v3, v0;
	_ =	sdelay $0x1  }
0x4e: {  	v3 =	vperm.xlane v3, v2;
	v4 =	vadd.s32 v1, v4;
	_ =	sdelay $0x1  }
0x4f: {  	v3 =	vadd.s32 v1, v3;
	_ =	sdelay $0x2  }
0x50: {  	[hbm4b:s3+s2] =	stream.indirect_vreg.scatter [tilespmem:s18], [sflag:$0x1], $0x80, v4, vm0, $0xb8;
	[tilespmem:$0x8080] =	vst v63  }
0x51: {  	_ = 	snop  }
0x52: {  	[hbm4b:s3+s2] =	stream.indirect_vreg.scatter [tilespmem:s19], [sflag:$0x1], $0x80, v3, vm0, $0xb8;
	[tilespmem:$0x8080] =	vst v63  }
0x53: {  	v3 =	vld [tilespmem:$0x60];
	_ =	sdelay $0x4  }
0x54: {  	v62 =	vshll.u32 v3, $0x1  }
0x55: {  	v3 =	vand.u32 $0x7, v3;
	v4 =	vand.u32 $0xFFFFFFF0, v62  }
0x56: {  	v3 =	vor.u32 v3, v4  }
0x57: {  	v4 =	vperm.xlane v3, v0;
	_ =	sdelay $0x1  }
0x58: {  	v3 =	vperm.xlane v3, v2;
	v4 =	vadd.s32 v1, v4;
	_ =	sdelay $0x1  }
0x59: {  	v3 =	vadd.s32 v1, v3;
	_ =	sdelay $0x2  }
0x5a: {  	[hbm4b:s3+s2] =	stream.indirect_vreg.scatter [tilespmem:s20], [sflag:$0x1], $0x80, v4, vm0, $0xb8;
	[tilespmem:$0x8080] =	vst v63  }
0x5b: {  	_ = 	snop  }
0x5c: {  	[hbm4b:s3+s2] =	stream.indirect_vreg.scatter [tilespmem:s21], [sflag:$0x1], $0x80, v3, vm0, $0xb8;
	[tilespmem:$0x8080] =	vst v63  }
0x5d: {  	v3 =	vld [tilespmem:$0x70];
	_ =	sdelay $0x4  }
0x5e: {  	v63 =	vshll.u32 v3, $0x1  }
0x5f: {  	v3 =	vand.u32 $0x7, v3;
	v4 =	vand.u32 $0xFFFFFFF0, v63  }
0x60: {  	v3 =	vor.u32 v3, v4  }
0x61: {  	v4 =	vperm.xlane v3, v0;
	_ =	sdelay $0x1  }
0x62: {  	v3 =	vperm.xlane v3, v2;
	v4 =	vadd.s32 v1, v4;
	_ =	sdelay $0x1  }
0x63: {  	v3 =	vadd.s32 v1, v3;
	_ =	sdelay $0x1  }
0x64: {  	p0 =	sne.s32 s6, $0x1  }
0x65: {  	[hbm4b:s3+s2] =	stream.indirect_vreg.scatter [tilespmem:s22], [sflag:$0x1], $0x80, v4, vm0, $0xb8;
	[tilespmem:$0x8080] =	vst v63  }
.Ltmp0:
0x66: {  	_ = 	snop;
	(pc) =	sbr.rel @p0 .LBB2_1-.Ltmp0, $4  }
0x67: {  	[hbm4b:s3+s2] =	stream.indirect_vreg.scatter [tilespmem:s23], [sflag:$0x1], $0x80, v3, vm0, $0xb8;
	[tilespmem:$0x8080] =	vst v63  }
0x68: {  	_ =	swait.ge [sflag:s24], $0x8000  }
0x69: {  	[sflag:s24] =	ssyncset.done $0x0  }
0x6a: {  	s6 =	sadd.s32 $0xFFFFFFFF, s6;
	[sflag:s24] =	ssyncadd.s32 $0xFFFF8000  }
0x6b: {  	_ =	sfence.sel $0x180000  }
0x6c: {  	[bflag:$0x0] =	sbarrier.arrive $0xFFFF  }
0x6d: {  	p0 =	sne.s32 s0, $0x0;
	_ =	strace $0x9000006E  }
0x6e: {  	s0 =	sadd.s32 @!p0 $0x100000, s1;
	[bflag:$0x2] =	sbarrier.arrive $0xFFFF  }
0x6f: {  	[sflag:s0] =	ssyncadd.tile.s32 @!p0 $0x1;
	_ =	shalt  }
.Lfunc_end2:
_tile_overlayer_lowered:
.L_overlay_start_2:
0x70: {  	(tag) =	ssettag $0x2  }
0x71: {  	s0 =	rddreg [dreg:$0x0];
	s2 =	stileid.u32  }
0x72: {  	s1 =	rddreg [dreg:$0x1];
	p0 =	sne.s32 s2, $0x0  }
0x73: {  	s3 =	rddreg [dreg:$0x2];
	[bflag:$0x3] =	sbarrier.arrive $0xFFFF;
	s2 =	simm.s32 @!p0 $0x1C02  }
0x74: {  	[timem:s3], [sflag:s2] =	dma.local @!p0 [hbm:s0], s1  }
0x75: {  	s0 =	simm.s32 @!p0 $0x2  }
0x76: {  	_ =	swait.ge @!p0 [sflag:s0], s1  }
0x77: {  	s1 =	ssub.s32 @!p0 $0x0, s1;
	[sflag:s0] =	ssyncset.done @!p0 $0x0  }
0x78: {  	[sflag:s0] =	ssyncadd.s32 @!p0 s1  }
0x79: {  	[bflag:$0x3] =	sbarrier.arrive $0xFFFF  }
0x7a: {  	_ =	shalt  }

</sc_bundles>
